<compile_context>
chip_gen: v7x
topology: tpu7x:2x2x1
jax: 0.10.2.dev20260603
libtpu: 0.0.44.dev20260713+nightly
codegen_flags: <defaults>
</compile_context>

<pallas_src>
import jax
import jax.numpy as jnp
from jax import lax
from jax.experimental import pallas as pl
from jax.experimental.pallas import tpu as pltpu
from jax.experimental.pallas import tpu_sc as plsc

F32 = jnp.float32
_RB = 1000
_B = 128
_W = 128
_NC = 2
_NS = 16
_NW = _NC * _NS
_NEG = -3.4e38


def _sc_scatter(us, src, dst, zeros, n, n_acc, w, const_rows=None):
    gather = const_rows is None
    C = len(us) if gather else 1
    E = src.shape[0]
    chunks = E // (_NW * _B)
    epw = chunks * _B
    zrows = n_acc // _NS
    d0 = (n // (_NS * 8)) * 8
    dlast = n - (_NS - 1) * d0
    mesh = plsc.VectorSubcoreMesh(core_axis_name="c", subcore_axis_name="s")

    def body(*refs):
        if gather:
            u_refs = refs[:C]
            i = C
        else:
            const_ref = refs[0]
            i = 1
        src_r, dst_r, z_r, out_r = refs[i], refs[i + 1], refs[i + 2], refs[i + 3]
        sidx, didx, rows, acc, sem = refs[i + 4:i + 9]
        cid = lax.axis_index("c")
        sid = lax.axis_index("s")
        wid = sid * _NC + cid
        if not gather:
            pltpu.sync_copy(const_ref, rows)
        for ci in range(C):
            pltpu.sync_copy(z_r, acc.at[pl.ds(sid * zrows, zrows)])
            plsc.subcore_barrier()

            @pl.loop(0, chunks)
            def _(t):
                base = wid * epw + t * _B
                pltpu.sync_copy(dst_r.at[pl.ds(base, _B)], didx)
                if gather:
                    pltpu.sync_copy(src_r.at[pl.ds(base, _B)], sidx)
                    pltpu.async_copy(u_refs[ci].at[sidx], rows, sem).wait()
                pltpu.sync_copy(rows, acc.at[didx], add=True)

            plsc.subcore_barrier()

            @pl.when(sid < _NS - 1)
            def _():
                pltpu.sync_copy(
                    acc.at[pl.ds(sid * d0, d0)],
                    out_r.at[2 * ci + cid, pl.ds(sid * d0, d0)])

            @pl.when(sid == _NS - 1)
            def _():
                pltpu.sync_copy(
                    acc.at[pl.ds((_NS - 1) * d0, dlast)],
                    out_r.at[2 * ci + cid, pl.ds((_NS - 1) * d0, dlast)])

            plsc.subcore_barrier()

    kfn = pl.kernel(
        body,
        out_type=jax.ShapeDtypeStruct((2 * C, n, w), F32),
        mesh=mesh,
        scratch_types=[
            pltpu.VMEM((_B,), jnp.int32),
            pltpu.VMEM((_B,), jnp.int32),
            pltpu.VMEM((_B, _W), F32),
            pltpu.VMEM_SHARED((n_acc, w), F32),
            pltpu.SemaphoreType.DMA,
        ],
    )
    ins = (list(us) if gather else [const_rows]) + [src, dst, zeros]
    return kfn(*ins)


def _rp2(W):
    return pl.BlockSpec((_RB, W), lambda i: (i, 0))


def _rp3(L, W):
    return pl.BlockSpec((L, _RB, W), lambda i: (0, i, 0))


def _bc(*s):
    return pl.BlockSpec(s, lambda i: tuple(0 for _ in s))


def _tc(body, n, in_specs, out_specs, out_shapes, args):
    return pl.pallas_call(
        body,
        grid=(n // _RB,),
        in_specs=in_specs,
        out_specs=out_specs,
        out_shape=[jax.ShapeDtypeStruct(s, F32) for s in out_shapes],
    )(*args)


def _dot(a, b):
    return jnp.dot(a, b, preferred_element_type=F32)


def _padw(a):
    return jnp.concatenate(
        [a, jnp.zeros((a.shape[0], _W - a.shape[1]), F32)], axis=1)


def _tc0(pdeg, x, Wc1, n):
    def body(pd_r, x_r, w_r, dv_o, u1_o):
        pd = pd_r[...]
        deg = 1.0 + pd[0, :, 0:1] + pd[1, :, 0:1]
        dv = lax.rsqrt(deg)
        dv_o[...] = dv
        u1_o[...] = _padw(
            jnp.concatenate([dv * _dot(x_r[...], w_r[...]), dv], axis=1))

    return _tc(body, n,
               [_rp3(2, _W), _rp2(128), _bc(128, 32)],
               [_rp2(1), _rp2(_W)],
               [(n, 1), (n, _W)], [pdeg, x, Wc1])


def _tc1(p1, u1, dv, bc1, n):
    def body(p_r, u_r, d_r, b_r, x1_o, s_o, u2_o):
        p = p_r[...]
        u = u_r[...]
        dv = d_r[...]
        x1 = dv * (p[0, :, :32] + p[1, :, :32] + u[:, :32]) + b_r[...]
        x1_o[...] = x1
        s_o[...] = dv * (p[0, :, 32:33] + p[1, :, 32:33] + dv)
        u2_o[...] = _padw(dv * x1)

    return _tc(body, n,
               [_rp3(2, _W), _rp2(_W), _rp2(1), _bc(1, 32)],
               [_rp2(32), _rp2(1), _rp2(_W)],
               [(n, 32), (n, 1), (n, _W)], [p1, u1, dv, bc1])


def _tc2(p2, u2, dv, Wbig, bbig, n):
    def body(p_r, u_r, d_r, w_r, b_r, ua_o, ub_o, uc_o):
        p = p_r[...]
        dv = d_r[...]
        g = dv * (p[0, :, :32] + p[1, :, :32] + u_r[...][:, :32])
        u3 = dv * jnp.tanh(_dot(g, w_r[...]) + b_r[...])
        ua_o[...] = u3[:, 0:128]
        ub_o[...] = u3[:, 128:256]
        uc_o[...] = u3[:, 256:384]

    return _tc(body, n,
               [_rp3(2, _W), _rp2(_W), _rp2(1), _bc(32, 384), _bc(1, 384)],
               [_rp2(128), _rp2(128), _rp2(128)],
               [(n, 128), (n, 128), (n, 128)], [p2, u2, dv, Wbig, bbig])


def _tc3(p3, u3s, dv, xin, Wab, bab, W7b, W7c, n, xin_sliced):
    def body(p_r, ua_r, ub_r, uc_r, d_r, x_r, wab_r, bab_r, w7b_r, w7c_r,
             m_o, u7_o):
        p = p_r[...]
        dv = d_r[...]
        xin = x_r[...]
        wab = wab_r[...]
        bab = bab_r[...]
        w7b = w7b_r[...]
        w7c = w7c_r[...]
        us = [ua_r[...], ub_r[...], uc_r[...]]
        ms, u7s = [], []
        for k in range(3):
            a = dv * (p[2 * k] + p[2 * k + 1] + us[k])
            i1b = jnp.tanh(_dot(a[:, :64], wab[2 * k]) + bab[2 * k])
            ms.append(jnp.max(i1b, axis=0, keepdims=True))
            i2b = jnp.tanh(_dot(a[:, 64:], wab[2 * k + 1]) + bab[2 * k + 1])
            xk = xin[:, 32 * k:32 * k + 32] if xin_sliced else xin
            u7s.append(dv * (_dot(i2b, w7b[k]) + _dot(xk, w7c[k])))
        mblk = jnp.concatenate(ms + [jnp.full((5, 128), _NEG, F32)], axis=0)
        u7_o[...] = _padw(jnp.concatenate(u7s, axis=1))

        @pl.when(pl.program_id(0) == 0)
        def _():
            m_o[...] = mblk

        @pl.when(pl.program_id(0) > 0)
        def _():
            m_o[...] = jnp.maximum(m_o[...], mblk)

    return _tc(body, n,
               [_rp3(6, 128), _rp2(128), _rp2(128), _rp2(128), _rp2(1),
                _rp2(96 if xin_sliced else 32),
                _bc(6, 64, 128), _bc(6, 1, 128), _bc(3, 128, 32),
                _bc(3, 32, 32)],
               [_bc(8, 128), _rp2(_W)],
               [(8, 128), (n, _W)],
               [p3] + list(u3s) + [dv, xin, Wab, bab, W7b, W7c])


def _tc4(p4, u7, dv, s, m, W7a, b7, n):
    def body(p_r, u_r, d_r, s_r, m_r, w7a_r, b7_r, out_o, u5_o):
        p = p_r[...]
        dv = d_r[...]
        s = s_r[...]
        m = m_r[...]
        w7a = w7a_r[...]
        b7 = b7_r[...]
        a = dv * (p[0, :, :96] + p[1, :, :96] + u_r[...][:, :96])
        outs = []
        for k in range(3):
            r = _dot(m[k:k + 1, :], w7a[k])
            outs.append(jnp.tanh(a[:, 32 * k:32 * k + 32] + s * r + b7[k]))
        out = jnp.concatenate(outs, axis=1)
        out_o[...] = out
        u5_o[...] = _padw(dv * out)

    return _tc(body, n,
               [_rp3(2, _W), _rp2(_W), _rp2(1), _rp2(1), _bc(8, 128),
                _bc(3, 128, 32), _bc(3, 1, 32)],
               [_rp2(96), _rp2(_W)],
               [(n, 96), (n, _W)], [p4, u7, dv, s, m, W7a, b7])


def _tc5(p5, u5, dv, Wbd, bbd, n):
    def body(p_r, u_r, d_r, w_r, b_r, ua_o, ub_o, uc_o):
        p = p_r[...]
        dv = d_r[...]
        g = dv * (p[0, :, :96] + p[1, :, :96] + u_r[...][:, :96])
        u3 = dv * jnp.tanh(_dot(g, w_r[...]) + b_r[...])
        ua_o[...] = u3[:, 0:128]
        ub_o[...] = u3[:, 128:256]
        uc_o[...] = u3[:, 256:384]

    return _tc(body, n,
               [_rp3(2, _W), _rp2(_W), _rp2(1), _bc(96, 384), _bc(1, 384)],
               [_rp2(128), _rp2(128), _rp2(128)],
               [(n, 128), (n, 128), (n, 128)], [p5, u5, dv, Wbd, bbd])


def _tc7(p7, u7b, dv, s, m2, x1, W7a, b7, n):
    def body(p_r, u_r, d_r, s_r, m_r, x1_r, w7a_r, b7_r, u8_o):
        p = p_r[...]
        dv = d_r[...]
        s = s_r[...]
        m = m_r[...]
        w7a = w7a_r[...]
        b7 = b7_r[...]
        a = dv * (p[0, :, :96] + p[1, :, :96] + u_r[...][:, :96])
        outs = []
        for k in range(3):
            r = _dot(m[k:k + 1, :], w7a[k])
            outs.append(jnp.tanh(a[:, 32 * k:32 * k + 32] + s * r + b7[k]))
        f = x1_r[...] * outs[0]
        i = jax.nn.sigmoid(outs[1]) * jnp.tanh(outs[2]) + f
        u8_o[...] = _padw(dv * i)

    return _tc(body, n,
               [_rp3(2, _W), _rp2(_W), _rp2(1), _rp2(1), _bc(8, 128),
                _rp2(32), _bc(3, 128, 32), _bc(3, 1, 32)],
               [_rp2(_W)],
               [(n, _W)], [p7, u7b, dv, s, m2, x1, W7a, b7])


def _tc8(p8, u8, dv, Wc2, bc2, n):
    def body(p_r, u_r, d_r, w_r, b_r, y_o):
        p = p_r[...]
        dv = d_r[...]
        a = dv * (p[0, :, :32] + p[1, :, :32] + u_r[...][:, :32])
        y_o[...] = jnp.tanh(_dot(a, w_r[...]) + b_r[...])

    return _tc(body, n,
               [_rp3(2, _W), _rp2(_W), _rp2(1), _bc(32, 128), _bc(1, 128)],
               [_rp2(128)],
               [(n, 128)], [p8, u8, dv, Wc2, bc2])[0]


def kernel(x, edge_index, batch, params):
    n = x.shape[0]
    E0 = edge_index.shape[1]
    n_acc = ((n + 1 + _NS * 16 - 1) // (_NS * 16)) * (_NS * 16)
    grp = _NW * _B
    E = ((E0 + grp - 1) // grp) * grp
    pad = E - E0
    src = jnp.concatenate([edge_index[0], jnp.zeros((pad,), jnp.int32)])
    dst = jnp.concatenate([edge_index[1], jnp.full((pad,), n, jnp.int32)])
    zeros = {128: jnp.zeros((n_acc // _NS, 128), F32)}
    ones_rows = jnp.zeros((_B, _W), F32).at[:, 0].set(1.0)

    pr = params
    r1 = [pr["inc1"], pr["inc3"], pr["inc5"]]
    r2 = [pr["inc2"], pr["inc4"], pr["inc6"]]

    def big_b(incs):
        return jnp.concatenate(
            sum([[p["conv1"]["b"], p["conv3"]["b"]] for p in incs], []))[None]

    def ab_w(incs):
        return jnp.stack(
            sum([[p["conv2"]["W"], p["conv4"]["W"]] for p in incs], []))

    def ab_b(incs):
        return jnp.stack(
            sum([[p["conv2"]["b"][None], p["conv4"]["b"][None]] for p in incs],
                []))

    def w7(incs, lo, hi):
        return jnp.stack([p["conv7"]["W"][lo:hi] for p in incs])

    def b7(incs):
        return jnp.stack([p["conv7"]["b"][None] for p in incs])

    Wbig1 = jnp.concatenate(
        sum([[p["conv1"]["W"], p["conv3"]["W"]] for p in r1], []), axis=1)
    bbig1 = big_b(r1)
    Wab1, bab1 = ab_w(r1), ab_b(r1)
    W7a1, W7b1, W7c1, b71 = (w7(r1, 0, 128), w7(r1, 128, 256),
                             w7(r1, 256, 288), b7(r1))
    Wbd2 = jnp.zeros((96, 384), F32)
    for k, p in enumerate(r2):
        Wbd2 = Wbd2.at[32 * k:32 * k + 32, 128 * k:128 * k + 128].set(
            jnp.concatenate([p["conv1"]["W"], p["conv3"]["W"]], axis=1))
    bbig2 = big_b(r2)
    Wab2, bab2 = ab_w(r2), ab_b(r2)
    W7a2, W7b2, W7c2, b72 = (w7(r2, 0, 128), w7(r2, 128, 256),
                             w7(r2, 256, 288), b7(r2))
    Wc1, bc1 = pr["conv1"]["W"], pr["conv1"]["b"][None]
    Wc2, bc2 = pr["conv2"]["W"], pr["conv2"]["b"][None]

    pdeg = _sc_scatter([], src, dst, zeros[128], n, n_acc, 128,
                       const_rows=ones_rows)
    dv, u1 = _tc0(pdeg, x, Wc1, n)
    p1 = _sc_scatter([u1], src, dst, zeros[128], n, n_acc, 128)
    x1, s, u2 = _tc1(p1, u1, dv, bc1, n)
    p2 = _sc_scatter([u2], src, dst, zeros[128], n, n_acc, 128)
    u3a, u3b, u3c = _tc2(p2, u2, dv, Wbig1, bbig1, n)
    p3 = _sc_scatter([u3a, u3b, u3c], src, dst, zeros[128], n, n_acc, 128)
    m1, u7 = _tc3(p3, (u3a, u3b, u3c), dv, x1, Wab1, bab1, W7b1, W7c1, n,
                  xin_sliced=False)
    p4 = _sc_scatter([u7], src, dst, zeros[128], n, n_acc, 128)
    out96, u5 = _tc4(p4, u7, dv, s, m1, W7a1, b71, n)
    p5 = _sc_scatter([u5], src, dst, zeros[128], n, n_acc, 128)
    u3d, u3e, u3f = _tc5(p5, u5, dv, Wbd2, bbig2, n)
    p6 = _sc_scatter([u3d, u3e, u3f], src, dst, zeros[128], n, n_acc, 128)
    m2, u7b = _tc3(p6, (u3d, u3e, u3f), dv, out96, Wab2, bab2, W7b2, W7c2, n,
                   xin_sliced=True)
    p7 = _sc_scatter([u7b], src, dst, zeros[128], n, n_acc, 128)
    u8, = _tc7(p7, u7b, dv, s, m2, x1, W7a2, b72, n)
    p8 = _sc_scatter([u8], src, dst, zeros[128], n, n_acc, 128)
    return _tc8(p8, u8, dv, Wc2, bc2, n)

# --- scband reference (transcript-rebuilt; emitter-appended) ---
"""Pipeline reference for scband-gcn-lstm-16166256902762 (READ-ONLY COPY).

The authoritative reference and input builder live on the scoring server;
editing this copy changes nothing except your own understanding.
"""

import jax, jax.numpy as jnp
import numpy as np

N = 10000
E = 320000
IN_DIM = 128
OP = 32
OUT_DIM = 128
NUM_GRAPHS = 16


def _gcn_params(key, ind, outd):
    W = jax.random.normal(key, (ind, outd), jnp.float32) * (1.0 / np.sqrt(ind))
    b = jnp.zeros((outd,), jnp.float32)
    return {"W": W, "b": b}


def _inception_params(key, ind, outd):
    ks = jax.random.split(key, 5)
    return {
        "conv1": _gcn_params(ks[0], ind, 2 * ind),
        "conv2": _gcn_params(ks[1], 2 * ind, 4 * ind),
        "conv3": _gcn_params(ks[2], ind, 2 * ind),
        "conv4": _gcn_params(ks[3], 2 * ind, 4 * ind),
        "conv7": _gcn_params(ks[4], 9 * ind, outd),
    }


def setup_inputs(seed: int = 0):
    key = jax.random.key(seed)
    ks = jax.random.split(key, 12)
    x = jax.random.normal(ks[0], (N, IN_DIM), jnp.float32)
    edge_index = jax.random.randint(ks[1], (2, E), 0, N, dtype=jnp.int32)
    batch = jnp.sort(jax.random.randint(ks[2], (N,), 0, NUM_GRAPHS, dtype=jnp.int32))
    params = {"conv1": _gcn_params(ks[3], IN_DIM, OP)}
    for i in range(6):
        params["inc%d" % (i + 1)] = _inception_params(ks[4 + i], OP, OP)
    params["conv2"] = _gcn_params(ks[10], OP, OUT_DIM)
    return {"x": x, "edge_index": edge_index, "batch": batch, "params": params}


def _gcn_conv(x, ei, p, n):
    # GCNConv: add self-loops, symmetric normalization, scatter-add aggregation
    loops = jnp.arange(n, dtype=ei.dtype)
    src = jnp.concatenate([ei[0], loops])
    dst = jnp.concatenate([ei[1], loops])
    deg = jnp.zeros((n,), x.dtype).at[dst].add(1.0)
    dinv = jnp.where(deg > 0, 1.0 / jnp.sqrt(deg), 0.0)
    norm = dinv[src] * dinv[dst]
    xw = x @ p["W"]
    out = jnp.zeros((n, xw.shape[1]), x.dtype).at[dst].add(xw[src] * norm[:, None])
    return out + p["b"]


def _inception(x, ei, batch, p, n):
    i1 = jnp.tanh(_gcn_conv(x, ei, p["conv1"], n))
    i1 = jnp.tanh(_gcn_conv(i1, ei, p["conv2"], n))
    i1 = jax.ops.segment_max(i1, batch, num_segments=NUM_GRAPHS)
    i1 = jnp.max(i1, axis=0, keepdims=True)
    i1 = jnp.broadcast_to(i1, (n, i1.shape[1]))
    i2 = jnp.tanh(_gcn_conv(x, ei, p["conv3"], n))
    i2 = jnp.tanh(_gcn_conv(i2, ei, p["conv4"], n))
    c = jnp.concatenate([i1, i2, x], axis=1)
    return jnp.tanh(_gcn_conv(c, ei, p["conv7"], n))


def reference(x, edge_index, batch, params):
    n = x.shape[0]
    x1 = _gcn_conv(x, edge_index, params["conv1"], n)
    f = _inception(x1, edge_index, batch, params["inc1"], n)
    f = _inception(f, edge_index, batch, params["inc2"], n)
    f = x1 * f
    i1 = _inception(x1, edge_index, batch, params["inc3"], n)
    i1 = jax.nn.sigmoid(_inception(i1, edge_index, batch, params["inc4"], n))
    i2 = _inception(x1, edge_index, batch, params["inc5"], n)
    i2 = jnp.tanh(_inception(i2, edge_index, batch, params["inc6"], n))
    i = i1 * i2 + f
    return jnp.tanh(_gcn_conv(i, edge_index, params["conv2"], n))

if __name__ == "__main__":
    import jax
    _d = setup_inputs()
    print(jax.jit(kernel)(*tuple(_d.values())))

</pallas_src>

<mosaic_0001>
#map = affine_map<(d0, d1) -> (0, 0)>
#map1 = affine_map<(d0, d1) -> (0)>
#map2 = affine_map<(d0, d1) -> (0, 0, 0)>
module attributes {stable_mosaic.version = 14 : i64} {
  func.func @body(%arg0: i32, %arg1: i32, %arg2: memref<128x128xf32, #tpu.memory_space<hbm>>, %arg3: memref<323584xi32, #tpu.memory_space<hbm>>, %arg4: memref<323584xi32, #tpu.memory_space<hbm>>, %arg5: memref<640x128xf32, #tpu.memory_space<hbm>>, %arg6: memref<2x10000x128xf32, #tpu.memory_space<hbm>>, %arg7: memref<128xi32, #tpu.memory_space<vmem>>, %arg8: memref<128xi32, #tpu.memory_space<vmem>>, %arg9: memref<128x128xf32, #tpu.memory_space<vmem>>, %arg10: memref<10240x128xf32, #tpu.memory_space<vmem_shared>>, %arg11: memref<!tpu.dma_semaphore, #tpu.memory_space<semaphore_mem>>) attributes {dimension_semantics = [#tpu.dimension_semantics<core_parallel>, #tpu.dimension_semantics<subcore_parallel>], iteration_bounds = array<i64: 2, 16>, scalar_prefetch = 0 : i64, scratch_operands = 5 : i64, tpu.core_type = #tpu.core_type<sc_vector_subcore>, window_params = [{transform_indices = #map}, {transform_indices = #map1}, {transform_indices = #map1}, {transform_indices = #map}, {transform_indices = #map2}]} {
    %mul3A = arith.constant 2 : i32
    %mul3A_0 = arith.muli %arg1, %mul3A : i32
    %add3A = arith.addi %mul3A_0, %arg0 : i32
    "tpu.region"() ({
      %run_scoped3A = tpu.sem_alloc : memref<!tpu.dma_semaphore, #tpu.memory_space<semaphore_mem>>
      tpu.enqueue_dma source(%arg2 : memref<128x128xf32, #tpu.memory_space<hbm>>) target(%arg9 : memref<128x128xf32, #tpu.memory_space<vmem>>) target_semaphore(%run_scoped3A : memref<!tpu.dma_semaphore, #tpu.memory_space<semaphore_mem>>)
      tpu.wait_dma2 semaphore(%run_scoped3A : memref<!tpu.dma_semaphore, #tpu.memory_space<semaphore_mem>>) src(%arg2 : memref<128x128xf32, #tpu.memory_space<hbm>>) dst(%arg9 : memref<128x128xf32, #tpu.memory_space<vmem>>)
      tpu.yield
    }) : () -> ()
    %mul3A_1 = arith.constant 640 : i32
    %mul3A_2 = arith.muli %arg1, %mul3A_1 : i32
    "tpu.region"() ({
      %run_scoped3A = tpu.sem_alloc : memref<!tpu.dma_semaphore, #tpu.memory_space<semaphore_mem>>
      %dma_start3A = arith.constant 0 : i32
      %dma_start3A_15 = tpu.memref_slice %arg10[%mul3A_2, %dma_start3A] : memref<10240x128xf32, #tpu.memory_space<vmem_shared>> -> memref<640x128xf32, #tpu.memory_space<vmem_shared>>
      tpu.enqueue_dma source(%arg5 : memref<640x128xf32, #tpu.memory_space<hbm>>) target(%dma_start3A_15 : memref<640x128xf32, #tpu.memory_space<vmem_shared>>) target_semaphore(%run_scoped3A : memref<!tpu.dma_semaphore, #tpu.memory_space<semaphore_mem>>)
      %dma_wait3A = arith.constant 0 : i32
      %dma_wait3A_16 = tpu.memref_slice %arg10[%mul3A_2, %dma_wait3A] : memref<10240x128xf32, #tpu.memory_space<vmem_shared>> -> memref<640x128xf32, #tpu.memory_space<vmem_shared>>
      tpu.wait_dma2 semaphore(%run_scoped3A : memref<!tpu.dma_semaphore, #tpu.memory_space<semaphore_mem>>) src(%arg5 : memref<640x128xf32, #tpu.memory_space<hbm>>) dst(%dma_wait3A_16 : memref<640x128xf32, #tpu.memory_space<vmem_shared>>)
      tpu.yield
    }) : () -> ()
    %barrier3A = arith.constant 0 : index
    tpu.barrier barrier_id(%barrier3A)
    %scan3A = arith.constant 0 : i32
    %scan3A_3 = arith.constant 79 : i32
    %scan3A_4 = arith.addi %scan3A, %scan3A_3 : i32
    %scan3A_5 = arith.constant 1 : i32
    scf.for %scan3A_15 = %scan3A to %scan3A_4 step %scan3A_5  : i32 {
      %mul3A_16 = arith.constant 1 : i32
      %mul3A_17 = arith.muli %scan3A_15, %mul3A_16 : i32
      %add3A_18 = arith.constant 0 : i32
      %add3A_19 = arith.addi %add3A_18, %mul3A_17 : i32
      %mul3A_20 = arith.constant 10112 : i32
      %mul3A_21 = arith.muli %add3A, %mul3A_20 : i32
      %mul3A_22 = arith.constant 128 : i32
      %mul3A_23 = arith.muli %add3A_19, %mul3A_22 : i32
      %add3A_24 = arith.addi %mul3A_21, %mul3A_23 : i32
      "tpu.region"() ({
        %run_scoped3A = tpu.sem_alloc : memref<!tpu.dma_semaphore, #tpu.memory_space<semaphore_mem>>
        %dma_start3A = tpu.memref_slice %arg4[%add3A_24] : memref<323584xi32, #tpu.memory_space<hbm>> -> memref<128xi32, #tpu.memory_space<hbm>>
        %dma_start3A_25 = tpu.memref_slice %arg4[%add3A_24] : memref<323584xi32, #tpu.memory_space<hbm>> -> memref<128xi32, #tpu.memory_space<hbm>>
        tpu.enqueue_dma source(%dma_start3A_25 : memref<128xi32, #tpu.memory_space<hbm>>) target(%arg8 : memref<128xi32, #tpu.memory_space<vmem>>) target_semaphore(%run_scoped3A : memref<!tpu.dma_semaphore, #tpu.memory_space<semaphore_mem>>)
        %dma_wait3A = tpu.memref_slice %arg4[%add3A_24] : memref<323584xi32, #tpu.memory_space<hbm>> -> memref<128xi32, #tpu.memory_space<hbm>>
        %dma_wait3A_26 = tpu.memref_slice %arg4[%add3A_24] : memref<323584xi32, #tpu.memory_space<hbm>> -> memref<128xi32, #tpu.memory_space<hbm>>
        tpu.wait_dma2 semaphore(%run_scoped3A : memref<!tpu.dma_semaphore, #tpu.memory_space<semaphore_mem>>) src(%dma_wait3A_26 : memref<128xi32, #tpu.memory_space<hbm>>) dst(%arg8 : memref<128xi32, #tpu.memory_space<vmem>>)
        tpu.yield
      }) : () -> ()
      "tpu.region"() ({
        %run_scoped3A = tpu.sem_alloc : memref<!tpu.dma_semaphore, #tpu.memory_space<semaphore_mem>>
        %dma_start3A = arith.constant 0 : i32
        %dma_start3A_25 = arith.constant 0 : i32
        %dma_start3A_26 = tpu.memref_slice %arg10[%dma_start3A, %dma_start3A_25] : memref<10240x128xf32, #tpu.memory_space<vmem_shared>> -> memref<10240x128xf32, #tpu.memory_space<vmem_shared>>
        tpu.enqueue_indirect_dma source(%arg9 : memref<128x128xf32, #tpu.memory_space<vmem>>) target(%dma_start3A_26 : memref<10240x128xf32, #tpu.memory_space<vmem_shared>>) offsets(%arg8 : memref<128xi32, #tpu.memory_space<vmem>>) semaphore(%run_scoped3A : memref<!tpu.dma_semaphore, #tpu.memory_space<semaphore_mem>>) {add = true}
        %dma_wait3A = arith.constant 0 : i32
        %dma_wait3A_27 = arith.constant 0 : i32
        %dma_wait3A_28 = tpu.memref_slice %arg10[%dma_wait3A, %dma_wait3A_27] : memref<10240x128xf32, #tpu.memory_space<vmem_shared>> -> memref<10240x128xf32, #tpu.memory_space<vmem_shared>>
        tpu.wait_indirect_dma semaphore(%run_scoped3A : memref<!tpu.dma_semaphore, #tpu.memory_space<semaphore_mem>>) src(%arg9 : memref<128x128xf32, #tpu.memory_space<vmem>>) dst(%dma_wait3A_28 : memref<10240x128xf32, #tpu.memory_space<vmem_shared>>)
        tpu.yield
      }) : () -> ()
    }
    %scan3A_6 = arith.constant 79 : i32
    %barrier3A_7 = arith.constant 0 : index
    tpu.barrier barrier_id(%barrier3A_7)
    %lt3A = arith.constant 15 : i32
    %lt3A_8 = arith.cmpi slt, %arg1, %lt3A : i32
    %convert_element_type3A = arith.extui %lt3A_8 : i1 to i32
    %cond3A = arith.constant 0 : i32
    %cond3A_9 = arith.cmpi ne, %convert_element_type3A, %cond3A : i32
    scf.if %cond3A_9 {
      %mul3A_15 = arith.constant 624 : i32
      %mul3A_16 = arith.muli %arg1, %mul3A_15 : i32
      %add3A_17 = arith.constant 0 : i32
      %add3A_18 = arith.addi %add3A_17, %arg0 : i32
      %mul3A_19 = arith.constant 624 : i32
      %mul3A_20 = arith.muli %arg1, %mul3A_19 : i32
      "tpu.region"() ({
        %run_scoped3A = tpu.sem_alloc : memref<!tpu.dma_semaphore, #tpu.memory_space<semaphore_mem>>
        %dma_start3A = arith.constant 0 : i32
        %dma_start3A_21 = tpu.memref_slice %arg6[%add3A_18, %mul3A_20, %dma_start3A] : memref<2x10000x128xf32, #tpu.memory_space<hbm>> -> memref<1x624x128xf32, #tpu.memory_space<hbm>>
        %dma_start3A_22 = tpu.memref_squeeze %dma_start3A_21 : memref<1x624x128xf32, #tpu.memory_space<hbm>> -> memref<624x128xf32, #tpu.memory_space<hbm>>
        %dma_start3A_23 = arith.constant 0 : i32
        %dma_start3A_24 = tpu.memref_slice %arg10[%mul3A_16, %dma_start3A_23] : memref<10240x128xf32, #tpu.memory_space<vmem_shared>> -> memref<624x128xf32, #tpu.memory_space<vmem_shared>>
        tpu.enqueue_dma source(%dma_start3A_24 : memref<624x128xf32, #tpu.memory_space<vmem_shared>>) target(%dma_start3A_22 : memref<624x128xf32, #tpu.memory_space<hbm>>) target_semaphore(%run_scoped3A : memref<!tpu.dma_semaphore, #tpu.memory_space<semaphore_mem>>)
        %dma_wait3A = arith.constant 0 : i32
        %dma_wait3A_25 = tpu.memref_slice %arg6[%add3A_18, %mul3A_20, %dma_wait3A] : memref<2x10000x128xf32, #tpu.memory_space<hbm>> -> memref<1x624x128xf32, #tpu.memory_space<hbm>>
        %dma_wait3A_26 = tpu.memref_squeeze %dma_wait3A_25 : memref<1x624x128xf32, #tpu.memory_space<hbm>> -> memref<624x128xf32, #tpu.memory_space<hbm>>
        %dma_wait3A_27 = arith.constant 0 : i32
        %dma_wait3A_28 = tpu.memref_slice %arg10[%mul3A_16, %dma_wait3A_27] : memref<10240x128xf32, #tpu.memory_space<vmem_shared>> -> memref<624x128xf32, #tpu.memory_space<vmem_shared>>
        tpu.wait_dma2 semaphore(%run_scoped3A : memref<!tpu.dma_semaphore, #tpu.memory_space<semaphore_mem>>) src(%dma_wait3A_28 : memref<624x128xf32, #tpu.memory_space<vmem_shared>>) dst(%dma_wait3A_26 : memref<624x128xf32, #tpu.memory_space<hbm>>)
        tpu.yield
      }) : () -> ()
    } else {
    }
    %eq3A = arith.constant 15 : i32
    %eq3A_10 = arith.cmpi eq, %arg1, %eq3A : i32
    %convert_element_type3A_11 = arith.extui %eq3A_10 : i1 to i32
    %cond3A_12 = arith.constant 0 : i32
    %cond3A_13 = arith.cmpi ne, %convert_element_type3A_11, %cond3A_12 : i32
    scf.if %cond3A_13 {
      %add3A_15 = arith.constant 0 : i32
      %add3A_16 = arith.addi %add3A_15, %arg0 : i32
      "tpu.region"() ({
        %run_scoped3A = tpu.sem_alloc : memref<!tpu.dma_semaphore, #tpu.memory_space<semaphore_mem>>
        %dma_start3A = arith.constant 9360 : i32
        %dma_start3A_17 = arith.constant 0 : i32
        %dma_start3A_18 = tpu.memref_slice %arg6[%add3A_16, %dma_start3A, %dma_start3A_17] : memref<2x10000x128xf32, #tpu.memory_space<hbm>> -> memref<1x640x128xf32, #tpu.memory_space<hbm>>
        %dma_start3A_19 = tpu.memref_squeeze %dma_start3A_18 : memref<1x640x128xf32, #tpu.memory_space<hbm>> -> memref<640x128xf32, #tpu.memory_space<hbm>>
        %dma_start3A_20 = arith.constant 9360 : i32
        %dma_start3A_21 = arith.constant 0 : i32
        %dma_start3A_22 = tpu.memref_slice %arg10[%dma_start3A_20, %dma_start3A_21] : memref<10240x128xf32, #tpu.memory_space<vmem_shared>> -> memref<640x128xf32, #tpu.memory_space<vmem_shared>>
        tpu.enqueue_dma source(%dma_start3A_22 : memref<640x128xf32, #tpu.memory_space<vmem_shared>>) target(%dma_start3A_19 : memref<640x128xf32, #tpu.memory_space<hbm>>) target_semaphore(%run_scoped3A : memref<!tpu.dma_semaphore, #tpu.memory_space<semaphore_mem>>)
        %dma_wait3A = arith.constant 9360 : i32
        %dma_wait3A_23 = arith.constant 0 : i32
        %dma_wait3A_24 = tpu.memref_slice %arg6[%add3A_16, %dma_wait3A, %dma_wait3A_23] : memref<2x10000x128xf32, #tpu.memory_space<hbm>> -> memref<1x640x128xf32, #tpu.memory_space<hbm>>
        %dma_wait3A_25 = tpu.memref_squeeze %dma_wait3A_24 : memref<1x640x128xf32, #tpu.memory_space<hbm>> -> memref<640x128xf32, #tpu.memory_space<hbm>>
        %dma_wait3A_26 = arith.constant 9360 : i32
        %dma_wait3A_27 = arith.constant 0 : i32
        %dma_wait3A_28 = tpu.memref_slice %arg10[%dma_wait3A_26, %dma_wait3A_27] : memref<10240x128xf32, #tpu.memory_space<vmem_shared>> -> memref<640x128xf32, #tpu.memory_space<vmem_shared>>
        tpu.wait_dma2 semaphore(%run_scoped3A : memref<!tpu.dma_semaphore, #tpu.memory_space<semaphore_mem>>) src(%dma_wait3A_28 : memref<640x128xf32, #tpu.memory_space<vmem_shared>>) dst(%dma_wait3A_25 : memref<640x128xf32, #tpu.memory_space<hbm>>)
        tpu.yield
      }) : () -> ()
    } else {
    }
    %barrier3A_14 = arith.constant 0 : index
    tpu.barrier barrier_id(%barrier3A_14)
    return
  }
}

#map = affine_map<(d0, d1) -> (0, 0)>
#map1 = affine_map<(d0, d1) -> (0)>
#map2 = affine_map<(d0, d1) -> (0, 0, 0)>
module attributes {stable_mosaic.version = 14 : i64} {
  func.func @body(%arg0: i32, %arg1: i32, %arg2: memref<10000x128xf32, #tpu.memory_space<hbm>>, %arg3: memref<323584xi32, #tpu.memory_space<hbm>>, %arg4: memref<323584xi32, #tpu.memory_space<hbm>>, %arg5: memref<640x128xf32, #tpu.memory_space<hbm>>, %arg6: memref<2x10000x128xf32, #tpu.memory_space<hbm>>, %arg7: memref<128xi32, #tpu.memory_space<vmem>>, %arg8: memref<128xi32, #tpu.memory_space<vmem>>, %arg9: memref<128x128xf32, #tpu.memory_space<vmem>>, %arg10: memref<10240x128xf32, #tpu.memory_space<vmem_shared>>, %arg11: memref<!tpu.dma_semaphore, #tpu.memory_space<semaphore_mem>>) attributes {dimension_semantics = [#tpu.dimension_semantics<core_parallel>, #tpu.dimension_semantics<subcore_parallel>], iteration_bounds = array<i64: 2, 16>, scalar_prefetch = 0 : i64, scratch_operands = 5 : i64, tpu.core_type = #tpu.core_type<sc_vector_subcore>, window_params = [{transform_indices = #map}, {transform_indices = #map1}, {transform_indices = #map1}, {transform_indices = #map}, {transform_indices = #map2}]} {
    %mul3A = arith.constant 2 : i32
    %mul3A_0 = arith.muli %arg1, %mul3A : i32
    %add3A = arith.addi %mul3A_0, %arg0 : i32
    %mul3A_1 = arith.constant 640 : i32
    %mul3A_2 = arith.muli %arg1, %mul3A_1 : i32
    "tpu.region"() ({
      %run_scoped3A = tpu.sem_alloc : memref<!tpu.dma_semaphore, #tpu.memory_space<semaphore_mem>>
      %dma_start3A = arith.constant 0 : i32
      %dma_start3A_15 = tpu.memref_slice %arg10[%mul3A_2, %dma_start3A] : memref<10240x128xf32, #tpu.memory_space<vmem_shared>> -> memref<640x128xf32, #tpu.memory_space<vmem_shared>>
      tpu.enqueue_dma source(%arg5 : memref<640x128xf32, #tpu.memory_space<hbm>>) target(%dma_start3A_15 : memref<640x128xf32, #tpu.memory_space<vmem_shared>>) target_semaphore(%run_scoped3A : memref<!tpu.dma_semaphore, #tpu.memory_space<semaphore_mem>>)
      %dma_wait3A = arith.constant 0 : i32
      %dma_wait3A_16 = tpu.memref_slice %arg10[%mul3A_2, %dma_wait3A] : memref<10240x128xf32, #tpu.memory_space<vmem_shared>> -> memref<640x128xf32, #tpu.memory_space<vmem_shared>>
      tpu.wait_dma2 semaphore(%run_scoped3A : memref<!tpu.dma_semaphore, #tpu.memory_space<semaphore_mem>>) src(%arg5 : memref<640x128xf32, #tpu.memory_space<hbm>>) dst(%dma_wait3A_16 : memref<640x128xf32, #tpu.memory_space<vmem_shared>>)
      tpu.yield
    }) : () -> ()
    %barrier3A = arith.constant 0 : index
    tpu.barrier barrier_id(%barrier3A)
    %scan3A = arith.constant 0 : i32
    %scan3A_3 = arith.constant 79 : i32
    %scan3A_4 = arith.addi %scan3A, %scan3A_3 : i32
    %scan3A_5 = arith.constant 1 : i32
    scf.for %scan3A_15 = %scan3A to %scan3A_4 step %scan3A_5  : i32 {
      %mul3A_16 = arith.constant 1 : i32
      %mul3A_17 = arith.muli %scan3A_15, %mul3A_16 : i32
      %add3A_18 = arith.constant 0 : i32
      %add3A_19 = arith.addi %add3A_18, %mul3A_17 : i32
      %mul3A_20 = arith.constant 10112 : i32
      %mul3A_21 = arith.muli %add3A, %mul3A_20 : i32
      %mul3A_22 = arith.constant 128 : i32
      %mul3A_23 = arith.muli %add3A_19, %mul3A_22 : i32
      %add3A_24 = arith.addi %mul3A_21, %mul3A_23 : i32
      "tpu.region"() ({
        %run_scoped3A = tpu.sem_alloc : memref<!tpu.dma_semaphore, #tpu.memory_space<semaphore_mem>>
        %dma_start3A_29 = tpu.memref_slice %arg4[%add3A_24] : memref<323584xi32, #tpu.memory_space<hbm>> -> memref<128xi32, #tpu.memory_space<hbm>>
        %dma_start3A_30 = tpu.memref_slice %arg4[%add3A_24] : memref<323584xi32, #tpu.memory_space<hbm>> -> memref<128xi32, #tpu.memory_space<hbm>>
        tpu.enqueue_dma source(%dma_start3A_30 : memref<128xi32, #tpu.memory_space<hbm>>) target(%arg8 : memref<128xi32, #tpu.memory_space<vmem>>) target_semaphore(%run_scoped3A : memref<!tpu.dma_semaphore, #tpu.memory_space<semaphore_mem>>)
        %dma_wait3A_31 = tpu.memref_slice %arg4[%add3A_24] : memref<323584xi32, #tpu.memory_space<hbm>> -> memref<128xi32, #tpu.memory_space<hbm>>
        %dma_wait3A_32 = tpu.memref_slice %arg4[%add3A_24] : memref<323584xi32, #tpu.memory_space<hbm>> -> memref<128xi32, #tpu.memory_space<hbm>>
        tpu.wait_dma2 semaphore(%run_scoped3A : memref<!tpu.dma_semaphore, #tpu.memory_space<semaphore_mem>>) src(%dma_wait3A_32 : memref<128xi32, #tpu.memory_space<hbm>>) dst(%arg8 : memref<128xi32, #tpu.memory_space<vmem>>)
        tpu.yield
      }) : () -> ()
      "tpu.region"() ({
        %run_scoped3A = tpu.sem_alloc : memref<!tpu.dma_semaphore, #tpu.memory_space<semaphore_mem>>
        %dma_start3A_29 = tpu.memref_slice %arg3[%add3A_24] : memref<323584xi32, #tpu.memory_space<hbm>> -> memref<128xi32, #tpu.memory_space<hbm>>
        %dma_start3A_30 = tpu.memref_slice %arg3[%add3A_24] : memref<323584xi32, #tpu.memory_space<hbm>> -> memref<128xi32, #tpu.memory_space<hbm>>
        tpu.enqueue_dma source(%dma_start3A_30 : memref<128xi32, #tpu.memory_space<hbm>>) target(%arg7 : memref<128xi32, #tpu.memory_space<vmem>>) target_semaphore(%run_scoped3A : memref<!tpu.dma_semaphore, #tpu.memory_space<semaphore_mem>>)
        %dma_wait3A_31 = tpu.memref_slice %arg3[%add3A_24] : memref<323584xi32, #tpu.memory_space<hbm>> -> memref<128xi32, #tpu.memory_space<hbm>>
        %dma_wait3A_32 = tpu.memref_slice %arg3[%add3A_24] : memref<323584xi32, #tpu.memory_space<hbm>> -> memref<128xi32, #tpu.memory_space<hbm>>
        tpu.wait_dma2 semaphore(%run_scoped3A : memref<!tpu.dma_semaphore, #tpu.memory_space<semaphore_mem>>) src(%dma_wait3A_32 : memref<128xi32, #tpu.memory_space<hbm>>) dst(%arg7 : memref<128xi32, #tpu.memory_space<vmem>>)
        tpu.yield
      }) : () -> ()
      %dma_start3A = arith.constant 0 : i32
      %dma_start3A_25 = arith.constant 0 : i32
      %dma_start3A_26 = tpu.memref_slice %arg2[%dma_start3A, %dma_start3A_25] : memref<10000x128xf32, #tpu.memory_space<hbm>> -> memref<10000x128xf32, #tpu.memory_space<hbm>>
      tpu.enqueue_indirect_dma source(%dma_start3A_26 : memref<10000x128xf32, #tpu.memory_space<hbm>>) target(%arg9 : memref<128x128xf32, #tpu.memory_space<vmem>>) offsets(%arg7 : memref<128xi32, #tpu.memory_space<vmem>>) semaphore(%arg11 : memref<!tpu.dma_semaphore, #tpu.memory_space<semaphore_mem>>)
      %dma_wait3A = arith.constant 0 : i32
      %dma_wait3A_27 = arith.constant 0 : i32
      %dma_wait3A_28 = tpu.memref_slice %arg2[%dma_wait3A, %dma_wait3A_27] : memref<10000x128xf32, #tpu.memory_space<hbm>> -> memref<10000x128xf32, #tpu.memory_space<hbm>>
      tpu.wait_indirect_dma semaphore(%arg11 : memref<!tpu.dma_semaphore, #tpu.memory_space<semaphore_mem>>) src(%dma_wait3A_28 : memref<10000x128xf32, #tpu.memory_space<hbm>>) dst(%arg9 : memref<128x128xf32, #tpu.memory_space<vmem>>)
      "tpu.region"() ({
        %run_scoped3A = tpu.sem_alloc : memref<!tpu.dma_semaphore, #tpu.memory_space<semaphore_mem>>
        %dma_start3A_29 = arith.constant 0 : i32
        %dma_start3A_30 = arith.constant 0 : i32
        %dma_start3A_31 = tpu.memref_slice %arg10[%dma_start3A_29, %dma_start3A_30] : memref<10240x128xf32, #tpu.memory_space<vmem_shared>> -> memref<10240x128xf32, #tpu.memory_space<vmem_shared>>
        tpu.enqueue_indirect_dma source(%arg9 : memref<128x128xf32, #tpu.memory_space<vmem>>) target(%dma_start3A_31 : memref<10240x128xf32, #tpu.memory_space<vmem_shared>>) offsets(%arg8 : memref<128xi32, #tpu.memory_space<vmem>>) semaphore(%run_scoped3A : memref<!tpu.dma_semaphore, #tpu.memory_space<semaphore_mem>>) {add = true}
        %dma_wait3A_32 = arith.constant 0 : i32
        %dma_wait3A_33 = arith.constant 0 : i32
        %dma_wait3A_34 = tpu.memref_slice %arg10[%dma_wait3A_32, %dma_wait3A_33] : memref<10240x128xf32, #tpu.memory_space<vmem_shared>> -> memref<10240x128xf32, #tpu.memory_space<vmem_shared>>
        tpu.wait_indirect_dma semaphore(%run_scoped3A : memref<!tpu.dma_semaphore, #tpu.memory_space<semaphore_mem>>) src(%arg9 : memref<128x128xf32, #tpu.memory_space<vmem>>) dst(%dma_wait3A_34 : memref<10240x128xf32, #tpu.memory_space<vmem_shared>>)
        tpu.yield
      }) : () -> ()
    }
    %scan3A_6 = arith.constant 79 : i32
    %barrier3A_7 = arith.constant 0 : index
    tpu.barrier barrier_id(%barrier3A_7)
    %lt3A = arith.constant 15 : i32
    %lt3A_8 = arith.cmpi slt, %arg1, %lt3A : i32
    %convert_element_type3A = arith.extui %lt3A_8 : i1 to i32
    %cond3A = arith.constant 0 : i32
    %cond3A_9 = arith.cmpi ne, %convert_element_type3A, %cond3A : i32
    scf.if %cond3A_9 {
      %mul3A_15 = arith.constant 624 : i32
      %mul3A_16 = arith.muli %arg1, %mul3A_15 : i32
      %add3A_17 = arith.constant 0 : i32
      %add3A_18 = arith.addi %add3A_17, %arg0 : i32
      %mul3A_19 = arith.constant 624 : i32
      %mul3A_20 = arith.muli %arg1, %mul3A_19 : i32
      "tpu.region"() ({
        %run_scoped3A = tpu.sem_alloc : memref<!tpu.dma_semaphore, #tpu.memory_space<semaphore_mem>>
        %dma_start3A = arith.constant 0 : i32
        %dma_start3A_21 = tpu.memref_slice %arg6[%add3A_18, %mul3A_20, %dma_start3A] : memref<2x10000x128xf32, #tpu.memory_space<hbm>> -> memref<1x624x128xf32, #tpu.memory_space<hbm>>
        %dma_start3A_22 = tpu.memref_squeeze %dma_start3A_21 : memref<1x624x128xf32, #tpu.memory_space<hbm>> -> memref<624x128xf32, #tpu.memory_space<hbm>>
        %dma_start3A_23 = arith.constant 0 : i32
        %dma_start3A_24 = tpu.memref_slice %arg10[%mul3A_16, %dma_start3A_23] : memref<10240x128xf32, #tpu.memory_space<vmem_shared>> -> memref<624x128xf32, #tpu.memory_space<vmem_shared>>
        tpu.enqueue_dma source(%dma_start3A_24 : memref<624x128xf32, #tpu.memory_space<vmem_shared>>) target(%dma_start3A_22 : memref<624x128xf32, #tpu.memory_space<hbm>>) target_semaphore(%run_scoped3A : memref<!tpu.dma_semaphore, #tpu.memory_space<semaphore_mem>>)
        %dma_wait3A = arith.constant 0 : i32
        %dma_wait3A_25 = tpu.memref_slice %arg6[%add3A_18, %mul3A_20, %dma_wait3A] : memref<2x10000x128xf32, #tpu.memory_space<hbm>> -> memref<1x624x128xf32, #tpu.memory_space<hbm>>
        %dma_wait3A_26 = tpu.memref_squeeze %dma_wait3A_25 : memref<1x624x128xf32, #tpu.memory_space<hbm>> -> memref<624x128xf32, #tpu.memory_space<hbm>>
        %dma_wait3A_27 = arith.constant 0 : i32
        %dma_wait3A_28 = tpu.memref_slice %arg10[%mul3A_16, %dma_wait3A_27] : memref<10240x128xf32, #tpu.memory_space<vmem_shared>> -> memref<624x128xf32, #tpu.memory_space<vmem_shared>>
        tpu.wait_dma2 semaphore(%run_scoped3A : memref<!tpu.dma_semaphore, #tpu.memory_space<semaphore_mem>>) src(%dma_wait3A_28 : memref<624x128xf32, #tpu.memory_space<vmem_shared>>) dst(%dma_wait3A_26 : memref<624x128xf32, #tpu.memory_space<hbm>>)
        tpu.yield
      }) : () -> ()
    } else {
    }
    %eq3A = arith.constant 15 : i32
    %eq3A_10 = arith.cmpi eq, %arg1, %eq3A : i32
    %convert_element_type3A_11 = arith.extui %eq3A_10 : i1 to i32
    %cond3A_12 = arith.constant 0 : i32
    %cond3A_13 = arith.cmpi ne, %convert_element_type3A_11, %cond3A_12 : i32
    scf.if %cond3A_13 {
      %add3A_15 = arith.constant 0 : i32
      %add3A_16 = arith.addi %add3A_15, %arg0 : i32
      "tpu.region"() ({
        %run_scoped3A = tpu.sem_alloc : memref<!tpu.dma_semaphore, #tpu.memory_space<semaphore_mem>>
        %dma_start3A = arith.constant 9360 : i32
        %dma_start3A_17 = arith.constant 0 : i32
        %dma_start3A_18 = tpu.memref_slice %arg6[%add3A_16, %dma_start3A, %dma_start3A_17] : memref<2x10000x128xf32, #tpu.memory_space<hbm>> -> memref<1x640x128xf32, #tpu.memory_space<hbm>>
        %dma_start3A_19 = tpu.memref_squeeze %dma_start3A_18 : memref<1x640x128xf32, #tpu.memory_space<hbm>> -> memref<640x128xf32, #tpu.memory_space<hbm>>
        %dma_start3A_20 = arith.constant 9360 : i32
        %dma_start3A_21 = arith.constant 0 : i32
        %dma_start3A_22 = tpu.memref_slice %arg10[%dma_start3A_20, %dma_start3A_21] : memref<10240x128xf32, #tpu.memory_space<vmem_shared>> -> memref<640x128xf32, #tpu.memory_space<vmem_shared>>
        tpu.enqueue_dma source(%dma_start3A_22 : memref<640x128xf32, #tpu.memory_space<vmem_shared>>) target(%dma_start3A_19 : memref<640x128xf32, #tpu.memory_space<hbm>>) target_semaphore(%run_scoped3A : memref<!tpu.dma_semaphore, #tpu.memory_space<semaphore_mem>>)
        %dma_wait3A = arith.constant 9360 : i32
        %dma_wait3A_23 = arith.constant 0 : i32
        %dma_wait3A_24 = tpu.memref_slice %arg6[%add3A_16, %dma_wait3A, %dma_wait3A_23] : memref<2x10000x128xf32, #tpu.memory_space<hbm>> -> memref<1x640x128xf32, #tpu.memory_space<hbm>>
        %dma_wait3A_25 = tpu.memref_squeeze %dma_wait3A_24 : memref<1x640x128xf32, #tpu.memory_space<hbm>> -> memref<640x128xf32, #tpu.memory_space<hbm>>
        %dma_wait3A_26 = arith.constant 9360 : i32
        %dma_wait3A_27 = arith.constant 0 : i32
        %dma_wait3A_28 = tpu.memref_slice %arg10[%dma_wait3A_26, %dma_wait3A_27] : memref<10240x128xf32, #tpu.memory_space<vmem_shared>> -> memref<640x128xf32, #tpu.memory_space<vmem_shared>>
        tpu.wait_dma2 semaphore(%run_scoped3A : memref<!tpu.dma_semaphore, #tpu.memory_space<semaphore_mem>>) src(%dma_wait3A_28 : memref<640x128xf32, #tpu.memory_space<vmem_shared>>) dst(%dma_wait3A_25 : memref<640x128xf32, #tpu.memory_space<hbm>>)
        tpu.yield
      }) : () -> ()
    } else {
    }
    %barrier3A_14 = arith.constant 0 : index
    tpu.barrier barrier_id(%barrier3A_14)
    return
  }
}

#map = affine_map<(d0, d1) -> (0, 0)>
#map1 = affine_map<(d0, d1) -> (0)>
#map2 = affine_map<(d0, d1) -> (0, 0, 0)>
module attributes {stable_mosaic.version = 14 : i64} {
  func.func @body(%arg0: i32, %arg1: i32, %arg2: memref<10000x128xf32, #tpu.memory_space<hbm>>, %arg3: memref<323584xi32, #tpu.memory_space<hbm>>, %arg4: memref<323584xi32, #tpu.memory_space<hbm>>, %arg5: memref<640x128xf32, #tpu.memory_space<hbm>>, %arg6: memref<2x10000x128xf32, #tpu.memory_space<hbm>>, %arg7: memref<128xi32, #tpu.memory_space<vmem>>, %arg8: memref<128xi32, #tpu.memory_space<vmem>>, %arg9: memref<128x128xf32, #tpu.memory_space<vmem>>, %arg10: memref<10240x128xf32, #tpu.memory_space<vmem_shared>>, %arg11: memref<!tpu.dma_semaphore, #tpu.memory_space<semaphore_mem>>) attributes {dimension_semantics = [#tpu.dimension_semantics<core_parallel>, #tpu.dimension_semantics<subcore_parallel>], iteration_bounds = array<i64: 2, 16>, scalar_prefetch = 0 : i64, scratch_operands = 5 : i64, tpu.core_type = #tpu.core_type<sc_vector_subcore>, window_params = [{transform_indices = #map}, {transform_indices = #map1}, {transform_indices = #map1}, {transform_indices = #map}, {transform_indices = #map2}]} {
    %mul3A = arith.constant 2 : i32
    %mul3A_0 = arith.muli %arg1, %mul3A : i32
    %add3A = arith.addi %mul3A_0, %arg0 : i32
    %mul3A_1 = arith.constant 640 : i32
    %mul3A_2 = arith.muli %arg1, %mul3A_1 : i32
    "tpu.region"() ({
      %run_scoped3A = tpu.sem_alloc : memref<!tpu.dma_semaphore, #tpu.memory_space<semaphore_mem>>
      %dma_start3A = arith.constant 0 : i32
      %dma_start3A_15 = tpu.memref_slice %arg10[%mul3A_2, %dma_start3A] : memref<10240x128xf32, #tpu.memory_space<vmem_shared>> -> memref<640x128xf32, #tpu.memory_space<vmem_shared>>
      tpu.enqueue_dma source(%arg5 : memref<640x128xf32, #tpu.memory_space<hbm>>) target(%dma_start3A_15 : memref<640x128xf32, #tpu.memory_space<vmem_shared>>) target_semaphore(%run_scoped3A : memref<!tpu.dma_semaphore, #tpu.memory_space<semaphore_mem>>)
      %dma_wait3A = arith.constant 0 : i32
      %dma_wait3A_16 = tpu.memref_slice %arg10[%mul3A_2, %dma_wait3A] : memref<10240x128xf32, #tpu.memory_space<vmem_shared>> -> memref<640x128xf32, #tpu.memory_space<vmem_shared>>
      tpu.wait_dma2 semaphore(%run_scoped3A : memref<!tpu.dma_semaphore, #tpu.memory_space<semaphore_mem>>) src(%arg5 : memref<640x128xf32, #tpu.memory_space<hbm>>) dst(%dma_wait3A_16 : memref<640x128xf32, #tpu.memory_space<vmem_shared>>)
      tpu.yield
    }) : () -> ()
    %barrier3A = arith.constant 0 : index
    tpu.barrier barrier_id(%barrier3A)
    %scan3A = arith.constant 0 : i32
    %scan3A_3 = arith.constant 79 : i32
    %scan3A_4 = arith.addi %scan3A, %scan3A_3 : i32
    %scan3A_5 = arith.constant 1 : i32
    scf.for %scan3A_15 = %scan3A to %scan3A_4 step %scan3A_5  : i32 {
      %mul3A_16 = arith.constant 1 : i32
      %mul3A_17 = arith.muli %scan3A_15, %mul3A_16 : i32
      %add3A_18 = arith.constant 0 : i32
      %add3A_19 = arith.addi %add3A_18, %mul3A_17 : i32
      %mul3A_20 = arith.constant 10112 : i32
      %mul3A_21 = arith.muli %add3A, %mul3A_20 : i32
      %mul3A_22 = arith.constant 128 : i32
      %mul3A_23 = arith.muli %add3A_19, %mul3A_22 : i32
      %add3A_24 = arith.addi %mul3A_21, %mul3A_23 : i32
      "tpu.region"() ({
        %run_scoped3A = tpu.sem_alloc : memref<!tpu.dma_semaphore, #tpu.memory_space<semaphore_mem>>
        %dma_start3A_29 = tpu.memref_slice %arg4[%add3A_24] : memref<323584xi32, #tpu.memory_space<hbm>> -> memref<128xi32, #tpu.memory_space<hbm>>
        %dma_start3A_30 = tpu.memref_slice %arg4[%add3A_24] : memref<323584xi32, #tpu.memory_space<hbm>> -> memref<128xi32, #tpu.memory_space<hbm>>
        tpu.enqueue_dma source(%dma_start3A_30 : memref<128xi32, #tpu.memory_space<hbm>>) target(%arg8 : memref<128xi32, #tpu.memory_space<vmem>>) target_semaphore(%run_scoped3A : memref<!tpu.dma_semaphore, #tpu.memory_space<semaphore_mem>>)
        %dma_wait3A_31 = tpu.memref_slice %arg4[%add3A_24] : memref<323584xi32, #tpu.memory_space<hbm>> -> memref<128xi32, #tpu.memory_space<hbm>>
        %dma_wait3A_32 = tpu.memref_slice %arg4[%add3A_24] : memref<323584xi32, #tpu.memory_space<hbm>> -> memref<128xi32, #tpu.memory_space<hbm>>
        tpu.wait_dma2 semaphore(%run_scoped3A : memref<!tpu.dma_semaphore, #tpu.memory_space<semaphore_mem>>) src(%dma_wait3A_32 : memref<128xi32, #tpu.memory_space<hbm>>) dst(%arg8 : memref<128xi32, #tpu.memory_space<vmem>>)
        tpu.yield
      }) : () -> ()
      "tpu.region"() ({
        %run_scoped3A = tpu.sem_alloc : memref<!tpu.dma_semaphore, #tpu.memory_space<semaphore_mem>>
        %dma_start3A_29 = tpu.memref_slice %arg3[%add3A_24] : memref<323584xi32, #tpu.memory_space<hbm>> -> memref<128xi32, #tpu.memory_space<hbm>>
        %dma_start3A_30 = tpu.memref_slice %arg3[%add3A_24] : memref<323584xi32, #tpu.memory_space<hbm>> -> memref<128xi32, #tpu.memory_space<hbm>>
        tpu.enqueue_dma source(%dma_start3A_30 : memref<128xi32, #tpu.memory_space<hbm>>) target(%arg7 : memref<128xi32, #tpu.memory_space<vmem>>) target_semaphore(%run_scoped3A : memref<!tpu.dma_semaphore, #tpu.memory_space<semaphore_mem>>)
        %dma_wait3A_31 = tpu.memref_slice %arg3[%add3A_24] : memref<323584xi32, #tpu.memory_space<hbm>> -> memref<128xi32, #tpu.memory_space<hbm>>
        %dma_wait3A_32 = tpu.memref_slice %arg3[%add3A_24] : memref<323584xi32, #tpu.memory_space<hbm>> -> memref<128xi32, #tpu.memory_space<hbm>>
        tpu.wait_dma2 semaphore(%run_scoped3A : memref<!tpu.dma_semaphore, #tpu.memory_space<semaphore_mem>>) src(%dma_wait3A_32 : memref<128xi32, #tpu.memory_space<hbm>>) dst(%arg7 : memref<128xi32, #tpu.memory_space<vmem>>)
        tpu.yield
      }) : () -> ()
      %dma_start3A = arith.constant 0 : i32
      %dma_start3A_25 = arith.constant 0 : i32
      %dma_start3A_26 = tpu.memref_slice %arg2[%dma_start3A, %dma_start3A_25] : memref<10000x128xf32, #tpu.memory_space<hbm>> -> memref<10000x128xf32, #tpu.memory_space<hbm>>
      tpu.enqueue_indirect_dma source(%dma_start3A_26 : memref<10000x128xf32, #tpu.memory_space<hbm>>) target(%arg9 : memref<128x128xf32, #tpu.memory_space<vmem>>) offsets(%arg7 : memref<128xi32, #tpu.memory_space<vmem>>) semaphore(%arg11 : memref<!tpu.dma_semaphore, #tpu.memory_space<semaphore_mem>>)
      %dma_wait3A = arith.constant 0 : i32
      %dma_wait3A_27 = arith.constant 0 : i32
      %dma_wait3A_28 = tpu.memref_slice %arg2[%dma_wait3A, %dma_wait3A_27] : memref<10000x128xf32, #tpu.memory_space<hbm>> -> memref<10000x128xf32, #tpu.memory_space<hbm>>
      tpu.wait_indirect_dma semaphore(%arg11 : memref<!tpu.dma_semaphore, #tpu.memory_space<semaphore_mem>>) src(%dma_wait3A_28 : memref<10000x128xf32, #tpu.memory_space<hbm>>) dst(%arg9 : memref<128x128xf32, #tpu.memory_space<vmem>>)
      "tpu.region"() ({
        %run_scoped3A = tpu.sem_alloc : memref<!tpu.dma_semaphore, #tpu.memory_space<semaphore_mem>>
        %dma_start3A_29 = arith.constant 0 : i32
        %dma_start3A_30 = arith.constant 0 : i32
        %dma_start3A_31 = tpu.memref_slice %arg10[%dma_start3A_29, %dma_start3A_30] : memref<10240x128xf32, #tpu.memory_space<vmem_shared>> -> memref<10240x128xf32, #tpu.memory_space<vmem_shared>>
        tpu.enqueue_indirect_dma source(%arg9 : memref<128x128xf32, #tpu.memory_space<vmem>>) target(%dma_start3A_31 : memref<10240x128xf32, #tpu.memory_space<vmem_shared>>) offsets(%arg8 : memref<128xi32, #tpu.memory_space<vmem>>) semaphore(%run_scoped3A : memref<!tpu.dma_semaphore, #tpu.memory_space<semaphore_mem>>) {add = true}
        %dma_wait3A_32 = arith.constant 0 : i32
        %dma_wait3A_33 = arith.constant 0 : i32
        %dma_wait3A_34 = tpu.memref_slice %arg10[%dma_wait3A_32, %dma_wait3A_33] : memref<10240x128xf32, #tpu.memory_space<vmem_shared>> -> memref<10240x128xf32, #tpu.memory_space<vmem_shared>>
        tpu.wait_indirect_dma semaphore(%run_scoped3A : memref<!tpu.dma_semaphore, #tpu.memory_space<semaphore_mem>>) src(%arg9 : memref<128x128xf32, #tpu.memory_space<vmem>>) dst(%dma_wait3A_34 : memref<10240x128xf32, #tpu.memory_space<vmem_shared>>)
        tpu.yield
      }) : () -> ()
    }
    %scan3A_6 = arith.constant 79 : i32
    %barrier3A_7 = arith.constant 0 : index
    tpu.barrier barrier_id(%barrier3A_7)
    %lt3A = arith.constant 15 : i32
    %lt3A_8 = arith.cmpi slt, %arg1, %lt3A : i32
    %convert_element_type3A = arith.extui %lt3A_8 : i1 to i32
    %cond3A = arith.constant 0 : i32
    %cond3A_9 = arith.cmpi ne, %convert_element_type3A, %cond3A : i32
    scf.if %cond3A_9 {
      %mul3A_15 = arith.constant 624 : i32
      %mul3A_16 = arith.muli %arg1, %mul3A_15 : i32
      %add3A_17 = arith.constant 0 : i32
      %add3A_18 = arith.addi %add3A_17, %arg0 : i32
      %mul3A_19 = arith.constant 624 : i32
      %mul3A_20 = arith.muli %arg1, %mul3A_19 : i32
      "tpu.region"() ({
        %run_scoped3A = tpu.sem_alloc : memref<!tpu.dma_semaphore, #tpu.memory_space<semaphore_mem>>
        %dma_start3A = arith.constant 0 : i32
        %dma_start3A_21 = tpu.memref_slice %arg6[%add3A_18, %mul3A_20, %dma_start3A] : memref<2x10000x128xf32, #tpu.memory_space<hbm>> -> memref<1x624x128xf32, #tpu.memory_space<hbm>>
        %dma_start3A_22 = tpu.memref_squeeze %dma_start3A_21 : memref<1x624x128xf32, #tpu.memory_space<hbm>> -> memref<624x128xf32, #tpu.memory_space<hbm>>
        %dma_start3A_23 = arith.constant 0 : i32
        %dma_start3A_24 = tpu.memref_slice %arg10[%mul3A_16, %dma_start3A_23] : memref<10240x128xf32, #tpu.memory_space<vmem_shared>> -> memref<624x128xf32, #tpu.memory_space<vmem_shared>>
        tpu.enqueue_dma source(%dma_start3A_24 : memref<624x128xf32, #tpu.memory_space<vmem_shared>>) target(%dma_start3A_22 : memref<624x128xf32, #tpu.memory_space<hbm>>) target_semaphore(%run_scoped3A : memref<!tpu.dma_semaphore, #tpu.memory_space<semaphore_mem>>)
        %dma_wait3A = arith.constant 0 : i32
        %dma_wait3A_25 = tpu.memref_slice %arg6[%add3A_18, %mul3A_20, %dma_wait3A] : memref<2x10000x128xf32, #tpu.memory_space<hbm>> -> memref<1x624x128xf32, #tpu.memory_space<hbm>>
        %dma_wait3A_26 = tpu.memref_squeeze %dma_wait3A_25 : memref<1x624x128xf32, #tpu.memory_space<hbm>> -> memref<624x128xf32, #tpu.memory_space<hbm>>
        %dma_wait3A_27 = arith.constant 0 : i32
        %dma_wait3A_28 = tpu.memref_slice %arg10[%mul3A_16, %dma_wait3A_27] : memref<10240x128xf32, #tpu.memory_space<vmem_shared>> -> memref<624x128xf32, #tpu.memory_space<vmem_shared>>
        tpu.wait_dma2 semaphore(%run_scoped3A : memref<!tpu.dma_semaphore, #tpu.memory_space<semaphore_mem>>) src(%dma_wait3A_28 : memref<624x128xf32, #tpu.memory_space<vmem_shared>>) dst(%dma_wait3A_26 : memref<624x128xf32, #tpu.memory_space<hbm>>)
        tpu.yield
      }) : () -> ()
    } else {
    }
    %eq3A = arith.constant 15 : i32
    %eq3A_10 = arith.cmpi eq, %arg1, %eq3A : i32
    %convert_element_type3A_11 = arith.extui %eq3A_10 : i1 to i32
    %cond3A_12 = arith.constant 0 : i32
    %cond3A_13 = arith.cmpi ne, %convert_element_type3A_11, %cond3A_12 : i32
    scf.if %cond3A_13 {
      %add3A_15 = arith.constant 0 : i32
      %add3A_16 = arith.addi %add3A_15, %arg0 : i32
      "tpu.region"() ({
        %run_scoped3A = tpu.sem_alloc : memref<!tpu.dma_semaphore, #tpu.memory_space<semaphore_mem>>
        %dma_start3A = arith.constant 9360 : i32
        %dma_start3A_17 = arith.constant 0 : i32
        %dma_start3A_18 = tpu.memref_slice %arg6[%add3A_16, %dma_start3A, %dma_start3A_17] : memref<2x10000x128xf32, #tpu.memory_space<hbm>> -> memref<1x640x128xf32, #tpu.memory_space<hbm>>
        %dma_start3A_19 = tpu.memref_squeeze %dma_start3A_18 : memref<1x640x128xf32, #tpu.memory_space<hbm>> -> memref<640x128xf32, #tpu.memory_space<hbm>>
        %dma_start3A_20 = arith.constant 9360 : i32
        %dma_start3A_21 = arith.constant 0 : i32
        %dma_start3A_22 = tpu.memref_slice %arg10[%dma_start3A_20, %dma_start3A_21] : memref<10240x128xf32, #tpu.memory_space<vmem_shared>> -> memref<640x128xf32, #tpu.memory_space<vmem_shared>>
        tpu.enqueue_dma source(%dma_start3A_22 : memref<640x128xf32, #tpu.memory_space<vmem_shared>>) target(%dma_start3A_19 : memref<640x128xf32, #tpu.memory_space<hbm>>) target_semaphore(%run_scoped3A : memref<!tpu.dma_semaphore, #tpu.memory_space<semaphore_mem>>)
        %dma_wait3A = arith.constant 9360 : i32
        %dma_wait3A_23 = arith.constant 0 : i32
        %dma_wait3A_24 = tpu.memref_slice %arg6[%add3A_16, %dma_wait3A, %dma_wait3A_23] : memref<2x10000x128xf32, #tpu.memory_space<hbm>> -> memref<1x640x128xf32, #tpu.memory_space<hbm>>
        %dma_wait3A_25 = tpu.memref_squeeze %dma_wait3A_24 : memref<1x640x128xf32, #tpu.memory_space<hbm>> -> memref<640x128xf32, #tpu.memory_space<hbm>>
        %dma_wait3A_26 = arith.constant 9360 : i32
        %dma_wait3A_27 = arith.constant 0 : i32
        %dma_wait3A_28 = tpu.memref_slice %arg10[%dma_wait3A_26, %dma_wait3A_27] : memref<10240x128xf32, #tpu.memory_space<vmem_shared>> -> memref<640x128xf32, #tpu.memory_space<vmem_shared>>
        tpu.wait_dma2 semaphore(%run_scoped3A : memref<!tpu.dma_semaphore, #tpu.memory_space<semaphore_mem>>) src(%dma_wait3A_28 : memref<640x128xf32, #tpu.memory_space<vmem_shared>>) dst(%dma_wait3A_25 : memref<640x128xf32, #tpu.memory_space<hbm>>)
        tpu.yield
      }) : () -> ()
    } else {
    }
    %barrier3A_14 = arith.constant 0 : index
    tpu.barrier barrier_id(%barrier3A_14)
    return
  }
}

#map = affine_map<(d0, d1) -> (0, 0)>
#map1 = affine_map<(d0, d1) -> (0)>
#map2 = affine_map<(d0, d1) -> (0, 0, 0)>
module attributes {stable_mosaic.version = 14 : i64} {
  func.func @body(%arg0: i32, %arg1: i32, %arg2: memref<10000x128xf32, #tpu.memory_space<hbm>>, %arg3: memref<10000x128xf32, #tpu.memory_space<hbm>>, %arg4: memref<10000x128xf32, #tpu.memory_space<hbm>>, %arg5: memref<323584xi32, #tpu.memory_space<hbm>>, %arg6: memref<323584xi32, #tpu.memory_space<hbm>>, %arg7: memref<640x128xf32, #tpu.memory_space<hbm>>, %arg8: memref<6x10000x128xf32, #tpu.memory_space<hbm>>, %arg9: memref<128xi32, #tpu.memory_space<vmem>>, %arg10: memref<128xi32, #tpu.memory_space<vmem>>, %arg11: memref<128x128xf32, #tpu.memory_space<vmem>>, %arg12: memref<10240x128xf32, #tpu.memory_space<vmem_shared>>, %arg13: memref<!tpu.dma_semaphore, #tpu.memory_space<semaphore_mem>>) attributes {dimension_semantics = [#tpu.dimension_semantics<core_parallel>, #tpu.dimension_semantics<subcore_parallel>], iteration_bounds = array<i64: 2, 16>, scalar_prefetch = 0 : i64, scratch_operands = 5 : i64, tpu.core_type = #tpu.core_type<sc_vector_subcore>, window_params = [{transform_indices = #map}, {transform_indices = #map}, {transform_indices = #map}, {transform_indices = #map1}, {transform_indices = #map1}, {transform_indices = #map}, {transform_indices = #map2}]} {
    %mul3A = arith.constant 2 : i32
    %mul3A_0 = arith.muli %arg1, %mul3A : i32
    %add3A = arith.addi %mul3A_0, %arg0 : i32
    %mul3A_1 = arith.constant 640 : i32
    %mul3A_2 = arith.muli %arg1, %mul3A_1 : i32
    "tpu.region"() ({
      %run_scoped3A = tpu.sem_alloc : memref<!tpu.dma_semaphore, #tpu.memory_space<semaphore_mem>>
      %dma_start3A = arith.constant 0 : i32
      %dma_start3A_55 = tpu.memref_slice %arg12[%mul3A_2, %dma_start3A] : memref<10240x128xf32, #tpu.memory_space<vmem_shared>> -> memref<640x128xf32, #tpu.memory_space<vmem_shared>>
      tpu.enqueue_dma source(%arg7 : memref<640x128xf32, #tpu.memory_space<hbm>>) target(%dma_start3A_55 : memref<640x128xf32, #tpu.memory_space<vmem_shared>>) target_semaphore(%run_scoped3A : memref<!tpu.dma_semaphore, #tpu.memory_space<semaphore_mem>>)
      %dma_wait3A = arith.constant 0 : i32
      %dma_wait3A_56 = tpu.memref_slice %arg12[%mul3A_2, %dma_wait3A] : memref<10240x128xf32, #tpu.memory_space<vmem_shared>> -> memref<640x128xf32, #tpu.memory_space<vmem_shared>>
      tpu.wait_dma2 semaphore(%run_scoped3A : memref<!tpu.dma_semaphore, #tpu.memory_space<semaphore_mem>>) src(%arg7 : memref<640x128xf32, #tpu.memory_space<hbm>>) dst(%dma_wait3A_56 : memref<640x128xf32, #tpu.memory_space<vmem_shared>>)
      tpu.yield
    }) : () -> ()
    %barrier3A = arith.constant 0 : index
    tpu.barrier barrier_id(%barrier3A)
    %scan3A = arith.constant 0 : i32
    %scan3A_3 = arith.constant 79 : i32
    %scan3A_4 = arith.addi %scan3A, %scan3A_3 : i32
    %scan3A_5 = arith.constant 1 : i32
    scf.for %scan3A_55 = %scan3A to %scan3A_4 step %scan3A_5  : i32 {
      %mul3A_56 = arith.constant 1 : i32
      %mul3A_57 = arith.muli %scan3A_55, %mul3A_56 : i32
      %add3A_58 = arith.constant 0 : i32
      %add3A_59 = arith.addi %add3A_58, %mul3A_57 : i32
      %mul3A_60 = arith.constant 10112 : i32
      %mul3A_61 = arith.muli %add3A, %mul3A_60 : i32
      %mul3A_62 = arith.constant 128 : i32
      %mul3A_63 = arith.muli %add3A_59, %mul3A_62 : i32
      %add3A_64 = arith.addi %mul3A_61, %mul3A_63 : i32
      "tpu.region"() ({
        %run_scoped3A = tpu.sem_alloc : memref<!tpu.dma_semaphore, #tpu.memory_space<semaphore_mem>>
        %dma_start3A_69 = tpu.memref_slice %arg6[%add3A_64] : memref<323584xi32, #tpu.memory_space<hbm>> -> memref<128xi32, #tpu.memory_space<hbm>>
        %dma_start3A_70 = tpu.memref_slice %arg6[%add3A_64] : memref<323584xi32, #tpu.memory_space<hbm>> -> memref<128xi32, #tpu.memory_space<hbm>>
        tpu.enqueue_dma source(%dma_start3A_70 : memref<128xi32, #tpu.memory_space<hbm>>) target(%arg10 : memref<128xi32, #tpu.memory_space<vmem>>) target_semaphore(%run_scoped3A : memref<!tpu.dma_semaphore, #tpu.memory_space<semaphore_mem>>)
        %dma_wait3A_71 = tpu.memref_slice %arg6[%add3A_64] : memref<323584xi32, #tpu.memory_space<hbm>> -> memref<128xi32, #tpu.memory_space<hbm>>
        %dma_wait3A_72 = tpu.memref_slice %arg6[%add3A_64] : memref<323584xi32, #tpu.memory_space<hbm>> -> memref<128xi32, #tpu.memory_space<hbm>>
        tpu.wait_dma2 semaphore(%run_scoped3A : memref<!tpu.dma_semaphore, #tpu.memory_space<semaphore_mem>>) src(%dma_wait3A_72 : memref<128xi32, #tpu.memory_space<hbm>>) dst(%arg10 : memref<128xi32, #tpu.memory_space<vmem>>)
        tpu.yield
      }) : () -> ()
      "tpu.region"() ({
        %run_scoped3A = tpu.sem_alloc : memref<!tpu.dma_semaphore, #tpu.memory_space<semaphore_mem>>
        %dma_start3A_69 = tpu.memref_slice %arg5[%add3A_64] : memref<323584xi32, #tpu.memory_space<hbm>> -> memref<128xi32, #tpu.memory_space<hbm>>
        %dma_start3A_70 = tpu.memref_slice %arg5[%add3A_64] : memref<323584xi32, #tpu.memory_space<hbm>> -> memref<128xi32, #tpu.memory_space<hbm>>
        tpu.enqueue_dma source(%dma_start3A_70 : memref<128xi32, #tpu.memory_space<hbm>>) target(%arg9 : memref<128xi32, #tpu.memory_space<vmem>>) target_semaphore(%run_scoped3A : memref<!tpu.dma_semaphore, #tpu.memory_space<semaphore_mem>>)
        %dma_wait3A_71 = tpu.memref_slice %arg5[%add3A_64] : memref<323584xi32, #tpu.memory_space<hbm>> -> memref<128xi32, #tpu.memory_space<hbm>>
        %dma_wait3A_72 = tpu.memref_slice %arg5[%add3A_64] : memref<323584xi32, #tpu.memory_space<hbm>> -> memref<128xi32, #tpu.memory_space<hbm>>
        tpu.wait_dma2 semaphore(%run_scoped3A : memref<!tpu.dma_semaphore, #tpu.memory_space<semaphore_mem>>) src(%dma_wait3A_72 : memref<128xi32, #tpu.memory_space<hbm>>) dst(%arg9 : memref<128xi32, #tpu.memory_space<vmem>>)
        tpu.yield
      }) : () -> ()
      %dma_start3A = arith.constant 0 : i32
      %dma_start3A_65 = arith.constant 0 : i32
      %dma_start3A_66 = tpu.memref_slice %arg2[%dma_start3A, %dma_start3A_65] : memref<10000x128xf32, #tpu.memory_space<hbm>> -> memref<10000x128xf32, #tpu.memory_space<hbm>>
      tpu.enqueue_indirect_dma source(%dma_start3A_66 : memref<10000x128xf32, #tpu.memory_space<hbm>>) target(%arg11 : memref<128x128xf32, #tpu.memory_space<vmem>>) offsets(%arg9 : memref<128xi32, #tpu.memory_space<vmem>>) semaphore(%arg13 : memref<!tpu.dma_semaphore, #tpu.memory_space<semaphore_mem>>)
      %dma_wait3A = arith.constant 0 : i32
      %dma_wait3A_67 = arith.constant 0 : i32
      %dma_wait3A_68 = tpu.memref_slice %arg2[%dma_wait3A, %dma_wait3A_67] : memref<10000x128xf32, #tpu.memory_space<hbm>> -> memref<10000x128xf32, #tpu.memory_space<hbm>>
      tpu.wait_indirect_dma semaphore(%arg13 : memref<!tpu.dma_semaphore, #tpu.memory_space<semaphore_mem>>) src(%dma_wait3A_68 : memref<10000x128xf32, #tpu.memory_space<hbm>>) dst(%arg11 : memref<128x128xf32, #tpu.memory_space<vmem>>)
      "tpu.region"() ({
        %run_scoped3A = tpu.sem_alloc : memref<!tpu.dma_semaphore, #tpu.memory_space<semaphore_mem>>
        %dma_start3A_69 = arith.constant 0 : i32
        %dma_start3A_70 = arith.constant 0 : i32
        %dma_start3A_71 = tpu.memref_slice %arg12[%dma_start3A_69, %dma_start3A_70] : memref<10240x128xf32, #tpu.memory_space<vmem_shared>> -> memref<10240x128xf32, #tpu.memory_space<vmem_shared>>
        tpu.enqueue_indirect_dma source(%arg11 : memref<128x128xf32, #tpu.memory_space<vmem>>) target(%dma_start3A_71 : memref<10240x128xf32, #tpu.memory_space<vmem_shared>>) offsets(%arg10 : memref<128xi32, #tpu.memory_space<vmem>>) semaphore(%run_scoped3A : memref<!tpu.dma_semaphore, #tpu.memory_space<semaphore_mem>>) {add = true}
        %dma_wait3A_72 = arith.constant 0 : i32
        %dma_wait3A_73 = arith.constant 0 : i32
        %dma_wait3A_74 = tpu.memref_slice %arg12[%dma_wait3A_72, %dma_wait3A_73] : memref<10240x128xf32, #tpu.memory_space<vmem_shared>> -> memref<10240x128xf32, #tpu.memory_space<vmem_shared>>
        tpu.wait_indirect_dma semaphore(%run_scoped3A : memref<!tpu.dma_semaphore, #tpu.memory_space<semaphore_mem>>) src(%arg11 : memref<128x128xf32, #tpu.memory_space<vmem>>) dst(%dma_wait3A_74 : memref<10240x128xf32, #tpu.memory_space<vmem_shared>>)
        tpu.yield
      }) : () -> ()
    }
    %scan3A_6 = arith.constant 79 : i32
    %barrier3A_7 = arith.constant 0 : index
    tpu.barrier barrier_id(%barrier3A_7)
    %lt3A = arith.constant 15 : i32
    %lt3A_8 = arith.cmpi slt, %arg1, %lt3A : i32
    %convert_element_type3A = arith.extui %lt3A_8 : i1 to i32
    %cond3A = arith.constant 0 : i32
    %cond3A_9 = arith.cmpi ne, %convert_element_type3A, %cond3A : i32
    scf.if %cond3A_9 {
      %mul3A_55 = arith.constant 624 : i32
      %mul3A_56 = arith.muli %arg1, %mul3A_55 : i32
      %add3A_57 = arith.constant 0 : i32
      %add3A_58 = arith.addi %add3A_57, %arg0 : i32
      %mul3A_59 = arith.constant 624 : i32
      %mul3A_60 = arith.muli %arg1, %mul3A_59 : i32
      "tpu.region"() ({
        %run_scoped3A = tpu.sem_alloc : memref<!tpu.dma_semaphore, #tpu.memory_space<semaphore_mem>>
        %dma_start3A = arith.constant 0 : i32
        %dma_start3A_61 = tpu.memref_slice %arg8[%add3A_58, %mul3A_60, %dma_start3A] : memref<6x10000x128xf32, #tpu.memory_space<hbm>> -> memref<1x624x128xf32, #tpu.memory_space<hbm>>
        %dma_start3A_62 = tpu.memref_squeeze %dma_start3A_61 : memref<1x624x128xf32, #tpu.memory_space<hbm>> -> memref<624x128xf32, #tpu.memory_space<hbm>>
        %dma_start3A_63 = arith.constant 0 : i32
        %dma_start3A_64 = tpu.memref_slice %arg12[%mul3A_56, %dma_start3A_63] : memref<10240x128xf32, #tpu.memory_space<vmem_shared>> -> memref<624x128xf32, #tpu.memory_space<vmem_shared>>
        tpu.enqueue_dma source(%dma_start3A_64 : memref<624x128xf32, #tpu.memory_space<vmem_shared>>) target(%dma_start3A_62 : memref<624x128xf32, #tpu.memory_space<hbm>>) target_semaphore(%run_scoped3A : memref<!tpu.dma_semaphore, #tpu.memory_space<semaphore_mem>>)
        %dma_wait3A = arith.constant 0 : i32
        %dma_wait3A_65 = tpu.memref_slice %arg8[%add3A_58, %mul3A_60, %dma_wait3A] : memref<6x10000x128xf32, #tpu.memory_space<hbm>> -> memref<1x624x128xf32, #tpu.memory_space<hbm>>
        %dma_wait3A_66 = tpu.memref_squeeze %dma_wait3A_65 : memref<1x624x128xf32, #tpu.memory_space<hbm>> -> memref<624x128xf32, #tpu.memory_space<hbm>>
        %dma_wait3A_67 = arith.constant 0 : i32
        %dma_wait3A_68 = tpu.memref_slice %arg12[%mul3A_56, %dma_wait3A_67] : memref<10240x128xf32, #tpu.memory_space<vmem_shared>> -> memref<624x128xf32, #tpu.memory_space<vmem_shared>>
        tpu.wait_dma2 semaphore(%run_scoped3A : memref<!tpu.dma_semaphore, #tpu.memory_space<semaphore_mem>>) src(%dma_wait3A_68 : memref<624x128xf32, #tpu.memory_space<vmem_shared>>) dst(%dma_wait3A_66 : memref<624x128xf32, #tpu.memory_space<hbm>>)
        tpu.yield
      }) : () -> ()
    } else {
    }
    %eq3A = arith.constant 15 : i32
    %eq3A_10 = arith.cmpi eq, %arg1, %eq3A : i32
    %convert_element_type3A_11 = arith.extui %eq3A_10 : i1 to i32
    %cond3A_12 = arith.constant 0 : i32
    %cond3A_13 = arith.cmpi ne, %convert_element_type3A_11, %cond3A_12 : i32
    scf.if %cond3A_13 {
      %add3A_55 = arith.constant 0 : i32
      %add3A_56 = arith.addi %add3A_55, %arg0 : i32
      "tpu.region"() ({
        %run_scoped3A = tpu.sem_alloc : memref<!tpu.dma_semaphore, #tpu.memory_space<semaphore_mem>>
        %dma_start3A = arith.constant 9360 : i32
        %dma_start3A_57 = arith.constant 0 : i32
        %dma_start3A_58 = tpu.memref_slice %arg8[%add3A_56, %dma_start3A, %dma_start3A_57] : memref<6x10000x128xf32, #tpu.memory_space<hbm>> -> memref<1x640x128xf32, #tpu.memory_space<hbm>>
        %dma_start3A_59 = tpu.memref_squeeze %dma_start3A_58 : memref<1x640x128xf32, #tpu.memory_space<hbm>> -> memref<640x128xf32, #tpu.memory_space<hbm>>
        %dma_start3A_60 = arith.constant 9360 : i32
        %dma_start3A_61 = arith.constant 0 : i32
        %dma_start3A_62 = tpu.memref_slice %arg12[%dma_start3A_60, %dma_start3A_61] : memref<10240x128xf32, #tpu.memory_space<vmem_shared>> -> memref<640x128xf32, #tpu.memory_space<vmem_shared>>
        tpu.enqueue_dma source(%dma_start3A_62 : memref<640x128xf32, #tpu.memory_space<vmem_shared>>) target(%dma_start3A_59 : memref<640x128xf32, #tpu.memory_space<hbm>>) target_semaphore(%run_scoped3A : memref<!tpu.dma_semaphore, #tpu.memory_space<semaphore_mem>>)
        %dma_wait3A = arith.constant 9360 : i32
        %dma_wait3A_63 = arith.constant 0 : i32
        %dma_wait3A_64 = tpu.memref_slice %arg8[%add3A_56, %dma_wait3A, %dma_wait3A_63] : memref<6x10000x128xf32, #tpu.memory_space<hbm>> -> memref<1x640x128xf32, #tpu.memory_space<hbm>>
        %dma_wait3A_65 = tpu.memref_squeeze %dma_wait3A_64 : memref<1x640x128xf32, #tpu.memory_space<hbm>> -> memref<640x128xf32, #tpu.memory_space<hbm>>
        %dma_wait3A_66 = arith.constant 9360 : i32
        %dma_wait3A_67 = arith.constant 0 : i32
        %dma_wait3A_68 = tpu.memref_slice %arg12[%dma_wait3A_66, %dma_wait3A_67] : memref<10240x128xf32, #tpu.memory_space<vmem_shared>> -> memref<640x128xf32, #tpu.memory_space<vmem_shared>>
        tpu.wait_dma2 semaphore(%run_scoped3A : memref<!tpu.dma_semaphore, #tpu.memory_space<semaphore_mem>>) src(%dma_wait3A_68 : memref<640x128xf32, #tpu.memory_space<vmem_shared>>) dst(%dma_wait3A_65 : memref<640x128xf32, #tpu.memory_space<hbm>>)
        tpu.yield
      }) : () -> ()
    } else {
    }
    %barrier3A_14 = arith.constant 0 : index
    tpu.barrier barrier_id(%barrier3A_14)
    %mul3A_15 = arith.constant 640 : i32
    %mul3A_16 = arith.muli %arg1, %mul3A_15 : i32
    "tpu.region"() ({
      %run_scoped3A = tpu.sem_alloc : memref<!tpu.dma_semaphore, #tpu.memory_space<semaphore_mem>>
      %dma_start3A = arith.constant 0 : i32
      %dma_start3A_55 = tpu.memref_slice %arg12[%mul3A_16, %dma_start3A] : memref<10240x128xf32, #tpu.memory_space<vmem_shared>> -> memref<640x128xf32, #tpu.memory_space<vmem_shared>>
      tpu.enqueue_dma source(%arg7 : memref<640x128xf32, #tpu.memory_space<hbm>>) target(%dma_start3A_55 : memref<640x128xf32, #tpu.memory_space<vmem_shared>>) target_semaphore(%run_scoped3A : memref<!tpu.dma_semaphore, #tpu.memory_space<semaphore_mem>>)
      %dma_wait3A = arith.constant 0 : i32
      %dma_wait3A_56 = tpu.memref_slice %arg12[%mul3A_16, %dma_wait3A] : memref<10240x128xf32, #tpu.memory_space<vmem_shared>> -> memref<640x128xf32, #tpu.memory_space<vmem_shared>>
      tpu.wait_dma2 semaphore(%run_scoped3A : memref<!tpu.dma_semaphore, #tpu.memory_space<semaphore_mem>>) src(%arg7 : memref<640x128xf32, #tpu.memory_space<hbm>>) dst(%dma_wait3A_56 : memref<640x128xf32, #tpu.memory_space<vmem_shared>>)
      tpu.yield
    }) : () -> ()
    %barrier3A_17 = arith.constant 0 : index
    tpu.barrier barrier_id(%barrier3A_17)
    %scan3A_18 = arith.constant 0 : i32
    %scan3A_19 = arith.constant 79 : i32
    %scan3A_20 = arith.addi %scan3A_18, %scan3A_19 : i32
    %scan3A_21 = arith.constant 1 : i32
    scf.for %scan3A_55 = %scan3A_18 to %scan3A_20 step %scan3A_21  : i32 {
      %mul3A_56 = arith.constant 1 : i32
      %mul3A_57 = arith.muli %scan3A_55, %mul3A_56 : i32
      %add3A_58 = arith.constant 0 : i32
      %add3A_59 = arith.addi %add3A_58, %mul3A_57 : i32
      %mul3A_60 = arith.constant 10112 : i32
      %mul3A_61 = arith.muli %add3A, %mul3A_60 : i32
      %mul3A_62 = arith.constant 128 : i32
      %mul3A_63 = arith.muli %add3A_59, %mul3A_62 : i32
      %add3A_64 = arith.addi %mul3A_61, %mul3A_63 : i32
      "tpu.region"() ({
        %run_scoped3A = tpu.sem_alloc : memref<!tpu.dma_semaphore, #tpu.memory_space<semaphore_mem>>
        %dma_start3A_69 = tpu.memref_slice %arg6[%add3A_64] : memref<323584xi32, #tpu.memory_space<hbm>> -> memref<128xi32, #tpu.memory_space<hbm>>
        %dma_start3A_70 = tpu.memref_slice %arg6[%add3A_64] : memref<323584xi32, #tpu.memory_space<hbm>> -> memref<128xi32, #tpu.memory_space<hbm>>
        tpu.enqueue_dma source(%dma_start3A_70 : memref<128xi32, #tpu.memory_space<hbm>>) target(%arg10 : memref<128xi32, #tpu.memory_space<vmem>>) target_semaphore(%run_scoped3A : memref<!tpu.dma_semaphore, #tpu.memory_space<semaphore_mem>>)
        %dma_wait3A_71 = tpu.memref_slice %arg6[%add3A_64] : memref<323584xi32, #tpu.memory_space<hbm>> -> memref<128xi32, #tpu.memory_space<hbm>>
        %dma_wait3A_72 = tpu.memref_slice %arg6[%add3A_64] : memref<323584xi32, #tpu.memory_space<hbm>> -> memref<128xi32, #tpu.memory_space<hbm>>
        tpu.wait_dma2 semaphore(%run_scoped3A : memref<!tpu.dma_semaphore, #tpu.memory_space<semaphore_mem>>) src(%dma_wait3A_72 : memref<128xi32, #tpu.memory_space<hbm>>) dst(%arg10 : memref<128xi32, #tpu.memory_space<vmem>>)
        tpu.yield
      }) : () -> ()
      "tpu.region"() ({
        %run_scoped3A = tpu.sem_alloc : memref<!tpu.dma_semaphore, #tpu.memory_space<semaphore_mem>>
        %dma_start3A_69 = tpu.memref_slice %arg5[%add3A_64] : memref<323584xi32, #tpu.memory_space<hbm>> -> memref<128xi32, #tpu.memory_space<hbm>>
        %dma_start3A_70 = tpu.memref_slice %arg5[%add3A_64] : memref<323584xi32, #tpu.memory_space<hbm>> -> memref<128xi32, #tpu.memory_space<hbm>>
        tpu.enqueue_dma source(%dma_start3A_70 : memref<128xi32, #tpu.memory_space<hbm>>) target(%arg9 : memref<128xi32, #tpu.memory_space<vmem>>) target_semaphore(%run_scoped3A : memref<!tpu.dma_semaphore, #tpu.memory_space<semaphore_mem>>)
        %dma_wait3A_71 = tpu.memref_slice %arg5[%add3A_64] : memref<323584xi32, #tpu.memory_space<hbm>> -> memref<128xi32, #tpu.memory_space<hbm>>
        %dma_wait3A_72 = tpu.memref_slice %arg5[%add3A_64] : memref<323584xi32, #tpu.memory_space<hbm>> -> memref<128xi32, #tpu.memory_space<hbm>>
        tpu.wait_dma2 semaphore(%run_scoped3A : memref<!tpu.dma_semaphore, #tpu.memory_space<semaphore_mem>>) src(%dma_wait3A_72 : memref<128xi32, #tpu.memory_space<hbm>>) dst(%arg9 : memref<128xi32, #tpu.memory_space<vmem>>)
        tpu.yield
      }) : () -> ()
      %dma_start3A = arith.constant 0 : i32
      %dma_start3A_65 = arith.constant 0 : i32
      %dma_start3A_66 = tpu.memref_slice %arg3[%dma_start3A, %dma_start3A_65] : memref<10000x128xf32, #tpu.memory_space<hbm>> -> memref<10000x128xf32, #tpu.memory_space<hbm>>
      tpu.enqueue_indirect_dma source(%dma_start3A_66 : memref<10000x128xf32, #tpu.memory_space<hbm>>) target(%arg11 : memref<128x128xf32, #tpu.memory_space<vmem>>) offsets(%arg9 : memref<128xi32, #tpu.memory_space<vmem>>) semaphore(%arg13 : memref<!tpu.dma_semaphore, #tpu.memory_space<semaphore_mem>>)
      %dma_wait3A = arith.constant 0 : i32
      %dma_wait3A_67 = arith.constant 0 : i32
      %dma_wait3A_68 = tpu.memref_slice %arg3[%dma_wait3A, %dma_wait3A_67] : memref<10000x128xf32, #tpu.memory_space<hbm>> -> memref<10000x128xf32, #tpu.memory_space<hbm>>
      tpu.wait_indirect_dma semaphore(%arg13 : memref<!tpu.dma_semaphore, #tpu.memory_space<semaphore_mem>>) src(%dma_wait3A_68 : memref<10000x128xf32, #tpu.memory_space<hbm>>) dst(%arg11 : memref<128x128xf32, #tpu.memory_space<vmem>>)
      "tpu.region"() ({
        %run_scoped3A = tpu.sem_alloc : memref<!tpu.dma_semaphore, #tpu.memory_space<semaphore_mem>>
        %dma_start3A_69 = arith.constant 0 : i32
        %dma_start3A_70 = arith.constant 0 : i32
        %dma_start3A_71 = tpu.memref_slice %arg12[%dma_start3A_69, %dma_start3A_70] : memref<10240x128xf32, #tpu.memory_space<vmem_shared>> -> memref<10240x128xf32, #tpu.memory_space<vmem_shared>>
        tpu.enqueue_indirect_dma source(%arg11 : memref<128x128xf32, #tpu.memory_space<vmem>>) target(%dma_start3A_71 : memref<10240x128xf32, #tpu.memory_space<vmem_shared>>) offsets(%arg10 : memref<128xi32, #tpu.memory_space<vmem>>) semaphore(%run_scoped3A : memref<!tpu.dma_semaphore, #tpu.memory_space<semaphore_mem>>) {add = true}
        %dma_wait3A_72 = arith.constant 0 : i32
        %dma_wait3A_73 = arith.constant 0 : i32
        %dma_wait3A_74 = tpu.memref_slice %arg12[%dma_wait3A_72, %dma_wait3A_73] : memref<10240x128xf32, #tpu.memory_space<vmem_shared>> -> memref<10240x128xf32, #tpu.memory_space<vmem_shared>>
        tpu.wait_indirect_dma semaphore(%run_scoped3A : memref<!tpu.dma_semaphore, #tpu.memory_space<semaphore_mem>>) src(%arg11 : memref<128x128xf32, #tpu.memory_space<vmem>>) dst(%dma_wait3A_74 : memref<10240x128xf32, #tpu.memory_space<vmem_shared>>)
        tpu.yield
      }) : () -> ()
    }
    %scan3A_22 = arith.constant 79 : i32
    %barrier3A_23 = arith.constant 0 : index
    tpu.barrier barrier_id(%barrier3A_23)
    %lt3A_24 = arith.constant 15 : i32
    %lt3A_25 = arith.cmpi slt, %arg1, %lt3A_24 : i32
    %convert_element_type3A_26 = arith.extui %lt3A_25 : i1 to i32
    %cond3A_27 = arith.constant 0 : i32
    %cond3A_28 = arith.cmpi ne, %convert_element_type3A_26, %cond3A_27 : i32
    scf.if %cond3A_28 {
      %mul3A_55 = arith.constant 624 : i32
      %mul3A_56 = arith.muli %arg1, %mul3A_55 : i32
      %add3A_57 = arith.constant 2 : i32
      %add3A_58 = arith.addi %add3A_57, %arg0 : i32
      %mul3A_59 = arith.constant 624 : i32
      %mul3A_60 = arith.muli %arg1, %mul3A_59 : i32
      "tpu.region"() ({
        %run_scoped3A = tpu.sem_alloc : memref<!tpu.dma_semaphore, #tpu.memory_space<semaphore_mem>>
        %dma_start3A = arith.constant 0 : i32
        %dma_start3A_61 = tpu.memref_slice %arg8[%add3A_58, %mul3A_60, %dma_start3A] : memref<6x10000x128xf32, #tpu.memory_space<hbm>> -> memref<1x624x128xf32, #tpu.memory_space<hbm>>
        %dma_start3A_62 = tpu.memref_squeeze %dma_start3A_61 : memref<1x624x128xf32, #tpu.memory_space<hbm>> -> memref<624x128xf32, #tpu.memory_space<hbm>>
        %dma_start3A_63 = arith.constant 0 : i32
        %dma_start3A_64 = tpu.memref_slice %arg12[%mul3A_56, %dma_start3A_63] : memref<10240x128xf32, #tpu.memory_space<vmem_shared>> -> memref<624x128xf32, #tpu.memory_space<vmem_shared>>
        tpu.enqueue_dma source(%dma_start3A_64 : memref<624x128xf32, #tpu.memory_space<vmem_shared>>) target(%dma_start3A_62 : memref<624x128xf32, #tpu.memory_space<hbm>>) target_semaphore(%run_scoped3A : memref<!tpu.dma_semaphore, #tpu.memory_space<semaphore_mem>>)
        %dma_wait3A = arith.constant 0 : i32
        %dma_wait3A_65 = tpu.memref_slice %arg8[%add3A_58, %mul3A_60, %dma_wait3A] : memref<6x10000x128xf32, #tpu.memory_space<hbm>> -> memref<1x624x128xf32, #tpu.memory_space<hbm>>
        %dma_wait3A_66 = tpu.memref_squeeze %dma_wait3A_65 : memref<1x624x128xf32, #tpu.memory_space<hbm>> -> memref<624x128xf32, #tpu.memory_space<hbm>>
        %dma_wait3A_67 = arith.constant 0 : i32
        %dma_wait3A_68 = tpu.memref_slice %arg12[%mul3A_56, %dma_wait3A_67] : memref<10240x128xf32, #tpu.memory_space<vmem_shared>> -> memref<624x128xf32, #tpu.memory_space<vmem_shared>>
        tpu.wait_dma2 semaphore(%run_scoped3A : memref<!tpu.dma_semaphore, #tpu.memory_space<semaphore_mem>>) src(%dma_wait3A_68 : memref<624x128xf32, #tpu.memory_space<vmem_shared>>) dst(%dma_wait3A_66 : memref<624x128xf32, #tpu.memory_space<hbm>>)
        tpu.yield
      }) : () -> ()
    } else {
    }
    %eq3A_29 = arith.constant 15 : i32
    %eq3A_30 = arith.cmpi eq, %arg1, %eq3A_29 : i32
    %convert_element_type3A_31 = arith.extui %eq3A_30 : i1 to i32
    %cond3A_32 = arith.constant 0 : i32
    %cond3A_33 = arith.cmpi ne, %convert_element_type3A_31, %cond3A_32 : i32
    scf.if %cond3A_33 {
      %add3A_55 = arith.constant 2 : i32
      %add3A_56 = arith.addi %add3A_55, %arg0 : i32
      "tpu.region"() ({
        %run_scoped3A = tpu.sem_alloc : memref<!tpu.dma_semaphore, #tpu.memory_space<semaphore_mem>>
        %dma_start3A = arith.constant 9360 : i32
        %dma_start3A_57 = arith.constant 0 : i32
        %dma_start3A_58 = tpu.memref_slice %arg8[%add3A_56, %dma_start3A, %dma_start3A_57] : memref<6x10000x128xf32, #tpu.memory_space<hbm>> -> memref<1x640x128xf32, #tpu.memory_space<hbm>>
        %dma_start3A_59 = tpu.memref_squeeze %dma_start3A_58 : memref<1x640x128xf32, #tpu.memory_space<hbm>> -> memref<640x128xf32, #tpu.memory_space<hbm>>
        %dma_start3A_60 = arith.constant 9360 : i32
        %dma_start3A_61 = arith.constant 0 : i32
        %dma_start3A_62 = tpu.memref_slice %arg12[%dma_start3A_60, %dma_start3A_61] : memref<10240x128xf32, #tpu.memory_space<vmem_shared>> -> memref<640x128xf32, #tpu.memory_space<vmem_shared>>
        tpu.enqueue_dma source(%dma_start3A_62 : memref<640x128xf32, #tpu.memory_space<vmem_shared>>) target(%dma_start3A_59 : memref<640x128xf32, #tpu.memory_space<hbm>>) target_semaphore(%run_scoped3A : memref<!tpu.dma_semaphore, #tpu.memory_space<semaphore_mem>>)
        %dma_wait3A = arith.constant 9360 : i32
        %dma_wait3A_63 = arith.constant 0 : i32
        %dma_wait3A_64 = tpu.memref_slice %arg8[%add3A_56, %dma_wait3A, %dma_wait3A_63] : memref<6x10000x128xf32, #tpu.memory_space<hbm>> -> memref<1x640x128xf32, #tpu.memory_space<hbm>>
        %dma_wait3A_65 = tpu.memref_squeeze %dma_wait3A_64 : memref<1x640x128xf32, #tpu.memory_space<hbm>> -> memref<640x128xf32, #tpu.memory_space<hbm>>
        %dma_wait3A_66 = arith.constant 9360 : i32
        %dma_wait3A_67 = arith.constant 0 : i32
        %dma_wait3A_68 = tpu.memref_slice %arg12[%dma_wait3A_66, %dma_wait3A_67] : memref<10240x128xf32, #tpu.memory_space<vmem_shared>> -> memref<640x128xf32, #tpu.memory_space<vmem_shared>>
        tpu.wait_dma2 semaphore(%run_scoped3A : memref<!tpu.dma_semaphore, #tpu.memory_space<semaphore_mem>>) src(%dma_wait3A_68 : memref<640x128xf32, #tpu.memory_space<vmem_shared>>) dst(%dma_wait3A_65 : memref<640x128xf32, #tpu.memory_space<hbm>>)
        tpu.yield
      }) : () -> ()
    } else {
    }
    %barrier3A_34 = arith.constant 0 : index
    tpu.barrier barrier_id(%barrier3A_34)
    %mul3A_35 = arith.constant 640 : i32
    %mul3A_36 = arith.muli %arg1, %mul3A_35 : i32
    "tpu.region"() ({
      %run_scoped3A = tpu.sem_alloc : memref<!tpu.dma_semaphore, #tpu.memory_space<semaphore_mem>>
      %dma_start3A = arith.constant 0 : i32
      %dma_start3A_55 = tpu.memref_slice %arg12[%mul3A_36, %dma_start3A] : memref<10240x128xf32, #tpu.memory_space<vmem_shared>> -> memref<640x128xf32, #tpu.memory_space<vmem_shared>>
      tpu.enqueue_dma source(%arg7 : memref<640x128xf32, #tpu.memory_space<hbm>>) target(%dma_start3A_55 : memref<640x128xf32, #tpu.memory_space<vmem_shared>>) target_semaphore(%run_scoped3A : memref<!tpu.dma_semaphore, #tpu.memory_space<semaphore_mem>>)
      %dma_wait3A = arith.constant 0 : i32
      %dma_wait3A_56 = tpu.memref_slice %arg12[%mul3A_36, %dma_wait3A] : memref<10240x128xf32, #tpu.memory_space<vmem_shared>> -> memref<640x128xf32, #tpu.memory_space<vmem_shared>>
      tpu.wait_dma2 semaphore(%run_scoped3A : memref<!tpu.dma_semaphore, #tpu.memory_space<semaphore_mem>>) src(%arg7 : memref<640x128xf32, #tpu.memory_space<hbm>>) dst(%dma_wait3A_56 : memref<640x128xf32, #tpu.memory_space<vmem_shared>>)
      tpu.yield
    }) : () -> ()
    %barrier3A_37 = arith.constant 0 : index
    tpu.barrier barrier_id(%barrier3A_37)
    %scan3A_38 = arith.constant 0 : i32
    %scan3A_39 = arith.constant 79 : i32
    %scan3A_40 = arith.addi %scan3A_38, %scan3A_39 : i32
    %scan3A_41 = arith.constant 1 : i32
    scf.for %scan3A_55 = %scan3A_38 to %scan3A_40 step %scan3A_41  : i32 {
      %mul3A_56 = arith.constant 1 : i32
      %mul3A_57 = arith.muli %scan3A_55, %mul3A_56 : i32
      %add3A_58 = arith.constant 0 : i32
      %add3A_59 = arith.addi %add3A_58, %mul3A_57 : i32
      %mul3A_60 = arith.constant 10112 : i32
      %mul3A_61 = arith.muli %add3A, %mul3A_60 : i32
      %mul3A_62 = arith.constant 128 : i32
      %mul3A_63 = arith.muli %add3A_59, %mul3A_62 : i32
      %add3A_64 = arith.addi %mul3A_61, %mul3A_63 : i32
      "tpu.region"() ({
        %run_scoped3A = tpu.sem_alloc : memref<!tpu.dma_semaphore, #tpu.memory_space<semaphore_mem>>
        %dma_start3A_69 = tpu.memref_slice %arg6[%add3A_64] : memref<323584xi32, #tpu.memory_space<hbm>> -> memref<128xi32, #tpu.memory_space<hbm>>
        %dma_start3A_70 = tpu.memref_slice %arg6[%add3A_64] : memref<323584xi32, #tpu.memory_space<hbm>> -> memref<128xi32, #tpu.memory_space<hbm>>
        tpu.enqueue_dma source(%dma_start3A_70 : memref<128xi32, #tpu.memory_space<hbm>>) target(%arg10 : memref<128xi32, #tpu.memory_space<vmem>>) target_semaphore(%run_scoped3A : memref<!tpu.dma_semaphore, #tpu.memory_space<semaphore_mem>>)
        %dma_wait3A_71 = tpu.memref_slice %arg6[%add3A_64] : memref<323584xi32, #tpu.memory_space<hbm>> -> memref<128xi32, #tpu.memory_space<hbm>>
        %dma_wait3A_72 = tpu.memref_slice %arg6[%add3A_64] : memref<323584xi32, #tpu.memory_space<hbm>> -> memref<128xi32, #tpu.memory_space<hbm>>
        tpu.wait_dma2 semaphore(%run_scoped3A : memref<!tpu.dma_semaphore, #tpu.memory_space<semaphore_mem>>) src(%dma_wait3A_72 : memref<128xi32, #tpu.memory_space<hbm>>) dst(%arg10 : memref<128xi32, #tpu.memory_space<vmem>>)
        tpu.yield
      }) : () -> ()
      "tpu.region"() ({
        %run_scoped3A = tpu.sem_alloc : memref<!tpu.dma_semaphore, #tpu.memory_space<semaphore_mem>>
        %dma_start3A_69 = tpu.memref_slice %arg5[%add3A_64] : memref<323584xi32, #tpu.memory_space<hbm>> -> memref<128xi32, #tpu.memory_space<hbm>>
        %dma_start3A_70 = tpu.memref_slice %arg5[%add3A_64] : memref<323584xi32, #tpu.memory_space<hbm>> -> memref<128xi32, #tpu.memory_space<hbm>>
        tpu.enqueue_dma source(%dma_start3A_70 : memref<128xi32, #tpu.memory_space<hbm>>) target(%arg9 : memref<128xi32, #tpu.memory_space<vmem>>) target_semaphore(%run_scoped3A : memref<!tpu.dma_semaphore, #tpu.memory_space<semaphore_mem>>)
        %dma_wait3A_71 = tpu.memref_slice %arg5[%add3A_64] : memref<323584xi32, #tpu.memory_space<hbm>> -> memref<128xi32, #tpu.memory_space<hbm>>
        %dma_wait3A_72 = tpu.memref_slice %arg5[%add3A_64] : memref<323584xi32, #tpu.memory_space<hbm>> -> memref<128xi32, #tpu.memory_space<hbm>>
        tpu.wait_dma2 semaphore(%run_scoped3A : memref<!tpu.dma_semaphore, #tpu.memory_space<semaphore_mem>>) src(%dma_wait3A_72 : memref<128xi32, #tpu.memory_space<hbm>>) dst(%arg9 : memref<128xi32, #tpu.memory_space<vmem>>)
        tpu.yield
      }) : () -> ()
      %dma_start3A = arith.constant 0 : i32
      %dma_start3A_65 = arith.constant 0 : i32
      %dma_start3A_66 = tpu.memref_slice %arg4[%dma_start3A, %dma_start3A_65] : memref<10000x128xf32, #tpu.memory_space<hbm>> -> memref<10000x128xf32, #tpu.memory_space<hbm>>
      tpu.enqueue_indirect_dma source(%dma_start3A_66 : memref<10000x128xf32, #tpu.memory_space<hbm>>) target(%arg11 : memref<128x128xf32, #tpu.memory_space<vmem>>) offsets(%arg9 : memref<128xi32, #tpu.memory_space<vmem>>) semaphore(%arg13 : memref<!tpu.dma_semaphore, #tpu.memory_space<semaphore_mem>>)
      %dma_wait3A = arith.constant 0 : i32
      %dma_wait3A_67 = arith.constant 0 : i32
      %dma_wait3A_68 = tpu.memref_slice %arg4[%dma_wait3A, %dma_wait3A_67] : memref<10000x128xf32, #tpu.memory_space<hbm>> -> memref<10000x128xf32, #tpu.memory_space<hbm>>
      tpu.wait_indirect_dma semaphore(%arg13 : memref<!tpu.dma_semaphore, #tpu.memory_space<semaphore_mem>>) src(%dma_wait3A_68 : memref<10000x128xf32, #tpu.memory_space<hbm>>) dst(%arg11 : memref<128x128xf32, #tpu.memory_space<vmem>>)
      "tpu.region"() ({
        %run_scoped3A = tpu.sem_alloc : memref<!tpu.dma_semaphore, #tpu.memory_space<semaphore_mem>>
        %dma_start3A_69 = arith.constant 0 : i32
        %dma_start3A_70 = arith.constant 0 : i32
        %dma_start3A_71 = tpu.memref_slice %arg12[%dma_start3A_69, %dma_start3A_70] : memref<10240x128xf32, #tpu.memory_space<vmem_shared>> -> memref<10240x128xf32, #tpu.memory_space<vmem_shared>>
        tpu.enqueue_indirect_dma source(%arg11 : memref<128x128xf32, #tpu.memory_space<vmem>>) target(%dma_start3A_71 : memref<10240x128xf32, #tpu.memory_space<vmem_shared>>) offsets(%arg10 : memref<128xi32, #tpu.memory_space<vmem>>) semaphore(%run_scoped3A : memref<!tpu.dma_semaphore, #tpu.memory_space<semaphore_mem>>) {add = true}
        %dma_wait3A_72 = arith.constant 0 : i32
        %dma_wait3A_73 = arith.constant 0 : i32
        %dma_wait3A_74 = tpu.memref_slice %arg12[%dma_wait3A_72, %dma_wait3A_73] : memref<10240x128xf32, #tpu.memory_space<vmem_shared>> -> memref<10240x128xf32, #tpu.memory_space<vmem_shared>>
        tpu.wait_indirect_dma semaphore(%run_scoped3A : memref<!tpu.dma_semaphore, #tpu.memory_space<semaphore_mem>>) src(%arg11 : memref<128x128xf32, #tpu.memory_space<vmem>>) dst(%dma_wait3A_74 : memref<10240x128xf32, #tpu.memory_space<vmem_shared>>)
        tpu.yield
      }) : () -> ()
    }
    %scan3A_42 = arith.constant 79 : i32
    %barrier3A_43 = arith.constant 0 : index
    tpu.barrier barrier_id(%barrier3A_43)
    %lt3A_44 = arith.constant 15 : i32
    %lt3A_45 = arith.cmpi slt, %arg1, %lt3A_44 : i32
    %convert_element_type3A_46 = arith.extui %lt3A_45 : i1 to i32
    %cond3A_47 = arith.constant 0 : i32
    %cond3A_48 = arith.cmpi ne, %convert_element_type3A_46, %cond3A_47 : i32
    scf.if %cond3A_48 {
      %mul3A_55 = arith.constant 624 : i32
      %mul3A_56 = arith.muli %arg1, %mul3A_55 : i32
      %add3A_57 = arith.constant 4 : i32
      %add3A_58 = arith.addi %add3A_57, %arg0 : i32
      %mul3A_59 = arith.constant 624 : i32
      %mul3A_60 = arith.muli %arg1, %mul3A_59 : i32
      "tpu.region"() ({
        %run_scoped3A = tpu.sem_alloc : memref<!tpu.dma_semaphore, #tpu.memory_space<semaphore_mem>>
        %dma_start3A = arith.constant 0 : i32
        %dma_start3A_61 = tpu.memref_slice %arg8[%add3A_58, %mul3A_60, %dma_start3A] : memref<6x10000x128xf32, #tpu.memory_space<hbm>> -> memref<1x624x128xf32, #tpu.memory_space<hbm>>
        %dma_start3A_62 = tpu.memref_squeeze %dma_start3A_61 : memref<1x624x128xf32, #tpu.memory_space<hbm>> -> memref<624x128xf32, #tpu.memory_space<hbm>>
        %dma_start3A_63 = arith.constant 0 : i32
        %dma_start3A_64 = tpu.memref_slice %arg12[%mul3A_56, %dma_start3A_63] : memref<10240x128xf32, #tpu.memory_space<vmem_shared>> -> memref<624x128xf32, #tpu.memory_space<vmem_shared>>
        tpu.enqueue_dma source(%dma_start3A_64 : memref<624x128xf32, #tpu.memory_space<vmem_shared>>) target(%dma_start3A_62 : memref<624x128xf32, #tpu.memory_space<hbm>>) target_semaphore(%run_scoped3A : memref<!tpu.dma_semaphore, #tpu.memory_space<semaphore_mem>>)
        %dma_wait3A = arith.constant 0 : i32
        %dma_wait3A_65 = tpu.memref_slice %arg8[%add3A_58, %mul3A_60, %dma_wait3A] : memref<6x10000x128xf32, #tpu.memory_space<hbm>> -> memref<1x624x128xf32, #tpu.memory_space<hbm>>
        %dma_wait3A_66 = tpu.memref_squeeze %dma_wait3A_65 : memref<1x624x128xf32, #tpu.memory_space<hbm>> -> memref<624x128xf32, #tpu.memory_space<hbm>>
        %dma_wait3A_67 = arith.constant 0 : i32
        %dma_wait3A_68 = tpu.memref_slice %arg12[%mul3A_56, %dma_wait3A_67] : memref<10240x128xf32, #tpu.memory_space<vmem_shared>> -> memref<624x128xf32, #tpu.memory_space<vmem_shared>>
        tpu.wait_dma2 semaphore(%run_scoped3A : memref<!tpu.dma_semaphore, #tpu.memory_space<semaphore_mem>>) src(%dma_wait3A_68 : memref<624x128xf32, #tpu.memory_space<vmem_shared>>) dst(%dma_wait3A_66 : memref<624x128xf32, #tpu.memory_space<hbm>>)
        tpu.yield
      }) : () -> ()
    } else {
    }
    %eq3A_49 = arith.constant 15 : i32
    %eq3A_50 = arith.cmpi eq, %arg1, %eq3A_49 : i32
    %convert_element_type3A_51 = arith.extui %eq3A_50 : i1 to i32
    %cond3A_52 = arith.constant 0 : i32
    %cond3A_53 = arith.cmpi ne, %convert_element_type3A_51, %cond3A_52 : i32
    scf.if %cond3A_53 {
      %add3A_55 = arith.constant 4 : i32
      %add3A_56 = arith.addi %add3A_55, %arg0 : i32
      "tpu.region"() ({
        %run_scoped3A = tpu.sem_alloc : memref<!tpu.dma_semaphore, #tpu.memory_space<semaphore_mem>>
        %dma_start3A = arith.constant 9360 : i32
        %dma_start3A_57 = arith.constant 0 : i32
        %dma_start3A_58 = tpu.memref_slice %arg8[%add3A_56, %dma_start3A, %dma_start3A_57] : memref<6x10000x128xf32, #tpu.memory_space<hbm>> -> memref<1x640x128xf32, #tpu.memory_space<hbm>>
        %dma_start3A_59 = tpu.memref_squeeze %dma_start3A_58 : memref<1x640x128xf32, #tpu.memory_space<hbm>> -> memref<640x128xf32, #tpu.memory_space<hbm>>
        %dma_start3A_60 = arith.constant 9360 : i32
        %dma_start3A_61 = arith.constant 0 : i32
        %dma_start3A_62 = tpu.memref_slice %arg12[%dma_start3A_60, %dma_start3A_61] : memref<10240x128xf32, #tpu.memory_space<vmem_shared>> -> memref<640x128xf32, #tpu.memory_space<vmem_shared>>
        tpu.enqueue_dma source(%dma_start3A_62 : memref<640x128xf32, #tpu.memory_space<vmem_shared>>) target(%dma_start3A_59 : memref<640x128xf32, #tpu.memory_space<hbm>>) target_semaphore(%run_scoped3A : memref<!tpu.dma_semaphore, #tpu.memory_space<semaphore_mem>>)
        %dma_wait3A = arith.constant 9360 : i32
        %dma_wait3A_63 = arith.constant 0 : i32
        %dma_wait3A_64 = tpu.memref_slice %arg8[%add3A_56, %dma_wait3A, %dma_wait3A_63] : memref<6x10000x128xf32, #tpu.memory_space<hbm>> -> memref<1x640x128xf32, #tpu.memory_space<hbm>>
        %dma_wait3A_65 = tpu.memref_squeeze %dma_wait3A_64 : memref<1x640x128xf32, #tpu.memory_space<hbm>> -> memref<640x128xf32, #tpu.memory_space<hbm>>
        %dma_wait3A_66 = arith.constant 9360 : i32
        %dma_wait3A_67 = arith.constant 0 : i32
        %dma_wait3A_68 = tpu.memref_slice %arg12[%dma_wait3A_66, %dma_wait3A_67] : memref<10240x128xf32, #tpu.memory_space<vmem_shared>> -> memref<640x128xf32, #tpu.memory_space<vmem_shared>>
        tpu.wait_dma2 semaphore(%run_scoped3A : memref<!tpu.dma_semaphore, #tpu.memory_space<semaphore_mem>>) src(%dma_wait3A_68 : memref<640x128xf32, #tpu.memory_space<vmem_shared>>) dst(%dma_wait3A_65 : memref<640x128xf32, #tpu.memory_space<hbm>>)
        tpu.yield
      }) : () -> ()
    } else {
    }
    %barrier3A_54 = arith.constant 0 : index
    tpu.barrier barrier_id(%barrier3A_54)
    return
  }
}

#map = affine_map<(d0, d1) -> (0, 0)>
#map1 = affine_map<(d0, d1) -> (0)>
#map2 = affine_map<(d0, d1) -> (0, 0, 0)>
module attributes {stable_mosaic.version = 14 : i64} {
  func.func @body(%arg0: i32, %arg1: i32, %arg2: memref<10000x128xf32, #tpu.memory_space<hbm>>, %arg3: memref<323584xi32, #tpu.memory_space<hbm>>, %arg4: memref<323584xi32, #tpu.memory_space<hbm>>, %arg5: memref<640x128xf32, #tpu.memory_space<hbm>>, %arg6: memref<2x10000x128xf32, #tpu.memory_space<hbm>>, %arg7: memref<128xi32, #tpu.memory_space<vmem>>, %arg8: memref<128xi32, #tpu.memory_space<vmem>>, %arg9: memref<128x128xf32, #tpu.memory_space<vmem>>, %arg10: memref<10240x128xf32, #tpu.memory_space<vmem_shared>>, %arg11: memref<!tpu.dma_semaphore, #tpu.memory_space<semaphore_mem>>) attributes {dimension_semantics = [#tpu.dimension_semantics<core_parallel>, #tpu.dimension_semantics<subcore_parallel>], iteration_bounds = array<i64: 2, 16>, scalar_prefetch = 0 : i64, scratch_operands = 5 : i64, tpu.core_type = #tpu.core_type<sc_vector_subcore>, window_params = [{transform_indices = #map}, {transform_indices = #map1}, {transform_indices = #map1}, {transform_indices = #map}, {transform_indices = #map2}]} {
    %mul3A = arith.constant 2 : i32
    %mul3A_0 = arith.muli %arg1, %mul3A : i32
    %add3A = arith.addi %mul3A_0, %arg0 : i32
    %mul3A_1 = arith.constant 640 : i32
    %mul3A_2 = arith.muli %arg1, %mul3A_1 : i32
    "tpu.region"() ({
      %run_scoped3A = tpu.sem_alloc : memref<!tpu.dma_semaphore, #tpu.memory_space<semaphore_mem>>
      %dma_start3A = arith.constant 0 : i32
      %dma_start3A_15 = tpu.memref_slice %arg10[%mul3A_2, %dma_start3A] : memref<10240x128xf32, #tpu.memory_space<vmem_shared>> -> memref<640x128xf32, #tpu.memory_space<vmem_shared>>
      tpu.enqueue_dma source(%arg5 : memref<640x128xf32, #tpu.memory_space<hbm>>) target(%dma_start3A_15 : memref<640x128xf32, #tpu.memory_space<vmem_shared>>) target_semaphore(%run_scoped3A : memref<!tpu.dma_semaphore, #tpu.memory_space<semaphore_mem>>)
      %dma_wait3A = arith.constant 0 : i32
      %dma_wait3A_16 = tpu.memref_slice %arg10[%mul3A_2, %dma_wait3A] : memref<10240x128xf32, #tpu.memory_space<vmem_shared>> -> memref<640x128xf32, #tpu.memory_space<vmem_shared>>
      tpu.wait_dma2 semaphore(%run_scoped3A : memref<!tpu.dma_semaphore, #tpu.memory_space<semaphore_mem>>) src(%arg5 : memref<640x128xf32, #tpu.memory_space<hbm>>) dst(%dma_wait3A_16 : memref<640x128xf32, #tpu.memory_space<vmem_shared>>)
      tpu.yield
    }) : () -> ()
    %barrier3A = arith.constant 0 : index
    tpu.barrier barrier_id(%barrier3A)
    %scan3A = arith.constant 0 : i32
    %scan3A_3 = arith.constant 79 : i32
    %scan3A_4 = arith.addi %scan3A, %scan3A_3 : i32
    %scan3A_5 = arith.constant 1 : i32
    scf.for %scan3A_15 = %scan3A to %scan3A_4 step %scan3A_5  : i32 {
      %mul3A_16 = arith.constant 1 : i32
      %mul3A_17 = arith.muli %scan3A_15, %mul3A_16 : i32
      %add3A_18 = arith.constant 0 : i32
      %add3A_19 = arith.addi %add3A_18, %mul3A_17 : i32
      %mul3A_20 = arith.constant 10112 : i32
      %mul3A_21 = arith.muli %add3A, %mul3A_20 : i32
      %mul3A_22 = arith.constant 128 : i32
      %mul3A_23 = arith.muli %add3A_19, %mul3A_22 : i32
      %add3A_24 = arith.addi %mul3A_21, %mul3A_23 : i32
      "tpu.region"() ({
        %run_scoped3A = tpu.sem_alloc : memref<!tpu.dma_semaphore, #tpu.memory_space<semaphore_mem>>
        %dma_start3A_29 = tpu.memref_slice %arg4[%add3A_24] : memref<323584xi32, #tpu.memory_space<hbm>> -> memref<128xi32, #tpu.memory_space<hbm>>
        %dma_start3A_30 = tpu.memref_slice %arg4[%add3A_24] : memref<323584xi32, #tpu.memory_space<hbm>> -> memref<128xi32, #tpu.memory_space<hbm>>
        tpu.enqueue_dma source(%dma_start3A_30 : memref<128xi32, #tpu.memory_space<hbm>>) target(%arg8 : memref<128xi32, #tpu.memory_space<vmem>>) target_semaphore(%run_scoped3A : memref<!tpu.dma_semaphore, #tpu.memory_space<semaphore_mem>>)
        %dma_wait3A_31 = tpu.memref_slice %arg4[%add3A_24] : memref<323584xi32, #tpu.memory_space<hbm>> -> memref<128xi32, #tpu.memory_space<hbm>>
        %dma_wait3A_32 = tpu.memref_slice %arg4[%add3A_24] : memref<323584xi32, #tpu.memory_space<hbm>> -> memref<128xi32, #tpu.memory_space<hbm>>
        tpu.wait_dma2 semaphore(%run_scoped3A : memref<!tpu.dma_semaphore, #tpu.memory_space<semaphore_mem>>) src(%dma_wait3A_32 : memref<128xi32, #tpu.memory_space<hbm>>) dst(%arg8 : memref<128xi32, #tpu.memory_space<vmem>>)
        tpu.yield
      }) : () -> ()
      "tpu.region"() ({
        %run_scoped3A = tpu.sem_alloc : memref<!tpu.dma_semaphore, #tpu.memory_space<semaphore_mem>>
        %dma_start3A_29 = tpu.memref_slice %arg3[%add3A_24] : memref<323584xi32, #tpu.memory_space<hbm>> -> memref<128xi32, #tpu.memory_space<hbm>>
        %dma_start3A_30 = tpu.memref_slice %arg3[%add3A_24] : memref<323584xi32, #tpu.memory_space<hbm>> -> memref<128xi32, #tpu.memory_space<hbm>>
        tpu.enqueue_dma source(%dma_start3A_30 : memref<128xi32, #tpu.memory_space<hbm>>) target(%arg7 : memref<128xi32, #tpu.memory_space<vmem>>) target_semaphore(%run_scoped3A : memref<!tpu.dma_semaphore, #tpu.memory_space<semaphore_mem>>)
        %dma_wait3A_31 = tpu.memref_slice %arg3[%add3A_24] : memref<323584xi32, #tpu.memory_space<hbm>> -> memref<128xi32, #tpu.memory_space<hbm>>
        %dma_wait3A_32 = tpu.memref_slice %arg3[%add3A_24] : memref<323584xi32, #tpu.memory_space<hbm>> -> memref<128xi32, #tpu.memory_space<hbm>>
        tpu.wait_dma2 semaphore(%run_scoped3A : memref<!tpu.dma_semaphore, #tpu.memory_space<semaphore_mem>>) src(%dma_wait3A_32 : memref<128xi32, #tpu.memory_space<hbm>>) dst(%arg7 : memref<128xi32, #tpu.memory_space<vmem>>)
        tpu.yield
      }) : () -> ()
      %dma_start3A = arith.constant 0 : i32
      %dma_start3A_25 = arith.constant 0 : i32
      %dma_start3A_26 = tpu.memref_slice %arg2[%dma_start3A, %dma_start3A_25] : memref<10000x128xf32, #tpu.memory_space<hbm>> -> memref<10000x128xf32, #tpu.memory_space<hbm>>
      tpu.enqueue_indirect_dma source(%dma_start3A_26 : memref<10000x128xf32, #tpu.memory_space<hbm>>) target(%arg9 : memref<128x128xf32, #tpu.memory_space<vmem>>) offsets(%arg7 : memref<128xi32, #tpu.memory_space<vmem>>) semaphore(%arg11 : memref<!tpu.dma_semaphore, #tpu.memory_space<semaphore_mem>>)
      %dma_wait3A = arith.constant 0 : i32
      %dma_wait3A_27 = arith.constant 0 : i32
      %dma_wait3A_28 = tpu.memref_slice %arg2[%dma_wait3A, %dma_wait3A_27] : memref<10000x128xf32, #tpu.memory_space<hbm>> -> memref<10000x128xf32, #tpu.memory_space<hbm>>
      tpu.wait_indirect_dma semaphore(%arg11 : memref<!tpu.dma_semaphore, #tpu.memory_space<semaphore_mem>>) src(%dma_wait3A_28 : memref<10000x128xf32, #tpu.memory_space<hbm>>) dst(%arg9 : memref<128x128xf32, #tpu.memory_space<vmem>>)
      "tpu.region"() ({
        %run_scoped3A = tpu.sem_alloc : memref<!tpu.dma_semaphore, #tpu.memory_space<semaphore_mem>>
        %dma_start3A_29 = arith.constant 0 : i32
        %dma_start3A_30 = arith.constant 0 : i32
        %dma_start3A_31 = tpu.memref_slice %arg10[%dma_start3A_29, %dma_start3A_30] : memref<10240x128xf32, #tpu.memory_space<vmem_shared>> -> memref<10240x128xf32, #tpu.memory_space<vmem_shared>>
        tpu.enqueue_indirect_dma source(%arg9 : memref<128x128xf32, #tpu.memory_space<vmem>>) target(%dma_start3A_31 : memref<10240x128xf32, #tpu.memory_space<vmem_shared>>) offsets(%arg8 : memref<128xi32, #tpu.memory_space<vmem>>) semaphore(%run_scoped3A : memref<!tpu.dma_semaphore, #tpu.memory_space<semaphore_mem>>) {add = true}
        %dma_wait3A_32 = arith.constant 0 : i32
        %dma_wait3A_33 = arith.constant 0 : i32
        %dma_wait3A_34 = tpu.memref_slice %arg10[%dma_wait3A_32, %dma_wait3A_33] : memref<10240x128xf32, #tpu.memory_space<vmem_shared>> -> memref<10240x128xf32, #tpu.memory_space<vmem_shared>>
        tpu.wait_indirect_dma semaphore(%run_scoped3A : memref<!tpu.dma_semaphore, #tpu.memory_space<semaphore_mem>>) src(%arg9 : memref<128x128xf32, #tpu.memory_space<vmem>>) dst(%dma_wait3A_34 : memref<10240x128xf32, #tpu.memory_space<vmem_shared>>)
        tpu.yield
      }) : () -> ()
    }
    %scan3A_6 = arith.constant 79 : i32
    %barrier3A_7 = arith.constant 0 : index
    tpu.barrier barrier_id(%barrier3A_7)
    %lt3A = arith.constant 15 : i32
    %lt3A_8 = arith.cmpi slt, %arg1, %lt3A : i32
    %convert_element_type3A = arith.extui %lt3A_8 : i1 to i32
    %cond3A = arith.constant 0 : i32
    %cond3A_9 = arith.cmpi ne, %convert_element_type3A, %cond3A : i32
    scf.if %cond3A_9 {
      %mul3A_15 = arith.constant 624 : i32
      %mul3A_16 = arith.muli %arg1, %mul3A_15 : i32
      %add3A_17 = arith.constant 0 : i32
      %add3A_18 = arith.addi %add3A_17, %arg0 : i32
      %mul3A_19 = arith.constant 624 : i32
      %mul3A_20 = arith.muli %arg1, %mul3A_19 : i32
      "tpu.region"() ({
        %run_scoped3A = tpu.sem_alloc : memref<!tpu.dma_semaphore, #tpu.memory_space<semaphore_mem>>
        %dma_start3A = arith.constant 0 : i32
        %dma_start3A_21 = tpu.memref_slice %arg6[%add3A_18, %mul3A_20, %dma_start3A] : memref<2x10000x128xf32, #tpu.memory_space<hbm>> -> memref<1x624x128xf32, #tpu.memory_space<hbm>>
        %dma_start3A_22 = tpu.memref_squeeze %dma_start3A_21 : memref<1x624x128xf32, #tpu.memory_space<hbm>> -> memref<624x128xf32, #tpu.memory_space<hbm>>
        %dma_start3A_23 = arith.constant 0 : i32
        %dma_start3A_24 = tpu.memref_slice %arg10[%mul3A_16, %dma_start3A_23] : memref<10240x128xf32, #tpu.memory_space<vmem_shared>> -> memref<624x128xf32, #tpu.memory_space<vmem_shared>>
        tpu.enqueue_dma source(%dma_start3A_24 : memref<624x128xf32, #tpu.memory_space<vmem_shared>>) target(%dma_start3A_22 : memref<624x128xf32, #tpu.memory_space<hbm>>) target_semaphore(%run_scoped3A : memref<!tpu.dma_semaphore, #tpu.memory_space<semaphore_mem>>)
        %dma_wait3A = arith.constant 0 : i32
        %dma_wait3A_25 = tpu.memref_slice %arg6[%add3A_18, %mul3A_20, %dma_wait3A] : memref<2x10000x128xf32, #tpu.memory_space<hbm>> -> memref<1x624x128xf32, #tpu.memory_space<hbm>>
        %dma_wait3A_26 = tpu.memref_squeeze %dma_wait3A_25 : memref<1x624x128xf32, #tpu.memory_space<hbm>> -> memref<624x128xf32, #tpu.memory_space<hbm>>
        %dma_wait3A_27 = arith.constant 0 : i32
        %dma_wait3A_28 = tpu.memref_slice %arg10[%mul3A_16, %dma_wait3A_27] : memref<10240x128xf32, #tpu.memory_space<vmem_shared>> -> memref<624x128xf32, #tpu.memory_space<vmem_shared>>
        tpu.wait_dma2 semaphore(%run_scoped3A : memref<!tpu.dma_semaphore, #tpu.memory_space<semaphore_mem>>) src(%dma_wait3A_28 : memref<624x128xf32, #tpu.memory_space<vmem_shared>>) dst(%dma_wait3A_26 : memref<624x128xf32, #tpu.memory_space<hbm>>)
        tpu.yield
      }) : () -> ()
    } else {
    }
    %eq3A = arith.constant 15 : i32
    %eq3A_10 = arith.cmpi eq, %arg1, %eq3A : i32
    %convert_element_type3A_11 = arith.extui %eq3A_10 : i1 to i32
    %cond3A_12 = arith.constant 0 : i32
    %cond3A_13 = arith.cmpi ne, %convert_element_type3A_11, %cond3A_12 : i32
    scf.if %cond3A_13 {
      %add3A_15 = arith.constant 0 : i32
      %add3A_16 = arith.addi %add3A_15, %arg0 : i32
      "tpu.region"() ({
        %run_scoped3A = tpu.sem_alloc : memref<!tpu.dma_semaphore, #tpu.memory_space<semaphore_mem>>
        %dma_start3A = arith.constant 9360 : i32
        %dma_start3A_17 = arith.constant 0 : i32
        %dma_start3A_18 = tpu.memref_slice %arg6[%add3A_16, %dma_start3A, %dma_start3A_17] : memref<2x10000x128xf32, #tpu.memory_space<hbm>> -> memref<1x640x128xf32, #tpu.memory_space<hbm>>
        %dma_start3A_19 = tpu.memref_squeeze %dma_start3A_18 : memref<1x640x128xf32, #tpu.memory_space<hbm>> -> memref<640x128xf32, #tpu.memory_space<hbm>>
        %dma_start3A_20 = arith.constant 9360 : i32
        %dma_start3A_21 = arith.constant 0 : i32
        %dma_start3A_22 = tpu.memref_slice %arg10[%dma_start3A_20, %dma_start3A_21] : memref<10240x128xf32, #tpu.memory_space<vmem_shared>> -> memref<640x128xf32, #tpu.memory_space<vmem_shared>>
        tpu.enqueue_dma source(%dma_start3A_22 : memref<640x128xf32, #tpu.memory_space<vmem_shared>>) target(%dma_start3A_19 : memref<640x128xf32, #tpu.memory_space<hbm>>) target_semaphore(%run_scoped3A : memref<!tpu.dma_semaphore, #tpu.memory_space<semaphore_mem>>)
        %dma_wait3A = arith.constant 9360 : i32
        %dma_wait3A_23 = arith.constant 0 : i32
        %dma_wait3A_24 = tpu.memref_slice %arg6[%add3A_16, %dma_wait3A, %dma_wait3A_23] : memref<2x10000x128xf32, #tpu.memory_space<hbm>> -> memref<1x640x128xf32, #tpu.memory_space<hbm>>
        %dma_wait3A_25 = tpu.memref_squeeze %dma_wait3A_24 : memref<1x640x128xf32, #tpu.memory_space<hbm>> -> memref<640x128xf32, #tpu.memory_space<hbm>>
        %dma_wait3A_26 = arith.constant 9360 : i32
        %dma_wait3A_27 = arith.constant 0 : i32
        %dma_wait3A_28 = tpu.memref_slice %arg10[%dma_wait3A_26, %dma_wait3A_27] : memref<10240x128xf32, #tpu.memory_space<vmem_shared>> -> memref<640x128xf32, #tpu.memory_space<vmem_shared>>
        tpu.wait_dma2 semaphore(%run_scoped3A : memref<!tpu.dma_semaphore, #tpu.memory_space<semaphore_mem>>) src(%dma_wait3A_28 : memref<640x128xf32, #tpu.memory_space<vmem_shared>>) dst(%dma_wait3A_25 : memref<640x128xf32, #tpu.memory_space<hbm>>)
        tpu.yield
      }) : () -> ()
    } else {
    }
    %barrier3A_14 = arith.constant 0 : index
    tpu.barrier barrier_id(%barrier3A_14)
    return
  }
}

#map = affine_map<(d0, d1) -> (0, 0)>
#map1 = affine_map<(d0, d1) -> (0)>
#map2 = affine_map<(d0, d1) -> (0, 0, 0)>
module attributes {stable_mosaic.version = 14 : i64} {
  func.func @body(%arg0: i32, %arg1: i32, %arg2: memref<10000x128xf32, #tpu.memory_space<hbm>>, %arg3: memref<323584xi32, #tpu.memory_space<hbm>>, %arg4: memref<323584xi32, #tpu.memory_space<hbm>>, %arg5: memref<640x128xf32, #tpu.memory_space<hbm>>, %arg6: memref<2x10000x128xf32, #tpu.memory_space<hbm>>, %arg7: memref<128xi32, #tpu.memory_space<vmem>>, %arg8: memref<128xi32, #tpu.memory_space<vmem>>, %arg9: memref<128x128xf32, #tpu.memory_space<vmem>>, %arg10: memref<10240x128xf32, #tpu.memory_space<vmem_shared>>, %arg11: memref<!tpu.dma_semaphore, #tpu.memory_space<semaphore_mem>>) attributes {dimension_semantics = [#tpu.dimension_semantics<core_parallel>, #tpu.dimension_semantics<subcore_parallel>], iteration_bounds = array<i64: 2, 16>, scalar_prefetch = 0 : i64, scratch_operands = 5 : i64, tpu.core_type = #tpu.core_type<sc_vector_subcore>, window_params = [{transform_indices = #map}, {transform_indices = #map1}, {transform_indices = #map1}, {transform_indices = #map}, {transform_indices = #map2}]} {
    %mul3A = arith.constant 2 : i32
    %mul3A_0 = arith.muli %arg1, %mul3A : i32
    %add3A = arith.addi %mul3A_0, %arg0 : i32
    %mul3A_1 = arith.constant 640 : i32
    %mul3A_2 = arith.muli %arg1, %mul3A_1 : i32
    "tpu.region"() ({
      %run_scoped3A = tpu.sem_alloc : memref<!tpu.dma_semaphore, #tpu.memory_space<semaphore_mem>>
      %dma_start3A = arith.constant 0 : i32
      %dma_start3A_15 = tpu.memref_slice %arg10[%mul3A_2, %dma_start3A] : memref<10240x128xf32, #tpu.memory_space<vmem_shared>> -> memref<640x128xf32, #tpu.memory_space<vmem_shared>>
      tpu.enqueue_dma source(%arg5 : memref<640x128xf32, #tpu.memory_space<hbm>>) target(%dma_start3A_15 : memref<640x128xf32, #tpu.memory_space<vmem_shared>>) target_semaphore(%run_scoped3A : memref<!tpu.dma_semaphore, #tpu.memory_space<semaphore_mem>>)
      %dma_wait3A = arith.constant 0 : i32
      %dma_wait3A_16 = tpu.memref_slice %arg10[%mul3A_2, %dma_wait3A] : memref<10240x128xf32, #tpu.memory_space<vmem_shared>> -> memref<640x128xf32, #tpu.memory_space<vmem_shared>>
      tpu.wait_dma2 semaphore(%run_scoped3A : memref<!tpu.dma_semaphore, #tpu.memory_space<semaphore_mem>>) src(%arg5 : memref<640x128xf32, #tpu.memory_space<hbm>>) dst(%dma_wait3A_16 : memref<640x128xf32, #tpu.memory_space<vmem_shared>>)
      tpu.yield
    }) : () -> ()
    %barrier3A = arith.constant 0 : index
    tpu.barrier barrier_id(%barrier3A)
    %scan3A = arith.constant 0 : i32
    %scan3A_3 = arith.constant 79 : i32
    %scan3A_4 = arith.addi %scan3A, %scan3A_3 : i32
    %scan3A_5 = arith.constant 1 : i32
    scf.for %scan3A_15 = %scan3A to %scan3A_4 step %scan3A_5  : i32 {
      %mul3A_16 = arith.constant 1 : i32
      %mul3A_17 = arith.muli %scan3A_15, %mul3A_16 : i32
      %add3A_18 = arith.constant 0 : i32
      %add3A_19 = arith.addi %add3A_18, %mul3A_17 : i32
      %mul3A_20 = arith.constant 10112 : i32
      %mul3A_21 = arith.muli %add3A, %mul3A_20 : i32
      %mul3A_22 = arith.constant 128 : i32
      %mul3A_23 = arith.muli %add3A_19, %mul3A_22 : i32
      %add3A_24 = arith.addi %mul3A_21, %mul3A_23 : i32
      "tpu.region"() ({
        %run_scoped3A = tpu.sem_alloc : memref<!tpu.dma_semaphore, #tpu.memory_space<semaphore_mem>>
        %dma_start3A_29 = tpu.memref_slice %arg4[%add3A_24] : memref<323584xi32, #tpu.memory_space<hbm>> -> memref<128xi32, #tpu.memory_space<hbm>>
        %dma_start3A_30 = tpu.memref_slice %arg4[%add3A_24] : memref<323584xi32, #tpu.memory_space<hbm>> -> memref<128xi32, #tpu.memory_space<hbm>>
        tpu.enqueue_dma source(%dma_start3A_30 : memref<128xi32, #tpu.memory_space<hbm>>) target(%arg8 : memref<128xi32, #tpu.memory_space<vmem>>) target_semaphore(%run_scoped3A : memref<!tpu.dma_semaphore, #tpu.memory_space<semaphore_mem>>)
        %dma_wait3A_31 = tpu.memref_slice %arg4[%add3A_24] : memref<323584xi32, #tpu.memory_space<hbm>> -> memref<128xi32, #tpu.memory_space<hbm>>
        %dma_wait3A_32 = tpu.memref_slice %arg4[%add3A_24] : memref<323584xi32, #tpu.memory_space<hbm>> -> memref<128xi32, #tpu.memory_space<hbm>>
        tpu.wait_dma2 semaphore(%run_scoped3A : memref<!tpu.dma_semaphore, #tpu.memory_space<semaphore_mem>>) src(%dma_wait3A_32 : memref<128xi32, #tpu.memory_space<hbm>>) dst(%arg8 : memref<128xi32, #tpu.memory_space<vmem>>)
        tpu.yield
      }) : () -> ()
      "tpu.region"() ({
        %run_scoped3A = tpu.sem_alloc : memref<!tpu.dma_semaphore, #tpu.memory_space<semaphore_mem>>
        %dma_start3A_29 = tpu.memref_slice %arg3[%add3A_24] : memref<323584xi32, #tpu.memory_space<hbm>> -> memref<128xi32, #tpu.memory_space<hbm>>
        %dma_start3A_30 = tpu.memref_slice %arg3[%add3A_24] : memref<323584xi32, #tpu.memory_space<hbm>> -> memref<128xi32, #tpu.memory_space<hbm>>
        tpu.enqueue_dma source(%dma_start3A_30 : memref<128xi32, #tpu.memory_space<hbm>>) target(%arg7 : memref<128xi32, #tpu.memory_space<vmem>>) target_semaphore(%run_scoped3A : memref<!tpu.dma_semaphore, #tpu.memory_space<semaphore_mem>>)
        %dma_wait3A_31 = tpu.memref_slice %arg3[%add3A_24] : memref<323584xi32, #tpu.memory_space<hbm>> -> memref<128xi32, #tpu.memory_space<hbm>>
        %dma_wait3A_32 = tpu.memref_slice %arg3[%add3A_24] : memref<323584xi32, #tpu.memory_space<hbm>> -> memref<128xi32, #tpu.memory_space<hbm>>
        tpu.wait_dma2 semaphore(%run_scoped3A : memref<!tpu.dma_semaphore, #tpu.memory_space<semaphore_mem>>) src(%dma_wait3A_32 : memref<128xi32, #tpu.memory_space<hbm>>) dst(%arg7 : memref<128xi32, #tpu.memory_space<vmem>>)
        tpu.yield
      }) : () -> ()
      %dma_start3A = arith.constant 0 : i32
      %dma_start3A_25 = arith.constant 0 : i32
      %dma_start3A_26 = tpu.memref_slice %arg2[%dma_start3A, %dma_start3A_25] : memref<10000x128xf32, #tpu.memory_space<hbm>> -> memref<10000x128xf32, #tpu.memory_space<hbm>>
      tpu.enqueue_indirect_dma source(%dma_start3A_26 : memref<10000x128xf32, #tpu.memory_space<hbm>>) target(%arg9 : memref<128x128xf32, #tpu.memory_space<vmem>>) offsets(%arg7 : memref<128xi32, #tpu.memory_space<vmem>>) semaphore(%arg11 : memref<!tpu.dma_semaphore, #tpu.memory_space<semaphore_mem>>)
      %dma_wait3A = arith.constant 0 : i32
      %dma_wait3A_27 = arith.constant 0 : i32
      %dma_wait3A_28 = tpu.memref_slice %arg2[%dma_wait3A, %dma_wait3A_27] : memref<10000x128xf32, #tpu.memory_space<hbm>> -> memref<10000x128xf32, #tpu.memory_space<hbm>>
      tpu.wait_indirect_dma semaphore(%arg11 : memref<!tpu.dma_semaphore, #tpu.memory_space<semaphore_mem>>) src(%dma_wait3A_28 : memref<10000x128xf32, #tpu.memory_space<hbm>>) dst(%arg9 : memref<128x128xf32, #tpu.memory_space<vmem>>)
      "tpu.region"() ({
        %run_scoped3A = tpu.sem_alloc : memref<!tpu.dma_semaphore, #tpu.memory_space<semaphore_mem>>
        %dma_start3A_29 = arith.constant 0 : i32
        %dma_start3A_30 = arith.constant 0 : i32
        %dma_start3A_31 = tpu.memref_slice %arg10[%dma_start3A_29, %dma_start3A_30] : memref<10240x128xf32, #tpu.memory_space<vmem_shared>> -> memref<10240x128xf32, #tpu.memory_space<vmem_shared>>
        tpu.enqueue_indirect_dma source(%arg9 : memref<128x128xf32, #tpu.memory_space<vmem>>) target(%dma_start3A_31 : memref<10240x128xf32, #tpu.memory_space<vmem_shared>>) offsets(%arg8 : memref<128xi32, #tpu.memory_space<vmem>>) semaphore(%run_scoped3A : memref<!tpu.dma_semaphore, #tpu.memory_space<semaphore_mem>>) {add = true}
        %dma_wait3A_32 = arith.constant 0 : i32
        %dma_wait3A_33 = arith.constant 0 : i32
        %dma_wait3A_34 = tpu.memref_slice %arg10[%dma_wait3A_32, %dma_wait3A_33] : memref<10240x128xf32, #tpu.memory_space<vmem_shared>> -> memref<10240x128xf32, #tpu.memory_space<vmem_shared>>
        tpu.wait_indirect_dma semaphore(%run_scoped3A : memref<!tpu.dma_semaphore, #tpu.memory_space<semaphore_mem>>) src(%arg9 : memref<128x128xf32, #tpu.memory_space<vmem>>) dst(%dma_wait3A_34 : memref<10240x128xf32, #tpu.memory_space<vmem_shared>>)
        tpu.yield
      }) : () -> ()
    }
    %scan3A_6 = arith.constant 79 : i32
    %barrier3A_7 = arith.constant 0 : index
    tpu.barrier barrier_id(%barrier3A_7)
    %lt3A = arith.constant 15 : i32
    %lt3A_8 = arith.cmpi slt, %arg1, %lt3A : i32
    %convert_element_type3A = arith.extui %lt3A_8 : i1 to i32
    %cond3A = arith.constant 0 : i32
    %cond3A_9 = arith.cmpi ne, %convert_element_type3A, %cond3A : i32
    scf.if %cond3A_9 {
      %mul3A_15 = arith.constant 624 : i32
      %mul3A_16 = arith.muli %arg1, %mul3A_15 : i32
      %add3A_17 = arith.constant 0 : i32
      %add3A_18 = arith.addi %add3A_17, %arg0 : i32
      %mul3A_19 = arith.constant 624 : i32
      %mul3A_20 = arith.muli %arg1, %mul3A_19 : i32
      "tpu.region"() ({
        %run_scoped3A = tpu.sem_alloc : memref<!tpu.dma_semaphore, #tpu.memory_space<semaphore_mem>>
        %dma_start3A = arith.constant 0 : i32
        %dma_start3A_21 = tpu.memref_slice %arg6[%add3A_18, %mul3A_20, %dma_start3A] : memref<2x10000x128xf32, #tpu.memory_space<hbm>> -> memref<1x624x128xf32, #tpu.memory_space<hbm>>
        %dma_start3A_22 = tpu.memref_squeeze %dma_start3A_21 : memref<1x624x128xf32, #tpu.memory_space<hbm>> -> memref<624x128xf32, #tpu.memory_space<hbm>>
        %dma_start3A_23 = arith.constant 0 : i32
        %dma_start3A_24 = tpu.memref_slice %arg10[%mul3A_16, %dma_start3A_23] : memref<10240x128xf32, #tpu.memory_space<vmem_shared>> -> memref<624x128xf32, #tpu.memory_space<vmem_shared>>
        tpu.enqueue_dma source(%dma_start3A_24 : memref<624x128xf32, #tpu.memory_space<vmem_shared>>) target(%dma_start3A_22 : memref<624x128xf32, #tpu.memory_space<hbm>>) target_semaphore(%run_scoped3A : memref<!tpu.dma_semaphore, #tpu.memory_space<semaphore_mem>>)
        %dma_wait3A = arith.constant 0 : i32
        %dma_wait3A_25 = tpu.memref_slice %arg6[%add3A_18, %mul3A_20, %dma_wait3A] : memref<2x10000x128xf32, #tpu.memory_space<hbm>> -> memref<1x624x128xf32, #tpu.memory_space<hbm>>
        %dma_wait3A_26 = tpu.memref_squeeze %dma_wait3A_25 : memref<1x624x128xf32, #tpu.memory_space<hbm>> -> memref<624x128xf32, #tpu.memory_space<hbm>>
        %dma_wait3A_27 = arith.constant 0 : i32
        %dma_wait3A_28 = tpu.memref_slice %arg10[%mul3A_16, %dma_wait3A_27] : memref<10240x128xf32, #tpu.memory_space<vmem_shared>> -> memref<624x128xf32, #tpu.memory_space<vmem_shared>>
        tpu.wait_dma2 semaphore(%run_scoped3A : memref<!tpu.dma_semaphore, #tpu.memory_space<semaphore_mem>>) src(%dma_wait3A_28 : memref<624x128xf32, #tpu.memory_space<vmem_shared>>) dst(%dma_wait3A_26 : memref<624x128xf32, #tpu.memory_space<hbm>>)
        tpu.yield
      }) : () -> ()
    } else {
    }
    %eq3A = arith.constant 15 : i32
    %eq3A_10 = arith.cmpi eq, %arg1, %eq3A : i32
    %convert_element_type3A_11 = arith.extui %eq3A_10 : i1 to i32
    %cond3A_12 = arith.constant 0 : i32
    %cond3A_13 = arith.cmpi ne, %convert_element_type3A_11, %cond3A_12 : i32
    scf.if %cond3A_13 {
      %add3A_15 = arith.constant 0 : i32
      %add3A_16 = arith.addi %add3A_15, %arg0 : i32
      "tpu.region"() ({
        %run_scoped3A = tpu.sem_alloc : memref<!tpu.dma_semaphore, #tpu.memory_space<semaphore_mem>>
        %dma_start3A = arith.constant 9360 : i32
        %dma_start3A_17 = arith.constant 0 : i32
        %dma_start3A_18 = tpu.memref_slice %arg6[%add3A_16, %dma_start3A, %dma_start3A_17] : memref<2x10000x128xf32, #tpu.memory_space<hbm>> -> memref<1x640x128xf32, #tpu.memory_space<hbm>>
        %dma_start3A_19 = tpu.memref_squeeze %dma_start3A_18 : memref<1x640x128xf32, #tpu.memory_space<hbm>> -> memref<640x128xf32, #tpu.memory_space<hbm>>
        %dma_start3A_20 = arith.constant 9360 : i32
        %dma_start3A_21 = arith.constant 0 : i32
        %dma_start3A_22 = tpu.memref_slice %arg10[%dma_start3A_20, %dma_start3A_21] : memref<10240x128xf32, #tpu.memory_space<vmem_shared>> -> memref<640x128xf32, #tpu.memory_space<vmem_shared>>
        tpu.enqueue_dma source(%dma_start3A_22 : memref<640x128xf32, #tpu.memory_space<vmem_shared>>) target(%dma_start3A_19 : memref<640x128xf32, #tpu.memory_space<hbm>>) target_semaphore(%run_scoped3A : memref<!tpu.dma_semaphore, #tpu.memory_space<semaphore_mem>>)
        %dma_wait3A = arith.constant 9360 : i32
        %dma_wait3A_23 = arith.constant 0 : i32
        %dma_wait3A_24 = tpu.memref_slice %arg6[%add3A_16, %dma_wait3A, %dma_wait3A_23] : memref<2x10000x128xf32, #tpu.memory_space<hbm>> -> memref<1x640x128xf32, #tpu.memory_space<hbm>>
        %dma_wait3A_25 = tpu.memref_squeeze %dma_wait3A_24 : memref<1x640x128xf32, #tpu.memory_space<hbm>> -> memref<640x128xf32, #tpu.memory_space<hbm>>
        %dma_wait3A_26 = arith.constant 9360 : i32
        %dma_wait3A_27 = arith.constant 0 : i32
        %dma_wait3A_28 = tpu.memref_slice %arg10[%dma_wait3A_26, %dma_wait3A_27] : memref<10240x128xf32, #tpu.memory_space<vmem_shared>> -> memref<640x128xf32, #tpu.memory_space<vmem_shared>>
        tpu.wait_dma2 semaphore(%run_scoped3A : memref<!tpu.dma_semaphore, #tpu.memory_space<semaphore_mem>>) src(%dma_wait3A_28 : memref<640x128xf32, #tpu.memory_space<vmem_shared>>) dst(%dma_wait3A_25 : memref<640x128xf32, #tpu.memory_space<hbm>>)
        tpu.yield
      }) : () -> ()
    } else {
    }
    %barrier3A_14 = arith.constant 0 : index
    tpu.barrier barrier_id(%barrier3A_14)
    return
  }
}

#map = affine_map<(d0, d1) -> (0, 0)>
#map1 = affine_map<(d0, d1) -> (0)>
#map2 = affine_map<(d0, d1) -> (0, 0, 0)>
module attributes {stable_mosaic.version = 14 : i64} {
  func.func @body(%arg0: i32, %arg1: i32, %arg2: memref<10000x128xf32, #tpu.memory_space<hbm>>, %arg3: memref<10000x128xf32, #tpu.memory_space<hbm>>, %arg4: memref<10000x128xf32, #tpu.memory_space<hbm>>, %arg5: memref<323584xi32, #tpu.memory_space<hbm>>, %arg6: memref<323584xi32, #tpu.memory_space<hbm>>, %arg7: memref<640x128xf32, #tpu.memory_space<hbm>>, %arg8: memref<6x10000x128xf32, #tpu.memory_space<hbm>>, %arg9: memref<128xi32, #tpu.memory_space<vmem>>, %arg10: memref<128xi32, #tpu.memory_space<vmem>>, %arg11: memref<128x128xf32, #tpu.memory_space<vmem>>, %arg12: memref<10240x128xf32, #tpu.memory_space<vmem_shared>>, %arg13: memref<!tpu.dma_semaphore, #tpu.memory_space<semaphore_mem>>) attributes {dimension_semantics = [#tpu.dimension_semantics<core_parallel>, #tpu.dimension_semantics<subcore_parallel>], iteration_bounds = array<i64: 2, 16>, scalar_prefetch = 0 : i64, scratch_operands = 5 : i64, tpu.core_type = #tpu.core_type<sc_vector_subcore>, window_params = [{transform_indices = #map}, {transform_indices = #map}, {transform_indices = #map}, {transform_indices = #map1}, {transform_indices = #map1}, {transform_indices = #map}, {transform_indices = #map2}]} {
    %mul3A = arith.constant 2 : i32
    %mul3A_0 = arith.muli %arg1, %mul3A : i32
    %add3A = arith.addi %mul3A_0, %arg0 : i32
    %mul3A_1 = arith.constant 640 : i32
    %mul3A_2 = arith.muli %arg1, %mul3A_1 : i32
    "tpu.region"() ({
      %run_scoped3A = tpu.sem_alloc : memref<!tpu.dma_semaphore, #tpu.memory_space<semaphore_mem>>
      %dma_start3A = arith.constant 0 : i32
      %dma_start3A_55 = tpu.memref_slice %arg12[%mul3A_2, %dma_start3A] : memref<10240x128xf32, #tpu.memory_space<vmem_shared>> -> memref<640x128xf32, #tpu.memory_space<vmem_shared>>
      tpu.enqueue_dma source(%arg7 : memref<640x128xf32, #tpu.memory_space<hbm>>) target(%dma_start3A_55 : memref<640x128xf32, #tpu.memory_space<vmem_shared>>) target_semaphore(%run_scoped3A : memref<!tpu.dma_semaphore, #tpu.memory_space<semaphore_mem>>)
      %dma_wait3A = arith.constant 0 : i32
      %dma_wait3A_56 = tpu.memref_slice %arg12[%mul3A_2, %dma_wait3A] : memref<10240x128xf32, #tpu.memory_space<vmem_shared>> -> memref<640x128xf32, #tpu.memory_space<vmem_shared>>
      tpu.wait_dma2 semaphore(%run_scoped3A : memref<!tpu.dma_semaphore, #tpu.memory_space<semaphore_mem>>) src(%arg7 : memref<640x128xf32, #tpu.memory_space<hbm>>) dst(%dma_wait3A_56 : memref<640x128xf32, #tpu.memory_space<vmem_shared>>)
      tpu.yield
    }) : () -> ()
    %barrier3A = arith.constant 0 : index
    tpu.barrier barrier_id(%barrier3A)
    %scan3A = arith.constant 0 : i32
    %scan3A_3 = arith.constant 79 : i32
    %scan3A_4 = arith.addi %scan3A, %scan3A_3 : i32
    %scan3A_5 = arith.constant 1 : i32
    scf.for %scan3A_55 = %scan3A to %scan3A_4 step %scan3A_5  : i32 {
      %mul3A_56 = arith.constant 1 : i32
      %mul3A_57 = arith.muli %scan3A_55, %mul3A_56 : i32
      %add3A_58 = arith.constant 0 : i32
      %add3A_59 = arith.addi %add3A_58, %mul3A_57 : i32
      %mul3A_60 = arith.constant 10112 : i32
      %mul3A_61 = arith.muli %add3A, %mul3A_60 : i32
      %mul3A_62 = arith.constant 128 : i32
      %mul3A_63 = arith.muli %add3A_59, %mul3A_62 : i32
      %add3A_64 = arith.addi %mul3A_61, %mul3A_63 : i32
      "tpu.region"() ({
        %run_scoped3A = tpu.sem_alloc : memref<!tpu.dma_semaphore, #tpu.memory_space<semaphore_mem>>
        %dma_start3A_69 = tpu.memref_slice %arg6[%add3A_64] : memref<323584xi32, #tpu.memory_space<hbm>> -> memref<128xi32, #tpu.memory_space<hbm>>
        %dma_start3A_70 = tpu.memref_slice %arg6[%add3A_64] : memref<323584xi32, #tpu.memory_space<hbm>> -> memref<128xi32, #tpu.memory_space<hbm>>
        tpu.enqueue_dma source(%dma_start3A_70 : memref<128xi32, #tpu.memory_space<hbm>>) target(%arg10 : memref<128xi32, #tpu.memory_space<vmem>>) target_semaphore(%run_scoped3A : memref<!tpu.dma_semaphore, #tpu.memory_space<semaphore_mem>>)
        %dma_wait3A_71 = tpu.memref_slice %arg6[%add3A_64] : memref<323584xi32, #tpu.memory_space<hbm>> -> memref<128xi32, #tpu.memory_space<hbm>>
        %dma_wait3A_72 = tpu.memref_slice %arg6[%add3A_64] : memref<323584xi32, #tpu.memory_space<hbm>> -> memref<128xi32, #tpu.memory_space<hbm>>
        tpu.wait_dma2 semaphore(%run_scoped3A : memref<!tpu.dma_semaphore, #tpu.memory_space<semaphore_mem>>) src(%dma_wait3A_72 : memref<128xi32, #tpu.memory_space<hbm>>) dst(%arg10 : memref<128xi32, #tpu.memory_space<vmem>>)
        tpu.yield
      }) : () -> ()
      "tpu.region"() ({
        %run_scoped3A = tpu.sem_alloc : memref<!tpu.dma_semaphore, #tpu.memory_space<semaphore_mem>>
        %dma_start3A_69 = tpu.memref_slice %arg5[%add3A_64] : memref<323584xi32, #tpu.memory_space<hbm>> -> memref<128xi32, #tpu.memory_space<hbm>>
        %dma_start3A_70 = tpu.memref_slice %arg5[%add3A_64] : memref<323584xi32, #tpu.memory_space<hbm>> -> memref<128xi32, #tpu.memory_space<hbm>>
        tpu.enqueue_dma source(%dma_start3A_70 : memref<128xi32, #tpu.memory_space<hbm>>) target(%arg9 : memref<128xi32, #tpu.memory_space<vmem>>) target_semaphore(%run_scoped3A : memref<!tpu.dma_semaphore, #tpu.memory_space<semaphore_mem>>)
        %dma_wait3A_71 = tpu.memref_slice %arg5[%add3A_64] : memref<323584xi32, #tpu.memory_space<hbm>> -> memref<128xi32, #tpu.memory_space<hbm>>
        %dma_wait3A_72 = tpu.memref_slice %arg5[%add3A_64] : memref<323584xi32, #tpu.memory_space<hbm>> -> memref<128xi32, #tpu.memory_space<hbm>>
        tpu.wait_dma2 semaphore(%run_scoped3A : memref<!tpu.dma_semaphore, #tpu.memory_space<semaphore_mem>>) src(%dma_wait3A_72 : memref<128xi32, #tpu.memory_space<hbm>>) dst(%arg9 : memref<128xi32, #tpu.memory_space<vmem>>)
        tpu.yield
      }) : () -> ()
      %dma_start3A = arith.constant 0 : i32
      %dma_start3A_65 = arith.constant 0 : i32
      %dma_start3A_66 = tpu.memref_slice %arg2[%dma_start3A, %dma_start3A_65] : memref<10000x128xf32, #tpu.memory_space<hbm>> -> memref<10000x128xf32, #tpu.memory_space<hbm>>
      tpu.enqueue_indirect_dma source(%dma_start3A_66 : memref<10000x128xf32, #tpu.memory_space<hbm>>) target(%arg11 : memref<128x128xf32, #tpu.memory_space<vmem>>) offsets(%arg9 : memref<128xi32, #tpu.memory_space<vmem>>) semaphore(%arg13 : memref<!tpu.dma_semaphore, #tpu.memory_space<semaphore_mem>>)
      %dma_wait3A = arith.constant 0 : i32
      %dma_wait3A_67 = arith.constant 0 : i32
      %dma_wait3A_68 = tpu.memref_slice %arg2[%dma_wait3A, %dma_wait3A_67] : memref<10000x128xf32, #tpu.memory_space<hbm>> -> memref<10000x128xf32, #tpu.memory_space<hbm>>
      tpu.wait_indirect_dma semaphore(%arg13 : memref<!tpu.dma_semaphore, #tpu.memory_space<semaphore_mem>>) src(%dma_wait3A_68 : memref<10000x128xf32, #tpu.memory_space<hbm>>) dst(%arg11 : memref<128x128xf32, #tpu.memory_space<vmem>>)
      "tpu.region"() ({
        %run_scoped3A = tpu.sem_alloc : memref<!tpu.dma_semaphore, #tpu.memory_space<semaphore_mem>>
        %dma_start3A_69 = arith.constant 0 : i32
        %dma_start3A_70 = arith.constant 0 : i32
        %dma_start3A_71 = tpu.memref_slice %arg12[%dma_start3A_69, %dma_start3A_70] : memref<10240x128xf32, #tpu.memory_space<vmem_shared>> -> memref<10240x128xf32, #tpu.memory_space<vmem_shared>>
        tpu.enqueue_indirect_dma source(%arg11 : memref<128x128xf32, #tpu.memory_space<vmem>>) target(%dma_start3A_71 : memref<10240x128xf32, #tpu.memory_space<vmem_shared>>) offsets(%arg10 : memref<128xi32, #tpu.memory_space<vmem>>) semaphore(%run_scoped3A : memref<!tpu.dma_semaphore, #tpu.memory_space<semaphore_mem>>) {add = true}
        %dma_wait3A_72 = arith.constant 0 : i32
        %dma_wait3A_73 = arith.constant 0 : i32
        %dma_wait3A_74 = tpu.memref_slice %arg12[%dma_wait3A_72, %dma_wait3A_73] : memref<10240x128xf32, #tpu.memory_space<vmem_shared>> -> memref<10240x128xf32, #tpu.memory_space<vmem_shared>>
        tpu.wait_indirect_dma semaphore(%run_scoped3A : memref<!tpu.dma_semaphore, #tpu.memory_space<semaphore_mem>>) src(%arg11 : memref<128x128xf32, #tpu.memory_space<vmem>>) dst(%dma_wait3A_74 : memref<10240x128xf32, #tpu.memory_space<vmem_shared>>)
        tpu.yield
      }) : () -> ()
    }
    %scan3A_6 = arith.constant 79 : i32
    %barrier3A_7 = arith.constant 0 : index
    tpu.barrier barrier_id(%barrier3A_7)
    %lt3A = arith.constant 15 : i32
    %lt3A_8 = arith.cmpi slt, %arg1, %lt3A : i32
    %convert_element_type3A = arith.extui %lt3A_8 : i1 to i32
    %cond3A = arith.constant 0 : i32
    %cond3A_9 = arith.cmpi ne, %convert_element_type3A, %cond3A : i32
    scf.if %cond3A_9 {
      %mul3A_55 = arith.constant 624 : i32
      %mul3A_56 = arith.muli %arg1, %mul3A_55 : i32
      %add3A_57 = arith.constant 0 : i32
      %add3A_58 = arith.addi %add3A_57, %arg0 : i32
      %mul3A_59 = arith.constant 624 : i32
      %mul3A_60 = arith.muli %arg1, %mul3A_59 : i32
      "tpu.region"() ({
        %run_scoped3A = tpu.sem_alloc : memref<!tpu.dma_semaphore, #tpu.memory_space<semaphore_mem>>
        %dma_start3A = arith.constant 0 : i32
        %dma_start3A_61 = tpu.memref_slice %arg8[%add3A_58, %mul3A_60, %dma_start3A] : memref<6x10000x128xf32, #tpu.memory_space<hbm>> -> memref<1x624x128xf32, #tpu.memory_space<hbm>>
        %dma_start3A_62 = tpu.memref_squeeze %dma_start3A_61 : memref<1x624x128xf32, #tpu.memory_space<hbm>> -> memref<624x128xf32, #tpu.memory_space<hbm>>
        %dma_start3A_63 = arith.constant 0 : i32
        %dma_start3A_64 = tpu.memref_slice %arg12[%mul3A_56, %dma_start3A_63] : memref<10240x128xf32, #tpu.memory_space<vmem_shared>> -> memref<624x128xf32, #tpu.memory_space<vmem_shared>>
        tpu.enqueue_dma source(%dma_start3A_64 : memref<624x128xf32, #tpu.memory_space<vmem_shared>>) target(%dma_start3A_62 : memref<624x128xf32, #tpu.memory_space<hbm>>) target_semaphore(%run_scoped3A : memref<!tpu.dma_semaphore, #tpu.memory_space<semaphore_mem>>)
        %dma_wait3A = arith.constant 0 : i32
        %dma_wait3A_65 = tpu.memref_slice %arg8[%add3A_58, %mul3A_60, %dma_wait3A] : memref<6x10000x128xf32, #tpu.memory_space<hbm>> -> memref<1x624x128xf32, #tpu.memory_space<hbm>>
        %dma_wait3A_66 = tpu.memref_squeeze %dma_wait3A_65 : memref<1x624x128xf32, #tpu.memory_space<hbm>> -> memref<624x128xf32, #tpu.memory_space<hbm>>
        %dma_wait3A_67 = arith.constant 0 : i32
        %dma_wait3A_68 = tpu.memref_slice %arg12[%mul3A_56, %dma_wait3A_67] : memref<10240x128xf32, #tpu.memory_space<vmem_shared>> -> memref<624x128xf32, #tpu.memory_space<vmem_shared>>
        tpu.wait_dma2 semaphore(%run_scoped3A : memref<!tpu.dma_semaphore, #tpu.memory_space<semaphore_mem>>) src(%dma_wait3A_68 : memref<624x128xf32, #tpu.memory_space<vmem_shared>>) dst(%dma_wait3A_66 : memref<624x128xf32, #tpu.memory_space<hbm>>)
        tpu.yield
      }) : () -> ()
    } else {
    }
    %eq3A = arith.constant 15 : i32
    %eq3A_10 = arith.cmpi eq, %arg1, %eq3A : i32
    %convert_element_type3A_11 = arith.extui %eq3A_10 : i1 to i32
    %cond3A_12 = arith.constant 0 : i32
    %cond3A_13 = arith.cmpi ne, %convert_element_type3A_11, %cond3A_12 : i32
    scf.if %cond3A_13 {
      %add3A_55 = arith.constant 0 : i32
      %add3A_56 = arith.addi %add3A_55, %arg0 : i32
      "tpu.region"() ({
        %run_scoped3A = tpu.sem_alloc : memref<!tpu.dma_semaphore, #tpu.memory_space<semaphore_mem>>
        %dma_start3A = arith.constant 9360 : i32
        %dma_start3A_57 = arith.constant 0 : i32
        %dma_start3A_58 = tpu.memref_slice %arg8[%add3A_56, %dma_start3A, %dma_start3A_57] : memref<6x10000x128xf32, #tpu.memory_space<hbm>> -> memref<1x640x128xf32, #tpu.memory_space<hbm>>
        %dma_start3A_59 = tpu.memref_squeeze %dma_start3A_58 : memref<1x640x128xf32, #tpu.memory_space<hbm>> -> memref<640x128xf32, #tpu.memory_space<hbm>>
        %dma_start3A_60 = arith.constant 9360 : i32
        %dma_start3A_61 = arith.constant 0 : i32
        %dma_start3A_62 = tpu.memref_slice %arg12[%dma_start3A_60, %dma_start3A_61] : memref<10240x128xf32, #tpu.memory_space<vmem_shared>> -> memref<640x128xf32, #tpu.memory_space<vmem_shared>>
        tpu.enqueue_dma source(%dma_start3A_62 : memref<640x128xf32, #tpu.memory_space<vmem_shared>>) target(%dma_start3A_59 : memref<640x128xf32, #tpu.memory_space<hbm>>) target_semaphore(%run_scoped3A : memref<!tpu.dma_semaphore, #tpu.memory_space<semaphore_mem>>)
        %dma_wait3A = arith.constant 9360 : i32
        %dma_wait3A_63 = arith.constant 0 : i32
        %dma_wait3A_64 = tpu.memref_slice %arg8[%add3A_56, %dma_wait3A, %dma_wait3A_63] : memref<6x10000x128xf32, #tpu.memory_space<hbm>> -> memref<1x640x128xf32, #tpu.memory_space<hbm>>
        %dma_wait3A_65 = tpu.memref_squeeze %dma_wait3A_64 : memref<1x640x128xf32, #tpu.memory_space<hbm>> -> memref<640x128xf32, #tpu.memory_space<hbm>>
        %dma_wait3A_66 = arith.constant 9360 : i32
        %dma_wait3A_67 = arith.constant 0 : i32
        %dma_wait3A_68 = tpu.memref_slice %arg12[%dma_wait3A_66, %dma_wait3A_67] : memref<10240x128xf32, #tpu.memory_space<vmem_shared>> -> memref<640x128xf32, #tpu.memory_space<vmem_shared>>
        tpu.wait_dma2 semaphore(%run_scoped3A : memref<!tpu.dma_semaphore, #tpu.memory_space<semaphore_mem>>) src(%dma_wait3A_68 : memref<640x128xf32, #tpu.memory_space<vmem_shared>>) dst(%dma_wait3A_65 : memref<640x128xf32, #tpu.memory_space<hbm>>)
        tpu.yield
      }) : () -> ()
    } else {
    }
    %barrier3A_14 = arith.constant 0 : index
    tpu.barrier barrier_id(%barrier3A_14)
    %mul3A_15 = arith.constant 640 : i32
    %mul3A_16 = arith.muli %arg1, %mul3A_15 : i32
    "tpu.region"() ({
      %run_scoped3A = tpu.sem_alloc : memref<!tpu.dma_semaphore, #tpu.memory_space<semaphore_mem>>
      %dma_start3A = arith.constant 0 : i32
      %dma_start3A_55 = tpu.memref_slice %arg12[%mul3A_16, %dma_start3A] : memref<10240x128xf32, #tpu.memory_space<vmem_shared>> -> memref<640x128xf32, #tpu.memory_space<vmem_shared>>
      tpu.enqueue_dma source(%arg7 : memref<640x128xf32, #tpu.memory_space<hbm>>) target(%dma_start3A_55 : memref<640x128xf32, #tpu.memory_space<vmem_shared>>) target_semaphore(%run_scoped3A : memref<!tpu.dma_semaphore, #tpu.memory_space<semaphore_mem>>)
      %dma_wait3A = arith.constant 0 : i32
      %dma_wait3A_56 = tpu.memref_slice %arg12[%mul3A_16, %dma_wait3A] : memref<10240x128xf32, #tpu.memory_space<vmem_shared>> -> memref<640x128xf32, #tpu.memory_space<vmem_shared>>
      tpu.wait_dma2 semaphore(%run_scoped3A : memref<!tpu.dma_semaphore, #tpu.memory_space<semaphore_mem>>) src(%arg7 : memref<640x128xf32, #tpu.memory_space<hbm>>) dst(%dma_wait3A_56 : memref<640x128xf32, #tpu.memory_space<vmem_shared>>)
      tpu.yield
    }) : () -> ()
    %barrier3A_17 = arith.constant 0 : index
    tpu.barrier barrier_id(%barrier3A_17)
    %scan3A_18 = arith.constant 0 : i32
    %scan3A_19 = arith.constant 79 : i32
    %scan3A_20 = arith.addi %scan3A_18, %scan3A_19 : i32
    %scan3A_21 = arith.constant 1 : i32
    scf.for %scan3A_55 = %scan3A_18 to %scan3A_20 step %scan3A_21  : i32 {
      %mul3A_56 = arith.constant 1 : i32
      %mul3A_57 = arith.muli %scan3A_55, %mul3A_56 : i32
      %add3A_58 = arith.constant 0 : i32
      %add3A_59 = arith.addi %add3A_58, %mul3A_57 : i32
      %mul3A_60 = arith.constant 10112 : i32
      %mul3A_61 = arith.muli %add3A, %mul3A_60 : i32
      %mul3A_62 = arith.constant 128 : i32
      %mul3A_63 = arith.muli %add3A_59, %mul3A_62 : i32
      %add3A_64 = arith.addi %mul3A_61, %mul3A_63 : i32
      "tpu.region"() ({
        %run_scoped3A = tpu.sem_alloc : memref<!tpu.dma_semaphore, #tpu.memory_space<semaphore_mem>>
        %dma_start3A_69 = tpu.memref_slice %arg6[%add3A_64] : memref<323584xi32, #tpu.memory_space<hbm>> -> memref<128xi32, #tpu.memory_space<hbm>>
        %dma_start3A_70 = tpu.memref_slice %arg6[%add3A_64] : memref<323584xi32, #tpu.memory_space<hbm>> -> memref<128xi32, #tpu.memory_space<hbm>>
        tpu.enqueue_dma source(%dma_start3A_70 : memref<128xi32, #tpu.memory_space<hbm>>) target(%arg10 : memref<128xi32, #tpu.memory_space<vmem>>) target_semaphore(%run_scoped3A : memref<!tpu.dma_semaphore, #tpu.memory_space<semaphore_mem>>)
        %dma_wait3A_71 = tpu.memref_slice %arg6[%add3A_64] : memref<323584xi32, #tpu.memory_space<hbm>> -> memref<128xi32, #tpu.memory_space<hbm>>
        %dma_wait3A_72 = tpu.memref_slice %arg6[%add3A_64] : memref<323584xi32, #tpu.memory_space<hbm>> -> memref<128xi32, #tpu.memory_space<hbm>>
        tpu.wait_dma2 semaphore(%run_scoped3A : memref<!tpu.dma_semaphore, #tpu.memory_space<semaphore_mem>>) src(%dma_wait3A_72 : memref<128xi32, #tpu.memory_space<hbm>>) dst(%arg10 : memref<128xi32, #tpu.memory_space<vmem>>)
        tpu.yield
      }) : () -> ()
      "tpu.region"() ({
        %run_scoped3A = tpu.sem_alloc : memref<!tpu.dma_semaphore, #tpu.memory_space<semaphore_mem>>
        %dma_start3A_69 = tpu.memref_slice %arg5[%add3A_64] : memref<323584xi32, #tpu.memory_space<hbm>> -> memref<128xi32, #tpu.memory_space<hbm>>
        %dma_start3A_70 = tpu.memref_slice %arg5[%add3A_64] : memref<323584xi32, #tpu.memory_space<hbm>> -> memref<128xi32, #tpu.memory_space<hbm>>
        tpu.enqueue_dma source(%dma_start3A_70 : memref<128xi32, #tpu.memory_space<hbm>>) target(%arg9 : memref<128xi32, #tpu.memory_space<vmem>>) target_semaphore(%run_scoped3A : memref<!tpu.dma_semaphore, #tpu.memory_space<semaphore_mem>>)
        %dma_wait3A_71 = tpu.memref_slice %arg5[%add3A_64] : memref<323584xi32, #tpu.memory_space<hbm>> -> memref<128xi32, #tpu.memory_space<hbm>>
        %dma_wait3A_72 = tpu.memref_slice %arg5[%add3A_64] : memref<323584xi32, #tpu.memory_space<hbm>> -> memref<128xi32, #tpu.memory_space<hbm>>
        tpu.wait_dma2 semaphore(%run_scoped3A : memref<!tpu.dma_semaphore, #tpu.memory_space<semaphore_mem>>) src(%dma_wait3A_72 : memref<128xi32, #tpu.memory_space<hbm>>) dst(%arg9 : memref<128xi32, #tpu.memory_space<vmem>>)
        tpu.yield
      }) : () -> ()
      %dma_start3A = arith.constant 0 : i32
      %dma_start3A_65 = arith.constant 0 : i32
      %dma_start3A_66 = tpu.memref_slice %arg3[%dma_start3A, %dma_start3A_65] : memref<10000x128xf32, #tpu.memory_space<hbm>> -> memref<10000x128xf32, #tpu.memory_space<hbm>>
      tpu.enqueue_indirect_dma source(%dma_start3A_66 : memref<10000x128xf32, #tpu.memory_space<hbm>>) target(%arg11 : memref<128x128xf32, #tpu.memory_space<vmem>>) offsets(%arg9 : memref<128xi32, #tpu.memory_space<vmem>>) semaphore(%arg13 : memref<!tpu.dma_semaphore, #tpu.memory_space<semaphore_mem>>)
      %dma_wait3A = arith.constant 0 : i32
      %dma_wait3A_67 = arith.constant 0 : i32
      %dma_wait3A_68 = tpu.memref_slice %arg3[%dma_wait3A, %dma_wait3A_67] : memref<10000x128xf32, #tpu.memory_space<hbm>> -> memref<10000x128xf32, #tpu.memory_space<hbm>>
      tpu.wait_indirect_dma semaphore(%arg13 : memref<!tpu.dma_semaphore, #tpu.memory_space<semaphore_mem>>) src(%dma_wait3A_68 : memref<10000x128xf32, #tpu.memory_space<hbm>>) dst(%arg11 : memref<128x128xf32, #tpu.memory_space<vmem>>)
      "tpu.region"() ({
        %run_scoped3A = tpu.sem_alloc : memref<!tpu.dma_semaphore, #tpu.memory_space<semaphore_mem>>
        %dma_start3A_69 = arith.constant 0 : i32
        %dma_start3A_70 = arith.constant 0 : i32
        %dma_start3A_71 = tpu.memref_slice %arg12[%dma_start3A_69, %dma_start3A_70] : memref<10240x128xf32, #tpu.memory_space<vmem_shared>> -> memref<10240x128xf32, #tpu.memory_space<vmem_shared>>
        tpu.enqueue_indirect_dma source(%arg11 : memref<128x128xf32, #tpu.memory_space<vmem>>) target(%dma_start3A_71 : memref<10240x128xf32, #tpu.memory_space<vmem_shared>>) offsets(%arg10 : memref<128xi32, #tpu.memory_space<vmem>>) semaphore(%run_scoped3A : memref<!tpu.dma_semaphore, #tpu.memory_space<semaphore_mem>>) {add = true}
        %dma_wait3A_72 = arith.constant 0 : i32
        %dma_wait3A_73 = arith.constant 0 : i32
        %dma_wait3A_74 = tpu.memref_slice %arg12[%dma_wait3A_72, %dma_wait3A_73] : memref<10240x128xf32, #tpu.memory_space<vmem_shared>> -> memref<10240x128xf32, #tpu.memory_space<vmem_shared>>
        tpu.wait_indirect_dma semaphore(%run_scoped3A : memref<!tpu.dma_semaphore, #tpu.memory_space<semaphore_mem>>) src(%arg11 : memref<128x128xf32, #tpu.memory_space<vmem>>) dst(%dma_wait3A_74 : memref<10240x128xf32, #tpu.memory_space<vmem_shared>>)
        tpu.yield
      }) : () -> ()
    }
    %scan3A_22 = arith.constant 79 : i32
    %barrier3A_23 = arith.constant 0 : index
    tpu.barrier barrier_id(%barrier3A_23)
    %lt3A_24 = arith.constant 15 : i32
    %lt3A_25 = arith.cmpi slt, %arg1, %lt3A_24 : i32
    %convert_element_type3A_26 = arith.extui %lt3A_25 : i1 to i32
    %cond3A_27 = arith.constant 0 : i32
    %cond3A_28 = arith.cmpi ne, %convert_element_type3A_26, %cond3A_27 : i32
    scf.if %cond3A_28 {
      %mul3A_55 = arith.constant 624 : i32
      %mul3A_56 = arith.muli %arg1, %mul3A_55 : i32
      %add3A_57 = arith.constant 2 : i32
      %add3A_58 = arith.addi %add3A_57, %arg0 : i32
      %mul3A_59 = arith.constant 624 : i32
      %mul3A_60 = arith.muli %arg1, %mul3A_59 : i32
      "tpu.region"() ({
        %run_scoped3A = tpu.sem_alloc : memref<!tpu.dma_semaphore, #tpu.memory_space<semaphore_mem>>
        %dma_start3A = arith.constant 0 : i32
        %dma_start3A_61 = tpu.memref_slice %arg8[%add3A_58, %mul3A_60, %dma_start3A] : memref<6x10000x128xf32, #tpu.memory_space<hbm>> -> memref<1x624x128xf32, #tpu.memory_space<hbm>>
        %dma_start3A_62 = tpu.memref_squeeze %dma_start3A_61 : memref<1x624x128xf32, #tpu.memory_space<hbm>> -> memref<624x128xf32, #tpu.memory_space<hbm>>
        %dma_start3A_63 = arith.constant 0 : i32
        %dma_start3A_64 = tpu.memref_slice %arg12[%mul3A_56, %dma_start3A_63] : memref<10240x128xf32, #tpu.memory_space<vmem_shared>> -> memref<624x128xf32, #tpu.memory_space<vmem_shared>>
        tpu.enqueue_dma source(%dma_start3A_64 : memref<624x128xf32, #tpu.memory_space<vmem_shared>>) target(%dma_start3A_62 : memref<624x128xf32, #tpu.memory_space<hbm>>) target_semaphore(%run_scoped3A : memref<!tpu.dma_semaphore, #tpu.memory_space<semaphore_mem>>)
        %dma_wait3A = arith.constant 0 : i32
        %dma_wait3A_65 = tpu.memref_slice %arg8[%add3A_58, %mul3A_60, %dma_wait3A] : memref<6x10000x128xf32, #tpu.memory_space<hbm>> -> memref<1x624x128xf32, #tpu.memory_space<hbm>>
        %dma_wait3A_66 = tpu.memref_squeeze %dma_wait3A_65 : memref<1x624x128xf32, #tpu.memory_space<hbm>> -> memref<624x128xf32, #tpu.memory_space<hbm>>
        %dma_wait3A_67 = arith.constant 0 : i32
        %dma_wait3A_68 = tpu.memref_slice %arg12[%mul3A_56, %dma_wait3A_67] : memref<10240x128xf32, #tpu.memory_space<vmem_shared>> -> memref<624x128xf32, #tpu.memory_space<vmem_shared>>
        tpu.wait_dma2 semaphore(%run_scoped3A : memref<!tpu.dma_semaphore, #tpu.memory_space<semaphore_mem>>) src(%dma_wait3A_68 : memref<624x128xf32, #tpu.memory_space<vmem_shared>>) dst(%dma_wait3A_66 : memref<624x128xf32, #tpu.memory_space<hbm>>)
        tpu.yield
      }) : () -> ()
    } else {
    }
    %eq3A_29 = arith.constant 15 : i32
    %eq3A_30 = arith.cmpi eq, %arg1, %eq3A_29 : i32
    %convert_element_type3A_31 = arith.extui %eq3A_30 : i1 to i32
    %cond3A_32 = arith.constant 0 : i32
    %cond3A_33 = arith.cmpi ne, %convert_element_type3A_31, %cond3A_32 : i32
    scf.if %cond3A_33 {
      %add3A_55 = arith.constant 2 : i32
      %add3A_56 = arith.addi %add3A_55, %arg0 : i32
      "tpu.region"() ({
        %run_scoped3A = tpu.sem_alloc : memref<!tpu.dma_semaphore, #tpu.memory_space<semaphore_mem>>
        %dma_start3A = arith.constant 9360 : i32
        %dma_start3A_57 = arith.constant 0 : i32
        %dma_start3A_58 = tpu.memref_slice %arg8[%add3A_56, %dma_start3A, %dma_start3A_57] : memref<6x10000x128xf32, #tpu.memory_space<hbm>> -> memref<1x640x128xf32, #tpu.memory_space<hbm>>
        %dma_start3A_59 = tpu.memref_squeeze %dma_start3A_58 : memref<1x640x128xf32, #tpu.memory_space<hbm>> -> memref<640x128xf32, #tpu.memory_space<hbm>>
        %dma_start3A_60 = arith.constant 9360 : i32
        %dma_start3A_61 = arith.constant 0 : i32
        %dma_start3A_62 = tpu.memref_slice %arg12[%dma_start3A_60, %dma_start3A_61] : memref<10240x128xf32, #tpu.memory_space<vmem_shared>> -> memref<640x128xf32, #tpu.memory_space<vmem_shared>>
        tpu.enqueue_dma source(%dma_start3A_62 : memref<640x128xf32, #tpu.memory_space<vmem_shared>>) target(%dma_start3A_59 : memref<640x128xf32, #tpu.memory_space<hbm>>) target_semaphore(%run_scoped3A : memref<!tpu.dma_semaphore, #tpu.memory_space<semaphore_mem>>)
        %dma_wait3A = arith.constant 9360 : i32
        %dma_wait3A_63 = arith.constant 0 : i32
        %dma_wait3A_64 = tpu.memref_slice %arg8[%add3A_56, %dma_wait3A, %dma_wait3A_63] : memref<6x10000x128xf32, #tpu.memory_space<hbm>> -> memref<1x640x128xf32, #tpu.memory_space<hbm>>
        %dma_wait3A_65 = tpu.memref_squeeze %dma_wait3A_64 : memref<1x640x128xf32, #tpu.memory_space<hbm>> -> memref<640x128xf32, #tpu.memory_space<hbm>>
        %dma_wait3A_66 = arith.constant 9360 : i32
        %dma_wait3A_67 = arith.constant 0 : i32
        %dma_wait3A_68 = tpu.memref_slice %arg12[%dma_wait3A_66, %dma_wait3A_67] : memref<10240x128xf32, #tpu.memory_space<vmem_shared>> -> memref<640x128xf32, #tpu.memory_space<vmem_shared>>
        tpu.wait_dma2 semaphore(%run_scoped3A : memref<!tpu.dma_semaphore, #tpu.memory_space<semaphore_mem>>) src(%dma_wait3A_68 : memref<640x128xf32, #tpu.memory_space<vmem_shared>>) dst(%dma_wait3A_65 : memref<640x128xf32, #tpu.memory_space<hbm>>)
        tpu.yield
      }) : () -> ()
    } else {
    }
    %barrier3A_34 = arith.constant 0 : index
    tpu.barrier barrier_id(%barrier3A_34)
    %mul3A_35 = arith.constant 640 : i32
    %mul3A_36 = arith.muli %arg1, %mul3A_35 : i32
    "tpu.region"() ({
      %run_scoped3A = tpu.sem_alloc : memref<!tpu.dma_semaphore, #tpu.memory_space<semaphore_mem>>
      %dma_start3A = arith.constant 0 : i32
      %dma_start3A_55 = tpu.memref_slice %arg12[%mul3A_36, %dma_start3A] : memref<10240x128xf32, #tpu.memory_space<vmem_shared>> -> memref<640x128xf32, #tpu.memory_space<vmem_shared>>
      tpu.enqueue_dma source(%arg7 : memref<640x128xf32, #tpu.memory_space<hbm>>) target(%dma_start3A_55 : memref<640x128xf32, #tpu.memory_space<vmem_shared>>) target_semaphore(%run_scoped3A : memref<!tpu.dma_semaphore, #tpu.memory_space<semaphore_mem>>)
      %dma_wait3A = arith.constant 0 : i32
      %dma_wait3A_56 = tpu.memref_slice %arg12[%mul3A_36, %dma_wait3A] : memref<10240x128xf32, #tpu.memory_space<vmem_shared>> -> memref<640x128xf32, #tpu.memory_space<vmem_shared>>
      tpu.wait_dma2 semaphore(%run_scoped3A : memref<!tpu.dma_semaphore, #tpu.memory_space<semaphore_mem>>) src(%arg7 : memref<640x128xf32, #tpu.memory_space<hbm>>) dst(%dma_wait3A_56 : memref<640x128xf32, #tpu.memory_space<vmem_shared>>)
      tpu.yield
    }) : () -> ()
    %barrier3A_37 = arith.constant 0 : index
    tpu.barrier barrier_id(%barrier3A_37)
    %scan3A_38 = arith.constant 0 : i32
    %scan3A_39 = arith.constant 79 : i32
    %scan3A_40 = arith.addi %scan3A_38, %scan3A_39 : i32
    %scan3A_41 = arith.constant 1 : i32
    scf.for %scan3A_55 = %scan3A_38 to %scan3A_40 step %scan3A_41  : i32 {
      %mul3A_56 = arith.constant 1 : i32
      %mul3A_57 = arith.muli %scan3A_55, %mul3A_56 : i32
      %add3A_58 = arith.constant 0 : i32
      %add3A_59 = arith.addi %add3A_58, %mul3A_57 : i32
      %mul3A_60 = arith.constant 10112 : i32
      %mul3A_61 = arith.muli %add3A, %mul3A_60 : i32
      %mul3A_62 = arith.constant 128 : i32
      %mul3A_63 = arith.muli %add3A_59, %mul3A_62 : i32
      %add3A_64 = arith.addi %mul3A_61, %mul3A_63 : i32
      "tpu.region"() ({
        %run_scoped3A = tpu.sem_alloc : memref<!tpu.dma_semaphore, #tpu.memory_space<semaphore_mem>>
        %dma_start3A_69 = tpu.memref_slice %arg6[%add3A_64] : memref<323584xi32, #tpu.memory_space<hbm>> -> memref<128xi32, #tpu.memory_space<hbm>>
        %dma_start3A_70 = tpu.memref_slice %arg6[%add3A_64] : memref<323584xi32, #tpu.memory_space<hbm>> -> memref<128xi32, #tpu.memory_space<hbm>>
        tpu.enqueue_dma source(%dma_start3A_70 : memref<128xi32, #tpu.memory_space<hbm>>) target(%arg10 : memref<128xi32, #tpu.memory_space<vmem>>) target_semaphore(%run_scoped3A : memref<!tpu.dma_semaphore, #tpu.memory_space<semaphore_mem>>)
        %dma_wait3A_71 = tpu.memref_slice %arg6[%add3A_64] : memref<323584xi32, #tpu.memory_space<hbm>> -> memref<128xi32, #tpu.memory_space<hbm>>
        %dma_wait3A_72 = tpu.memref_slice %arg6[%add3A_64] : memref<323584xi32, #tpu.memory_space<hbm>> -> memref<128xi32, #tpu.memory_space<hbm>>
        tpu.wait_dma2 semaphore(%run_scoped3A : memref<!tpu.dma_semaphore, #tpu.memory_space<semaphore_mem>>) src(%dma_wait3A_72 : memref<128xi32, #tpu.memory_space<hbm>>) dst(%arg10 : memref<128xi32, #tpu.memory_space<vmem>>)
        tpu.yield
      }) : () -> ()
      "tpu.region"() ({
        %run_scoped3A = tpu.sem_alloc : memref<!tpu.dma_semaphore, #tpu.memory_space<semaphore_mem>>
        %dma_start3A_69 = tpu.memref_slice %arg5[%add3A_64] : memref<323584xi32, #tpu.memory_space<hbm>> -> memref<128xi32, #tpu.memory_space<hbm>>
        %dma_start3A_70 = tpu.memref_slice %arg5[%add3A_64] : memref<323584xi32, #tpu.memory_space<hbm>> -> memref<128xi32, #tpu.memory_space<hbm>>
        tpu.enqueue_dma source(%dma_start3A_70 : memref<128xi32, #tpu.memory_space<hbm>>) target(%arg9 : memref<128xi32, #tpu.memory_space<vmem>>) target_semaphore(%run_scoped3A : memref<!tpu.dma_semaphore, #tpu.memory_space<semaphore_mem>>)
        %dma_wait3A_71 = tpu.memref_slice %arg5[%add3A_64] : memref<323584xi32, #tpu.memory_space<hbm>> -> memref<128xi32, #tpu.memory_space<hbm>>
        %dma_wait3A_72 = tpu.memref_slice %arg5[%add3A_64] : memref<323584xi32, #tpu.memory_space<hbm>> -> memref<128xi32, #tpu.memory_space<hbm>>
        tpu.wait_dma2 semaphore(%run_scoped3A : memref<!tpu.dma_semaphore, #tpu.memory_space<semaphore_mem>>) src(%dma_wait3A_72 : memref<128xi32, #tpu.memory_space<hbm>>) dst(%arg9 : memref<128xi32, #tpu.memory_space<vmem>>)
        tpu.yield
      }) : () -> ()
      %dma_start3A = arith.constant 0 : i32
      %dma_start3A_65 = arith.constant 0 : i32
      %dma_start3A_66 = tpu.memref_slice %arg4[%dma_start3A, %dma_start3A_65] : memref<10000x128xf32, #tpu.memory_space<hbm>> -> memref<10000x128xf32, #tpu.memory_space<hbm>>
      tpu.enqueue_indirect_dma source(%dma_start3A_66 : memref<10000x128xf32, #tpu.memory_space<hbm>>) target(%arg11 : memref<128x128xf32, #tpu.memory_space<vmem>>) offsets(%arg9 : memref<128xi32, #tpu.memory_space<vmem>>) semaphore(%arg13 : memref<!tpu.dma_semaphore, #tpu.memory_space<semaphore_mem>>)
      %dma_wait3A = arith.constant 0 : i32
      %dma_wait3A_67 = arith.constant 0 : i32
      %dma_wait3A_68 = tpu.memref_slice %arg4[%dma_wait3A, %dma_wait3A_67] : memref<10000x128xf32, #tpu.memory_space<hbm>> -> memref<10000x128xf32, #tpu.memory_space<hbm>>
      tpu.wait_indirect_dma semaphore(%arg13 : memref<!tpu.dma_semaphore, #tpu.memory_space<semaphore_mem>>) src(%dma_wait3A_68 : memref<10000x128xf32, #tpu.memory_space<hbm>>) dst(%arg11 : memref<128x128xf32, #tpu.memory_space<vmem>>)
      "tpu.region"() ({
        %run_scoped3A = tpu.sem_alloc : memref<!tpu.dma_semaphore, #tpu.memory_space<semaphore_mem>>
        %dma_start3A_69 = arith.constant 0 : i32
        %dma_start3A_70 = arith.constant 0 : i32
        %dma_start3A_71 = tpu.memref_slice %arg12[%dma_start3A_69, %dma_start3A_70] : memref<10240x128xf32, #tpu.memory_space<vmem_shared>> -> memref<10240x128xf32, #tpu.memory_space<vmem_shared>>
        tpu.enqueue_indirect_dma source(%arg11 : memref<128x128xf32, #tpu.memory_space<vmem>>) target(%dma_start3A_71 : memref<10240x128xf32, #tpu.memory_space<vmem_shared>>) offsets(%arg10 : memref<128xi32, #tpu.memory_space<vmem>>) semaphore(%run_scoped3A : memref<!tpu.dma_semaphore, #tpu.memory_space<semaphore_mem>>) {add = true}
        %dma_wait3A_72 = arith.constant 0 : i32
        %dma_wait3A_73 = arith.constant 0 : i32
        %dma_wait3A_74 = tpu.memref_slice %arg12[%dma_wait3A_72, %dma_wait3A_73] : memref<10240x128xf32, #tpu.memory_space<vmem_shared>> -> memref<10240x128xf32, #tpu.memory_space<vmem_shared>>
        tpu.wait_indirect_dma semaphore(%run_scoped3A : memref<!tpu.dma_semaphore, #tpu.memory_space<semaphore_mem>>) src(%arg11 : memref<128x128xf32, #tpu.memory_space<vmem>>) dst(%dma_wait3A_74 : memref<10240x128xf32, #tpu.memory_space<vmem_shared>>)
        tpu.yield
      }) : () -> ()
    }
    %scan3A_42 = arith.constant 79 : i32
    %barrier3A_43 = arith.constant 0 : index
    tpu.barrier barrier_id(%barrier3A_43)
    %lt3A_44 = arith.constant 15 : i32
    %lt3A_45 = arith.cmpi slt, %arg1, %lt3A_44 : i32
    %convert_element_type3A_46 = arith.extui %lt3A_45 : i1 to i32
    %cond3A_47 = arith.constant 0 : i32
    %cond3A_48 = arith.cmpi ne, %convert_element_type3A_46, %cond3A_47 : i32
    scf.if %cond3A_48 {
      %mul3A_55 = arith.constant 624 : i32
      %mul3A_56 = arith.muli %arg1, %mul3A_55 : i32
      %add3A_57 = arith.constant 4 : i32
      %add3A_58 = arith.addi %add3A_57, %arg0 : i32
      %mul3A_59 = arith.constant 624 : i32
      %mul3A_60 = arith.muli %arg1, %mul3A_59 : i32
      "tpu.region"() ({
        %run_scoped3A = tpu.sem_alloc : memref<!tpu.dma_semaphore, #tpu.memory_space<semaphore_mem>>
        %dma_start3A = arith.constant 0 : i32
        %dma_start3A_61 = tpu.memref_slice %arg8[%add3A_58, %mul3A_60, %dma_start3A] : memref<6x10000x128xf32, #tpu.memory_space<hbm>> -> memref<1x624x128xf32, #tpu.memory_space<hbm>>
        %dma_start3A_62 = tpu.memref_squeeze %dma_start3A_61 : memref<1x624x128xf32, #tpu.memory_space<hbm>> -> memref<624x128xf32, #tpu.memory_space<hbm>>
        %dma_start3A_63 = arith.constant 0 : i32
        %dma_start3A_64 = tpu.memref_slice %arg12[%mul3A_56, %dma_start3A_63] : memref<10240x128xf32, #tpu.memory_space<vmem_shared>> -> memref<624x128xf32, #tpu.memory_space<vmem_shared>>
        tpu.enqueue_dma source(%dma_start3A_64 : memref<624x128xf32, #tpu.memory_space<vmem_shared>>) target(%dma_start3A_62 : memref<624x128xf32, #tpu.memory_space<hbm>>) target_semaphore(%run_scoped3A : memref<!tpu.dma_semaphore, #tpu.memory_space<semaphore_mem>>)
        %dma_wait3A = arith.constant 0 : i32
        %dma_wait3A_65 = tpu.memref_slice %arg8[%add3A_58, %mul3A_60, %dma_wait3A] : memref<6x10000x128xf32, #tpu.memory_space<hbm>> -> memref<1x624x128xf32, #tpu.memory_space<hbm>>
        %dma_wait3A_66 = tpu.memref_squeeze %dma_wait3A_65 : memref<1x624x128xf32, #tpu.memory_space<hbm>> -> memref<624x128xf32, #tpu.memory_space<hbm>>
        %dma_wait3A_67 = arith.constant 0 : i32
        %dma_wait3A_68 = tpu.memref_slice %arg12[%mul3A_56, %dma_wait3A_67] : memref<10240x128xf32, #tpu.memory_space<vmem_shared>> -> memref<624x128xf32, #tpu.memory_space<vmem_shared>>
        tpu.wait_dma2 semaphore(%run_scoped3A : memref<!tpu.dma_semaphore, #tpu.memory_space<semaphore_mem>>) src(%dma_wait3A_68 : memref<624x128xf32, #tpu.memory_space<vmem_shared>>) dst(%dma_wait3A_66 : memref<624x128xf32, #tpu.memory_space<hbm>>)
        tpu.yield
      }) : () -> ()
    } else {
    }
    %eq3A_49 = arith.constant 15 : i32
    %eq3A_50 = arith.cmpi eq, %arg1, %eq3A_49 : i32
    %convert_element_type3A_51 = arith.extui %eq3A_50 : i1 to i32
    %cond3A_52 = arith.constant 0 : i32
    %cond3A_53 = arith.cmpi ne, %convert_element_type3A_51, %cond3A_52 : i32
    scf.if %cond3A_53 {
      %add3A_55 = arith.constant 4 : i32
      %add3A_56 = arith.addi %add3A_55, %arg0 : i32
      "tpu.region"() ({
        %run_scoped3A = tpu.sem_alloc : memref<!tpu.dma_semaphore, #tpu.memory_space<semaphore_mem>>
        %dma_start3A = arith.constant 9360 : i32
        %dma_start3A_57 = arith.constant 0 : i32
        %dma_start3A_58 = tpu.memref_slice %arg8[%add3A_56, %dma_start3A, %dma_start3A_57] : memref<6x10000x128xf32, #tpu.memory_space<hbm>> -> memref<1x640x128xf32, #tpu.memory_space<hbm>>
        %dma_start3A_59 = tpu.memref_squeeze %dma_start3A_58 : memref<1x640x128xf32, #tpu.memory_space<hbm>> -> memref<640x128xf32, #tpu.memory_space<hbm>>
        %dma_start3A_60 = arith.constant 9360 : i32
        %dma_start3A_61 = arith.constant 0 : i32
        %dma_start3A_62 = tpu.memref_slice %arg12[%dma_start3A_60, %dma_start3A_61] : memref<10240x128xf32, #tpu.memory_space<vmem_shared>> -> memref<640x128xf32, #tpu.memory_space<vmem_shared>>
        tpu.enqueue_dma source(%dma_start3A_62 : memref<640x128xf32, #tpu.memory_space<vmem_shared>>) target(%dma_start3A_59 : memref<640x128xf32, #tpu.memory_space<hbm>>) target_semaphore(%run_scoped3A : memref<!tpu.dma_semaphore, #tpu.memory_space<semaphore_mem>>)
        %dma_wait3A = arith.constant 9360 : i32
        %dma_wait3A_63 = arith.constant 0 : i32
        %dma_wait3A_64 = tpu.memref_slice %arg8[%add3A_56, %dma_wait3A, %dma_wait3A_63] : memref<6x10000x128xf32, #tpu.memory_space<hbm>> -> memref<1x640x128xf32, #tpu.memory_space<hbm>>
        %dma_wait3A_65 = tpu.memref_squeeze %dma_wait3A_64 : memref<1x640x128xf32, #tpu.memory_space<hbm>> -> memref<640x128xf32, #tpu.memory_space<hbm>>
        %dma_wait3A_66 = arith.constant 9360 : i32
        %dma_wait3A_67 = arith.constant 0 : i32
        %dma_wait3A_68 = tpu.memref_slice %arg12[%dma_wait3A_66, %dma_wait3A_67] : memref<10240x128xf32, #tpu.memory_space<vmem_shared>> -> memref<640x128xf32, #tpu.memory_space<vmem_shared>>
        tpu.wait_dma2 semaphore(%run_scoped3A : memref<!tpu.dma_semaphore, #tpu.memory_space<semaphore_mem>>) src(%dma_wait3A_68 : memref<640x128xf32, #tpu.memory_space<vmem_shared>>) dst(%dma_wait3A_65 : memref<640x128xf32, #tpu.memory_space<hbm>>)
        tpu.yield
      }) : () -> ()
    } else {
    }
    %barrier3A_54 = arith.constant 0 : index
    tpu.barrier barrier_id(%barrier3A_54)
    return
  }
}

#map = affine_map<(d0, d1) -> (0, 0)>
#map1 = affine_map<(d0, d1) -> (0)>
#map2 = affine_map<(d0, d1) -> (0, 0, 0)>
module attributes {stable_mosaic.version = 14 : i64} {
  func.func @body(%arg0: i32, %arg1: i32, %arg2: memref<10000x128xf32, #tpu.memory_space<hbm>>, %arg3: memref<323584xi32, #tpu.memory_space<hbm>>, %arg4: memref<323584xi32, #tpu.memory_space<hbm>>, %arg5: memref<640x128xf32, #tpu.memory_space<hbm>>, %arg6: memref<2x10000x128xf32, #tpu.memory_space<hbm>>, %arg7: memref<128xi32, #tpu.memory_space<vmem>>, %arg8: memref<128xi32, #tpu.memory_space<vmem>>, %arg9: memref<128x128xf32, #tpu.memory_space<vmem>>, %arg10: memref<10240x128xf32, #tpu.memory_space<vmem_shared>>, %arg11: memref<!tpu.dma_semaphore, #tpu.memory_space<semaphore_mem>>) attributes {dimension_semantics = [#tpu.dimension_semantics<core_parallel>, #tpu.dimension_semantics<subcore_parallel>], iteration_bounds = array<i64: 2, 16>, scalar_prefetch = 0 : i64, scratch_operands = 5 : i64, tpu.core_type = #tpu.core_type<sc_vector_subcore>, window_params = [{transform_indices = #map}, {transform_indices = #map1}, {transform_indices = #map1}, {transform_indices = #map}, {transform_indices = #map2}]} {
    %mul3A = arith.constant 2 : i32
    %mul3A_0 = arith.muli %arg1, %mul3A : i32
    %add3A = arith.addi %mul3A_0, %arg0 : i32
    %mul3A_1 = arith.constant 640 : i32
    %mul3A_2 = arith.muli %arg1, %mul3A_1 : i32
    "tpu.region"() ({
      %run_scoped3A = tpu.sem_alloc : memref<!tpu.dma_semaphore, #tpu.memory_space<semaphore_mem>>
      %dma_start3A = arith.constant 0 : i32
      %dma_start3A_15 = tpu.memref_slice %arg10[%mul3A_2, %dma_start3A] : memref<10240x128xf32, #tpu.memory_space<vmem_shared>> -> memref<640x128xf32, #tpu.memory_space<vmem_shared>>
      tpu.enqueue_dma source(%arg5 : memref<640x128xf32, #tpu.memory_space<hbm>>) target(%dma_start3A_15 : memref<640x128xf32, #tpu.memory_space<vmem_shared>>) target_semaphore(%run_scoped3A : memref<!tpu.dma_semaphore, #tpu.memory_space<semaphore_mem>>)
      %dma_wait3A = arith.constant 0 : i32
      %dma_wait3A_16 = tpu.memref_slice %arg10[%mul3A_2, %dma_wait3A] : memref<10240x128xf32, #tpu.memory_space<vmem_shared>> -> memref<640x128xf32, #tpu.memory_space<vmem_shared>>
      tpu.wait_dma2 semaphore(%run_scoped3A : memref<!tpu.dma_semaphore, #tpu.memory_space<semaphore_mem>>) src(%arg5 : memref<640x128xf32, #tpu.memory_space<hbm>>) dst(%dma_wait3A_16 : memref<640x128xf32, #tpu.memory_space<vmem_shared>>)
      tpu.yield
    }) : () -> ()
    %barrier3A = arith.constant 0 : index
    tpu.barrier barrier_id(%barrier3A)
    %scan3A = arith.constant 0 : i32
    %scan3A_3 = arith.constant 79 : i32
    %scan3A_4 = arith.addi %scan3A, %scan3A_3 : i32
    %scan3A_5 = arith.constant 1 : i32
    scf.for %scan3A_15 = %scan3A to %scan3A_4 step %scan3A_5  : i32 {
      %mul3A_16 = arith.constant 1 : i32
      %mul3A_17 = arith.muli %scan3A_15, %mul3A_16 : i32
      %add3A_18 = arith.constant 0 : i32
      %add3A_19 = arith.addi %add3A_18, %mul3A_17 : i32
      %mul3A_20 = arith.constant 10112 : i32
      %mul3A_21 = arith.muli %add3A, %mul3A_20 : i32
      %mul3A_22 = arith.constant 128 : i32
      %mul3A_23 = arith.muli %add3A_19, %mul3A_22 : i32
      %add3A_24 = arith.addi %mul3A_21, %mul3A_23 : i32
      "tpu.region"() ({
        %run_scoped3A = tpu.sem_alloc : memref<!tpu.dma_semaphore, #tpu.memory_space<semaphore_mem>>
        %dma_start3A_29 = tpu.memref_slice %arg4[%add3A_24] : memref<323584xi32, #tpu.memory_space<hbm>> -> memref<128xi32, #tpu.memory_space<hbm>>
        %dma_start3A_30 = tpu.memref_slice %arg4[%add3A_24] : memref<323584xi32, #tpu.memory_space<hbm>> -> memref<128xi32, #tpu.memory_space<hbm>>
        tpu.enqueue_dma source(%dma_start3A_30 : memref<128xi32, #tpu.memory_space<hbm>>) target(%arg8 : memref<128xi32, #tpu.memory_space<vmem>>) target_semaphore(%run_scoped3A : memref<!tpu.dma_semaphore, #tpu.memory_space<semaphore_mem>>)
        %dma_wait3A_31 = tpu.memref_slice %arg4[%add3A_24] : memref<323584xi32, #tpu.memory_space<hbm>> -> memref<128xi32, #tpu.memory_space<hbm>>
        %dma_wait3A_32 = tpu.memref_slice %arg4[%add3A_24] : memref<323584xi32, #tpu.memory_space<hbm>> -> memref<128xi32, #tpu.memory_space<hbm>>
        tpu.wait_dma2 semaphore(%run_scoped3A : memref<!tpu.dma_semaphore, #tpu.memory_space<semaphore_mem>>) src(%dma_wait3A_32 : memref<128xi32, #tpu.memory_space<hbm>>) dst(%arg8 : memref<128xi32, #tpu.memory_space<vmem>>)
        tpu.yield
      }) : () -> ()
      "tpu.region"() ({
        %run_scoped3A = tpu.sem_alloc : memref<!tpu.dma_semaphore, #tpu.memory_space<semaphore_mem>>
        %dma_start3A_29 = tpu.memref_slice %arg3[%add3A_24] : memref<323584xi32, #tpu.memory_space<hbm>> -> memref<128xi32, #tpu.memory_space<hbm>>
        %dma_start3A_30 = tpu.memref_slice %arg3[%add3A_24] : memref<323584xi32, #tpu.memory_space<hbm>> -> memref<128xi32, #tpu.memory_space<hbm>>
        tpu.enqueue_dma source(%dma_start3A_30 : memref<128xi32, #tpu.memory_space<hbm>>) target(%arg7 : memref<128xi32, #tpu.memory_space<vmem>>) target_semaphore(%run_scoped3A : memref<!tpu.dma_semaphore, #tpu.memory_space<semaphore_mem>>)
        %dma_wait3A_31 = tpu.memref_slice %arg3[%add3A_24] : memref<323584xi32, #tpu.memory_space<hbm>> -> memref<128xi32, #tpu.memory_space<hbm>>
        %dma_wait3A_32 = tpu.memref_slice %arg3[%add3A_24] : memref<323584xi32, #tpu.memory_space<hbm>> -> memref<128xi32, #tpu.memory_space<hbm>>
        tpu.wait_dma2 semaphore(%run_scoped3A : memref<!tpu.dma_semaphore, #tpu.memory_space<semaphore_mem>>) src(%dma_wait3A_32 : memref<128xi32, #tpu.memory_space<hbm>>) dst(%arg7 : memref<128xi32, #tpu.memory_space<vmem>>)
        tpu.yield
      }) : () -> ()
      %dma_start3A = arith.constant 0 : i32
      %dma_start3A_25 = arith.constant 0 : i32
      %dma_start3A_26 = tpu.memref_slice %arg2[%dma_start3A, %dma_start3A_25] : memref<10000x128xf32, #tpu.memory_space<hbm>> -> memref<10000x128xf32, #tpu.memory_space<hbm>>
      tpu.enqueue_indirect_dma source(%dma_start3A_26 : memref<10000x128xf32, #tpu.memory_space<hbm>>) target(%arg9 : memref<128x128xf32, #tpu.memory_space<vmem>>) offsets(%arg7 : memref<128xi32, #tpu.memory_space<vmem>>) semaphore(%arg11 : memref<!tpu.dma_semaphore, #tpu.memory_space<semaphore_mem>>)
      %dma_wait3A = arith.constant 0 : i32
      %dma_wait3A_27 = arith.constant 0 : i32
      %dma_wait3A_28 = tpu.memref_slice %arg2[%dma_wait3A, %dma_wait3A_27] : memref<10000x128xf32, #tpu.memory_space<hbm>> -> memref<10000x128xf32, #tpu.memory_space<hbm>>
      tpu.wait_indirect_dma semaphore(%arg11 : memref<!tpu.dma_semaphore, #tpu.memory_space<semaphore_mem>>) src(%dma_wait3A_28 : memref<10000x128xf32, #tpu.memory_space<hbm>>) dst(%arg9 : memref<128x128xf32, #tpu.memory_space<vmem>>)
      "tpu.region"() ({
        %run_scoped3A = tpu.sem_alloc : memref<!tpu.dma_semaphore, #tpu.memory_space<semaphore_mem>>
        %dma_start3A_29 = arith.constant 0 : i32
        %dma_start3A_30 = arith.constant 0 : i32
        %dma_start3A_31 = tpu.memref_slice %arg10[%dma_start3A_29, %dma_start3A_30] : memref<10240x128xf32, #tpu.memory_space<vmem_shared>> -> memref<10240x128xf32, #tpu.memory_space<vmem_shared>>
        tpu.enqueue_indirect_dma source(%arg9 : memref<128x128xf32, #tpu.memory_space<vmem>>) target(%dma_start3A_31 : memref<10240x128xf32, #tpu.memory_space<vmem_shared>>) offsets(%arg8 : memref<128xi32, #tpu.memory_space<vmem>>) semaphore(%run_scoped3A : memref<!tpu.dma_semaphore, #tpu.memory_space<semaphore_mem>>) {add = true}
        %dma_wait3A_32 = arith.constant 0 : i32
        %dma_wait3A_33 = arith.constant 0 : i32
        %dma_wait3A_34 = tpu.memref_slice %arg10[%dma_wait3A_32, %dma_wait3A_33] : memref<10240x128xf32, #tpu.memory_space<vmem_shared>> -> memref<10240x128xf32, #tpu.memory_space<vmem_shared>>
        tpu.wait_indirect_dma semaphore(%run_scoped3A : memref<!tpu.dma_semaphore, #tpu.memory_space<semaphore_mem>>) src(%arg9 : memref<128x128xf32, #tpu.memory_space<vmem>>) dst(%dma_wait3A_34 : memref<10240x128xf32, #tpu.memory_space<vmem_shared>>)
        tpu.yield
      }) : () -> ()
    }
    %scan3A_6 = arith.constant 79 : i32
    %barrier3A_7 = arith.constant 0 : index
    tpu.barrier barrier_id(%barrier3A_7)
    %lt3A = arith.constant 15 : i32
    %lt3A_8 = arith.cmpi slt, %arg1, %lt3A : i32
    %convert_element_type3A = arith.extui %lt3A_8 : i1 to i32
    %cond3A = arith.constant 0 : i32
    %cond3A_9 = arith.cmpi ne, %convert_element_type3A, %cond3A : i32
    scf.if %cond3A_9 {
      %mul3A_15 = arith.constant 624 : i32
      %mul3A_16 = arith.muli %arg1, %mul3A_15 : i32
      %add3A_17 = arith.constant 0 : i32
      %add3A_18 = arith.addi %add3A_17, %arg0 : i32
      %mul3A_19 = arith.constant 624 : i32
      %mul3A_20 = arith.muli %arg1, %mul3A_19 : i32
      "tpu.region"() ({
        %run_scoped3A = tpu.sem_alloc : memref<!tpu.dma_semaphore, #tpu.memory_space<semaphore_mem>>
        %dma_start3A = arith.constant 0 : i32
        %dma_start3A_21 = tpu.memref_slice %arg6[%add3A_18, %mul3A_20, %dma_start3A] : memref<2x10000x128xf32, #tpu.memory_space<hbm>> -> memref<1x624x128xf32, #tpu.memory_space<hbm>>
        %dma_start3A_22 = tpu.memref_squeeze %dma_start3A_21 : memref<1x624x128xf32, #tpu.memory_space<hbm>> -> memref<624x128xf32, #tpu.memory_space<hbm>>
        %dma_start3A_23 = arith.constant 0 : i32
        %dma_start3A_24 = tpu.memref_slice %arg10[%mul3A_16, %dma_start3A_23] : memref<10240x128xf32, #tpu.memory_space<vmem_shared>> -> memref<624x128xf32, #tpu.memory_space<vmem_shared>>
        tpu.enqueue_dma source(%dma_start3A_24 : memref<624x128xf32, #tpu.memory_space<vmem_shared>>) target(%dma_start3A_22 : memref<624x128xf32, #tpu.memory_space<hbm>>) target_semaphore(%run_scoped3A : memref<!tpu.dma_semaphore, #tpu.memory_space<semaphore_mem>>)
        %dma_wait3A = arith.constant 0 : i32
        %dma_wait3A_25 = tpu.memref_slice %arg6[%add3A_18, %mul3A_20, %dma_wait3A] : memref<2x10000x128xf32, #tpu.memory_space<hbm>> -> memref<1x624x128xf32, #tpu.memory_space<hbm>>
        %dma_wait3A_26 = tpu.memref_squeeze %dma_wait3A_25 : memref<1x624x128xf32, #tpu.memory_space<hbm>> -> memref<624x128xf32, #tpu.memory_space<hbm>>
        %dma_wait3A_27 = arith.constant 0 : i32
        %dma_wait3A_28 = tpu.memref_slice %arg10[%mul3A_16, %dma_wait3A_27] : memref<10240x128xf32, #tpu.memory_space<vmem_shared>> -> memref<624x128xf32, #tpu.memory_space<vmem_shared>>
        tpu.wait_dma2 semaphore(%run_scoped3A : memref<!tpu.dma_semaphore, #tpu.memory_space<semaphore_mem>>) src(%dma_wait3A_28 : memref<624x128xf32, #tpu.memory_space<vmem_shared>>) dst(%dma_wait3A_26 : memref<624x128xf32, #tpu.memory_space<hbm>>)
        tpu.yield
      }) : () -> ()
    } else {
    }
    %eq3A = arith.constant 15 : i32
    %eq3A_10 = arith.cmpi eq, %arg1, %eq3A : i32
    %convert_element_type3A_11 = arith.extui %eq3A_10 : i1 to i32
    %cond3A_12 = arith.constant 0 : i32
    %cond3A_13 = arith.cmpi ne, %convert_element_type3A_11, %cond3A_12 : i32
    scf.if %cond3A_13 {
      %add3A_15 = arith.constant 0 : i32
      %add3A_16 = arith.addi %add3A_15, %arg0 : i32
      "tpu.region"() ({
        %run_scoped3A = tpu.sem_alloc : memref<!tpu.dma_semaphore, #tpu.memory_space<semaphore_mem>>
        %dma_start3A = arith.constant 9360 : i32
        %dma_start3A_17 = arith.constant 0 : i32
        %dma_start3A_18 = tpu.memref_slice %arg6[%add3A_16, %dma_start3A, %dma_start3A_17] : memref<2x10000x128xf32, #tpu.memory_space<hbm>> -> memref<1x640x128xf32, #tpu.memory_space<hbm>>
        %dma_start3A_19 = tpu.memref_squeeze %dma_start3A_18 : memref<1x640x128xf32, #tpu.memory_space<hbm>> -> memref<640x128xf32, #tpu.memory_space<hbm>>
        %dma_start3A_20 = arith.constant 9360 : i32
        %dma_start3A_21 = arith.constant 0 : i32
        %dma_start3A_22 = tpu.memref_slice %arg10[%dma_start3A_20, %dma_start3A_21] : memref<10240x128xf32, #tpu.memory_space<vmem_shared>> -> memref<640x128xf32, #tpu.memory_space<vmem_shared>>
        tpu.enqueue_dma source(%dma_start3A_22 : memref<640x128xf32, #tpu.memory_space<vmem_shared>>) target(%dma_start3A_19 : memref<640x128xf32, #tpu.memory_space<hbm>>) target_semaphore(%run_scoped3A : memref<!tpu.dma_semaphore, #tpu.memory_space<semaphore_mem>>)
        %dma_wait3A = arith.constant 9360 : i32
        %dma_wait3A_23 = arith.constant 0 : i32
        %dma_wait3A_24 = tpu.memref_slice %arg6[%add3A_16, %dma_wait3A, %dma_wait3A_23] : memref<2x10000x128xf32, #tpu.memory_space<hbm>> -> memref<1x640x128xf32, #tpu.memory_space<hbm>>
        %dma_wait3A_25 = tpu.memref_squeeze %dma_wait3A_24 : memref<1x640x128xf32, #tpu.memory_space<hbm>> -> memref<640x128xf32, #tpu.memory_space<hbm>>
        %dma_wait3A_26 = arith.constant 9360 : i32
        %dma_wait3A_27 = arith.constant 0 : i32
        %dma_wait3A_28 = tpu.memref_slice %arg10[%dma_wait3A_26, %dma_wait3A_27] : memref<10240x128xf32, #tpu.memory_space<vmem_shared>> -> memref<640x128xf32, #tpu.memory_space<vmem_shared>>
        tpu.wait_dma2 semaphore(%run_scoped3A : memref<!tpu.dma_semaphore, #tpu.memory_space<semaphore_mem>>) src(%dma_wait3A_28 : memref<640x128xf32, #tpu.memory_space<vmem_shared>>) dst(%dma_wait3A_25 : memref<640x128xf32, #tpu.memory_space<hbm>>)
        tpu.yield
      }) : () -> ()
    } else {
    }
    %barrier3A_14 = arith.constant 0 : index
    tpu.barrier barrier_id(%barrier3A_14)
    return
  }
}

#map = affine_map<(d0, d1) -> (0, 0)>
#map1 = affine_map<(d0, d1) -> (0)>
#map2 = affine_map<(d0, d1) -> (0, 0, 0)>
module attributes {stable_mosaic.version = 14 : i64} {
  func.func @body(%arg0: i32, %arg1: i32, %arg2: memref<10000x128xf32, #tpu.memory_space<hbm>>, %arg3: memref<323584xi32, #tpu.memory_space<hbm>>, %arg4: memref<323584xi32, #tpu.memory_space<hbm>>, %arg5: memref<640x128xf32, #tpu.memory_space<hbm>>, %arg6: memref<2x10000x128xf32, #tpu.memory_space<hbm>>, %arg7: memref<128xi32, #tpu.memory_space<vmem>>, %arg8: memref<128xi32, #tpu.memory_space<vmem>>, %arg9: memref<128x128xf32, #tpu.memory_space<vmem>>, %arg10: memref<10240x128xf32, #tpu.memory_space<vmem_shared>>, %arg11: memref<!tpu.dma_semaphore, #tpu.memory_space<semaphore_mem>>) attributes {dimension_semantics = [#tpu.dimension_semantics<core_parallel>, #tpu.dimension_semantics<subcore_parallel>], iteration_bounds = array<i64: 2, 16>, scalar_prefetch = 0 : i64, scratch_operands = 5 : i64, tpu.core_type = #tpu.core_type<sc_vector_subcore>, window_params = [{transform_indices = #map}, {transform_indices = #map1}, {transform_indices = #map1}, {transform_indices = #map}, {transform_indices = #map2}]} {
    %mul3A = arith.constant 2 : i32
    %mul3A_0 = arith.muli %arg1, %mul3A : i32
    %add3A = arith.addi %mul3A_0, %arg0 : i32
    %mul3A_1 = arith.constant 640 : i32
    %mul3A_2 = arith.muli %arg1, %mul3A_1 : i32
    "tpu.region"() ({
      %run_scoped3A = tpu.sem_alloc : memref<!tpu.dma_semaphore, #tpu.memory_space<semaphore_mem>>
      %dma_start3A = arith.constant 0 : i32
      %dma_start3A_15 = tpu.memref_slice %arg10[%mul3A_2, %dma_start3A] : memref<10240x128xf32, #tpu.memory_space<vmem_shared>> -> memref<640x128xf32, #tpu.memory_space<vmem_shared>>
      tpu.enqueue_dma source(%arg5 : memref<640x128xf32, #tpu.memory_space<hbm>>) target(%dma_start3A_15 : memref<640x128xf32, #tpu.memory_space<vmem_shared>>) target_semaphore(%run_scoped3A : memref<!tpu.dma_semaphore, #tpu.memory_space<semaphore_mem>>)
      %dma_wait3A = arith.constant 0 : i32
      %dma_wait3A_16 = tpu.memref_slice %arg10[%mul3A_2, %dma_wait3A] : memref<10240x128xf32, #tpu.memory_space<vmem_shared>> -> memref<640x128xf32, #tpu.memory_space<vmem_shared>>
      tpu.wait_dma2 semaphore(%run_scoped3A : memref<!tpu.dma_semaphore, #tpu.memory_space<semaphore_mem>>) src(%arg5 : memref<640x128xf32, #tpu.memory_space<hbm>>) dst(%dma_wait3A_16 : memref<640x128xf32, #tpu.memory_space<vmem_shared>>)
      tpu.yield
    }) : () -> ()
    %barrier3A = arith.constant 0 : index
    tpu.barrier barrier_id(%barrier3A)
    %scan3A = arith.constant 0 : i32
    %scan3A_3 = arith.constant 79 : i32
    %scan3A_4 = arith.addi %scan3A, %scan3A_3 : i32
    %scan3A_5 = arith.constant 1 : i32
    scf.for %scan3A_15 = %scan3A to %scan3A_4 step %scan3A_5  : i32 {
      %mul3A_16 = arith.constant 1 : i32
      %mul3A_17 = arith.muli %scan3A_15, %mul3A_16 : i32
      %add3A_18 = arith.constant 0 : i32
      %add3A_19 = arith.addi %add3A_18, %mul3A_17 : i32
      %mul3A_20 = arith.constant 10112 : i32
      %mul3A_21 = arith.muli %add3A, %mul3A_20 : i32
      %mul3A_22 = arith.constant 128 : i32
      %mul3A_23 = arith.muli %add3A_19, %mul3A_22 : i32
      %add3A_24 = arith.addi %mul3A_21, %mul3A_23 : i32
      "tpu.region"() ({
        %run_scoped3A = tpu.sem_alloc : memref<!tpu.dma_semaphore, #tpu.memory_space<semaphore_mem>>
        %dma_start3A_29 = tpu.memref_slice %arg4[%add3A_24] : memref<323584xi32, #tpu.memory_space<hbm>> -> memref<128xi32, #tpu.memory_space<hbm>>
        %dma_start3A_30 = tpu.memref_slice %arg4[%add3A_24] : memref<323584xi32, #tpu.memory_space<hbm>> -> memref<128xi32, #tpu.memory_space<hbm>>
        tpu.enqueue_dma source(%dma_start3A_30 : memref<128xi32, #tpu.memory_space<hbm>>) target(%arg8 : memref<128xi32, #tpu.memory_space<vmem>>) target_semaphore(%run_scoped3A : memref<!tpu.dma_semaphore, #tpu.memory_space<semaphore_mem>>)
        %dma_wait3A_31 = tpu.memref_slice %arg4[%add3A_24] : memref<323584xi32, #tpu.memory_space<hbm>> -> memref<128xi32, #tpu.memory_space<hbm>>
        %dma_wait3A_32 = tpu.memref_slice %arg4[%add3A_24] : memref<323584xi32, #tpu.memory_space<hbm>> -> memref<128xi32, #tpu.memory_space<hbm>>
        tpu.wait_dma2 semaphore(%run_scoped3A : memref<!tpu.dma_semaphore, #tpu.memory_space<semaphore_mem>>) src(%dma_wait3A_32 : memref<128xi32, #tpu.memory_space<hbm>>) dst(%arg8 : memref<128xi32, #tpu.memory_space<vmem>>)
        tpu.yield
      }) : () -> ()
      "tpu.region"() ({
        %run_scoped3A = tpu.sem_alloc : memref<!tpu.dma_semaphore, #tpu.memory_space<semaphore_mem>>
        %dma_start3A_29 = tpu.memref_slice %arg3[%add3A_24] : memref<323584xi32, #tpu.memory_space<hbm>> -> memref<128xi32, #tpu.memory_space<hbm>>
        %dma_start3A_30 = tpu.memref_slice %arg3[%add3A_24] : memref<323584xi32, #tpu.memory_space<hbm>> -> memref<128xi32, #tpu.memory_space<hbm>>
        tpu.enqueue_dma source(%dma_start3A_30 : memref<128xi32, #tpu.memory_space<hbm>>) target(%arg7 : memref<128xi32, #tpu.memory_space<vmem>>) target_semaphore(%run_scoped3A : memref<!tpu.dma_semaphore, #tpu.memory_space<semaphore_mem>>)
        %dma_wait3A_31 = tpu.memref_slice %arg3[%add3A_24] : memref<323584xi32, #tpu.memory_space<hbm>> -> memref<128xi32, #tpu.memory_space<hbm>>
        %dma_wait3A_32 = tpu.memref_slice %arg3[%add3A_24] : memref<323584xi32, #tpu.memory_space<hbm>> -> memref<128xi32, #tpu.memory_space<hbm>>
        tpu.wait_dma2 semaphore(%run_scoped3A : memref<!tpu.dma_semaphore, #tpu.memory_space<semaphore_mem>>) src(%dma_wait3A_32 : memref<128xi32, #tpu.memory_space<hbm>>) dst(%arg7 : memref<128xi32, #tpu.memory_space<vmem>>)
        tpu.yield
      }) : () -> ()
      %dma_start3A = arith.constant 0 : i32
      %dma_start3A_25 = arith.constant 0 : i32
      %dma_start3A_26 = tpu.memref_slice %arg2[%dma_start3A, %dma_start3A_25] : memref<10000x128xf32, #tpu.memory_space<hbm>> -> memref<10000x128xf32, #tpu.memory_space<hbm>>
      tpu.enqueue_indirect_dma source(%dma_start3A_26 : memref<10000x128xf32, #tpu.memory_space<hbm>>) target(%arg9 : memref<128x128xf32, #tpu.memory_space<vmem>>) offsets(%arg7 : memref<128xi32, #tpu.memory_space<vmem>>) semaphore(%arg11 : memref<!tpu.dma_semaphore, #tpu.memory_space<semaphore_mem>>)
      %dma_wait3A = arith.constant 0 : i32
      %dma_wait3A_27 = arith.constant 0 : i32
      %dma_wait3A_28 = tpu.memref_slice %arg2[%dma_wait3A, %dma_wait3A_27] : memref<10000x128xf32, #tpu.memory_space<hbm>> -> memref<10000x128xf32, #tpu.memory_space<hbm>>
      tpu.wait_indirect_dma semaphore(%arg11 : memref<!tpu.dma_semaphore, #tpu.memory_space<semaphore_mem>>) src(%dma_wait3A_28 : memref<10000x128xf32, #tpu.memory_space<hbm>>) dst(%arg9 : memref<128x128xf32, #tpu.memory_space<vmem>>)
      "tpu.region"() ({
        %run_scoped3A = tpu.sem_alloc : memref<!tpu.dma_semaphore, #tpu.memory_space<semaphore_mem>>
        %dma_start3A_29 = arith.constant 0 : i32
        %dma_start3A_30 = arith.constant 0 : i32
        %dma_start3A_31 = tpu.memref_slice %arg10[%dma_start3A_29, %dma_start3A_30] : memref<10240x128xf32, #tpu.memory_space<vmem_shared>> -> memref<10240x128xf32, #tpu.memory_space<vmem_shared>>
        tpu.enqueue_indirect_dma source(%arg9 : memref<128x128xf32, #tpu.memory_space<vmem>>) target(%dma_start3A_31 : memref<10240x128xf32, #tpu.memory_space<vmem_shared>>) offsets(%arg8 : memref<128xi32, #tpu.memory_space<vmem>>) semaphore(%run_scoped3A : memref<!tpu.dma_semaphore, #tpu.memory_space<semaphore_mem>>) {add = true}
        %dma_wait3A_32 = arith.constant 0 : i32
        %dma_wait3A_33 = arith.constant 0 : i32
        %dma_wait3A_34 = tpu.memref_slice %arg10[%dma_wait3A_32, %dma_wait3A_33] : memref<10240x128xf32, #tpu.memory_space<vmem_shared>> -> memref<10240x128xf32, #tpu.memory_space<vmem_shared>>
        tpu.wait_indirect_dma semaphore(%run_scoped3A : memref<!tpu.dma_semaphore, #tpu.memory_space<semaphore_mem>>) src(%arg9 : memref<128x128xf32, #tpu.memory_space<vmem>>) dst(%dma_wait3A_34 : memref<10240x128xf32, #tpu.memory_space<vmem_shared>>)
        tpu.yield
      }) : () -> ()
    }
    %scan3A_6 = arith.constant 79 : i32
    %barrier3A_7 = arith.constant 0 : index
    tpu.barrier barrier_id(%barrier3A_7)
    %lt3A = arith.constant 15 : i32
    %lt3A_8 = arith.cmpi slt, %arg1, %lt3A : i32
    %convert_element_type3A = arith.extui %lt3A_8 : i1 to i32
    %cond3A = arith.constant 0 : i32
    %cond3A_9 = arith.cmpi ne, %convert_element_type3A, %cond3A : i32
    scf.if %cond3A_9 {
      %mul3A_15 = arith.constant 624 : i32
      %mul3A_16 = arith.muli %arg1, %mul3A_15 : i32
      %add3A_17 = arith.constant 0 : i32
      %add3A_18 = arith.addi %add3A_17, %arg0 : i32
      %mul3A_19 = arith.constant 624 : i32
      %mul3A_20 = arith.muli %arg1, %mul3A_19 : i32
      "tpu.region"() ({
        %run_scoped3A = tpu.sem_alloc : memref<!tpu.dma_semaphore, #tpu.memory_space<semaphore_mem>>
        %dma_start3A = arith.constant 0 : i32
        %dma_start3A_21 = tpu.memref_slice %arg6[%add3A_18, %mul3A_20, %dma_start3A] : memref<2x10000x128xf32, #tpu.memory_space<hbm>> -> memref<1x624x128xf32, #tpu.memory_space<hbm>>
        %dma_start3A_22 = tpu.memref_squeeze %dma_start3A_21 : memref<1x624x128xf32, #tpu.memory_space<hbm>> -> memref<624x128xf32, #tpu.memory_space<hbm>>
        %dma_start3A_23 = arith.constant 0 : i32
        %dma_start3A_24 = tpu.memref_slice %arg10[%mul3A_16, %dma_start3A_23] : memref<10240x128xf32, #tpu.memory_space<vmem_shared>> -> memref<624x128xf32, #tpu.memory_space<vmem_shared>>
        tpu.enqueue_dma source(%dma_start3A_24 : memref<624x128xf32, #tpu.memory_space<vmem_shared>>) target(%dma_start3A_22 : memref<624x128xf32, #tpu.memory_space<hbm>>) target_semaphore(%run_scoped3A : memref<!tpu.dma_semaphore, #tpu.memory_space<semaphore_mem>>)
        %dma_wait3A = arith.constant 0 : i32
        %dma_wait3A_25 = tpu.memref_slice %arg6[%add3A_18, %mul3A_20, %dma_wait3A] : memref<2x10000x128xf32, #tpu.memory_space<hbm>> -> memref<1x624x128xf32, #tpu.memory_space<hbm>>
        %dma_wait3A_26 = tpu.memref_squeeze %dma_wait3A_25 : memref<1x624x128xf32, #tpu.memory_space<hbm>> -> memref<624x128xf32, #tpu.memory_space<hbm>>
        %dma_wait3A_27 = arith.constant 0 : i32
        %dma_wait3A_28 = tpu.memref_slice %arg10[%mul3A_16, %dma_wait3A_27] : memref<10240x128xf32, #tpu.memory_space<vmem_shared>> -> memref<624x128xf32, #tpu.memory_space<vmem_shared>>
        tpu.wait_dma2 semaphore(%run_scoped3A : memref<!tpu.dma_semaphore, #tpu.memory_space<semaphore_mem>>) src(%dma_wait3A_28 : memref<624x128xf32, #tpu.memory_space<vmem_shared>>) dst(%dma_wait3A_26 : memref<624x128xf32, #tpu.memory_space<hbm>>)
        tpu.yield
      }) : () -> ()
    } else {
    }
    %eq3A = arith.constant 15 : i32
    %eq3A_10 = arith.cmpi eq, %arg1, %eq3A : i32
    %convert_element_type3A_11 = arith.extui %eq3A_10 : i1 to i32
    %cond3A_12 = arith.constant 0 : i32
    %cond3A_13 = arith.cmpi ne, %convert_element_type3A_11, %cond3A_12 : i32
    scf.if %cond3A_13 {
      %add3A_15 = arith.constant 0 : i32
      %add3A_16 = arith.addi %add3A_15, %arg0 : i32
      "tpu.region"() ({
        %run_scoped3A = tpu.sem_alloc : memref<!tpu.dma_semaphore, #tpu.memory_space<semaphore_mem>>
        %dma_start3A = arith.constant 9360 : i32
        %dma_start3A_17 = arith.constant 0 : i32
        %dma_start3A_18 = tpu.memref_slice %arg6[%add3A_16, %dma_start3A, %dma_start3A_17] : memref<2x10000x128xf32, #tpu.memory_space<hbm>> -> memref<1x640x128xf32, #tpu.memory_space<hbm>>
        %dma_start3A_19 = tpu.memref_squeeze %dma_start3A_18 : memref<1x640x128xf32, #tpu.memory_space<hbm>> -> memref<640x128xf32, #tpu.memory_space<hbm>>
        %dma_start3A_20 = arith.constant 9360 : i32
        %dma_start3A_21 = arith.constant 0 : i32
        %dma_start3A_22 = tpu.memref_slice %arg10[%dma_start3A_20, %dma_start3A_21] : memref<10240x128xf32, #tpu.memory_space<vmem_shared>> -> memref<640x128xf32, #tpu.memory_space<vmem_shared>>
        tpu.enqueue_dma source(%dma_start3A_22 : memref<640x128xf32, #tpu.memory_space<vmem_shared>>) target(%dma_start3A_19 : memref<640x128xf32, #tpu.memory_space<hbm>>) target_semaphore(%run_scoped3A : memref<!tpu.dma_semaphore, #tpu.memory_space<semaphore_mem>>)
        %dma_wait3A = arith.constant 9360 : i32
        %dma_wait3A_23 = arith.constant 0 : i32
        %dma_wait3A_24 = tpu.memref_slice %arg6[%add3A_16, %dma_wait3A, %dma_wait3A_23] : memref<2x10000x128xf32, #tpu.memory_space<hbm>> -> memref<1x640x128xf32, #tpu.memory_space<hbm>>
        %dma_wait3A_25 = tpu.memref_squeeze %dma_wait3A_24 : memref<1x640x128xf32, #tpu.memory_space<hbm>> -> memref<640x128xf32, #tpu.memory_space<hbm>>
        %dma_wait3A_26 = arith.constant 9360 : i32
        %dma_wait3A_27 = arith.constant 0 : i32
        %dma_wait3A_28 = tpu.memref_slice %arg10[%dma_wait3A_26, %dma_wait3A_27] : memref<10240x128xf32, #tpu.memory_space<vmem_shared>> -> memref<640x128xf32, #tpu.memory_space<vmem_shared>>
        tpu.wait_dma2 semaphore(%run_scoped3A : memref<!tpu.dma_semaphore, #tpu.memory_space<semaphore_mem>>) src(%dma_wait3A_28 : memref<640x128xf32, #tpu.memory_space<vmem_shared>>) dst(%dma_wait3A_25 : memref<640x128xf32, #tpu.memory_space<hbm>>)
        tpu.yield
      }) : () -> ()
    } else {
    }
    %barrier3A_14 = arith.constant 0 : index
    tpu.barrier barrier_id(%barrier3A_14)
    return
  }
}

module attributes {stable_mosaic.version = 14 : i64} {
  func.func @body(%arg0: i32, %arg1: memref<2x1000x128xf32, #tpu.memory_space<vmem>>, %arg2: memref<1000x128xf32, #tpu.memory_space<vmem>>, %arg3: memref<128x32xf32, #tpu.memory_space<vmem>>, %arg4: memref<1000x1xf32, #tpu.memory_space<vmem>>, %arg5: memref<1000x128xf32, #tpu.memory_space<vmem>>) attributes {dimension_semantics = [#tpu.dimension_semantics<arbitrary>], iteration_bounds = array<i64: 10>, scalar_prefetch = 0 : i64, scratch_operands = 0 : i64, tpu.core_type = #tpu.core_type<tc>, window_params = [{transform_indices = @transform_0, window_bounds = array<i64: 2, 1000, 128>}, {transform_indices = @transform_1, window_bounds = array<i64: 1000, 128>}, {pipeline_mode = #tpu.pipeline_mode<synchronous>, transform_indices = @transform_2, window_bounds = array<i64: 128, 32>}, {transform_indices = @transform_3, window_bounds = array<i64: 1000, 1>}, {transform_indices = @transform_4, window_bounds = array<i64: 1000, 128>}]} {
    %get3A = arith.constant 0 : index
    %get3A_0 = arith.constant 0 : index
    %get3A_1 = arith.constant 0 : index
    %get3A_2 = vector.load %arg1[%get3A, %get3A_0, %get3A_1] : memref<2x1000x128xf32, #tpu.memory_space<vmem>>, vector<2x1000x128xf32>
    %slice3A = vector.extract_strided_slice %get3A_2 {offsets = [0, 0, 0], sizes = [1, 1000, 1], strides = [1, 1, 1]} : vector<2x1000x128xf32> to vector<1x1000x1xf32>
    %squeeze3A = vector.shape_cast %slice3A : vector<1x1000x1xf32> to vector<1000x1xf32>
    %add3A = arith.constant 1.000000e+00 : f32
    %add3A_3 = vector.broadcast %add3A : f32 to vector<1000x1xf32>
    %add3A_4 = arith.addf %add3A_3, %squeeze3A : vector<1000x1xf32>
    %slice3A_5 = vector.extract_strided_slice %get3A_2 {offsets = [1, 0, 0], sizes = [1, 1000, 1], strides = [1, 1, 1]} : vector<2x1000x128xf32> to vector<1x1000x1xf32>
    %squeeze3A_6 = vector.shape_cast %slice3A_5 : vector<1x1000x1xf32> to vector<1000x1xf32>
    %add3A_7 = arith.addf %add3A_4, %squeeze3A_6 : vector<1000x1xf32>
    %rsqrt3A = math.rsqrt %add3A_7 : vector<1000x1xf32>
    %swap3A = arith.constant 0 : index
    %swap3A_8 = arith.constant 0 : index
    %swap3A_9 = vector.load %arg4[%swap3A, %swap3A_8] : memref<1000x1xf32, #tpu.memory_space<vmem>>, vector<1000x1xf32>
    tpu.vector_store %arg4[%swap3A, %swap3A_8], %rsqrt3A {strides = array<i32>} : memref<1000x1xf32, #tpu.memory_space<vmem>>, vector<1000x1xf32>,
    %get3A_10 = arith.constant 0 : index
    %get3A_11 = arith.constant 0 : index
    %get3A_12 = vector.load %arg2[%get3A_10, %get3A_11] : memref<1000x128xf32, #tpu.memory_space<vmem>>, vector<1000x128xf32>
    %get3A_13 = arith.constant 0 : index
    %get3A_14 = arith.constant 0 : index
    %get3A_15 = vector.load %arg3[%get3A_13, %get3A_14] : memref<128x32xf32, #tpu.memory_space<vmem>>, vector<128x32xf32>
    %dot_general3A = arith.constant dense<0.000000e+00> : vector<1000x32xf32>
    %dot_general3A_16 = tpu.matmul %get3A_12, %get3A_15, %dot_general3A {dimension_numbers = #tpu.dot_dimension_numbers<[1], [0], [0], [1], [0, 0, 1, 1], [], []>, transpose_lhs_hint = false} : vector<1000x128xf32>, vector<128x32xf32>, vector<1000x32xf32> -> vector<1000x32xf32>
    %mul3A = vector.broadcast %rsqrt3A : vector<1000x1xf32> to vector<1000x32xf32>
    %mul3A_17 = arith.mulf %mul3A, %dot_general3A_16 : vector<1000x32xf32>
    %concatenate3A = tpu.concatenate %mul3A_17, %rsqrt3A in 1 : vector<1000x32xf32>, vector<1000x1xf32> -> vector<1000x33xf32>
    %broadcast_in_dim3A = arith.constant 0.000000e+00 : f32
    %broadcast_in_dim3A_18 = vector.broadcast %broadcast_in_dim3A : f32 to vector<1000x95xf32>
    %concatenate3A_19 = tpu.concatenate %concatenate3A, %broadcast_in_dim3A_18 in 1 : vector<1000x33xf32>, vector<1000x95xf32> -> vector<1000x128xf32>
    %swap3A_20 = arith.constant 0 : index
    %swap3A_21 = arith.constant 0 : index
    %swap3A_22 = vector.load %arg5[%swap3A_20, %swap3A_21] : memref<1000x128xf32, #tpu.memory_space<vmem>>, vector<1000x128xf32>
    tpu.vector_store %arg5[%swap3A_20, %swap3A_21], %concatenate3A_19 {strides = array<i32>} : memref<1000x128xf32, #tpu.memory_space<vmem>>, vector<1000x128xf32>,
    return
  }
  func.func @transform_0(%arg0: i32) -> (i32, i32, i32) {
    %c0_i32 = arith.constant 0 : i32
    %c0_i32_0 = arith.constant 0 : i32
    %c0_i32_1 = arith.constant 0 : i32
    return %c0_i32, %arg0, %c0_i32_0 : i32, i32, i32
  }
  func.func @transform_1(%arg0: i32) -> (i32, i32) {
    %c0_i32 = arith.constant 0 : i32
    %c0_i32_0 = arith.constant 0 : i32
    return %arg0, %c0_i32 : i32, i32
  }
  func.func @transform_2(%arg0: i32) -> (i32, i32) {
    %c0_i32 = arith.constant 0 : i32
    %c0_i32_0 = arith.constant 0 : i32
    %c0_i32_1 = arith.constant 0 : i32
    return %c0_i32, %c0_i32_0 : i32, i32
  }
  func.func @transform_3(%arg0: i32) -> (i32, i32) {
    %c0_i32 = arith.constant 0 : i32
    %c0_i32_0 = arith.constant 0 : i32
    return %arg0, %c0_i32 : i32, i32
  }
  func.func @transform_4(%arg0: i32) -> (i32, i32) {
    %c0_i32 = arith.constant 0 : i32
    %c0_i32_0 = arith.constant 0 : i32
    return %arg0, %c0_i32 : i32, i32
  }
}

module attributes {stable_mosaic.version = 14 : i64} {
  func.func @body(%arg0: i32, %arg1: memref<2x1000x128xf32, #tpu.memory_space<vmem>>, %arg2: memref<1000x128xf32, #tpu.memory_space<vmem>>, %arg3: memref<1000x1xf32, #tpu.memory_space<vmem>>, %arg4: memref<1x32xf32, #tpu.memory_space<vmem>>, %arg5: memref<1000x32xf32, #tpu.memory_space<vmem>>, %arg6: memref<1000x1xf32, #tpu.memory_space<vmem>>, %arg7: memref<1000x128xf32, #tpu.memory_space<vmem>>) attributes {dimension_semantics = [#tpu.dimension_semantics<arbitrary>], iteration_bounds = array<i64: 10>, scalar_prefetch = 0 : i64, scratch_operands = 0 : i64, tpu.core_type = #tpu.core_type<tc>, window_params = [{transform_indices = @transform_0, window_bounds = array<i64: 2, 1000, 128>}, {transform_indices = @transform_1, window_bounds = array<i64: 1000, 128>}, {transform_indices = @transform_2, window_bounds = array<i64: 1000, 1>}, {pipeline_mode = #tpu.pipeline_mode<synchronous>, transform_indices = @transform_3, window_bounds = array<i64: 1, 32>}, {transform_indices = @transform_4, window_bounds = array<i64: 1000, 32>}, {transform_indices = @transform_5, window_bounds = array<i64: 1000, 1>}, {transform_indices = @transform_6, window_bounds = array<i64: 1000, 128>}]} {
    %get3A = arith.constant 0 : index
    %get3A_0 = arith.constant 0 : index
    %get3A_1 = arith.constant 0 : index
    %get3A_2 = vector.load %arg1[%get3A, %get3A_0, %get3A_1] : memref<2x1000x128xf32, #tpu.memory_space<vmem>>, vector<2x1000x128xf32>
    %get3A_3 = arith.constant 0 : index
    %get3A_4 = arith.constant 0 : index
    %get3A_5 = vector.load %arg2[%get3A_3, %get3A_4] : memref<1000x128xf32, #tpu.memory_space<vmem>>, vector<1000x128xf32>
    %get3A_6 = arith.constant 0 : index
    %get3A_7 = arith.constant 0 : index
    %get3A_8 = vector.load %arg3[%get3A_6, %get3A_7] : memref<1000x1xf32, #tpu.memory_space<vmem>>, vector<1000x1xf32>
    %slice3A = vector.extract_strided_slice %get3A_2 {offsets = [0, 0, 0], sizes = [1, 1000, 32], strides = [1, 1, 1]} : vector<2x1000x128xf32> to vector<1x1000x32xf32>
    %squeeze3A = vector.shape_cast %slice3A : vector<1x1000x32xf32> to vector<1000x32xf32>
    %slice3A_9 = vector.extract_strided_slice %get3A_2 {offsets = [1, 0, 0], sizes = [1, 1000, 32], strides = [1, 1, 1]} : vector<2x1000x128xf32> to vector<1x1000x32xf32>
    %squeeze3A_10 = vector.shape_cast %slice3A_9 : vector<1x1000x32xf32> to vector<1000x32xf32>
    %add3A = arith.addf %squeeze3A, %squeeze3A_10 : vector<1000x32xf32>
    %slice3A_11 = vector.extract_strided_slice %get3A_5 {offsets = [0, 0], sizes = [1000, 32], strides = [1, 1]} : vector<1000x128xf32> to vector<1000x32xf32>
    %add3A_12 = arith.addf %add3A, %slice3A_11 : vector<1000x32xf32>
    %mul3A = vector.broadcast %get3A_8 : vector<1000x1xf32> to vector<1000x32xf32>
    %mul3A_13 = arith.mulf %mul3A, %add3A_12 : vector<1000x32xf32>
    %get3A_14 = arith.constant 0 : index
    %get3A_15 = arith.constant 0 : index
    %get3A_16 = vector.load %arg4[%get3A_14, %get3A_15] : memref<1x32xf32, #tpu.memory_space<vmem>>, vector<1x32xf32>
    %add3A_17 = vector.broadcast %get3A_16 : vector<1x32xf32> to vector<1000x32xf32>
    %add3A_18 = arith.addf %mul3A_13, %add3A_17 : vector<1000x32xf32>
    %swap3A = arith.constant 0 : index
    %swap3A_19 = arith.constant 0 : index
    %swap3A_20 = vector.load %arg5[%swap3A, %swap3A_19] : memref<1000x32xf32, #tpu.memory_space<vmem>>, vector<1000x32xf32>
    tpu.vector_store %arg5[%swap3A, %swap3A_19], %add3A_18 {strides = array<i32>} : memref<1000x32xf32, #tpu.memory_space<vmem>>, vector<1000x32xf32>,
    %slice3A_21 = vector.extract_strided_slice %get3A_2 {offsets = [0, 0, 32], sizes = [1, 1000, 1], strides = [1, 1, 1]} : vector<2x1000x128xf32> to vector<1x1000x1xf32>
    %squeeze3A_22 = vector.shape_cast %slice3A_21 : vector<1x1000x1xf32> to vector<1000x1xf32>
    %slice3A_23 = vector.extract_strided_slice %get3A_2 {offsets = [1, 0, 32], sizes = [1, 1000, 1], strides = [1, 1, 1]} : vector<2x1000x128xf32> to vector<1x1000x1xf32>
    %squeeze3A_24 = vector.shape_cast %slice3A_23 : vector<1x1000x1xf32> to vector<1000x1xf32>
    %add3A_25 = arith.addf %squeeze3A_22, %squeeze3A_24 : vector<1000x1xf32>
    %add3A_26 = arith.addf %add3A_25, %get3A_8 : vector<1000x1xf32>
    %mul3A_27 = arith.mulf %get3A_8, %add3A_26 : vector<1000x1xf32>
    %swap3A_28 = arith.constant 0 : index
    %swap3A_29 = arith.constant 0 : index
    %swap3A_30 = vector.load %arg6[%swap3A_28, %swap3A_29] : memref<1000x1xf32, #tpu.memory_space<vmem>>, vector<1000x1xf32>
    tpu.vector_store %arg6[%swap3A_28, %swap3A_29], %mul3A_27 {strides = array<i32>} : memref<1000x1xf32, #tpu.memory_space<vmem>>, vector<1000x1xf32>,
    %mul3A_31 = vector.broadcast %get3A_8 : vector<1000x1xf32> to vector<1000x32xf32>
    %mul3A_32 = arith.mulf %mul3A_31, %add3A_18 : vector<1000x32xf32>
    %broadcast_in_dim3A = arith.constant 0.000000e+00 : f32
    %broadcast_in_dim3A_33 = vector.broadcast %broadcast_in_dim3A : f32 to vector<1000x96xf32>
    %concatenate3A = tpu.concatenate %mul3A_32, %broadcast_in_dim3A_33 in 1 : vector<1000x32xf32>, vector<1000x96xf32> -> vector<1000x128xf32>
    %swap3A_34 = arith.constant 0 : index
    %swap3A_35 = arith.constant 0 : index
    %swap3A_36 = vector.load %arg7[%swap3A_34, %swap3A_35] : memref<1000x128xf32, #tpu.memory_space<vmem>>, vector<1000x128xf32>
    tpu.vector_store %arg7[%swap3A_34, %swap3A_35], %concatenate3A {strides = array<i32>} : memref<1000x128xf32, #tpu.memory_space<vmem>>, vector<1000x128xf32>,
    return
  }
  func.func @transform_0(%arg0: i32) -> (i32, i32, i32) {
    %c0_i32 = arith.constant 0 : i32
    %c0_i32_0 = arith.constant 0 : i32
    %c0_i32_1 = arith.constant 0 : i32
    return %c0_i32, %arg0, %c0_i32_0 : i32, i32, i32
  }
  func.func @transform_1(%arg0: i32) -> (i32, i32) {
    %c0_i32 = arith.constant 0 : i32
    %c0_i32_0 = arith.constant 0 : i32
    return %arg0, %c0_i32 : i32, i32
  }
  func.func @transform_2(%arg0: i32) -> (i32, i32) {
    %c0_i32 = arith.constant 0 : i32
    %c0_i32_0 = arith.constant 0 : i32
    return %arg0, %c0_i32 : i32, i32
  }
  func.func @transform_3(%arg0: i32) -> (i32, i32) {
    %c0_i32 = arith.constant 0 : i32
    %c0_i32_0 = arith.constant 0 : i32
    %c0_i32_1 = arith.constant 0 : i32
    return %c0_i32, %c0_i32_0 : i32, i32
  }
  func.func @transform_4(%arg0: i32) -> (i32, i32) {
    %c0_i32 = arith.constant 0 : i32
    %c0_i32_0 = arith.constant 0 : i32
    return %arg0, %c0_i32 : i32, i32
  }
  func.func @transform_5(%arg0: i32) -> (i32, i32) {
    %c0_i32 = arith.constant 0 : i32
    %c0_i32_0 = arith.constant 0 : i32
    return %arg0, %c0_i32 : i32, i32
  }
  func.func @transform_6(%arg0: i32) -> (i32, i32) {
    %c0_i32 = arith.constant 0 : i32
    %c0_i32_0 = arith.constant 0 : i32
    return %arg0, %c0_i32 : i32, i32
  }
}

module attributes {stable_mosaic.version = 14 : i64} {
  func.func @body(%arg0: i32, %arg1: memref<2x1000x128xf32, #tpu.memory_space<vmem>>, %arg2: memref<1000x128xf32, #tpu.memory_space<vmem>>, %arg3: memref<1000x1xf32, #tpu.memory_space<vmem>>, %arg4: memref<32x384xf32, #tpu.memory_space<vmem>>, %arg5: memref<1x384xf32, #tpu.memory_space<vmem>>, %arg6: memref<1000x128xf32, #tpu.memory_space<vmem>>, %arg7: memref<1000x128xf32, #tpu.memory_space<vmem>>, %arg8: memref<1000x128xf32, #tpu.memory_space<vmem>>) attributes {dimension_semantics = [#tpu.dimension_semantics<arbitrary>], iteration_bounds = array<i64: 10>, scalar_prefetch = 0 : i64, scratch_operands = 0 : i64, tpu.core_type = #tpu.core_type<tc>, window_params = [{transform_indices = @transform_0, window_bounds = array<i64: 2, 1000, 128>}, {transform_indices = @transform_1, window_bounds = array<i64: 1000, 128>}, {transform_indices = @transform_2, window_bounds = array<i64: 1000, 1>}, {pipeline_mode = #tpu.pipeline_mode<synchronous>, transform_indices = @transform_3, window_bounds = array<i64: 32, 384>}, {pipeline_mode = #tpu.pipeline_mode<synchronous>, transform_indices = @transform_4, window_bounds = array<i64: 1, 384>}, {transform_indices = @transform_5, window_bounds = array<i64: 1000, 128>}, {transform_indices = @transform_6, window_bounds = array<i64: 1000, 128>}, {transform_indices = @transform_7, window_bounds = array<i64: 1000, 128>}]} {
    %get3A = arith.constant 0 : index
    %get3A_0 = arith.constant 0 : index
    %get3A_1 = arith.constant 0 : index
    %get3A_2 = vector.load %arg1[%get3A, %get3A_0, %get3A_1] : memref<2x1000x128xf32, #tpu.memory_space<vmem>>, vector<2x1000x128xf32>
    %get3A_3 = arith.constant 0 : index
    %get3A_4 = arith.constant 0 : index
    %get3A_5 = vector.load %arg3[%get3A_3, %get3A_4] : memref<1000x1xf32, #tpu.memory_space<vmem>>, vector<1000x1xf32>
    %slice3A = vector.extract_strided_slice %get3A_2 {offsets = [0, 0, 0], sizes = [1, 1000, 32], strides = [1, 1, 1]} : vector<2x1000x128xf32> to vector<1x1000x32xf32>
    %squeeze3A = vector.shape_cast %slice3A : vector<1x1000x32xf32> to vector<1000x32xf32>
    %slice3A_6 = vector.extract_strided_slice %get3A_2 {offsets = [1, 0, 0], sizes = [1, 1000, 32], strides = [1, 1, 1]} : vector<2x1000x128xf32> to vector<1x1000x32xf32>
    %squeeze3A_7 = vector.shape_cast %slice3A_6 : vector<1x1000x32xf32> to vector<1000x32xf32>
    %add3A = arith.addf %squeeze3A, %squeeze3A_7 : vector<1000x32xf32>
    %get3A_8 = arith.constant 0 : index
    %get3A_9 = arith.constant 0 : index
    %get3A_10 = vector.load %arg2[%get3A_8, %get3A_9] : memref<1000x128xf32, #tpu.memory_space<vmem>>, vector<1000x128xf32>
    %slice3A_11 = vector.extract_strided_slice %get3A_10 {offsets = [0, 0], sizes = [1000, 32], strides = [1, 1]} : vector<1000x128xf32> to vector<1000x32xf32>
    %add3A_12 = arith.addf %add3A, %slice3A_11 : vector<1000x32xf32>
    %mul3A = vector.broadcast %get3A_5 : vector<1000x1xf32> to vector<1000x32xf32>
    %mul3A_13 = arith.mulf %mul3A, %add3A_12 : vector<1000x32xf32>
    %get3A_14 = arith.constant 0 : index
    %get3A_15 = arith.constant 0 : index
    %get3A_16 = vector.load %arg4[%get3A_14, %get3A_15] : memref<32x384xf32, #tpu.memory_space<vmem>>, vector<32x384xf32>
    %dot_general3A = arith.constant dense<0.000000e+00> : vector<1000x384xf32>
    %dot_general3A_17 = tpu.matmul %mul3A_13, %get3A_16, %dot_general3A {dimension_numbers = #tpu.dot_dimension_numbers<[1], [0], [0], [1], [0, 0, 1, 1], [], []>, transpose_lhs_hint = false} : vector<1000x32xf32>, vector<32x384xf32>, vector<1000x384xf32> -> vector<1000x384xf32>
    %get3A_18 = arith.constant 0 : index
    %get3A_19 = arith.constant 0 : index
    %get3A_20 = vector.load %arg5[%get3A_18, %get3A_19] : memref<1x384xf32, #tpu.memory_space<vmem>>, vector<1x384xf32>
    %add3A_21 = vector.broadcast %get3A_20 : vector<1x384xf32> to vector<1000x384xf32>
    %add3A_22 = arith.addf %dot_general3A_17, %add3A_21 : vector<1000x384xf32>
    %tanh3A = math.tanh %add3A_22 : vector<1000x384xf32>
    %mul3A_23 = vector.broadcast %get3A_5 : vector<1000x1xf32> to vector<1000x384xf32>
    %mul3A_24 = arith.mulf %mul3A_23, %tanh3A : vector<1000x384xf32>
    %slice3A_25 = vector.extract_strided_slice %mul3A_24 {offsets = [0, 0], sizes = [1000, 128], strides = [1, 1]} : vector<1000x384xf32> to vector<1000x128xf32>
    %swap3A = arith.constant 0 : index
    %swap3A_26 = arith.constant 0 : index
    %swap3A_27 = vector.load %arg6[%swap3A, %swap3A_26] : memref<1000x128xf32, #tpu.memory_space<vmem>>, vector<1000x128xf32>
    tpu.vector_store %arg6[%swap3A, %swap3A_26], %slice3A_25 {strides = array<i32>} : memref<1000x128xf32, #tpu.memory_space<vmem>>, vector<1000x128xf32>,
    %slice3A_28 = vector.extract_strided_slice %mul3A_24 {offsets = [0, 128], sizes = [1000, 128], strides = [1, 1]} : vector<1000x384xf32> to vector<1000x128xf32>
    %swap3A_29 = arith.constant 0 : index
    %swap3A_30 = arith.constant 0 : index
    %swap3A_31 = vector.load %arg7[%swap3A_29, %swap3A_30] : memref<1000x128xf32, #tpu.memory_space<vmem>>, vector<1000x128xf32>
    tpu.vector_store %arg7[%swap3A_29, %swap3A_30], %slice3A_28 {strides = array<i32>} : memref<1000x128xf32, #tpu.memory_space<vmem>>, vector<1000x128xf32>,
    %slice3A_32 = vector.extract_strided_slice %mul3A_24 {offsets = [0, 256], sizes = [1000, 128], strides = [1, 1]} : vector<1000x384xf32> to vector<1000x128xf32>
    %swap3A_33 = arith.constant 0 : index
    %swap3A_34 = arith.constant 0 : index
    %swap3A_35 = vector.load %arg8[%swap3A_33, %swap3A_34] : memref<1000x128xf32, #tpu.memory_space<vmem>>, vector<1000x128xf32>
    tpu.vector_store %arg8[%swap3A_33, %swap3A_34], %slice3A_32 {strides = array<i32>} : memref<1000x128xf32, #tpu.memory_space<vmem>>, vector<1000x128xf32>,
    return
  }
  func.func @transform_0(%arg0: i32) -> (i32, i32, i32) {
    %c0_i32 = arith.constant 0 : i32
    %c0_i32_0 = arith.constant 0 : i32
    %c0_i32_1 = arith.constant 0 : i32
    return %c0_i32, %arg0, %c0_i32_0 : i32, i32, i32
  }
  func.func @transform_1(%arg0: i32) -> (i32, i32) {
    %c0_i32 = arith.constant 0 : i32
    %c0_i32_0 = arith.constant 0 : i32
    return %arg0, %c0_i32 : i32, i32
  }
  func.func @transform_2(%arg0: i32) -> (i32, i32) {
    %c0_i32 = arith.constant 0 : i32
    %c0_i32_0 = arith.constant 0 : i32
    return %arg0, %c0_i32 : i32, i32
  }
  func.func @transform_3(%arg0: i32) -> (i32, i32) {
    %c0_i32 = arith.constant 0 : i32
    %c0_i32_0 = arith.constant 0 : i32
    %c0_i32_1 = arith.constant 0 : i32
    return %c0_i32, %c0_i32_0 : i32, i32
  }
  func.func @transform_4(%arg0: i32) -> (i32, i32) {
    %c0_i32 = arith.constant 0 : i32
    %c0_i32_0 = arith.constant 0 : i32
    %c0_i32_1 = arith.constant 0 : i32
    return %c0_i32, %c0_i32_0 : i32, i32
  }
  func.func @transform_5(%arg0: i32) -> (i32, i32) {
    %c0_i32 = arith.constant 0 : i32
    %c0_i32_0 = arith.constant 0 : i32
    return %arg0, %c0_i32 : i32, i32
  }
  func.func @transform_6(%arg0: i32) -> (i32, i32) {
    %c0_i32 = arith.constant 0 : i32
    %c0_i32_0 = arith.constant 0 : i32
    return %arg0, %c0_i32 : i32, i32
  }
  func.func @transform_7(%arg0: i32) -> (i32, i32) {
    %c0_i32 = arith.constant 0 : i32
    %c0_i32_0 = arith.constant 0 : i32
    return %arg0, %c0_i32 : i32, i32
  }
}

module attributes {stable_mosaic.version = 14 : i64} {
  func.func @body(%arg0: i32, %arg1: memref<6x1000x128xf32, #tpu.memory_space<vmem>>, %arg2: memref<1000x128xf32, #tpu.memory_space<vmem>>, %arg3: memref<1000x128xf32, #tpu.memory_space<vmem>>, %arg4: memref<1000x128xf32, #tpu.memory_space<vmem>>, %arg5: memref<1000x1xf32, #tpu.memory_space<vmem>>, %arg6: memref<1000x32xf32, #tpu.memory_space<vmem>>, %arg7: memref<6x64x128xf32, #tpu.memory_space<vmem>>, %arg8: memref<6x1x128xf32, #tpu.memory_space<vmem>>, %arg9: memref<3x128x32xf32, #tpu.memory_space<vmem>>, %arg10: memref<3x32x32xf32, #tpu.memory_space<vmem>>, %arg11: memref<8x128xf32, #tpu.memory_space<vmem>>, %arg12: memref<1000x128xf32, #tpu.memory_space<vmem>>) attributes {dimension_semantics = [#tpu.dimension_semantics<arbitrary>], iteration_bounds = array<i64: 10>, scalar_prefetch = 0 : i64, scratch_operands = 0 : i64, tpu.core_type = #tpu.core_type<tc>, window_params = [{transform_indices = @transform_0, window_bounds = array<i64: 6, 1000, 128>}, {transform_indices = @transform_1, window_bounds = array<i64: 1000, 128>}, {transform_indices = @transform_2, window_bounds = array<i64: 1000, 128>}, {transform_indices = @transform_3, window_bounds = array<i64: 1000, 128>}, {transform_indices = @transform_4, window_bounds = array<i64: 1000, 1>}, {transform_indices = @transform_5, window_bounds = array<i64: 1000, 32>}, {pipeline_mode = #tpu.pipeline_mode<synchronous>, transform_indices = @transform_6, window_bounds = array<i64: 6, 64, 128>}, {pipeline_mode = #tpu.pipeline_mode<synchronous>, transform_indices = @transform_7, window_bounds = array<i64: 6, 1, 128>}, {pipeline_mode = #tpu.pipeline_mode<synchronous>, transform_indices = @transform_8, window_bounds = array<i64: 3, 128, 32>}, {pipeline_mode = #tpu.pipeline_mode<synchronous>, transform_indices = @transform_9, window_bounds = array<i64: 3, 32, 32>}, {pipeline_mode = #tpu.pipeline_mode<synchronous>, transform_indices = @transform_10, window_bounds = array<i64: 8, 128>}, {transform_indices = @transform_11, window_bounds = array<i64: 1000, 128>}]} {
    %get3A = arith.constant 0 : index
    %get3A_0 = arith.constant 0 : index
    %get3A_1 = arith.constant 0 : index
    %get3A_2 = vector.load %arg1[%get3A, %get3A_0, %get3A_1] : memref<6x1000x128xf32, #tpu.memory_space<vmem>>, vector<6x1000x128xf32>
    %get3A_3 = arith.constant 0 : index
    %get3A_4 = arith.constant 0 : index
    %get3A_5 = vector.load %arg5[%get3A_3, %get3A_4] : memref<1000x1xf32, #tpu.memory_space<vmem>>, vector<1000x1xf32>
    %get3A_6 = arith.constant 0 : index
    %get3A_7 = arith.constant 0 : index
    %get3A_8 = vector.load %arg6[%get3A_6, %get3A_7] : memref<1000x32xf32, #tpu.memory_space<vmem>>, vector<1000x32xf32>
    %get3A_9 = arith.constant 0 : index
    %get3A_10 = arith.constant 0 : index
    %get3A_11 = arith.constant 0 : index
    %get3A_12 = vector.load %arg7[%get3A_9, %get3A_10, %get3A_11] : memref<6x64x128xf32, #tpu.memory_space<vmem>>, vector<6x64x128xf32>
    %get3A_13 = arith.constant 0 : index
    %get3A_14 = arith.constant 0 : index
    %get3A_15 = arith.constant 0 : index
    %get3A_16 = vector.load %arg8[%get3A_13, %get3A_14, %get3A_15] : memref<6x1x128xf32, #tpu.memory_space<vmem>>, vector<6x1x128xf32>
    %get3A_17 = arith.constant 0 : index
    %get3A_18 = arith.constant 0 : index
    %get3A_19 = arith.constant 0 : index
    %get3A_20 = vector.load %arg9[%get3A_17, %get3A_18, %get3A_19] : memref<3x128x32xf32, #tpu.memory_space<vmem>>, vector<3x128x32xf32>
    %get3A_21 = arith.constant 0 : index
    %get3A_22 = arith.constant 0 : index
    %get3A_23 = arith.constant 0 : index
    %get3A_24 = vector.load %arg10[%get3A_21, %get3A_22, %get3A_23] : memref<3x32x32xf32, #tpu.memory_space<vmem>>, vector<3x32x32xf32>
    %get3A_25 = arith.constant 0 : index
    %get3A_26 = arith.constant 0 : index
    %get3A_27 = vector.load %arg2[%get3A_25, %get3A_26] : memref<1000x128xf32, #tpu.memory_space<vmem>>, vector<1000x128xf32>
    %get3A_28 = arith.constant 0 : index
    %get3A_29 = arith.constant 0 : index
    %get3A_30 = vector.load %arg3[%get3A_28, %get3A_29] : memref<1000x128xf32, #tpu.memory_space<vmem>>, vector<1000x128xf32>
    %get3A_31 = arith.constant 0 : index
    %get3A_32 = arith.constant 0 : index
    %get3A_33 = vector.load %arg4[%get3A_31, %get3A_32] : memref<1000x128xf32, #tpu.memory_space<vmem>>, vector<1000x128xf32>
    %slice3A = vector.extract_strided_slice %get3A_2 {offsets = [0, 0, 0], sizes = [1, 1000, 128], strides = [1, 1, 1]} : vector<6x1000x128xf32> to vector<1x1000x128xf32>
    %squeeze3A = vector.shape_cast %slice3A : vector<1x1000x128xf32> to vector<1000x128xf32>
    %slice3A_34 = vector.extract_strided_slice %get3A_2 {offsets = [1, 0, 0], sizes = [1, 1000, 128], strides = [1, 1, 1]} : vector<6x1000x128xf32> to vector<1x1000x128xf32>
    %squeeze3A_35 = vector.shape_cast %slice3A_34 : vector<1x1000x128xf32> to vector<1000x128xf32>
    %add3A = arith.addf %squeeze3A, %squeeze3A_35 : vector<1000x128xf32>
    %add3A_36 = arith.addf %add3A, %get3A_27 : vector<1000x128xf32>
    %mul3A = vector.broadcast %get3A_5 : vector<1000x1xf32> to vector<1000x128xf32>
    %mul3A_37 = arith.mulf %mul3A, %add3A_36 : vector<1000x128xf32>
    %slice3A_38 = vector.extract_strided_slice %mul3A_37 {offsets = [0, 0], sizes = [1000, 64], strides = [1, 1]} : vector<1000x128xf32> to vector<1000x64xf32>
    %slice3A_39 = vector.extract_strided_slice %get3A_12 {offsets = [0, 0, 0], sizes = [1, 64, 128], strides = [1, 1, 1]} : vector<6x64x128xf32> to vector<1x64x128xf32>
    %squeeze3A_40 = vector.shape_cast %slice3A_39 : vector<1x64x128xf32> to vector<64x128xf32>
    %dot_general3A = arith.constant dense<0.000000e+00> : vector<1000x128xf32>
    %dot_general3A_41 = tpu.matmul %slice3A_38, %squeeze3A_40, %dot_general3A {dimension_numbers = #tpu.dot_dimension_numbers<[1], [0], [0], [1], [0, 0, 1, 1], [], []>, transpose_lhs_hint = false} : vector<1000x64xf32>, vector<64x128xf32>, vector<1000x128xf32> -> vector<1000x128xf32>
    %slice3A_42 = vector.extract_strided_slice %get3A_16 {offsets = [0, 0, 0], sizes = [1, 1, 128], strides = [1, 1, 1]} : vector<6x1x128xf32> to vector<1x1x128xf32>
    %squeeze3A_43 = vector.shape_cast %slice3A_42 : vector<1x1x128xf32> to vector<1x128xf32>
    %add3A_44 = vector.broadcast %squeeze3A_43 : vector<1x128xf32> to vector<1000x128xf32>
    %add3A_45 = arith.addf %dot_general3A_41, %add3A_44 : vector<1000x128xf32>
    %tanh3A = math.tanh %add3A_45 : vector<1000x128xf32>
    %reduce_max3A = arith.constant dense<0xFF800000> : vector<128xf32>
    %reduce_max3A_46 = vector.multi_reduction <maximumf>, %tanh3A, %reduce_max3A [0] : vector<1000x128xf32> to vector<128xf32>
    %broadcast_in_dim3A = vector.shape_cast %reduce_max3A_46 : vector<128xf32> to vector<1x128xf32>
    %slice3A_47 = vector.extract_strided_slice %mul3A_37 {offsets = [0, 64], sizes = [1000, 64], strides = [1, 1]} : vector<1000x128xf32> to vector<1000x64xf32>
    %slice3A_48 = vector.extract_strided_slice %get3A_12 {offsets = [1, 0, 0], sizes = [1, 64, 128], strides = [1, 1, 1]} : vector<6x64x128xf32> to vector<1x64x128xf32>
    %squeeze3A_49 = vector.shape_cast %slice3A_48 : vector<1x64x128xf32> to vector<64x128xf32>
    %dot_general3A_50 = arith.constant dense<0.000000e+00> : vector<1000x128xf32>
    %dot_general3A_51 = tpu.matmul %slice3A_47, %squeeze3A_49, %dot_general3A_50 {dimension_numbers = #tpu.dot_dimension_numbers<[1], [0], [0], [1], [0, 0, 1, 1], [], []>, transpose_lhs_hint = false} : vector<1000x64xf32>, vector<64x128xf32>, vector<1000x128xf32> -> vector<1000x128xf32>
    %slice3A_52 = vector.extract_strided_slice %get3A_16 {offsets = [1, 0, 0], sizes = [1, 1, 128], strides = [1, 1, 1]} : vector<6x1x128xf32> to vector<1x1x128xf32>
    %squeeze3A_53 = vector.shape_cast %slice3A_52 : vector<1x1x128xf32> to vector<1x128xf32>
    %add3A_54 = vector.broadcast %squeeze3A_53 : vector<1x128xf32> to vector<1000x128xf32>
    %add3A_55 = arith.addf %dot_general3A_51, %add3A_54 : vector<1000x128xf32>
    %tanh3A_56 = math.tanh %add3A_55 : vector<1000x128xf32>
    %slice3A_57 = vector.extract_strided_slice %get3A_20 {offsets = [0, 0, 0], sizes = [1, 128, 32], strides = [1, 1, 1]} : vector<3x128x32xf32> to vector<1x128x32xf32>
    %squeeze3A_58 = vector.shape_cast %slice3A_57 : vector<1x128x32xf32> to vector<128x32xf32>
    %dot_general3A_59 = arith.constant dense<0.000000e+00> : vector<1000x32xf32>
    %dot_general3A_60 = tpu.matmul %tanh3A_56, %squeeze3A_58, %dot_general3A_59 {dimension_numbers = #tpu.dot_dimension_numbers<[1], [0], [0], [1], [0, 0, 1, 1], [], []>, transpose_lhs_hint = false} : vector<1000x128xf32>, vector<128x32xf32>, vector<1000x32xf32> -> vector<1000x32xf32>
    %slice3A_61 = vector.extract_strided_slice %get3A_24 {offsets = [0, 0, 0], sizes = [1, 32, 32], strides = [1, 1, 1]} : vector<3x32x32xf32> to vector<1x32x32xf32>
    %squeeze3A_62 = vector.shape_cast %slice3A_61 : vector<1x32x32xf32> to vector<32x32xf32>
    %dot_general3A_63 = arith.constant dense<0.000000e+00> : vector<1000x32xf32>
    %dot_general3A_64 = tpu.matmul %get3A_8, %squeeze3A_62, %dot_general3A_63 {dimension_numbers = #tpu.dot_dimension_numbers<[1], [0], [0], [1], [0, 0, 1, 1], [], []>, transpose_lhs_hint = false} : vector<1000x32xf32>, vector<32x32xf32>, vector<1000x32xf32> -> vector<1000x32xf32>
    %add3A_65 = arith.addf %dot_general3A_60, %dot_general3A_64 : vector<1000x32xf32>
    %mul3A_66 = vector.broadcast %get3A_5 : vector<1000x1xf32> to vector<1000x32xf32>
    %mul3A_67 = arith.mulf %mul3A_66, %add3A_65 : vector<1000x32xf32>
    %slice3A_68 = vector.extract_strided_slice %get3A_2 {offsets = [2, 0, 0], sizes = [1, 1000, 128], strides = [1, 1, 1]} : vector<6x1000x128xf32> to vector<1x1000x128xf32>
    %squeeze3A_69 = vector.shape_cast %slice3A_68 : vector<1x1000x128xf32> to vector<1000x128xf32>
    %slice3A_70 = vector.extract_strided_slice %get3A_2 {offsets = [3, 0, 0], sizes = [1, 1000, 128], strides = [1, 1, 1]} : vector<6x1000x128xf32> to vector<1x1000x128xf32>
    %squeeze3A_71 = vector.shape_cast %slice3A_70 : vector<1x1000x128xf32> to vector<1000x128xf32>
    %add3A_72 = arith.addf %squeeze3A_69, %squeeze3A_71 : vector<1000x128xf32>
    %add3A_73 = arith.addf %add3A_72, %get3A_30 : vector<1000x128xf32>
    %mul3A_74 = vector.broadcast %get3A_5 : vector<1000x1xf32> to vector<1000x128xf32>
    %mul3A_75 = arith.mulf %mul3A_74, %add3A_73 : vector<1000x128xf32>
    %slice3A_76 = vector.extract_strided_slice %mul3A_75 {offsets = [0, 0], sizes = [1000, 64], strides = [1, 1]} : vector<1000x128xf32> to vector<1000x64xf32>
    %slice3A_77 = vector.extract_strided_slice %get3A_12 {offsets = [2, 0, 0], sizes = [1, 64, 128], strides = [1, 1, 1]} : vector<6x64x128xf32> to vector<1x64x128xf32>
    %squeeze3A_78 = vector.shape_cast %slice3A_77 : vector<1x64x128xf32> to vector<64x128xf32>
    %dot_general3A_79 = arith.constant dense<0.000000e+00> : vector<1000x128xf32>
    %dot_general3A_80 = tpu.matmul %slice3A_76, %squeeze3A_78, %dot_general3A_79 {dimension_numbers = #tpu.dot_dimension_numbers<[1], [0], [0], [1], [0, 0, 1, 1], [], []>, transpose_lhs_hint = false} : vector<1000x64xf32>, vector<64x128xf32>, vector<1000x128xf32> -> vector<1000x128xf32>
    %slice3A_81 = vector.extract_strided_slice %get3A_16 {offsets = [2, 0, 0], sizes = [1, 1, 128], strides = [1, 1, 1]} : vector<6x1x128xf32> to vector<1x1x128xf32>
    %squeeze3A_82 = vector.shape_cast %slice3A_81 : vector<1x1x128xf32> to vector<1x128xf32>
    %add3A_83 = vector.broadcast %squeeze3A_82 : vector<1x128xf32> to vector<1000x128xf32>
    %add3A_84 = arith.addf %dot_general3A_80, %add3A_83 : vector<1000x128xf32>
    %tanh3A_85 = math.tanh %add3A_84 : vector<1000x128xf32>
    %reduce_max3A_86 = arith.constant dense<0xFF800000> : vector<128xf32>
    %reduce_max3A_87 = vector.multi_reduction <maximumf>, %tanh3A_85, %reduce_max3A_86 [0] : vector<1000x128xf32> to vector<128xf32>
    %broadcast_in_dim3A_88 = vector.shape_cast %reduce_max3A_87 : vector<128xf32> to vector<1x128xf32>
    %slice3A_89 = vector.extract_strided_slice %mul3A_75 {offsets = [0, 64], sizes = [1000, 64], strides = [1, 1]} : vector<1000x128xf32> to vector<1000x64xf32>
    %slice3A_90 = vector.extract_strided_slice %get3A_12 {offsets = [3, 0, 0], sizes = [1, 64, 128], strides = [1, 1, 1]} : vector<6x64x128xf32> to vector<1x64x128xf32>
    %squeeze3A_91 = vector.shape_cast %slice3A_90 : vector<1x64x128xf32> to vector<64x128xf32>
    %dot_general3A_92 = arith.constant dense<0.000000e+00> : vector<1000x128xf32>
    %dot_general3A_93 = tpu.matmul %slice3A_89, %squeeze3A_91, %dot_general3A_92 {dimension_numbers = #tpu.dot_dimension_numbers<[1], [0], [0], [1], [0, 0, 1, 1], [], []>, transpose_lhs_hint = false} : vector<1000x64xf32>, vector<64x128xf32>, vector<1000x128xf32> -> vector<1000x128xf32>
    %slice3A_94 = vector.extract_strided_slice %get3A_16 {offsets = [3, 0, 0], sizes = [1, 1, 128], strides = [1, 1, 1]} : vector<6x1x128xf32> to vector<1x1x128xf32>
    %squeeze3A_95 = vector.shape_cast %slice3A_94 : vector<1x1x128xf32> to vector<1x128xf32>
    %add3A_96 = vector.broadcast %squeeze3A_95 : vector<1x128xf32> to vector<1000x128xf32>
    %add3A_97 = arith.addf %dot_general3A_93, %add3A_96 : vector<1000x128xf32>
    %tanh3A_98 = math.tanh %add3A_97 : vector<1000x128xf32>
    %slice3A_99 = vector.extract_strided_slice %get3A_20 {offsets = [1, 0, 0], sizes = [1, 128, 32], strides = [1, 1, 1]} : vector<3x128x32xf32> to vector<1x128x32xf32>
    %squeeze3A_100 = vector.shape_cast %slice3A_99 : vector<1x128x32xf32> to vector<128x32xf32>
    %dot_general3A_101 = arith.constant dense<0.000000e+00> : vector<1000x32xf32>
    %dot_general3A_102 = tpu.matmul %tanh3A_98, %squeeze3A_100, %dot_general3A_101 {dimension_numbers = #tpu.dot_dimension_numbers<[1], [0], [0], [1], [0, 0, 1, 1], [], []>, transpose_lhs_hint = false} : vector<1000x128xf32>, vector<128x32xf32>, vector<1000x32xf32> -> vector<1000x32xf32>
    %slice3A_103 = vector.extract_strided_slice %get3A_24 {offsets = [1, 0, 0], sizes = [1, 32, 32], strides = [1, 1, 1]} : vector<3x32x32xf32> to vector<1x32x32xf32>
    %squeeze3A_104 = vector.shape_cast %slice3A_103 : vector<1x32x32xf32> to vector<32x32xf32>
    %dot_general3A_105 = arith.constant dense<0.000000e+00> : vector<1000x32xf32>
    %dot_general3A_106 = tpu.matmul %get3A_8, %squeeze3A_104, %dot_general3A_105 {dimension_numbers = #tpu.dot_dimension_numbers<[1], [0], [0], [1], [0, 0, 1, 1], [], []>, transpose_lhs_hint = false} : vector<1000x32xf32>, vector<32x32xf32>, vector<1000x32xf32> -> vector<1000x32xf32>
    %add3A_107 = arith.addf %dot_general3A_102, %dot_general3A_106 : vector<1000x32xf32>
    %mul3A_108 = vector.broadcast %get3A_5 : vector<1000x1xf32> to vector<1000x32xf32>
    %mul3A_109 = arith.mulf %mul3A_108, %add3A_107 : vector<1000x32xf32>
    %slice3A_110 = vector.extract_strided_slice %get3A_2 {offsets = [4, 0, 0], sizes = [1, 1000, 128], strides = [1, 1, 1]} : vector<6x1000x128xf32> to vector<1x1000x128xf32>
    %squeeze3A_111 = vector.shape_cast %slice3A_110 : vector<1x1000x128xf32> to vector<1000x128xf32>
    %slice3A_112 = vector.extract_strided_slice %get3A_2 {offsets = [5, 0, 0], sizes = [1, 1000, 128], strides = [1, 1, 1]} : vector<6x1000x128xf32> to vector<1x1000x128xf32>
    %squeeze3A_113 = vector.shape_cast %slice3A_112 : vector<1x1000x128xf32> to vector<1000x128xf32>
    %add3A_114 = arith.addf %squeeze3A_111, %squeeze3A_113 : vector<1000x128xf32>
    %add3A_115 = arith.addf %add3A_114, %get3A_33 : vector<1000x128xf32>
    %mul3A_116 = vector.broadcast %get3A_5 : vector<1000x1xf32> to vector<1000x128xf32>
    %mul3A_117 = arith.mulf %mul3A_116, %add3A_115 : vector<1000x128xf32>
    %slice3A_118 = vector.extract_strided_slice %mul3A_117 {offsets = [0, 0], sizes = [1000, 64], strides = [1, 1]} : vector<1000x128xf32> to vector<1000x64xf32>
    %slice3A_119 = vector.extract_strided_slice %get3A_12 {offsets = [4, 0, 0], sizes = [1, 64, 128], strides = [1, 1, 1]} : vector<6x64x128xf32> to vector<1x64x128xf32>
    %squeeze3A_120 = vector.shape_cast %slice3A_119 : vector<1x64x128xf32> to vector<64x128xf32>
    %dot_general3A_121 = arith.constant dense<0.000000e+00> : vector<1000x128xf32>
    %dot_general3A_122 = tpu.matmul %slice3A_118, %squeeze3A_120, %dot_general3A_121 {dimension_numbers = #tpu.dot_dimension_numbers<[1], [0], [0], [1], [0, 0, 1, 1], [], []>, transpose_lhs_hint = false} : vector<1000x64xf32>, vector<64x128xf32>, vector<1000x128xf32> -> vector<1000x128xf32>
    %slice3A_123 = vector.extract_strided_slice %get3A_16 {offsets = [4, 0, 0], sizes = [1, 1, 128], strides = [1, 1, 1]} : vector<6x1x128xf32> to vector<1x1x128xf32>
    %squeeze3A_124 = vector.shape_cast %slice3A_123 : vector<1x1x128xf32> to vector<1x128xf32>
    %add3A_125 = vector.broadcast %squeeze3A_124 : vector<1x128xf32> to vector<1000x128xf32>
    %add3A_126 = arith.addf %dot_general3A_122, %add3A_125 : vector<1000x128xf32>
    %tanh3A_127 = math.tanh %add3A_126 : vector<1000x128xf32>
    %reduce_max3A_128 = arith.constant dense<0xFF800000> : vector<128xf32>
    %reduce_max3A_129 = vector.multi_reduction <maximumf>, %tanh3A_127, %reduce_max3A_128 [0] : vector<1000x128xf32> to vector<128xf32>
    %broadcast_in_dim3A_130 = vector.shape_cast %reduce_max3A_129 : vector<128xf32> to vector<1x128xf32>
    %slice3A_131 = vector.extract_strided_slice %mul3A_117 {offsets = [0, 64], sizes = [1000, 64], strides = [1, 1]} : vector<1000x128xf32> to vector<1000x64xf32>
    %slice3A_132 = vector.extract_strided_slice %get3A_12 {offsets = [5, 0, 0], sizes = [1, 64, 128], strides = [1, 1, 1]} : vector<6x64x128xf32> to vector<1x64x128xf32>
    %squeeze3A_133 = vector.shape_cast %slice3A_132 : vector<1x64x128xf32> to vector<64x128xf32>
    %dot_general3A_134 = arith.constant dense<0.000000e+00> : vector<1000x128xf32>
    %dot_general3A_135 = tpu.matmul %slice3A_131, %squeeze3A_133, %dot_general3A_134 {dimension_numbers = #tpu.dot_dimension_numbers<[1], [0], [0], [1], [0, 0, 1, 1], [], []>, transpose_lhs_hint = false} : vector<1000x64xf32>, vector<64x128xf32>, vector<1000x128xf32> -> vector<1000x128xf32>
    %slice3A_136 = vector.extract_strided_slice %get3A_16 {offsets = [5, 0, 0], sizes = [1, 1, 128], strides = [1, 1, 1]} : vector<6x1x128xf32> to vector<1x1x128xf32>
    %squeeze3A_137 = vector.shape_cast %slice3A_136 : vector<1x1x128xf32> to vector<1x128xf32>
    %add3A_138 = vector.broadcast %squeeze3A_137 : vector<1x128xf32> to vector<1000x128xf32>
    %add3A_139 = arith.addf %dot_general3A_135, %add3A_138 : vector<1000x128xf32>
    %tanh3A_140 = math.tanh %add3A_139 : vector<1000x128xf32>
    %slice3A_141 = vector.extract_strided_slice %get3A_20 {offsets = [2, 0, 0], sizes = [1, 128, 32], strides = [1, 1, 1]} : vector<3x128x32xf32> to vector<1x128x32xf32>
    %squeeze3A_142 = vector.shape_cast %slice3A_141 : vector<1x128x32xf32> to vector<128x32xf32>
    %dot_general3A_143 = arith.constant dense<0.000000e+00> : vector<1000x32xf32>
    %dot_general3A_144 = tpu.matmul %tanh3A_140, %squeeze3A_142, %dot_general3A_143 {dimension_numbers = #tpu.dot_dimension_numbers<[1], [0], [0], [1], [0, 0, 1, 1], [], []>, transpose_lhs_hint = false} : vector<1000x128xf32>, vector<128x32xf32>, vector<1000x32xf32> -> vector<1000x32xf32>
    %slice3A_145 = vector.extract_strided_slice %get3A_24 {offsets = [2, 0, 0], sizes = [1, 32, 32], strides = [1, 1, 1]} : vector<3x32x32xf32> to vector<1x32x32xf32>
    %squeeze3A_146 = vector.shape_cast %slice3A_145 : vector<1x32x32xf32> to vector<32x32xf32>
    %dot_general3A_147 = arith.constant dense<0.000000e+00> : vector<1000x32xf32>
    %dot_general3A_148 = tpu.matmul %get3A_8, %squeeze3A_146, %dot_general3A_147 {dimension_numbers = #tpu.dot_dimension_numbers<[1], [0], [0], [1], [0, 0, 1, 1], [], []>, transpose_lhs_hint = false} : vector<1000x32xf32>, vector<32x32xf32>, vector<1000x32xf32> -> vector<1000x32xf32>
    %add3A_149 = arith.addf %dot_general3A_144, %dot_general3A_148 : vector<1000x32xf32>
    %mul3A_150 = vector.broadcast %get3A_5 : vector<1000x1xf32> to vector<1000x32xf32>
    %mul3A_151 = arith.mulf %mul3A_150, %add3A_149 : vector<1000x32xf32>
    %broadcast_in_dim3A_152 = arith.constant -3.400000e+38 : f32
    %broadcast_in_dim3A_153 = vector.broadcast %broadcast_in_dim3A_152 : f32 to vector<5x128xf32>
    %concatenate3A = tpu.concatenate %broadcast_in_dim3A, %broadcast_in_dim3A_88, %broadcast_in_dim3A_130, %broadcast_in_dim3A_153 in 0 : vector<1x128xf32>, vector<1x128xf32>, vector<1x128xf32>, vector<5x128xf32> -> vector<8x128xf32>
    %concatenate3A_154 = tpu.concatenate %mul3A_67, %mul3A_109, %mul3A_151 in 1 : vector<1000x32xf32>, vector<1000x32xf32>, vector<1000x32xf32> -> vector<1000x96xf32>
    %broadcast_in_dim3A_155 = arith.constant 0.000000e+00 : f32
    %broadcast_in_dim3A_156 = vector.broadcast %broadcast_in_dim3A_155 : f32 to vector<1000x32xf32>
    %concatenate3A_157 = tpu.concatenate %concatenate3A_154, %broadcast_in_dim3A_156 in 1 : vector<1000x96xf32>, vector<1000x32xf32> -> vector<1000x128xf32>
    %swap3A = arith.constant 0 : index
    %swap3A_158 = arith.constant 0 : index
    %swap3A_159 = vector.load %arg12[%swap3A, %swap3A_158] : memref<1000x128xf32, #tpu.memory_space<vmem>>, vector<1000x128xf32>
    tpu.vector_store %arg12[%swap3A, %swap3A_158], %concatenate3A_157 {strides = array<i32>} : memref<1000x128xf32, #tpu.memory_space<vmem>>, vector<1000x128xf32>,
    %eq3A = arith.constant 0 : i32
    %eq3A_160 = arith.cmpi eq, %arg0, %eq3A : i32
    %convert_element_type3A = arith.extui %eq3A_160 : i1 to i32
    %cond3A = arith.constant 0 : i32
    %cond3A_161 = arith.cmpi ne, %convert_element_type3A, %cond3A : i32
    scf.if %cond3A_161 {
      %swap3A_166 = arith.constant 0 : index
      %swap3A_167 = arith.constant 0 : index
      %swap3A_168 = vector.load %arg11[%swap3A_166, %swap3A_167] : memref<8x128xf32, #tpu.memory_space<vmem>>, vector<8x128xf32>
      tpu.vector_store %arg11[%swap3A_166, %swap3A_167], %concatenate3A {strides = array<i32>} : memref<8x128xf32, #tpu.memory_space<vmem>>, vector<8x128xf32>,
    } else {
    }
    %gt3A = arith.constant 0 : i32
    %gt3A_162 = arith.cmpi sgt, %arg0, %gt3A : i32
    %convert_element_type3A_163 = arith.extui %gt3A_162 : i1 to i32
    %cond3A_164 = arith.constant 0 : i32
    %cond3A_165 = arith.cmpi ne, %convert_element_type3A_163, %cond3A_164 : i32
    scf.if %cond3A_165 {
      %get3A_166 = arith.constant 0 : index
      %get3A_167 = arith.constant 0 : index
      %get3A_168 = vector.load %arg11[%get3A_166, %get3A_167] : memref<8x128xf32, #tpu.memory_space<vmem>>, vector<8x128xf32>
      %max3A = arith.maximumf %get3A_168, %concatenate3A : vector<8x128xf32>
      %swap3A_169 = arith.constant 0 : index
      %swap3A_170 = arith.constant 0 : index
      %swap3A_171 = vector.load %arg11[%swap3A_169, %swap3A_170] : memref<8x128xf32, #tpu.memory_space<vmem>>, vector<8x128xf32>
      tpu.vector_store %arg11[%swap3A_169, %swap3A_170], %max3A {strides = array<i32>} : memref<8x128xf32, #tpu.memory_space<vmem>>, vector<8x128xf32>,
    } else {
    }
    return
  }
  func.func @transform_0(%arg0: i32) -> (i32, i32, i32) {
    %c0_i32 = arith.constant 0 : i32
    %c0_i32_0 = arith.constant 0 : i32
    %c0_i32_1 = arith.constant 0 : i32
    return %c0_i32, %arg0, %c0_i32_0 : i32, i32, i32
  }
  func.func @transform_1(%arg0: i32) -> (i32, i32) {
    %c0_i32 = arith.constant 0 : i32
    %c0_i32_0 = arith.constant 0 : i32
    return %arg0, %c0_i32 : i32, i32
  }
  func.func @transform_2(%arg0: i32) -> (i32, i32) {
    %c0_i32 = arith.constant 0 : i32
    %c0_i32_0 = arith.constant 0 : i32
    return %arg0, %c0_i32 : i32, i32
  }
  func.func @transform_3(%arg0: i32) -> (i32, i32) {
    %c0_i32 = arith.constant 0 : i32
    %c0_i32_0 = arith.constant 0 : i32
    return %arg0, %c0_i32 : i32, i32
  }
  func.func @transform_4(%arg0: i32) -> (i32, i32) {
    %c0_i32 = arith.constant 0 : i32
    %c0_i32_0 = arith.constant 0 : i32
    return %arg0, %c0_i32 : i32, i32
  }
  func.func @transform_5(%arg0: i32) -> (i32, i32) {
    %c0_i32 = arith.constant 0 : i32
    %c0_i32_0 = arith.constant 0 : i32
    return %arg0, %c0_i32 : i32, i32
  }
  func.func @transform_6(%arg0: i32) -> (i32, i32, i32) {
    %c0_i32 = arith.constant 0 : i32
    %c0_i32_0 = arith.constant 0 : i32
    %c0_i32_1 = arith.constant 0 : i32
    %c0_i32_2 = arith.constant 0 : i32
    return %c0_i32, %c0_i32_0, %c0_i32_1 : i32, i32, i32
  }
  func.func @transform_7(%arg0: i32) -> (i32, i32, i32) {
    %c0_i32 = arith.constant 0 : i32
    %c0_i32_0 = arith.constant 0 : i32
    %c0_i32_1 = arith.constant 0 : i32
    %c0_i32_2 = arith.constant 0 : i32
    return %c0_i32, %c0_i32_0, %c0_i32_1 : i32, i32, i32
  }
  func.func @transform_8(%arg0: i32) -> (i32, i32, i32) {
    %c0_i32 = arith.constant 0 : i32
    %c0_i32_0 = arith.constant 0 : i32
    %c0_i32_1 = arith.constant 0 : i32
    %c0_i32_2 = arith.constant 0 : i32
    return %c0_i32, %c0_i32_0, %c0_i32_1 : i32, i32, i32
  }
  func.func @transform_9(%arg0: i32) -> (i32, i32, i32) {
    %c0_i32 = arith.constant 0 : i32
    %c0_i32_0 = arith.constant 0 : i32
    %c0_i32_1 = arith.constant 0 : i32
    %c0_i32_2 = arith.constant 0 : i32
    return %c0_i32, %c0_i32_0, %c0_i32_1 : i32, i32, i32
  }
  func.func @transform_10(%arg0: i32) -> (i32, i32) {
    %c0_i32 = arith.constant 0 : i32
    %c0_i32_0 = arith.constant 0 : i32
    %c0_i32_1 = arith.constant 0 : i32
    return %c0_i32, %c0_i32_0 : i32, i32
  }
  func.func @transform_11(%arg0: i32) -> (i32, i32) {
    %c0_i32 = arith.constant 0 : i32
    %c0_i32_0 = arith.constant 0 : i32
    return %arg0, %c0_i32 : i32, i32
  }
}

module attributes {stable_mosaic.version = 14 : i64} {
  func.func @body(%arg0: i32, %arg1: memref<2x1000x128xf32, #tpu.memory_space<vmem>>, %arg2: memref<1000x128xf32, #tpu.memory_space<vmem>>, %arg3: memref<1000x1xf32, #tpu.memory_space<vmem>>, %arg4: memref<1000x1xf32, #tpu.memory_space<vmem>>, %arg5: memref<8x128xf32, #tpu.memory_space<vmem>>, %arg6: memref<3x128x32xf32, #tpu.memory_space<vmem>>, %arg7: memref<3x1x32xf32, #tpu.memory_space<vmem>>, %arg8: memref<1000x96xf32, #tpu.memory_space<vmem>>, %arg9: memref<1000x128xf32, #tpu.memory_space<vmem>>) attributes {dimension_semantics = [#tpu.dimension_semantics<arbitrary>], iteration_bounds = array<i64: 10>, scalar_prefetch = 0 : i64, scratch_operands = 0 : i64, tpu.core_type = #tpu.core_type<tc>, window_params = [{transform_indices = @transform_0, window_bounds = array<i64: 2, 1000, 128>}, {transform_indices = @transform_1, window_bounds = array<i64: 1000, 128>}, {transform_indices = @transform_2, window_bounds = array<i64: 1000, 1>}, {transform_indices = @transform_3, window_bounds = array<i64: 1000, 1>}, {pipeline_mode = #tpu.pipeline_mode<synchronous>, transform_indices = @transform_4, window_bounds = array<i64: 8, 128>}, {pipeline_mode = #tpu.pipeline_mode<synchronous>, transform_indices = @transform_5, window_bounds = array<i64: 3, 128, 32>}, {pipeline_mode = #tpu.pipeline_mode<synchronous>, transform_indices = @transform_6, window_bounds = array<i64: 3, 1, 32>}, {transform_indices = @transform_7, window_bounds = array<i64: 1000, 96>}, {transform_indices = @transform_8, window_bounds = array<i64: 1000, 128>}]} {
    %get3A = arith.constant 0 : index
    %get3A_0 = arith.constant 0 : index
    %get3A_1 = arith.constant 0 : index
    %get3A_2 = vector.load %arg1[%get3A, %get3A_0, %get3A_1] : memref<2x1000x128xf32, #tpu.memory_space<vmem>>, vector<2x1000x128xf32>
    %get3A_3 = arith.constant 0 : index
    %get3A_4 = arith.constant 0 : index
    %get3A_5 = vector.load %arg3[%get3A_3, %get3A_4] : memref<1000x1xf32, #tpu.memory_space<vmem>>, vector<1000x1xf32>
    %get3A_6 = arith.constant 0 : index
    %get3A_7 = arith.constant 0 : index
    %get3A_8 = vector.load %arg4[%get3A_6, %get3A_7] : memref<1000x1xf32, #tpu.memory_space<vmem>>, vector<1000x1xf32>
    %get3A_9 = arith.constant 0 : index
    %get3A_10 = arith.constant 0 : index
    %get3A_11 = vector.load %arg5[%get3A_9, %get3A_10] : memref<8x128xf32, #tpu.memory_space<vmem>>, vector<8x128xf32>
    %get3A_12 = arith.constant 0 : index
    %get3A_13 = arith.constant 0 : index
    %get3A_14 = arith.constant 0 : index
    %get3A_15 = vector.load %arg6[%get3A_12, %get3A_13, %get3A_14] : memref<3x128x32xf32, #tpu.memory_space<vmem>>, vector<3x128x32xf32>
    %get3A_16 = arith.constant 0 : index
    %get3A_17 = arith.constant 0 : index
    %get3A_18 = arith.constant 0 : index
    %get3A_19 = vector.load %arg7[%get3A_16, %get3A_17, %get3A_18] : memref<3x1x32xf32, #tpu.memory_space<vmem>>, vector<3x1x32xf32>
    %slice3A = vector.extract_strided_slice %get3A_2 {offsets = [0, 0, 0], sizes = [1, 1000, 96], strides = [1, 1, 1]} : vector<2x1000x128xf32> to vector<1x1000x96xf32>
    %squeeze3A = vector.shape_cast %slice3A : vector<1x1000x96xf32> to vector<1000x96xf32>
    %slice3A_20 = vector.extract_strided_slice %get3A_2 {offsets = [1, 0, 0], sizes = [1, 1000, 96], strides = [1, 1, 1]} : vector<2x1000x128xf32> to vector<1x1000x96xf32>
    %squeeze3A_21 = vector.shape_cast %slice3A_20 : vector<1x1000x96xf32> to vector<1000x96xf32>
    %add3A = arith.addf %squeeze3A, %squeeze3A_21 : vector<1000x96xf32>
    %get3A_22 = arith.constant 0 : index
    %get3A_23 = arith.constant 0 : index
    %get3A_24 = vector.load %arg2[%get3A_22, %get3A_23] : memref<1000x128xf32, #tpu.memory_space<vmem>>, vector<1000x128xf32>
    %slice3A_25 = vector.extract_strided_slice %get3A_24 {offsets = [0, 0], sizes = [1000, 96], strides = [1, 1]} : vector<1000x128xf32> to vector<1000x96xf32>
    %add3A_26 = arith.addf %add3A, %slice3A_25 : vector<1000x96xf32>
    %mul3A = vector.broadcast %get3A_5 : vector<1000x1xf32> to vector<1000x96xf32>
    %mul3A_27 = arith.mulf %mul3A, %add3A_26 : vector<1000x96xf32>
    %slice3A_28 = vector.extract_strided_slice %get3A_11 {offsets = [0, 0], sizes = [1, 128], strides = [1, 1]} : vector<8x128xf32> to vector<1x128xf32>
    %slice3A_29 = vector.extract_strided_slice %get3A_15 {offsets = [0, 0, 0], sizes = [1, 128, 32], strides = [1, 1, 1]} : vector<3x128x32xf32> to vector<1x128x32xf32>
    %squeeze3A_30 = vector.shape_cast %slice3A_29 : vector<1x128x32xf32> to vector<128x32xf32>
    %dot_general3A = arith.constant dense<0.000000e+00> : vector<1x32xf32>
    %dot_general3A_31 = tpu.matmul %slice3A_28, %squeeze3A_30, %dot_general3A {dimension_numbers = #tpu.dot_dimension_numbers<[1], [0], [0], [1], [0, 0, 1, 1], [], []>, transpose_lhs_hint = false} : vector<1x128xf32>, vector<128x32xf32>, vector<1x32xf32> -> vector<1x32xf32>
    %slice3A_32 = vector.extract_strided_slice %mul3A_27 {offsets = [0, 0], sizes = [1000, 32], strides = [1, 1]} : vector<1000x96xf32> to vector<1000x32xf32>
    %mul3A_33 = vector.broadcast %get3A_8 : vector<1000x1xf32> to vector<1000x32xf32>
    %mul3A_34 = vector.broadcast %dot_general3A_31 : vector<1x32xf32> to vector<1000x32xf32>
    %mul3A_35 = arith.mulf %mul3A_33, %mul3A_34 : vector<1000x32xf32>
    %add3A_36 = arith.addf %slice3A_32, %mul3A_35 : vector<1000x32xf32>
    %slice3A_37 = vector.extract_strided_slice %get3A_19 {offsets = [0, 0, 0], sizes = [1, 1, 32], strides = [1, 1, 1]} : vector<3x1x32xf32> to vector<1x1x32xf32>
    %squeeze3A_38 = vector.shape_cast %slice3A_37 : vector<1x1x32xf32> to vector<1x32xf32>
    %add3A_39 = vector.broadcast %squeeze3A_38 : vector<1x32xf32> to vector<1000x32xf32>
    %add3A_40 = arith.addf %add3A_36, %add3A_39 : vector<1000x32xf32>
    %tanh3A = math.tanh %add3A_40 : vector<1000x32xf32>
    %slice3A_41 = vector.extract_strided_slice %get3A_11 {offsets = [1, 0], sizes = [1, 128], strides = [1, 1]} : vector<8x128xf32> to vector<1x128xf32>
    %slice3A_42 = vector.extract_strided_slice %get3A_15 {offsets = [1, 0, 0], sizes = [1, 128, 32], strides = [1, 1, 1]} : vector<3x128x32xf32> to vector<1x128x32xf32>
    %squeeze3A_43 = vector.shape_cast %slice3A_42 : vector<1x128x32xf32> to vector<128x32xf32>
    %dot_general3A_44 = arith.constant dense<0.000000e+00> : vector<1x32xf32>
    %dot_general3A_45 = tpu.matmul %slice3A_41, %squeeze3A_43, %dot_general3A_44 {dimension_numbers = #tpu.dot_dimension_numbers<[1], [0], [0], [1], [0, 0, 1, 1], [], []>, transpose_lhs_hint = false} : vector<1x128xf32>, vector<128x32xf32>, vector<1x32xf32> -> vector<1x32xf32>
    %slice3A_46 = vector.extract_strided_slice %mul3A_27 {offsets = [0, 32], sizes = [1000, 32], strides = [1, 1]} : vector<1000x96xf32> to vector<1000x32xf32>
    %mul3A_47 = vector.broadcast %get3A_8 : vector<1000x1xf32> to vector<1000x32xf32>
    %mul3A_48 = vector.broadcast %dot_general3A_45 : vector<1x32xf32> to vector<1000x32xf32>
    %mul3A_49 = arith.mulf %mul3A_47, %mul3A_48 : vector<1000x32xf32>
    %add3A_50 = arith.addf %slice3A_46, %mul3A_49 : vector<1000x32xf32>
    %slice3A_51 = vector.extract_strided_slice %get3A_19 {offsets = [1, 0, 0], sizes = [1, 1, 32], strides = [1, 1, 1]} : vector<3x1x32xf32> to vector<1x1x32xf32>
    %squeeze3A_52 = vector.shape_cast %slice3A_51 : vector<1x1x32xf32> to vector<1x32xf32>
    %add3A_53 = vector.broadcast %squeeze3A_52 : vector<1x32xf32> to vector<1000x32xf32>
    %add3A_54 = arith.addf %add3A_50, %add3A_53 : vector<1000x32xf32>
    %tanh3A_55 = math.tanh %add3A_54 : vector<1000x32xf32>
    %slice3A_56 = vector.extract_strided_slice %get3A_11 {offsets = [2, 0], sizes = [1, 128], strides = [1, 1]} : vector<8x128xf32> to vector<1x128xf32>
    %slice3A_57 = vector.extract_strided_slice %get3A_15 {offsets = [2, 0, 0], sizes = [1, 128, 32], strides = [1, 1, 1]} : vector<3x128x32xf32> to vector<1x128x32xf32>
    %squeeze3A_58 = vector.shape_cast %slice3A_57 : vector<1x128x32xf32> to vector<128x32xf32>
    %dot_general3A_59 = arith.constant dense<0.000000e+00> : vector<1x32xf32>
    %dot_general3A_60 = tpu.matmul %slice3A_56, %squeeze3A_58, %dot_general3A_59 {dimension_numbers = #tpu.dot_dimension_numbers<[1], [0], [0], [1], [0, 0, 1, 1], [], []>, transpose_lhs_hint = false} : vector<1x128xf32>, vector<128x32xf32>, vector<1x32xf32> -> vector<1x32xf32>
    %slice3A_61 = vector.extract_strided_slice %mul3A_27 {offsets = [0, 64], sizes = [1000, 32], strides = [1, 1]} : vector<1000x96xf32> to vector<1000x32xf32>
    %mul3A_62 = vector.broadcast %get3A_8 : vector<1000x1xf32> to vector<1000x32xf32>
    %mul3A_63 = vector.broadcast %dot_general3A_60 : vector<1x32xf32> to vector<1000x32xf32>
    %mul3A_64 = arith.mulf %mul3A_62, %mul3A_63 : vector<1000x32xf32>
    %add3A_65 = arith.addf %slice3A_61, %mul3A_64 : vector<1000x32xf32>
    %slice3A_66 = vector.extract_strided_slice %get3A_19 {offsets = [2, 0, 0], sizes = [1, 1, 32], strides = [1, 1, 1]} : vector<3x1x32xf32> to vector<1x1x32xf32>
    %squeeze3A_67 = vector.shape_cast %slice3A_66 : vector<1x1x32xf32> to vector<1x32xf32>
    %add3A_68 = vector.broadcast %squeeze3A_67 : vector<1x32xf32> to vector<1000x32xf32>
    %add3A_69 = arith.addf %add3A_65, %add3A_68 : vector<1000x32xf32>
    %tanh3A_70 = math.tanh %add3A_69 : vector<1000x32xf32>
    %concatenate3A = tpu.concatenate %tanh3A, %tanh3A_55, %tanh3A_70 in 1 : vector<1000x32xf32>, vector<1000x32xf32>, vector<1000x32xf32> -> vector<1000x96xf32>
    %swap3A = arith.constant 0 : index
    %swap3A_71 = arith.constant 0 : index
    %swap3A_72 = vector.load %arg8[%swap3A, %swap3A_71] : memref<1000x96xf32, #tpu.memory_space<vmem>>, vector<1000x96xf32>
    tpu.vector_store %arg8[%swap3A, %swap3A_71], %concatenate3A {strides = array<i32>} : memref<1000x96xf32, #tpu.memory_space<vmem>>, vector<1000x96xf32>,
    %mul3A_73 = vector.broadcast %get3A_5 : vector<1000x1xf32> to vector<1000x96xf32>
    %mul3A_74 = arith.mulf %mul3A_73, %concatenate3A : vector<1000x96xf32>
    %broadcast_in_dim3A = arith.constant 0.000000e+00 : f32
    %broadcast_in_dim3A_75 = vector.broadcast %broadcast_in_dim3A : f32 to vector<1000x32xf32>
    %concatenate3A_76 = tpu.concatenate %mul3A_74, %broadcast_in_dim3A_75 in 1 : vector<1000x96xf32>, vector<1000x32xf32> -> vector<1000x128xf32>
    %swap3A_77 = arith.constant 0 : index
    %swap3A_78 = arith.constant 0 : index
    %swap3A_79 = vector.load %arg9[%swap3A_77, %swap3A_78] : memref<1000x128xf32, #tpu.memory_space<vmem>>, vector<1000x128xf32>
    tpu.vector_store %arg9[%swap3A_77, %swap3A_78], %concatenate3A_76 {strides = array<i32>} : memref<1000x128xf32, #tpu.memory_space<vmem>>, vector<1000x128xf32>,
    return
  }
  func.func @transform_0(%arg0: i32) -> (i32, i32, i32) {
    %c0_i32 = arith.constant 0 : i32
    %c0_i32_0 = arith.constant 0 : i32
    %c0_i32_1 = arith.constant 0 : i32
    return %c0_i32, %arg0, %c0_i32_0 : i32, i32, i32
  }
  func.func @transform_1(%arg0: i32) -> (i32, i32) {
    %c0_i32 = arith.constant 0 : i32
    %c0_i32_0 = arith.constant 0 : i32
    return %arg0, %c0_i32 : i32, i32
  }
  func.func @transform_2(%arg0: i32) -> (i32, i32) {
    %c0_i32 = arith.constant 0 : i32
    %c0_i32_0 = arith.constant 0 : i32
    return %arg0, %c0_i32 : i32, i32
  }
  func.func @transform_3(%arg0: i32) -> (i32, i32) {
    %c0_i32 = arith.constant 0 : i32
    %c0_i32_0 = arith.constant 0 : i32
    return %arg0, %c0_i32 : i32, i32
  }
  func.func @transform_4(%arg0: i32) -> (i32, i32) {
    %c0_i32 = arith.constant 0 : i32
    %c0_i32_0 = arith.constant 0 : i32
    %c0_i32_1 = arith.constant 0 : i32
    return %c0_i32, %c0_i32_0 : i32, i32
  }
  func.func @transform_5(%arg0: i32) -> (i32, i32, i32) {
    %c0_i32 = arith.constant 0 : i32
    %c0_i32_0 = arith.constant 0 : i32
    %c0_i32_1 = arith.constant 0 : i32
    %c0_i32_2 = arith.constant 0 : i32
    return %c0_i32, %c0_i32_0, %c0_i32_1 : i32, i32, i32
  }
  func.func @transform_6(%arg0: i32) -> (i32, i32, i32) {
    %c0_i32 = arith.constant 0 : i32
    %c0_i32_0 = arith.constant 0 : i32
    %c0_i32_1 = arith.constant 0 : i32
    %c0_i32_2 = arith.constant 0 : i32
    return %c0_i32, %c0_i32_0, %c0_i32_1 : i32, i32, i32
  }
  func.func @transform_7(%arg0: i32) -> (i32, i32) {
    %c0_i32 = arith.constant 0 : i32
    %c0_i32_0 = arith.constant 0 : i32
    return %arg0, %c0_i32 : i32, i32
  }
  func.func @transform_8(%arg0: i32) -> (i32, i32) {
    %c0_i32 = arith.constant 0 : i32
    %c0_i32_0 = arith.constant 0 : i32
    return %arg0, %c0_i32 : i32, i32
  }
}

module attributes {stable_mosaic.version = 14 : i64} {
  func.func @body(%arg0: i32, %arg1: memref<2x1000x128xf32, #tpu.memory_space<vmem>>, %arg2: memref<1000x128xf32, #tpu.memory_space<vmem>>, %arg3: memref<1000x1xf32, #tpu.memory_space<vmem>>, %arg4: memref<96x384xf32, #tpu.memory_space<vmem>>, %arg5: memref<1x384xf32, #tpu.memory_space<vmem>>, %arg6: memref<1000x128xf32, #tpu.memory_space<vmem>>, %arg7: memref<1000x128xf32, #tpu.memory_space<vmem>>, %arg8: memref<1000x128xf32, #tpu.memory_space<vmem>>) attributes {dimension_semantics = [#tpu.dimension_semantics<arbitrary>], iteration_bounds = array<i64: 10>, scalar_prefetch = 0 : i64, scratch_operands = 0 : i64, tpu.core_type = #tpu.core_type<tc>, window_params = [{transform_indices = @transform_0, window_bounds = array<i64: 2, 1000, 128>}, {transform_indices = @transform_1, window_bounds = array<i64: 1000, 128>}, {transform_indices = @transform_2, window_bounds = array<i64: 1000, 1>}, {pipeline_mode = #tpu.pipeline_mode<synchronous>, transform_indices = @transform_3, window_bounds = array<i64: 96, 384>}, {pipeline_mode = #tpu.pipeline_mode<synchronous>, transform_indices = @transform_4, window_bounds = array<i64: 1, 384>}, {transform_indices = @transform_5, window_bounds = array<i64: 1000, 128>}, {transform_indices = @transform_6, window_bounds = array<i64: 1000, 128>}, {transform_indices = @transform_7, window_bounds = array<i64: 1000, 128>}]} {
    %get3A = arith.constant 0 : index
    %get3A_0 = arith.constant 0 : index
    %get3A_1 = arith.constant 0 : index
    %get3A_2 = vector.load %arg1[%get3A, %get3A_0, %get3A_1] : memref<2x1000x128xf32, #tpu.memory_space<vmem>>, vector<2x1000x128xf32>
    %get3A_3 = arith.constant 0 : index
    %get3A_4 = arith.constant 0 : index
    %get3A_5 = vector.load %arg3[%get3A_3, %get3A_4] : memref<1000x1xf32, #tpu.memory_space<vmem>>, vector<1000x1xf32>
    %slice3A = vector.extract_strided_slice %get3A_2 {offsets = [0, 0, 0], sizes = [1, 1000, 96], strides = [1, 1, 1]} : vector<2x1000x128xf32> to vector<1x1000x96xf32>
    %squeeze3A = vector.shape_cast %slice3A : vector<1x1000x96xf32> to vector<1000x96xf32>
    %slice3A_6 = vector.extract_strided_slice %get3A_2 {offsets = [1, 0, 0], sizes = [1, 1000, 96], strides = [1, 1, 1]} : vector<2x1000x128xf32> to vector<1x1000x96xf32>
    %squeeze3A_7 = vector.shape_cast %slice3A_6 : vector<1x1000x96xf32> to vector<1000x96xf32>
    %add3A = arith.addf %squeeze3A, %squeeze3A_7 : vector<1000x96xf32>
    %get3A_8 = arith.constant 0 : index
    %get3A_9 = arith.constant 0 : index
    %get3A_10 = vector.load %arg2[%get3A_8, %get3A_9] : memref<1000x128xf32, #tpu.memory_space<vmem>>, vector<1000x128xf32>
    %slice3A_11 = vector.extract_strided_slice %get3A_10 {offsets = [0, 0], sizes = [1000, 96], strides = [1, 1]} : vector<1000x128xf32> to vector<1000x96xf32>
    %add3A_12 = arith.addf %add3A, %slice3A_11 : vector<1000x96xf32>
    %mul3A = vector.broadcast %get3A_5 : vector<1000x1xf32> to vector<1000x96xf32>
    %mul3A_13 = arith.mulf %mul3A, %add3A_12 : vector<1000x96xf32>
    %get3A_14 = arith.constant 0 : index
    %get3A_15 = arith.constant 0 : index
    %get3A_16 = vector.load %arg4[%get3A_14, %get3A_15] : memref<96x384xf32, #tpu.memory_space<vmem>>, vector<96x384xf32>
    %dot_general3A = arith.constant dense<0.000000e+00> : vector<1000x384xf32>
    %dot_general3A_17 = tpu.matmul %mul3A_13, %get3A_16, %dot_general3A {dimension_numbers = #tpu.dot_dimension_numbers<[1], [0], [0], [1], [0, 0, 1, 1], [], []>, transpose_lhs_hint = false} : vector<1000x96xf32>, vector<96x384xf32>, vector<1000x384xf32> -> vector<1000x384xf32>
    %get3A_18 = arith.constant 0 : index
    %get3A_19 = arith.constant 0 : index
    %get3A_20 = vector.load %arg5[%get3A_18, %get3A_19] : memref<1x384xf32, #tpu.memory_space<vmem>>, vector<1x384xf32>
    %add3A_21 = vector.broadcast %get3A_20 : vector<1x384xf32> to vector<1000x384xf32>
    %add3A_22 = arith.addf %dot_general3A_17, %add3A_21 : vector<1000x384xf32>
    %tanh3A = math.tanh %add3A_22 : vector<1000x384xf32>
    %mul3A_23 = vector.broadcast %get3A_5 : vector<1000x1xf32> to vector<1000x384xf32>
    %mul3A_24 = arith.mulf %mul3A_23, %tanh3A : vector<1000x384xf32>
    %slice3A_25 = vector.extract_strided_slice %mul3A_24 {offsets = [0, 0], sizes = [1000, 128], strides = [1, 1]} : vector<1000x384xf32> to vector<1000x128xf32>
    %swap3A = arith.constant 0 : index
    %swap3A_26 = arith.constant 0 : index
    %swap3A_27 = vector.load %arg6[%swap3A, %swap3A_26] : memref<1000x128xf32, #tpu.memory_space<vmem>>, vector<1000x128xf32>
    tpu.vector_store %arg6[%swap3A, %swap3A_26], %slice3A_25 {strides = array<i32>} : memref<1000x128xf32, #tpu.memory_space<vmem>>, vector<1000x128xf32>,
    %slice3A_28 = vector.extract_strided_slice %mul3A_24 {offsets = [0, 128], sizes = [1000, 128], strides = [1, 1]} : vector<1000x384xf32> to vector<1000x128xf32>
    %swap3A_29 = arith.constant 0 : index
    %swap3A_30 = arith.constant 0 : index
    %swap3A_31 = vector.load %arg7[%swap3A_29, %swap3A_30] : memref<1000x128xf32, #tpu.memory_space<vmem>>, vector<1000x128xf32>
    tpu.vector_store %arg7[%swap3A_29, %swap3A_30], %slice3A_28 {strides = array<i32>} : memref<1000x128xf32, #tpu.memory_space<vmem>>, vector<1000x128xf32>,
    %slice3A_32 = vector.extract_strided_slice %mul3A_24 {offsets = [0, 256], sizes = [1000, 128], strides = [1, 1]} : vector<1000x384xf32> to vector<1000x128xf32>
    %swap3A_33 = arith.constant 0 : index
    %swap3A_34 = arith.constant 0 : index
    %swap3A_35 = vector.load %arg8[%swap3A_33, %swap3A_34] : memref<1000x128xf32, #tpu.memory_space<vmem>>, vector<1000x128xf32>
    tpu.vector_store %arg8[%swap3A_33, %swap3A_34], %slice3A_32 {strides = array<i32>} : memref<1000x128xf32, #tpu.memory_space<vmem>>, vector<1000x128xf32>,
    return
  }
  func.func @transform_0(%arg0: i32) -> (i32, i32, i32) {
    %c0_i32 = arith.constant 0 : i32
    %c0_i32_0 = arith.constant 0 : i32
    %c0_i32_1 = arith.constant 0 : i32
    return %c0_i32, %arg0, %c0_i32_0 : i32, i32, i32
  }
  func.func @transform_1(%arg0: i32) -> (i32, i32) {
    %c0_i32 = arith.constant 0 : i32
    %c0_i32_0 = arith.constant 0 : i32
    return %arg0, %c0_i32 : i32, i32
  }
  func.func @transform_2(%arg0: i32) -> (i32, i32) {
    %c0_i32 = arith.constant 0 : i32
    %c0_i32_0 = arith.constant 0 : i32
    return %arg0, %c0_i32 : i32, i32
  }
  func.func @transform_3(%arg0: i32) -> (i32, i32) {
    %c0_i32 = arith.constant 0 : i32
    %c0_i32_0 = arith.constant 0 : i32
    %c0_i32_1 = arith.constant 0 : i32
    return %c0_i32, %c0_i32_0 : i32, i32
  }
  func.func @transform_4(%arg0: i32) -> (i32, i32) {
    %c0_i32 = arith.constant 0 : i32
    %c0_i32_0 = arith.constant 0 : i32
    %c0_i32_1 = arith.constant 0 : i32
    return %c0_i32, %c0_i32_0 : i32, i32
  }
  func.func @transform_5(%arg0: i32) -> (i32, i32) {
    %c0_i32 = arith.constant 0 : i32
    %c0_i32_0 = arith.constant 0 : i32
    return %arg0, %c0_i32 : i32, i32
  }
  func.func @transform_6(%arg0: i32) -> (i32, i32) {
    %c0_i32 = arith.constant 0 : i32
    %c0_i32_0 = arith.constant 0 : i32
    return %arg0, %c0_i32 : i32, i32
  }
  func.func @transform_7(%arg0: i32) -> (i32, i32) {
    %c0_i32 = arith.constant 0 : i32
    %c0_i32_0 = arith.constant 0 : i32
    return %arg0, %c0_i32 : i32, i32
  }
}

module attributes {stable_mosaic.version = 14 : i64} {
  func.func @body(%arg0: i32, %arg1: memref<6x1000x128xf32, #tpu.memory_space<vmem>>, %arg2: memref<1000x128xf32, #tpu.memory_space<vmem>>, %arg3: memref<1000x128xf32, #tpu.memory_space<vmem>>, %arg4: memref<1000x128xf32, #tpu.memory_space<vmem>>, %arg5: memref<1000x1xf32, #tpu.memory_space<vmem>>, %arg6: memref<1000x96xf32, #tpu.memory_space<vmem>>, %arg7: memref<6x64x128xf32, #tpu.memory_space<vmem>>, %arg8: memref<6x1x128xf32, #tpu.memory_space<vmem>>, %arg9: memref<3x128x32xf32, #tpu.memory_space<vmem>>, %arg10: memref<3x32x32xf32, #tpu.memory_space<vmem>>, %arg11: memref<8x128xf32, #tpu.memory_space<vmem>>, %arg12: memref<1000x128xf32, #tpu.memory_space<vmem>>) attributes {dimension_semantics = [#tpu.dimension_semantics<arbitrary>], iteration_bounds = array<i64: 10>, scalar_prefetch = 0 : i64, scratch_operands = 0 : i64, tpu.core_type = #tpu.core_type<tc>, window_params = [{transform_indices = @transform_0, window_bounds = array<i64: 6, 1000, 128>}, {transform_indices = @transform_1, window_bounds = array<i64: 1000, 128>}, {transform_indices = @transform_2, window_bounds = array<i64: 1000, 128>}, {transform_indices = @transform_3, window_bounds = array<i64: 1000, 128>}, {transform_indices = @transform_4, window_bounds = array<i64: 1000, 1>}, {transform_indices = @transform_5, window_bounds = array<i64: 1000, 96>}, {pipeline_mode = #tpu.pipeline_mode<synchronous>, transform_indices = @transform_6, window_bounds = array<i64: 6, 64, 128>}, {pipeline_mode = #tpu.pipeline_mode<synchronous>, transform_indices = @transform_7, window_bounds = array<i64: 6, 1, 128>}, {pipeline_mode = #tpu.pipeline_mode<synchronous>, transform_indices = @transform_8, window_bounds = array<i64: 3, 128, 32>}, {pipeline_mode = #tpu.pipeline_mode<synchronous>, transform_indices = @transform_9, window_bounds = array<i64: 3, 32, 32>}, {pipeline_mode = #tpu.pipeline_mode<synchronous>, transform_indices = @transform_10, window_bounds = array<i64: 8, 128>}, {transform_indices = @transform_11, window_bounds = array<i64: 1000, 128>}]} {
    %get3A = arith.constant 0 : index
    %get3A_0 = arith.constant 0 : index
    %get3A_1 = arith.constant 0 : index
    %get3A_2 = vector.load %arg1[%get3A, %get3A_0, %get3A_1] : memref<6x1000x128xf32, #tpu.memory_space<vmem>>, vector<6x1000x128xf32>
    %get3A_3 = arith.constant 0 : index
    %get3A_4 = arith.constant 0 : index
    %get3A_5 = vector.load %arg5[%get3A_3, %get3A_4] : memref<1000x1xf32, #tpu.memory_space<vmem>>, vector<1000x1xf32>
    %get3A_6 = arith.constant 0 : index
    %get3A_7 = arith.constant 0 : index
    %get3A_8 = vector.load %arg6[%get3A_6, %get3A_7] : memref<1000x96xf32, #tpu.memory_space<vmem>>, vector<1000x96xf32>
    %get3A_9 = arith.constant 0 : index
    %get3A_10 = arith.constant 0 : index
    %get3A_11 = arith.constant 0 : index
    %get3A_12 = vector.load %arg7[%get3A_9, %get3A_10, %get3A_11] : memref<6x64x128xf32, #tpu.memory_space<vmem>>, vector<6x64x128xf32>
    %get3A_13 = arith.constant 0 : index
    %get3A_14 = arith.constant 0 : index
    %get3A_15 = arith.constant 0 : index
    %get3A_16 = vector.load %arg8[%get3A_13, %get3A_14, %get3A_15] : memref<6x1x128xf32, #tpu.memory_space<vmem>>, vector<6x1x128xf32>
    %get3A_17 = arith.constant 0 : index
    %get3A_18 = arith.constant 0 : index
    %get3A_19 = arith.constant 0 : index
    %get3A_20 = vector.load %arg9[%get3A_17, %get3A_18, %get3A_19] : memref<3x128x32xf32, #tpu.memory_space<vmem>>, vector<3x128x32xf32>
    %get3A_21 = arith.constant 0 : index
    %get3A_22 = arith.constant 0 : index
    %get3A_23 = arith.constant 0 : index
    %get3A_24 = vector.load %arg10[%get3A_21, %get3A_22, %get3A_23] : memref<3x32x32xf32, #tpu.memory_space<vmem>>, vector<3x32x32xf32>
    %get3A_25 = arith.constant 0 : index
    %get3A_26 = arith.constant 0 : index
    %get3A_27 = vector.load %arg2[%get3A_25, %get3A_26] : memref<1000x128xf32, #tpu.memory_space<vmem>>, vector<1000x128xf32>
    %get3A_28 = arith.constant 0 : index
    %get3A_29 = arith.constant 0 : index
    %get3A_30 = vector.load %arg3[%get3A_28, %get3A_29] : memref<1000x128xf32, #tpu.memory_space<vmem>>, vector<1000x128xf32>
    %get3A_31 = arith.constant 0 : index
    %get3A_32 = arith.constant 0 : index
    %get3A_33 = vector.load %arg4[%get3A_31, %get3A_32] : memref<1000x128xf32, #tpu.memory_space<vmem>>, vector<1000x128xf32>
    %slice3A = vector.extract_strided_slice %get3A_2 {offsets = [0, 0, 0], sizes = [1, 1000, 128], strides = [1, 1, 1]} : vector<6x1000x128xf32> to vector<1x1000x128xf32>
    %squeeze3A = vector.shape_cast %slice3A : vector<1x1000x128xf32> to vector<1000x128xf32>
    %slice3A_34 = vector.extract_strided_slice %get3A_2 {offsets = [1, 0, 0], sizes = [1, 1000, 128], strides = [1, 1, 1]} : vector<6x1000x128xf32> to vector<1x1000x128xf32>
    %squeeze3A_35 = vector.shape_cast %slice3A_34 : vector<1x1000x128xf32> to vector<1000x128xf32>
    %add3A = arith.addf %squeeze3A, %squeeze3A_35 : vector<1000x128xf32>
    %add3A_36 = arith.addf %add3A, %get3A_27 : vector<1000x128xf32>
    %mul3A = vector.broadcast %get3A_5 : vector<1000x1xf32> to vector<1000x128xf32>
    %mul3A_37 = arith.mulf %mul3A, %add3A_36 : vector<1000x128xf32>
    %slice3A_38 = vector.extract_strided_slice %mul3A_37 {offsets = [0, 0], sizes = [1000, 64], strides = [1, 1]} : vector<1000x128xf32> to vector<1000x64xf32>
    %slice3A_39 = vector.extract_strided_slice %get3A_12 {offsets = [0, 0, 0], sizes = [1, 64, 128], strides = [1, 1, 1]} : vector<6x64x128xf32> to vector<1x64x128xf32>
    %squeeze3A_40 = vector.shape_cast %slice3A_39 : vector<1x64x128xf32> to vector<64x128xf32>
    %dot_general3A = arith.constant dense<0.000000e+00> : vector<1000x128xf32>
    %dot_general3A_41 = tpu.matmul %slice3A_38, %squeeze3A_40, %dot_general3A {dimension_numbers = #tpu.dot_dimension_numbers<[1], [0], [0], [1], [0, 0, 1, 1], [], []>, transpose_lhs_hint = false} : vector<1000x64xf32>, vector<64x128xf32>, vector<1000x128xf32> -> vector<1000x128xf32>
    %slice3A_42 = vector.extract_strided_slice %get3A_16 {offsets = [0, 0, 0], sizes = [1, 1, 128], strides = [1, 1, 1]} : vector<6x1x128xf32> to vector<1x1x128xf32>
    %squeeze3A_43 = vector.shape_cast %slice3A_42 : vector<1x1x128xf32> to vector<1x128xf32>
    %add3A_44 = vector.broadcast %squeeze3A_43 : vector<1x128xf32> to vector<1000x128xf32>
    %add3A_45 = arith.addf %dot_general3A_41, %add3A_44 : vector<1000x128xf32>
    %tanh3A = math.tanh %add3A_45 : vector<1000x128xf32>
    %reduce_max3A = arith.constant dense<0xFF800000> : vector<128xf32>
    %reduce_max3A_46 = vector.multi_reduction <maximumf>, %tanh3A, %reduce_max3A [0] : vector<1000x128xf32> to vector<128xf32>
    %broadcast_in_dim3A = vector.shape_cast %reduce_max3A_46 : vector<128xf32> to vector<1x128xf32>
    %slice3A_47 = vector.extract_strided_slice %mul3A_37 {offsets = [0, 64], sizes = [1000, 64], strides = [1, 1]} : vector<1000x128xf32> to vector<1000x64xf32>
    %slice3A_48 = vector.extract_strided_slice %get3A_12 {offsets = [1, 0, 0], sizes = [1, 64, 128], strides = [1, 1, 1]} : vector<6x64x128xf32> to vector<1x64x128xf32>
    %squeeze3A_49 = vector.shape_cast %slice3A_48 : vector<1x64x128xf32> to vector<64x128xf32>
    %dot_general3A_50 = arith.constant dense<0.000000e+00> : vector<1000x128xf32>
    %dot_general3A_51 = tpu.matmul %slice3A_47, %squeeze3A_49, %dot_general3A_50 {dimension_numbers = #tpu.dot_dimension_numbers<[1], [0], [0], [1], [0, 0, 1, 1], [], []>, transpose_lhs_hint = false} : vector<1000x64xf32>, vector<64x128xf32>, vector<1000x128xf32> -> vector<1000x128xf32>
    %slice3A_52 = vector.extract_strided_slice %get3A_16 {offsets = [1, 0, 0], sizes = [1, 1, 128], strides = [1, 1, 1]} : vector<6x1x128xf32> to vector<1x1x128xf32>
    %squeeze3A_53 = vector.shape_cast %slice3A_52 : vector<1x1x128xf32> to vector<1x128xf32>
    %add3A_54 = vector.broadcast %squeeze3A_53 : vector<1x128xf32> to vector<1000x128xf32>
    %add3A_55 = arith.addf %dot_general3A_51, %add3A_54 : vector<1000x128xf32>
    %tanh3A_56 = math.tanh %add3A_55 : vector<1000x128xf32>
    %slice3A_57 = vector.extract_strided_slice %get3A_8 {offsets = [0, 0], sizes = [1000, 32], strides = [1, 1]} : vector<1000x96xf32> to vector<1000x32xf32>
    %slice3A_58 = vector.extract_strided_slice %get3A_20 {offsets = [0, 0, 0], sizes = [1, 128, 32], strides = [1, 1, 1]} : vector<3x128x32xf32> to vector<1x128x32xf32>
    %squeeze3A_59 = vector.shape_cast %slice3A_58 : vector<1x128x32xf32> to vector<128x32xf32>
    %dot_general3A_60 = arith.constant dense<0.000000e+00> : vector<1000x32xf32>
    %dot_general3A_61 = tpu.matmul %tanh3A_56, %squeeze3A_59, %dot_general3A_60 {dimension_numbers = #tpu.dot_dimension_numbers<[1], [0], [0], [1], [0, 0, 1, 1], [], []>, transpose_lhs_hint = false} : vector<1000x128xf32>, vector<128x32xf32>, vector<1000x32xf32> -> vector<1000x32xf32>
    %slice3A_62 = vector.extract_strided_slice %get3A_24 {offsets = [0, 0, 0], sizes = [1, 32, 32], strides = [1, 1, 1]} : vector<3x32x32xf32> to vector<1x32x32xf32>
    %squeeze3A_63 = vector.shape_cast %slice3A_62 : vector<1x32x32xf32> to vector<32x32xf32>
    %dot_general3A_64 = arith.constant dense<0.000000e+00> : vector<1000x32xf32>
    %dot_general3A_65 = tpu.matmul %slice3A_57, %squeeze3A_63, %dot_general3A_64 {dimension_numbers = #tpu.dot_dimension_numbers<[1], [0], [0], [1], [0, 0, 1, 1], [], []>, transpose_lhs_hint = false} : vector<1000x32xf32>, vector<32x32xf32>, vector<1000x32xf32> -> vector<1000x32xf32>
    %add3A_66 = arith.addf %dot_general3A_61, %dot_general3A_65 : vector<1000x32xf32>
    %mul3A_67 = vector.broadcast %get3A_5 : vector<1000x1xf32> to vector<1000x32xf32>
    %mul3A_68 = arith.mulf %mul3A_67, %add3A_66 : vector<1000x32xf32>
    %slice3A_69 = vector.extract_strided_slice %get3A_2 {offsets = [2, 0, 0], sizes = [1, 1000, 128], strides = [1, 1, 1]} : vector<6x1000x128xf32> to vector<1x1000x128xf32>
    %squeeze3A_70 = vector.shape_cast %slice3A_69 : vector<1x1000x128xf32> to vector<1000x128xf32>
    %slice3A_71 = vector.extract_strided_slice %get3A_2 {offsets = [3, 0, 0], sizes = [1, 1000, 128], strides = [1, 1, 1]} : vector<6x1000x128xf32> to vector<1x1000x128xf32>
    %squeeze3A_72 = vector.shape_cast %slice3A_71 : vector<1x1000x128xf32> to vector<1000x128xf32>
    %add3A_73 = arith.addf %squeeze3A_70, %squeeze3A_72 : vector<1000x128xf32>
    %add3A_74 = arith.addf %add3A_73, %get3A_30 : vector<1000x128xf32>
    %mul3A_75 = vector.broadcast %get3A_5 : vector<1000x1xf32> to vector<1000x128xf32>
    %mul3A_76 = arith.mulf %mul3A_75, %add3A_74 : vector<1000x128xf32>
    %slice3A_77 = vector.extract_strided_slice %mul3A_76 {offsets = [0, 0], sizes = [1000, 64], strides = [1, 1]} : vector<1000x128xf32> to vector<1000x64xf32>
    %slice3A_78 = vector.extract_strided_slice %get3A_12 {offsets = [2, 0, 0], sizes = [1, 64, 128], strides = [1, 1, 1]} : vector<6x64x128xf32> to vector<1x64x128xf32>
    %squeeze3A_79 = vector.shape_cast %slice3A_78 : vector<1x64x128xf32> to vector<64x128xf32>
    %dot_general3A_80 = arith.constant dense<0.000000e+00> : vector<1000x128xf32>
    %dot_general3A_81 = tpu.matmul %slice3A_77, %squeeze3A_79, %dot_general3A_80 {dimension_numbers = #tpu.dot_dimension_numbers<[1], [0], [0], [1], [0, 0, 1, 1], [], []>, transpose_lhs_hint = false} : vector<1000x64xf32>, vector<64x128xf32>, vector<1000x128xf32> -> vector<1000x128xf32>
    %slice3A_82 = vector.extract_strided_slice %get3A_16 {offsets = [2, 0, 0], sizes = [1, 1, 128], strides = [1, 1, 1]} : vector<6x1x128xf32> to vector<1x1x128xf32>
    %squeeze3A_83 = vector.shape_cast %slice3A_82 : vector<1x1x128xf32> to vector<1x128xf32>
    %add3A_84 = vector.broadcast %squeeze3A_83 : vector<1x128xf32> to vector<1000x128xf32>
    %add3A_85 = arith.addf %dot_general3A_81, %add3A_84 : vector<1000x128xf32>
    %tanh3A_86 = math.tanh %add3A_85 : vector<1000x128xf32>
    %reduce_max3A_87 = arith.constant dense<0xFF800000> : vector<128xf32>
    %reduce_max3A_88 = vector.multi_reduction <maximumf>, %tanh3A_86, %reduce_max3A_87 [0] : vector<1000x128xf32> to vector<128xf32>
    %broadcast_in_dim3A_89 = vector.shape_cast %reduce_max3A_88 : vector<128xf32> to vector<1x128xf32>
    %slice3A_90 = vector.extract_strided_slice %mul3A_76 {offsets = [0, 64], sizes = [1000, 64], strides = [1, 1]} : vector<1000x128xf32> to vector<1000x64xf32>
    %slice3A_91 = vector.extract_strided_slice %get3A_12 {offsets = [3, 0, 0], sizes = [1, 64, 128], strides = [1, 1, 1]} : vector<6x64x128xf32> to vector<1x64x128xf32>
    %squeeze3A_92 = vector.shape_cast %slice3A_91 : vector<1x64x128xf32> to vector<64x128xf32>
    %dot_general3A_93 = arith.constant dense<0.000000e+00> : vector<1000x128xf32>
    %dot_general3A_94 = tpu.matmul %slice3A_90, %squeeze3A_92, %dot_general3A_93 {dimension_numbers = #tpu.dot_dimension_numbers<[1], [0], [0], [1], [0, 0, 1, 1], [], []>, transpose_lhs_hint = false} : vector<1000x64xf32>, vector<64x128xf32>, vector<1000x128xf32> -> vector<1000x128xf32>
    %slice3A_95 = vector.extract_strided_slice %get3A_16 {offsets = [3, 0, 0], sizes = [1, 1, 128], strides = [1, 1, 1]} : vector<6x1x128xf32> to vector<1x1x128xf32>
    %squeeze3A_96 = vector.shape_cast %slice3A_95 : vector<1x1x128xf32> to vector<1x128xf32>
    %add3A_97 = vector.broadcast %squeeze3A_96 : vector<1x128xf32> to vector<1000x128xf32>
    %add3A_98 = arith.addf %dot_general3A_94, %add3A_97 : vector<1000x128xf32>
    %tanh3A_99 = math.tanh %add3A_98 : vector<1000x128xf32>
    %slice3A_100 = vector.extract_strided_slice %get3A_8 {offsets = [0, 32], sizes = [1000, 32], strides = [1, 1]} : vector<1000x96xf32> to vector<1000x32xf32>
    %slice3A_101 = vector.extract_strided_slice %get3A_20 {offsets = [1, 0, 0], sizes = [1, 128, 32], strides = [1, 1, 1]} : vector<3x128x32xf32> to vector<1x128x32xf32>
    %squeeze3A_102 = vector.shape_cast %slice3A_101 : vector<1x128x32xf32> to vector<128x32xf32>
    %dot_general3A_103 = arith.constant dense<0.000000e+00> : vector<1000x32xf32>
    %dot_general3A_104 = tpu.matmul %tanh3A_99, %squeeze3A_102, %dot_general3A_103 {dimension_numbers = #tpu.dot_dimension_numbers<[1], [0], [0], [1], [0, 0, 1, 1], [], []>, transpose_lhs_hint = false} : vector<1000x128xf32>, vector<128x32xf32>, vector<1000x32xf32> -> vector<1000x32xf32>
    %slice3A_105 = vector.extract_strided_slice %get3A_24 {offsets = [1, 0, 0], sizes = [1, 32, 32], strides = [1, 1, 1]} : vector<3x32x32xf32> to vector<1x32x32xf32>
    %squeeze3A_106 = vector.shape_cast %slice3A_105 : vector<1x32x32xf32> to vector<32x32xf32>
    %dot_general3A_107 = arith.constant dense<0.000000e+00> : vector<1000x32xf32>
    %dot_general3A_108 = tpu.matmul %slice3A_100, %squeeze3A_106, %dot_general3A_107 {dimension_numbers = #tpu.dot_dimension_numbers<[1], [0], [0], [1], [0, 0, 1, 1], [], []>, transpose_lhs_hint = false} : vector<1000x32xf32>, vector<32x32xf32>, vector<1000x32xf32> -> vector<1000x32xf32>
    %add3A_109 = arith.addf %dot_general3A_104, %dot_general3A_108 : vector<1000x32xf32>
    %mul3A_110 = vector.broadcast %get3A_5 : vector<1000x1xf32> to vector<1000x32xf32>
    %mul3A_111 = arith.mulf %mul3A_110, %add3A_109 : vector<1000x32xf32>
    %slice3A_112 = vector.extract_strided_slice %get3A_2 {offsets = [4, 0, 0], sizes = [1, 1000, 128], strides = [1, 1, 1]} : vector<6x1000x128xf32> to vector<1x1000x128xf32>
    %squeeze3A_113 = vector.shape_cast %slice3A_112 : vector<1x1000x128xf32> to vector<1000x128xf32>
    %slice3A_114 = vector.extract_strided_slice %get3A_2 {offsets = [5, 0, 0], sizes = [1, 1000, 128], strides = [1, 1, 1]} : vector<6x1000x128xf32> to vector<1x1000x128xf32>
    %squeeze3A_115 = vector.shape_cast %slice3A_114 : vector<1x1000x128xf32> to vector<1000x128xf32>
    %add3A_116 = arith.addf %squeeze3A_113, %squeeze3A_115 : vector<1000x128xf32>
    %add3A_117 = arith.addf %add3A_116, %get3A_33 : vector<1000x128xf32>
    %mul3A_118 = vector.broadcast %get3A_5 : vector<1000x1xf32> to vector<1000x128xf32>
    %mul3A_119 = arith.mulf %mul3A_118, %add3A_117 : vector<1000x128xf32>
    %slice3A_120 = vector.extract_strided_slice %mul3A_119 {offsets = [0, 0], sizes = [1000, 64], strides = [1, 1]} : vector<1000x128xf32> to vector<1000x64xf32>
    %slice3A_121 = vector.extract_strided_slice %get3A_12 {offsets = [4, 0, 0], sizes = [1, 64, 128], strides = [1, 1, 1]} : vector<6x64x128xf32> to vector<1x64x128xf32>
    %squeeze3A_122 = vector.shape_cast %slice3A_121 : vector<1x64x128xf32> to vector<64x128xf32>
    %dot_general3A_123 = arith.constant dense<0.000000e+00> : vector<1000x128xf32>
    %dot_general3A_124 = tpu.matmul %slice3A_120, %squeeze3A_122, %dot_general3A_123 {dimension_numbers = #tpu.dot_dimension_numbers<[1], [0], [0], [1], [0, 0, 1, 1], [], []>, transpose_lhs_hint = false} : vector<1000x64xf32>, vector<64x128xf32>, vector<1000x128xf32> -> vector<1000x128xf32>
    %slice3A_125 = vector.extract_strided_slice %get3A_16 {offsets = [4, 0, 0], sizes = [1, 1, 128], strides = [1, 1, 1]} : vector<6x1x128xf32> to vector<1x1x128xf32>
    %squeeze3A_126 = vector.shape_cast %slice3A_125 : vector<1x1x128xf32> to vector<1x128xf32>
    %add3A_127 = vector.broadcast %squeeze3A_126 : vector<1x128xf32> to vector<1000x128xf32>
    %add3A_128 = arith.addf %dot_general3A_124, %add3A_127 : vector<1000x128xf32>
    %tanh3A_129 = math.tanh %add3A_128 : vector<1000x128xf32>
    %reduce_max3A_130 = arith.constant dense<0xFF800000> : vector<128xf32>
    %reduce_max3A_131 = vector.multi_reduction <maximumf>, %tanh3A_129, %reduce_max3A_130 [0] : vector<1000x128xf32> to vector<128xf32>
    %broadcast_in_dim3A_132 = vector.shape_cast %reduce_max3A_131 : vector<128xf32> to vector<1x128xf32>
    %slice3A_133 = vector.extract_strided_slice %mul3A_119 {offsets = [0, 64], sizes = [1000, 64], strides = [1, 1]} : vector<1000x128xf32> to vector<1000x64xf32>
    %slice3A_134 = vector.extract_strided_slice %get3A_12 {offsets = [5, 0, 0], sizes = [1, 64, 128], strides = [1, 1, 1]} : vector<6x64x128xf32> to vector<1x64x128xf32>
    %squeeze3A_135 = vector.shape_cast %slice3A_134 : vector<1x64x128xf32> to vector<64x128xf32>
    %dot_general3A_136 = arith.constant dense<0.000000e+00> : vector<1000x128xf32>
    %dot_general3A_137 = tpu.matmul %slice3A_133, %squeeze3A_135, %dot_general3A_136 {dimension_numbers = #tpu.dot_dimension_numbers<[1], [0], [0], [1], [0, 0, 1, 1], [], []>, transpose_lhs_hint = false} : vector<1000x64xf32>, vector<64x128xf32>, vector<1000x128xf32> -> vector<1000x128xf32>
    %slice3A_138 = vector.extract_strided_slice %get3A_16 {offsets = [5, 0, 0], sizes = [1, 1, 128], strides = [1, 1, 1]} : vector<6x1x128xf32> to vector<1x1x128xf32>
    %squeeze3A_139 = vector.shape_cast %slice3A_138 : vector<1x1x128xf32> to vector<1x128xf32>
    %add3A_140 = vector.broadcast %squeeze3A_139 : vector<1x128xf32> to vector<1000x128xf32>
    %add3A_141 = arith.addf %dot_general3A_137, %add3A_140 : vector<1000x128xf32>
    %tanh3A_142 = math.tanh %add3A_141 : vector<1000x128xf32>
    %slice3A_143 = vector.extract_strided_slice %get3A_8 {offsets = [0, 64], sizes = [1000, 32], strides = [1, 1]} : vector<1000x96xf32> to vector<1000x32xf32>
    %slice3A_144 = vector.extract_strided_slice %get3A_20 {offsets = [2, 0, 0], sizes = [1, 128, 32], strides = [1, 1, 1]} : vector<3x128x32xf32> to vector<1x128x32xf32>
    %squeeze3A_145 = vector.shape_cast %slice3A_144 : vector<1x128x32xf32> to vector<128x32xf32>
    %dot_general3A_146 = arith.constant dense<0.000000e+00> : vector<1000x32xf32>
    %dot_general3A_147 = tpu.matmul %tanh3A_142, %squeeze3A_145, %dot_general3A_146 {dimension_numbers = #tpu.dot_dimension_numbers<[1], [0], [0], [1], [0, 0, 1, 1], [], []>, transpose_lhs_hint = false} : vector<1000x128xf32>, vector<128x32xf32>, vector<1000x32xf32> -> vector<1000x32xf32>
    %slice3A_148 = vector.extract_strided_slice %get3A_24 {offsets = [2, 0, 0], sizes = [1, 32, 32], strides = [1, 1, 1]} : vector<3x32x32xf32> to vector<1x32x32xf32>
    %squeeze3A_149 = vector.shape_cast %slice3A_148 : vector<1x32x32xf32> to vector<32x32xf32>
    %dot_general3A_150 = arith.constant dense<0.000000e+00> : vector<1000x32xf32>
    %dot_general3A_151 = tpu.matmul %slice3A_143, %squeeze3A_149, %dot_general3A_150 {dimension_numbers = #tpu.dot_dimension_numbers<[1], [0], [0], [1], [0, 0, 1, 1], [], []>, transpose_lhs_hint = false} : vector<1000x32xf32>, vector<32x32xf32>, vector<1000x32xf32> -> vector<1000x32xf32>
    %add3A_152 = arith.addf %dot_general3A_147, %dot_general3A_151 : vector<1000x32xf32>
    %mul3A_153 = vector.broadcast %get3A_5 : vector<1000x1xf32> to vector<1000x32xf32>
    %mul3A_154 = arith.mulf %mul3A_153, %add3A_152 : vector<1000x32xf32>
    %broadcast_in_dim3A_155 = arith.constant -3.400000e+38 : f32
    %broadcast_in_dim3A_156 = vector.broadcast %broadcast_in_dim3A_155 : f32 to vector<5x128xf32>
    %concatenate3A = tpu.concatenate %broadcast_in_dim3A, %broadcast_in_dim3A_89, %broadcast_in_dim3A_132, %broadcast_in_dim3A_156 in 0 : vector<1x128xf32>, vector<1x128xf32>, vector<1x128xf32>, vector<5x128xf32> -> vector<8x128xf32>
    %concatenate3A_157 = tpu.concatenate %mul3A_68, %mul3A_111, %mul3A_154 in 1 : vector<1000x32xf32>, vector<1000x32xf32>, vector<1000x32xf32> -> vector<1000x96xf32>
    %broadcast_in_dim3A_158 = arith.constant 0.000000e+00 : f32
    %broadcast_in_dim3A_159 = vector.broadcast %broadcast_in_dim3A_158 : f32 to vector<1000x32xf32>
    %concatenate3A_160 = tpu.concatenate %concatenate3A_157, %broadcast_in_dim3A_159 in 1 : vector<1000x96xf32>, vector<1000x32xf32> -> vector<1000x128xf32>
    %swap3A = arith.constant 0 : index
    %swap3A_161 = arith.constant 0 : index
    %swap3A_162 = vector.load %arg12[%swap3A, %swap3A_161] : memref<1000x128xf32, #tpu.memory_space<vmem>>, vector<1000x128xf32>
    tpu.vector_store %arg12[%swap3A, %swap3A_161], %concatenate3A_160 {strides = array<i32>} : memref<1000x128xf32, #tpu.memory_space<vmem>>, vector<1000x128xf32>,
    %eq3A = arith.constant 0 : i32
    %eq3A_163 = arith.cmpi eq, %arg0, %eq3A : i32
    %convert_element_type3A = arith.extui %eq3A_163 : i1 to i32
    %cond3A = arith.constant 0 : i32
    %cond3A_164 = arith.cmpi ne, %convert_element_type3A, %cond3A : i32
    scf.if %cond3A_164 {
      %swap3A_169 = arith.constant 0 : index
      %swap3A_170 = arith.constant 0 : index
      %swap3A_171 = vector.load %arg11[%swap3A_169, %swap3A_170] : memref<8x128xf32, #tpu.memory_space<vmem>>, vector<8x128xf32>
      tpu.vector_store %arg11[%swap3A_169, %swap3A_170], %concatenate3A {strides = array<i32>} : memref<8x128xf32, #tpu.memory_space<vmem>>, vector<8x128xf32>,
    } else {
    }
    %gt3A = arith.constant 0 : i32
    %gt3A_165 = arith.cmpi sgt, %arg0, %gt3A : i32
    %convert_element_type3A_166 = arith.extui %gt3A_165 : i1 to i32
    %cond3A_167 = arith.constant 0 : i32
    %cond3A_168 = arith.cmpi ne, %convert_element_type3A_166, %cond3A_167 : i32
    scf.if %cond3A_168 {
      %get3A_169 = arith.constant 0 : index
      %get3A_170 = arith.constant 0 : index
      %get3A_171 = vector.load %arg11[%get3A_169, %get3A_170] : memref<8x128xf32, #tpu.memory_space<vmem>>, vector<8x128xf32>
      %max3A = arith.maximumf %get3A_171, %concatenate3A : vector<8x128xf32>
      %swap3A_172 = arith.constant 0 : index
      %swap3A_173 = arith.constant 0 : index
      %swap3A_174 = vector.load %arg11[%swap3A_172, %swap3A_173] : memref<8x128xf32, #tpu.memory_space<vmem>>, vector<8x128xf32>
      tpu.vector_store %arg11[%swap3A_172, %swap3A_173], %max3A {strides = array<i32>} : memref<8x128xf32, #tpu.memory_space<vmem>>, vector<8x128xf32>,
    } else {
    }
    return
  }
  func.func @transform_0(%arg0: i32) -> (i32, i32, i32) {
    %c0_i32 = arith.constant 0 : i32
    %c0_i32_0 = arith.constant 0 : i32
    %c0_i32_1 = arith.constant 0 : i32
    return %c0_i32, %arg0, %c0_i32_0 : i32, i32, i32
  }
  func.func @transform_1(%arg0: i32) -> (i32, i32) {
    %c0_i32 = arith.constant 0 : i32
    %c0_i32_0 = arith.constant 0 : i32
    return %arg0, %c0_i32 : i32, i32
  }
  func.func @transform_2(%arg0: i32) -> (i32, i32) {
    %c0_i32 = arith.constant 0 : i32
    %c0_i32_0 = arith.constant 0 : i32
    return %arg0, %c0_i32 : i32, i32
  }
  func.func @transform_3(%arg0: i32) -> (i32, i32) {
    %c0_i32 = arith.constant 0 : i32
    %c0_i32_0 = arith.constant 0 : i32
    return %arg0, %c0_i32 : i32, i32
  }
  func.func @transform_4(%arg0: i32) -> (i32, i32) {
    %c0_i32 = arith.constant 0 : i32
    %c0_i32_0 = arith.constant 0 : i32
    return %arg0, %c0_i32 : i32, i32
  }
  func.func @transform_5(%arg0: i32) -> (i32, i32) {
    %c0_i32 = arith.constant 0 : i32
    %c0_i32_0 = arith.constant 0 : i32
    return %arg0, %c0_i32 : i32, i32
  }
  func.func @transform_6(%arg0: i32) -> (i32, i32, i32) {
    %c0_i32 = arith.constant 0 : i32
    %c0_i32_0 = arith.constant 0 : i32
    %c0_i32_1 = arith.constant 0 : i32
    %c0_i32_2 = arith.constant 0 : i32
    return %c0_i32, %c0_i32_0, %c0_i32_1 : i32, i32, i32
  }
  func.func @transform_7(%arg0: i32) -> (i32, i32, i32) {
    %c0_i32 = arith.constant 0 : i32
    %c0_i32_0 = arith.constant 0 : i32
    %c0_i32_1 = arith.constant 0 : i32
    %c0_i32_2 = arith.constant 0 : i32
    return %c0_i32, %c0_i32_0, %c0_i32_1 : i32, i32, i32
  }
  func.func @transform_8(%arg0: i32) -> (i32, i32, i32) {
    %c0_i32 = arith.constant 0 : i32
    %c0_i32_0 = arith.constant 0 : i32
    %c0_i32_1 = arith.constant 0 : i32
    %c0_i32_2 = arith.constant 0 : i32
    return %c0_i32, %c0_i32_0, %c0_i32_1 : i32, i32, i32
  }
  func.func @transform_9(%arg0: i32) -> (i32, i32, i32) {
    %c0_i32 = arith.constant 0 : i32
    %c0_i32_0 = arith.constant 0 : i32
    %c0_i32_1 = arith.constant 0 : i32
    %c0_i32_2 = arith.constant 0 : i32
    return %c0_i32, %c0_i32_0, %c0_i32_1 : i32, i32, i32
  }
  func.func @transform_10(%arg0: i32) -> (i32, i32) {
    %c0_i32 = arith.constant 0 : i32
    %c0_i32_0 = arith.constant 0 : i32
    %c0_i32_1 = arith.constant 0 : i32
    return %c0_i32, %c0_i32_0 : i32, i32
  }
  func.func @transform_11(%arg0: i32) -> (i32, i32) {
    %c0_i32 = arith.constant 0 : i32
    %c0_i32_0 = arith.constant 0 : i32
    return %arg0, %c0_i32 : i32, i32
  }
}

module attributes {stable_mosaic.version = 14 : i64} {
  func.func @body(%arg0: i32, %arg1: memref<2x1000x128xf32, #tpu.memory_space<vmem>>, %arg2: memref<1000x128xf32, #tpu.memory_space<vmem>>, %arg3: memref<1000x1xf32, #tpu.memory_space<vmem>>, %arg4: memref<1000x1xf32, #tpu.memory_space<vmem>>, %arg5: memref<8x128xf32, #tpu.memory_space<vmem>>, %arg6: memref<1000x32xf32, #tpu.memory_space<vmem>>, %arg7: memref<3x128x32xf32, #tpu.memory_space<vmem>>, %arg8: memref<3x1x32xf32, #tpu.memory_space<vmem>>, %arg9: memref<1000x128xf32, #tpu.memory_space<vmem>>) attributes {dimension_semantics = [#tpu.dimension_semantics<arbitrary>], iteration_bounds = array<i64: 10>, scalar_prefetch = 0 : i64, scratch_operands = 0 : i64, tpu.core_type = #tpu.core_type<tc>, window_params = [{transform_indices = @transform_0, window_bounds = array<i64: 2, 1000, 128>}, {transform_indices = @transform_1, window_bounds = array<i64: 1000, 128>}, {transform_indices = @transform_2, window_bounds = array<i64: 1000, 1>}, {transform_indices = @transform_3, window_bounds = array<i64: 1000, 1>}, {pipeline_mode = #tpu.pipeline_mode<synchronous>, transform_indices = @transform_4, window_bounds = array<i64: 8, 128>}, {transform_indices = @transform_5, window_bounds = array<i64: 1000, 32>}, {pipeline_mode = #tpu.pipeline_mode<synchronous>, transform_indices = @transform_6, window_bounds = array<i64: 3, 128, 32>}, {pipeline_mode = #tpu.pipeline_mode<synchronous>, transform_indices = @transform_7, window_bounds = array<i64: 3, 1, 32>}, {transform_indices = @transform_8, window_bounds = array<i64: 1000, 128>}]} {
    %get3A = arith.constant 0 : index
    %get3A_0 = arith.constant 0 : index
    %get3A_1 = arith.constant 0 : index
    %get3A_2 = vector.load %arg1[%get3A, %get3A_0, %get3A_1] : memref<2x1000x128xf32, #tpu.memory_space<vmem>>, vector<2x1000x128xf32>
    %get3A_3 = arith.constant 0 : index
    %get3A_4 = arith.constant 0 : index
    %get3A_5 = vector.load %arg3[%get3A_3, %get3A_4] : memref<1000x1xf32, #tpu.memory_space<vmem>>, vector<1000x1xf32>
    %get3A_6 = arith.constant 0 : index
    %get3A_7 = arith.constant 0 : index
    %get3A_8 = vector.load %arg4[%get3A_6, %get3A_7] : memref<1000x1xf32, #tpu.memory_space<vmem>>, vector<1000x1xf32>
    %get3A_9 = arith.constant 0 : index
    %get3A_10 = arith.constant 0 : index
    %get3A_11 = vector.load %arg5[%get3A_9, %get3A_10] : memref<8x128xf32, #tpu.memory_space<vmem>>, vector<8x128xf32>
    %get3A_12 = arith.constant 0 : index
    %get3A_13 = arith.constant 0 : index
    %get3A_14 = arith.constant 0 : index
    %get3A_15 = vector.load %arg7[%get3A_12, %get3A_13, %get3A_14] : memref<3x128x32xf32, #tpu.memory_space<vmem>>, vector<3x128x32xf32>
    %get3A_16 = arith.constant 0 : index
    %get3A_17 = arith.constant 0 : index
    %get3A_18 = arith.constant 0 : index
    %get3A_19 = vector.load %arg8[%get3A_16, %get3A_17, %get3A_18] : memref<3x1x32xf32, #tpu.memory_space<vmem>>, vector<3x1x32xf32>
    %slice3A = vector.extract_strided_slice %get3A_2 {offsets = [0, 0, 0], sizes = [1, 1000, 96], strides = [1, 1, 1]} : vector<2x1000x128xf32> to vector<1x1000x96xf32>
    %squeeze3A = vector.shape_cast %slice3A : vector<1x1000x96xf32> to vector<1000x96xf32>
    %slice3A_20 = vector.extract_strided_slice %get3A_2 {offsets = [1, 0, 0], sizes = [1, 1000, 96], strides = [1, 1, 1]} : vector<2x1000x128xf32> to vector<1x1000x96xf32>
    %squeeze3A_21 = vector.shape_cast %slice3A_20 : vector<1x1000x96xf32> to vector<1000x96xf32>
    %add3A = arith.addf %squeeze3A, %squeeze3A_21 : vector<1000x96xf32>
    %get3A_22 = arith.constant 0 : index
    %get3A_23 = arith.constant 0 : index
    %get3A_24 = vector.load %arg2[%get3A_22, %get3A_23] : memref<1000x128xf32, #tpu.memory_space<vmem>>, vector<1000x128xf32>
    %slice3A_25 = vector.extract_strided_slice %get3A_24 {offsets = [0, 0], sizes = [1000, 96], strides = [1, 1]} : vector<1000x128xf32> to vector<1000x96xf32>
    %add3A_26 = arith.addf %add3A, %slice3A_25 : vector<1000x96xf32>
    %mul3A = vector.broadcast %get3A_5 : vector<1000x1xf32> to vector<1000x96xf32>
    %mul3A_27 = arith.mulf %mul3A, %add3A_26 : vector<1000x96xf32>
    %slice3A_28 = vector.extract_strided_slice %get3A_11 {offsets = [0, 0], sizes = [1, 128], strides = [1, 1]} : vector<8x128xf32> to vector<1x128xf32>
    %slice3A_29 = vector.extract_strided_slice %get3A_15 {offsets = [0, 0, 0], sizes = [1, 128, 32], strides = [1, 1, 1]} : vector<3x128x32xf32> to vector<1x128x32xf32>
    %squeeze3A_30 = vector.shape_cast %slice3A_29 : vector<1x128x32xf32> to vector<128x32xf32>
    %dot_general3A = arith.constant dense<0.000000e+00> : vector<1x32xf32>
    %dot_general3A_31 = tpu.matmul %slice3A_28, %squeeze3A_30, %dot_general3A {dimension_numbers = #tpu.dot_dimension_numbers<[1], [0], [0], [1], [0, 0, 1, 1], [], []>, transpose_lhs_hint = false} : vector<1x128xf32>, vector<128x32xf32>, vector<1x32xf32> -> vector<1x32xf32>
    %slice3A_32 = vector.extract_strided_slice %mul3A_27 {offsets = [0, 0], sizes = [1000, 32], strides = [1, 1]} : vector<1000x96xf32> to vector<1000x32xf32>
    %mul3A_33 = vector.broadcast %get3A_8 : vector<1000x1xf32> to vector<1000x32xf32>
    %mul3A_34 = vector.broadcast %dot_general3A_31 : vector<1x32xf32> to vector<1000x32xf32>
    %mul3A_35 = arith.mulf %mul3A_33, %mul3A_34 : vector<1000x32xf32>
    %add3A_36 = arith.addf %slice3A_32, %mul3A_35 : vector<1000x32xf32>
    %slice3A_37 = vector.extract_strided_slice %get3A_19 {offsets = [0, 0, 0], sizes = [1, 1, 32], strides = [1, 1, 1]} : vector<3x1x32xf32> to vector<1x1x32xf32>
    %squeeze3A_38 = vector.shape_cast %slice3A_37 : vector<1x1x32xf32> to vector<1x32xf32>
    %add3A_39 = vector.broadcast %squeeze3A_38 : vector<1x32xf32> to vector<1000x32xf32>
    %add3A_40 = arith.addf %add3A_36, %add3A_39 : vector<1000x32xf32>
    %tanh3A = math.tanh %add3A_40 : vector<1000x32xf32>
    %slice3A_41 = vector.extract_strided_slice %get3A_11 {offsets = [1, 0], sizes = [1, 128], strides = [1, 1]} : vector<8x128xf32> to vector<1x128xf32>
    %slice3A_42 = vector.extract_strided_slice %get3A_15 {offsets = [1, 0, 0], sizes = [1, 128, 32], strides = [1, 1, 1]} : vector<3x128x32xf32> to vector<1x128x32xf32>
    %squeeze3A_43 = vector.shape_cast %slice3A_42 : vector<1x128x32xf32> to vector<128x32xf32>
    %dot_general3A_44 = arith.constant dense<0.000000e+00> : vector<1x32xf32>
    %dot_general3A_45 = tpu.matmul %slice3A_41, %squeeze3A_43, %dot_general3A_44 {dimension_numbers = #tpu.dot_dimension_numbers<[1], [0], [0], [1], [0, 0, 1, 1], [], []>, transpose_lhs_hint = false} : vector<1x128xf32>, vector<128x32xf32>, vector<1x32xf32> -> vector<1x32xf32>
    %slice3A_46 = vector.extract_strided_slice %mul3A_27 {offsets = [0, 32], sizes = [1000, 32], strides = [1, 1]} : vector<1000x96xf32> to vector<1000x32xf32>
    %mul3A_47 = vector.broadcast %get3A_8 : vector<1000x1xf32> to vector<1000x32xf32>
    %mul3A_48 = vector.broadcast %dot_general3A_45 : vector<1x32xf32> to vector<1000x32xf32>
    %mul3A_49 = arith.mulf %mul3A_47, %mul3A_48 : vector<1000x32xf32>
    %add3A_50 = arith.addf %slice3A_46, %mul3A_49 : vector<1000x32xf32>
    %slice3A_51 = vector.extract_strided_slice %get3A_19 {offsets = [1, 0, 0], sizes = [1, 1, 32], strides = [1, 1, 1]} : vector<3x1x32xf32> to vector<1x1x32xf32>
    %squeeze3A_52 = vector.shape_cast %slice3A_51 : vector<1x1x32xf32> to vector<1x32xf32>
    %add3A_53 = vector.broadcast %squeeze3A_52 : vector<1x32xf32> to vector<1000x32xf32>
    %add3A_54 = arith.addf %add3A_50, %add3A_53 : vector<1000x32xf32>
    %tanh3A_55 = math.tanh %add3A_54 : vector<1000x32xf32>
    %slice3A_56 = vector.extract_strided_slice %get3A_11 {offsets = [2, 0], sizes = [1, 128], strides = [1, 1]} : vector<8x128xf32> to vector<1x128xf32>
    %slice3A_57 = vector.extract_strided_slice %get3A_15 {offsets = [2, 0, 0], sizes = [1, 128, 32], strides = [1, 1, 1]} : vector<3x128x32xf32> to vector<1x128x32xf32>
    %squeeze3A_58 = vector.shape_cast %slice3A_57 : vector<1x128x32xf32> to vector<128x32xf32>
    %dot_general3A_59 = arith.constant dense<0.000000e+00> : vector<1x32xf32>
    %dot_general3A_60 = tpu.matmul %slice3A_56, %squeeze3A_58, %dot_general3A_59 {dimension_numbers = #tpu.dot_dimension_numbers<[1], [0], [0], [1], [0, 0, 1, 1], [], []>, transpose_lhs_hint = false} : vector<1x128xf32>, vector<128x32xf32>, vector<1x32xf32> -> vector<1x32xf32>
    %slice3A_61 = vector.extract_strided_slice %mul3A_27 {offsets = [0, 64], sizes = [1000, 32], strides = [1, 1]} : vector<1000x96xf32> to vector<1000x32xf32>
    %mul3A_62 = vector.broadcast %get3A_8 : vector<1000x1xf32> to vector<1000x32xf32>
    %mul3A_63 = vector.broadcast %dot_general3A_60 : vector<1x32xf32> to vector<1000x32xf32>
    %mul3A_64 = arith.mulf %mul3A_62, %mul3A_63 : vector<1000x32xf32>
    %add3A_65 = arith.addf %slice3A_61, %mul3A_64 : vector<1000x32xf32>
    %slice3A_66 = vector.extract_strided_slice %get3A_19 {offsets = [2, 0, 0], sizes = [1, 1, 32], strides = [1, 1, 1]} : vector<3x1x32xf32> to vector<1x1x32xf32>
    %squeeze3A_67 = vector.shape_cast %slice3A_66 : vector<1x1x32xf32> to vector<1x32xf32>
    %add3A_68 = vector.broadcast %squeeze3A_67 : vector<1x32xf32> to vector<1000x32xf32>
    %add3A_69 = arith.addf %add3A_65, %add3A_68 : vector<1000x32xf32>
    %tanh3A_70 = math.tanh %add3A_69 : vector<1000x32xf32>
    %get3A_71 = arith.constant 0 : index
    %get3A_72 = arith.constant 0 : index
    %get3A_73 = vector.load %arg6[%get3A_71, %get3A_72] : memref<1000x32xf32, #tpu.memory_space<vmem>>, vector<1000x32xf32>
    %mul3A_74 = arith.mulf %get3A_73, %tanh3A : vector<1000x32xf32>
    %logistic3A = arith.negf %tanh3A_55 : vector<1000x32xf32>
    %logistic3A_75 = math.exp %logistic3A : vector<1000x32xf32>
    %logistic3A_76 = arith.constant 1.000000e+00 : f32
    %logistic3A_77 = vector.broadcast %logistic3A_76 : f32 to vector<1000x32xf32>
    %logistic3A_78 = arith.addf %logistic3A_77, %logistic3A_75 : vector<1000x32xf32>
    %logistic3A_79 = arith.divf %logistic3A_77, %logistic3A_78 : vector<1000x32xf32>
    %tanh3A_80 = math.tanh %tanh3A_70 : vector<1000x32xf32>
    %mul3A_81 = arith.mulf %logistic3A_79, %tanh3A_80 : vector<1000x32xf32>
    %add3A_82 = arith.addf %mul3A_81, %mul3A_74 : vector<1000x32xf32>
    %mul3A_83 = vector.broadcast %get3A_5 : vector<1000x1xf32> to vector<1000x32xf32>
    %mul3A_84 = arith.mulf %mul3A_83, %add3A_82 : vector<1000x32xf32>
    %broadcast_in_dim3A = arith.constant 0.000000e+00 : f32
    %broadcast_in_dim3A_85 = vector.broadcast %broadcast_in_dim3A : f32 to vector<1000x96xf32>
    %concatenate3A = tpu.concatenate %mul3A_84, %broadcast_in_dim3A_85 in 1 : vector<1000x32xf32>, vector<1000x96xf32> -> vector<1000x128xf32>
    %swap3A = arith.constant 0 : index
    %swap3A_86 = arith.constant 0 : index
    %swap3A_87 = vector.load %arg9[%swap3A, %swap3A_86] : memref<1000x128xf32, #tpu.memory_space<vmem>>, vector<1000x128xf32>
    tpu.vector_store %arg9[%swap3A, %swap3A_86], %concatenate3A {strides = array<i32>} : memref<1000x128xf32, #tpu.memory_space<vmem>>, vector<1000x128xf32>,
    return
  }
  func.func @transform_0(%arg0: i32) -> (i32, i32, i32) {
    %c0_i32 = arith.constant 0 : i32
    %c0_i32_0 = arith.constant 0 : i32
    %c0_i32_1 = arith.constant 0 : i32
    return %c0_i32, %arg0, %c0_i32_0 : i32, i32, i32
  }
  func.func @transform_1(%arg0: i32) -> (i32, i32) {
    %c0_i32 = arith.constant 0 : i32
    %c0_i32_0 = arith.constant 0 : i32
    return %arg0, %c0_i32 : i32, i32
  }
  func.func @transform_2(%arg0: i32) -> (i32, i32) {
    %c0_i32 = arith.constant 0 : i32
    %c0_i32_0 = arith.constant 0 : i32
    return %arg0, %c0_i32 : i32, i32
  }
  func.func @transform_3(%arg0: i32) -> (i32, i32) {
    %c0_i32 = arith.constant 0 : i32
    %c0_i32_0 = arith.constant 0 : i32
    return %arg0, %c0_i32 : i32, i32
  }
  func.func @transform_4(%arg0: i32) -> (i32, i32) {
    %c0_i32 = arith.constant 0 : i32
    %c0_i32_0 = arith.constant 0 : i32
    %c0_i32_1 = arith.constant 0 : i32
    return %c0_i32, %c0_i32_0 : i32, i32
  }
  func.func @transform_5(%arg0: i32) -> (i32, i32) {
    %c0_i32 = arith.constant 0 : i32
    %c0_i32_0 = arith.constant 0 : i32
    return %arg0, %c0_i32 : i32, i32
  }
  func.func @transform_6(%arg0: i32) -> (i32, i32, i32) {
    %c0_i32 = arith.constant 0 : i32
    %c0_i32_0 = arith.constant 0 : i32
    %c0_i32_1 = arith.constant 0 : i32
    %c0_i32_2 = arith.constant 0 : i32
    return %c0_i32, %c0_i32_0, %c0_i32_1 : i32, i32, i32
  }
  func.func @transform_7(%arg0: i32) -> (i32, i32, i32) {
    %c0_i32 = arith.constant 0 : i32
    %c0_i32_0 = arith.constant 0 : i32
    %c0_i32_1 = arith.constant 0 : i32
    %c0_i32_2 = arith.constant 0 : i32
    return %c0_i32, %c0_i32_0, %c0_i32_1 : i32, i32, i32
  }
  func.func @transform_8(%arg0: i32) -> (i32, i32) {
    %c0_i32 = arith.constant 0 : i32
    %c0_i32_0 = arith.constant 0 : i32
    return %arg0, %c0_i32 : i32, i32
  }
}

module attributes {stable_mosaic.version = 14 : i64} {
  func.func @body(%arg0: i32, %arg1: memref<2x1000x128xf32, #tpu.memory_space<vmem>>, %arg2: memref<1000x128xf32, #tpu.memory_space<vmem>>, %arg3: memref<1000x1xf32, #tpu.memory_space<vmem>>, %arg4: memref<32x128xf32, #tpu.memory_space<vmem>>, %arg5: memref<1x128xf32, #tpu.memory_space<vmem>>, %arg6: memref<1000x128xf32, #tpu.memory_space<vmem>>) attributes {dimension_semantics = [#tpu.dimension_semantics<arbitrary>], iteration_bounds = array<i64: 10>, scalar_prefetch = 0 : i64, scratch_operands = 0 : i64, tpu.core_type = #tpu.core_type<tc>, window_params = [{transform_indices = @transform_0, window_bounds = array<i64: 2, 1000, 128>}, {transform_indices = @transform_1, window_bounds = array<i64: 1000, 128>}, {transform_indices = @transform_2, window_bounds = array<i64: 1000, 1>}, {pipeline_mode = #tpu.pipeline_mode<synchronous>, transform_indices = @transform_3, window_bounds = array<i64: 32, 128>}, {pipeline_mode = #tpu.pipeline_mode<synchronous>, transform_indices = @transform_4, window_bounds = array<i64: 1, 128>}, {transform_indices = @transform_5, window_bounds = array<i64: 1000, 128>}]} {
    %get3A = arith.constant 0 : index
    %get3A_0 = arith.constant 0 : index
    %get3A_1 = arith.constant 0 : index
    %get3A_2 = vector.load %arg1[%get3A, %get3A_0, %get3A_1] : memref<2x1000x128xf32, #tpu.memory_space<vmem>>, vector<2x1000x128xf32>
    %get3A_3 = arith.constant 0 : index
    %get3A_4 = arith.constant 0 : index
    %get3A_5 = vector.load %arg3[%get3A_3, %get3A_4] : memref<1000x1xf32, #tpu.memory_space<vmem>>, vector<1000x1xf32>
    %slice3A = vector.extract_strided_slice %get3A_2 {offsets = [0, 0, 0], sizes = [1, 1000, 32], strides = [1, 1, 1]} : vector<2x1000x128xf32> to vector<1x1000x32xf32>
    %squeeze3A = vector.shape_cast %slice3A : vector<1x1000x32xf32> to vector<1000x32xf32>
    %slice3A_6 = vector.extract_strided_slice %get3A_2 {offsets = [1, 0, 0], sizes = [1, 1000, 32], strides = [1, 1, 1]} : vector<2x1000x128xf32> to vector<1x1000x32xf32>
    %squeeze3A_7 = vector.shape_cast %slice3A_6 : vector<1x1000x32xf32> to vector<1000x32xf32>
    %add3A = arith.addf %squeeze3A, %squeeze3A_7 : vector<1000x32xf32>
    %get3A_8 = arith.constant 0 : index
    %get3A_9 = arith.constant 0 : index
    %get3A_10 = vector.load %arg2[%get3A_8, %get3A_9] : memref<1000x128xf32, #tpu.memory_space<vmem>>, vector<1000x128xf32>
    %slice3A_11 = vector.extract_strided_slice %get3A_10 {offsets = [0, 0], sizes = [1000, 32], strides = [1, 1]} : vector<1000x128xf32> to vector<1000x32xf32>
    %add3A_12 = arith.addf %add3A, %slice3A_11 : vector<1000x32xf32>
    %mul3A = vector.broadcast %get3A_5 : vector<1000x1xf32> to vector<1000x32xf32>
    %mul3A_13 = arith.mulf %mul3A, %add3A_12 : vector<1000x32xf32>
    %get3A_14 = arith.constant 0 : index
    %get3A_15 = arith.constant 0 : index
    %get3A_16 = vector.load %arg4[%get3A_14, %get3A_15] : memref<32x128xf32, #tpu.memory_space<vmem>>, vector<32x128xf32>
    %dot_general3A = arith.constant dense<0.000000e+00> : vector<1000x128xf32>
    %dot_general3A_17 = tpu.matmul %mul3A_13, %get3A_16, %dot_general3A {dimension_numbers = #tpu.dot_dimension_numbers<[1], [0], [0], [1], [0, 0, 1, 1], [], []>, transpose_lhs_hint = false} : vector<1000x32xf32>, vector<32x128xf32>, vector<1000x128xf32> -> vector<1000x128xf32>
    %get3A_18 = arith.constant 0 : index
    %get3A_19 = arith.constant 0 : index
    %get3A_20 = vector.load %arg5[%get3A_18, %get3A_19] : memref<1x128xf32, #tpu.memory_space<vmem>>, vector<1x128xf32>
    %add3A_21 = vector.broadcast %get3A_20 : vector<1x128xf32> to vector<1000x128xf32>
    %add3A_22 = arith.addf %dot_general3A_17, %add3A_21 : vector<1000x128xf32>
    %tanh3A = math.tanh %add3A_22 : vector<1000x128xf32>
    %swap3A = arith.constant 0 : index
    %swap3A_23 = arith.constant 0 : index
    %swap3A_24 = vector.load %arg6[%swap3A, %swap3A_23] : memref<1000x128xf32, #tpu.memory_space<vmem>>, vector<1000x128xf32>
    tpu.vector_store %arg6[%swap3A, %swap3A_23], %tanh3A {strides = array<i32>} : memref<1000x128xf32, #tpu.memory_space<vmem>>, vector<1000x128xf32>,
    return
  }
  func.func @transform_0(%arg0: i32) -> (i32, i32, i32) {
    %c0_i32 = arith.constant 0 : i32
    %c0_i32_0 = arith.constant 0 : i32
    %c0_i32_1 = arith.constant 0 : i32
    return %c0_i32, %arg0, %c0_i32_0 : i32, i32, i32
  }
  func.func @transform_1(%arg0: i32) -> (i32, i32) {
    %c0_i32 = arith.constant 0 : i32
    %c0_i32_0 = arith.constant 0 : i32
    return %arg0, %c0_i32 : i32, i32
  }
  func.func @transform_2(%arg0: i32) -> (i32, i32) {
    %c0_i32 = arith.constant 0 : i32
    %c0_i32_0 = arith.constant 0 : i32
    return %arg0, %c0_i32 : i32, i32
  }
  func.func @transform_3(%arg0: i32) -> (i32, i32) {
    %c0_i32 = arith.constant 0 : i32
    %c0_i32_0 = arith.constant 0 : i32
    %c0_i32_1 = arith.constant 0 : i32
    return %c0_i32, %c0_i32_0 : i32, i32
  }
  func.func @transform_4(%arg0: i32) -> (i32, i32) {
    %c0_i32 = arith.constant 0 : i32
    %c0_i32_0 = arith.constant 0 : i32
    %c0_i32_1 = arith.constant 0 : i32
    return %c0_i32, %c0_i32_0 : i32, i32
  }
  func.func @transform_5(%arg0: i32) -> (i32, i32) {
    %c0_i32 = arith.constant 0 : i32
    %c0_i32_0 = arith.constant 0 : i32
    return %arg0, %c0_i32 : i32, i32
  }
}

</mosaic_0001>

<sc_bundles>
// kernel: kernel.20.cloned.1.call-start
scs
__scs_entry_jumppad:
0x0: {  	(pc) =	sbr.rel $0x88, $3  }
0x1: {  	(tag) =	ssettag $0x0;
	lr =	simm.s32 $0x1  }
0x2: {  	[smem:$0x3F5F] =	sst lr;
	_ =	strace $0xD0000000  }
0x3: {  	_ = 	snop  }
0x4: {  	_ = 	snop  }
0x5: {  	_ = 	snop  }
0x6: {  	_ = 	snop  }
0x7: {  	_ = 	snop  }
__scs_overlays_trampoline_lowered:
0x8: {  	[smem:$0x3F6E] =	sst s0  }
0x9: {  	[smem:$0x3F6F] =	sst s1  }
0xa: {  	[smem:$0x3F70] =	sst s2  }
0xb: {  	[smem:$0x3F71] =	sst s3  }
0xc: {  	[smem:$0x3F72] =	sst s4  }
0xd: {  	[smem:$0x3F73] =	sst s5  }
0xe: {  	[smem:$0x3F74] =	sst s6  }
0xf: {  	[smem:$0x3F75] =	sst s7  }
0x10: {  	[smem:$0x3F76] =	sst s8  }
0x11: {  	[smem:$0x3F77] =	sst s9;
	s0 =	simm.s32 @!p0 $0x0  }
0x12: {  	s1 =	sld [smem:$0x3F5D];
	s0 =	simm.s32 @p0 $0x1  }
0x13: {  	[smem:$0x3F78] =	sst s0;
	s0 =	simm.s32 @!p1 $0x0  }
0x14: {  	s2 =	sld [smem:$0x3F5C];
	s0 =	simm.s32 @p1 $0x1  }
0x15: {  	[smem:$0x3F79] =	sst s0;
	s0 =	simm.s32 @!p2 $0x0  }
0x16: {  	s3 =	sld [smem:$0x3FDB];
	s0 =	simm.s32 @p2 $0x1  }
0x17: {  	s4 =	simm.s32 $0x1BF5;
	[smem:$0x3F7B] =	sst s0  }
0x18: {  	s0 =	sld [smem:$0x3F5E];
	_ =	swait.ge [sflag:s4], $0x0  }
0x19: {  	s7 =	sld [smem:$0x3F5F]  }
0x1a: {  	s8 =	sadd.s32 $0xFFFFE003, lr  }
0x1b: {  	s9 =	sadd.s32 $0xFFFFFEF7, lr;
	s5 =	simm.s32 $0xFFFFFFFF;
	p2 =	slt.u32 s8, $0xFFFFF086  }
0x1c: {  	p1 =	slt.u32 s9, $0xF7A;
	s5 =	simm.s32 @!p2 $0x0  }
0x1d: {  	s5 =	simm.s32 @p1 $0x1;
	p0 =	seq.s32 s7, s2  }
0x1e: {  	s7 =	smul.u32 @!p0 $0xF7A, s2;
	p2 =	seq.s32 @!p0 s5, $0x0  }
0x1f: {  	s9 =	smul.u32 $0xF7A, s1;
	s8 =	simm.s32 @!p0 $0x1BF5;
	p2 =	por !p2, p0  }
0x20: {  	[sflag:s8] =	ssyncset.s32 @!p0 $0xFFFFF086;
	s6 =	sadd.s32 @!p0 s3, s7;
	s7 =	simm.s32 @!p0 $0x108  }
0x21: {  	s3 =	sadd.s32 s3, s9;
	s6 =	sadd.s32 @!p0 $0x88, s6;
	s7 =	simm.s32 @p2 $0x1082  }
0x22: {  	[simem:s7], [sflag:s8] =	dma.local @!p0 [hbm:s6], $0xF7A  }
0x23: {  	s9 =	sor.u32 $0xD0000000, s2;
	s6 =	simm.s32 $0x108;
	_ =	swait.ge @!p0 [sflag:s8], $0x0  }
0x24: {  	s3 =	sadd.s32 $0x88, s3;
	s6 =	simm.s32 @!p1 $0x1082;
	[sflag:s4] =	ssyncset.s32 $0xFFFFF086  }
0x25: {  	[simem:s6], [sflag:s4] =	dma.local [hbm:s3], $0xF7A  }
0x26: {  	[smem:$0x3F5F] =	sst s1;
	(tag) =	ssettag s2;
	_ =	strace s9  }
0x27: {  	s1 =	sld [smem:$0x3F6F]  }
0x28: {  	s2 =	sld [smem:$0x3F70]  }
0x29: {  	s4 =	sld [smem:$0x3F72]  }
0x2a: {  	p0 =	seq.s32 s5, $0x0;
	s5 =	sld [smem:$0x3F73]  }
0x2b: {  	s6 =	sld [smem:$0x3F74]  }
0x2c: {  	s7 =	sld [smem:$0x3F75]  }
0x2d: {  	s3 =	simm.s32 $0x108;
	s8 =	sld [smem:$0x3F76]  }
0x2e: {  	s3 =	simm.s32 @!p0 $0x1082;
	s9 =	sld [smem:$0x3F77]  }
0x2f: {  	lr =	sadd.s32 s0, s3;
	s0 =	sld [smem:$0x3F6E]  }
0x30: {  	s3 =	sld [smem:$0x3F71]  }
0x31: {  	[smem:$0x3F7A] =	sst s10  }
0x32: {  	s10 =	sld [smem:$0x3F78];
	_ =	sdelay $0x3  }
0x33: {  	p0 =	seq.s32 s10, $0x1;
	s10 =	sld [smem:$0x3F7A];
	_ =	sdelay $0x3  }
0x34: {  	[smem:$0x3F7A] =	sst s10  }
0x35: {  	s10 =	sld [smem:$0x3F79];
	_ =	sdelay $0x3  }
0x36: {  	p1 =	seq.s32 s10, $0x1;
	s10 =	sld [smem:$0x3F7A];
	_ =	sdelay $0x3  }
0x37: {  	[smem:$0x3F7A] =	sst s10  }
0x38: {  	s10 =	sld [smem:$0x3F7B]  }
0x39: {  	_ = 	snop;
	(pc) =	sbr.ind lr, $3  }
0x3a: {  	_ = 	snop  }
0x3b: {  	_ = 	snop  }
0x3c: {  	p2 =	seq.s32 s10, $0x1;
	s10 =	sld [smem:$0x3F7A]  }
0x3d: {  	_ =	shalt  }
0x3e: {  	_ =	shalt  }
0x3f: {  	_ =	shalt  }
0x40: {  	_ =	shalt  }
0x41: {  	_ =	shalt  }
0x42: {  	_ =	shalt  }
0x43: {  	_ =	shalt  }
0x44: {  	_ =	shalt  }
0x45: {  	_ =	shalt  }
0x46: {  	_ =	shalt  }
0x47: {  	_ =	shalt  }
0x48: {  	_ =	shalt  }
0x49: {  	_ =	shalt  }
0x4a: {  	_ =	shalt  }
0x4b: {  	_ =	shalt  }
0x4c: {  	_ =	shalt  }
0x4d: {  	_ =	shalt  }
0x4e: {  	_ =	shalt  }
0x4f: {  	_ =	shalt  }
0x50: {  	_ =	shalt  }
0x51: {  	_ =	shalt  }
0x52: {  	_ =	shalt  }
0x53: {  	_ =	shalt  }
0x54: {  	_ =	shalt  }
0x55: {  	_ =	shalt  }
0x56: {  	_ =	shalt  }
0x57: {  	_ =	shalt  }
0x58: {  	_ =	shalt  }
0x59: {  	_ =	shalt  }
0x5a: {  	_ =	shalt  }
0x5b: {  	_ =	shalt  }
0x5c: {  	_ =	shalt  }
0x5d: {  	_ =	shalt  }
0x5e: {  	_ =	shalt  }
0x5f: {  	_ =	shalt  }
0x60: {  	_ =	shalt  }
0x61: {  	_ =	shalt  }
0x62: {  	_ =	shalt  }
0x63: {  	_ =	shalt  }
0x64: {  	_ =	shalt  }
0x65: {  	_ =	shalt  }
0x66: {  	_ =	shalt  }
0x67: {  	_ =	shalt  }
0x68: {  	_ =	shalt  }
0x69: {  	_ =	shalt  }
0x6a: {  	_ =	shalt  }
0x6b: {  	_ =	shalt  }
0x6c: {  	_ =	shalt  }
0x6d: {  	_ =	shalt  }
0x6e: {  	_ =	shalt  }
0x6f: {  	_ =	shalt  }
0x70: {  	_ =	shalt  }
0x71: {  	_ =	shalt  }
0x72: {  	_ =	shalt  }
0x73: {  	_ =	shalt  }
0x74: {  	_ =	shalt  }
0x75: {  	_ =	shalt  }
0x76: {  	_ =	shalt  }
0x77: {  	_ =	shalt  }
0x78: {  	_ =	shalt  }
0x79: {  	_ =	shalt  }
0x7a: {  	_ =	shalt  }
0x7b: {  	_ =	shalt  }
0x7c: {  	_ =	shalt  }
0x7d: {  	_ =	shalt  }
0x7e: {  	_ =	shalt  }
0x7f: {  	_ =	shalt  }
0x80: {  	_ =	shalt  }
0x81: {  	_ =	shalt  }
0x82: {  	_ =	shalt  }
0x83: {  	_ =	shalt  }
0x84: {  	_ =	shalt  }
0x85: {  	_ =	shalt  }
0x86: {  	_ =	shalt  }
0x87: {  	_ =	shalt  }
.Lfunc_end0:
.L_simem_size_0:
called_computation_lowered:
.L_overlay_start_0:
0x88: {  	s2 =	sld [smem:$0x3FD9]  }
0x89: {  	s3 =	sld [smem:$0x3FFE];
	_ =	sdelay $0x1  }
0x8a: {  	s1 =	srdreg.scid  }
0x8b: {  	s0 =	sand.u32 $0x1, s1  }
0x8c: {  	s17 =	sshll.u32 s0, $0xA;
	s2 =	sadd.s32 s3, s2  }
0x8d: {  	s2 =	sadd.s32 s2, s17  }
0x8e: {  	[smem:$0x3F86] =	sst s2  }
0x8f: {  	_ = 	snop  }
0x90: {  	s2 =	sld [smem:$0x3FD0];
	(tm) =	ssettm $0x1  }
0x91: {  	s18 =	sld [smem:$0x3FFB];
	_ =	sdelay $0x3  }
0x92: {  	_ =	strace s18  }
0x93: {  	s3 =	sld [smem:$0x3FFC];
	_ =	sdelay $0x3  }
0x94: {  	_ =	strace s3  }
0x95: {  	s3 =	sld [smem:$0x3FFD];
	_ =	sdelay $0x3  }
0x96: {  	_ =	strace s3  }
0x97: {  	_ =	strace $0x8FFFFFFF  }
0x98: {  	s19 =	sld [smem:$0x3FDB];
	_ =	sdelay $0x1  }
0x99: {  	s4 =	simm.s32 $_scs_section_size  }
0x9a: {  	s5 =	simm.s32 $_size__tile_overlayer_lowered;
	s6 =	simm.s32 $_tile_overlayer_lowered  }
0x9b: {  	s22 =	simm.s32 $0x1BFF;
	s21 =	sshll.u32 s6, $0x1;
	s3 =	sadd.s32 s4, s19  }
0x9c: {  	s7 =	simm.s32 $0x0;
	s20 =	sshll.u32 s5, $0x1;
	s5 =	sadd.s32 s21, s3  }
0x9d: {  	[timem:s7], [sflag:s22] =	dma.local [hbm:s5], s20  }
0x9e: {  	_ =	swait.ge [sflag:s22], s20  }
0x9f: {  	s4 =	ssub.s32 $0x0, s20;
	[sflag:s22] =	ssyncset.done $0x0  }
0xa0: {  	[sflag:s22] =	ssyncadd.s32 s4;
	_ =	sdelay $0x1  }
0xa1: {  	s23 =	simm.s32 $0x1B8B  }
0xa2: {  	_ =	swait.ge [sflag:s23], $0x1  }
0xa3: {  	[sflag:s23] =	ssyncset.done $0x0  }
0xa4: {  	s25 =	simm.s32 $0x1B8E;
	s24 =	sld [smem:$0x3FFE];
	[sflag:s23] =	ssyncadd.s32 $0xFFFFFFFF  }
0xa5: {  	s26 =	simm.s32 $execute0_lowered;
	[smem:$0x3FD2] =	sst s25  }
0xa6: {  	s5 =	sshll.u32 s26, $0x1;
	_ =	strace $0x80000046;
	[dreg:$0x1] =	wrdreg $0xFFFFFFFF  }
0xa7: {  	s28 =	simm.s32 $_size_execute0_lowered;
	s3 =	sadd.s32 s3, s5;
	[dreg:$0x0] =	wrdreg $0x0  }
0xa8: {  	s5 =	sshll.u32 s28, $0x1;
	[dreg:$0x2] =	wrdreg s3  }
0xa9: {  	[dreg:$0x3] =	wrdreg s5  }
0xaa: {  	[dreg:$0x4] =	wrdreg $0xC0  }
0xab: {  	_ =	task [dreg:s7], $0x5FFFF  }
0xac: {  	[dreg:$0x1] =	wrdreg $0xFFFFFFFF  }
0xad: {  	[dreg:$0x0] =	wrdreg $0x60  }
0xae: {  	[dreg:$0x2] =	wrdreg s2  }
0xaf: {  	[dreg:$0x3] =	wrdreg s24  }
0xb0: {  	[dreg:$0x4] =	wrdreg $0x40800  }
0xb1: {  	[dreg:$0x5] =	wrdreg $0x9  }
0xb2: {  	_ =	task.clear_ibuf [dreg:s7], $0x6FFFF;
	_ =	strace $0x90000046  }
0xb3: {  	s29 =	simm.s32 $0x9;
	_ =	strace $0x80000048  }
0xb4: {  	_ =	swait.ge [sflag:s29], $0x1  }
0xb5: {  	[sflag:s29] =	ssyncadd.s32 $0xFFFFFFFF  }
0xb6: {  	_ =	strace $0x90000048  }
0xb7: {  	_ =	sfence  }
0xb8: {  	s30 =	sld [smem:$0x0];
	_ =	sdelay $0x2  }
0xb9: {  	s31 =	sshll.u32 s1, $0xD;
	s1 =	sshrl.u32 s1, $0x2  }
0xba: {  	s3 =	sand.u32 $0x4000, s31;
	s1 =	sadd.s32 s1, s30  }
0xbb: {  	s0 =	sor.u32 s3, s0;
	s1 =	sshll.u32 s1, $0x11  }
0xbc: {  	s0 =	sor.u32 s1, s0  }
0xbd: {  	s0 =	sadd.s32 $0x8F2B, s0  }
0xbe: {  	[sflag:s0] =	ssyncadd.remote.s32 $0x1  }
0xbf: {  	_ =	sfence.sel $0xFFFF  }
0xc0: {  	[dreg:$0x0] =	wrdreg $0xFFFFFFFF;
	(pc) =	sbr.abs _section_cstart, $3  }
0xc1: {  	[dreg:$0x1] =	wrdreg $0xFFFFFFFF  }
0xc2: {  	_ =	task.clear_ibuf [dreg:s7], $0x2FFFF;
	_ =	strace $0x9FFFFFFF  }
0xc3: {  	(tm) =	ssettm $0x7FFFFFFF  }
tec
execute0_lowered:
.L_overlay_start_1:
0x0: {  	(tag) =	ssettag $0x1  }
0x1: {  	s1 =	rddreg [dreg:$0x0]  }
0x2: {  	s6 =	rddreg [dreg:$0x1]  }
0x3: {  	s3 =	rddreg [dreg:$0x2];
	s2 =	stileid.u32  }
0x4: {  	s0 =	rddreg [dreg:$0x3];
	s5 =	smul.u32 $0x9E0, s2  }
0x5: {  	s4 =	simm.s32 $0x0;
	s7 =	srdreg.scid;
	s8 =	smul.u32 $0x50000, s2  }
0x6: {  	[smem:$0x7FF] =	sst s4;
	s7 =	sand.u32 $0x1, s7;
	s13 =	smul.u32 $0x13800, s2  }
0x7: {  	s14 =	sadd.s32 $0x28A00, s6;
	s26 =	smul.u32 $0x4E000, s2;
	p0 =	seq.s32 s2, $0xF  }
0x8: {  	s31 =	sshll.u32 s2, $0x6;
	_ =	strace $0x80000047;
	s11 =	smul.u32 $0x138800, s7  }
0x9: {  	s10 =	ssub.s32 $0x2, s7;
	s28 =	smul.u32 $0x4F0, s7;
	s9 =	sadd.s32 s5, s6  }
0xa: {  	s5 =	sadd.s32 $0x26200, s6;
	s12 =	sshrl.u32 s10, $0x1;
	s24 =	sshrl.u32 s8, $0x2  }
0xb: {  	s29 =	sshrl.u32 s26, $0x2;
	s10 =	ssub.s32 s10, s12;
	s15 =	sadd.s32 s24, s3  }
0xc: {  	s25 =	sadd.s32 s13, s11;
	s11 =	sshrl.u32 s11, $0x3;
	s16 =	sadd.s32 s29, s3  }
0xd: {  	s9 =	sadd.s32 s28, s9;
	s12 =	sor.u32 $0x1C01, s31;
	s6 =	sshrl.u32 s25, $0x3  }
0xe: {  	s30 =	sadd.s32 s14, s11;
	s8 =	smax.u32 s10, $0x1;
	s9 =	sadd.s32 $0x1C400, s9  }
0xf: {  	s10 =	simm.s32 $0x80;
	s11 =	simm.s32 $0x1;
	s13 =	sshrl.u32 s15, $0x3  }
0x10: {  	s15 =	sshrl.u32 @!p0 s16, $0x3;
	s6 =	sadd.s32 s14, s6;
	s14 =	sadd.s32 $0x124800, s3  }
0x11: {  	s16 =	simm.s32 $0x0;
	s7 =	sadd.s32 $0x24900, s30;
	s14 =	sshrl.u32 @p0 s14, $0x3  }
.LBB2_1:
0x12: {  	[tilespmem:s10], [sflag:$0x1] =	stream.linear.gather [hbm4b:s1+s4], $0x4000, $0x38;
	[tilespmem:$0x18080] =	vst v63  }
0x13: {  	_ =	swait.ge [sflag:s11], $0x4000  }
0x14: {  	[sflag:s11] =	ssyncset.done $0x0  }
0x15: {  	[sflag:s11] =	ssyncadd.s32 $0xFFFFC000  }
0x16: {  	[spmem:s13], [sflag:s12] =	dma.local [hbm:s5], $0x2800  }
0x17: {  	_ =	swait.ge [sflag:s11], $0x2800  }
0x18: {  	[sflag:s11] =	ssyncset.done $0x0  }
0x19: {  	[sflag:s11] =	ssyncadd.s32 $0xFFFFD800  }
0x1a: {  	s17 =	sadd.s32 $0x0, s9;
	[bflag:$0x0] =	sbarrier.arrive $0xFFFF  }
0x1b: {  	[tilespmem:s4], [sflag:$0x1] =	stream.linear.gather [hbm4b:s17+s4], $0x80, $0x38;
	[tilespmem:$0x18080] =	vst v63  }
0x1c: {  	_ =	swait.ge [sflag:s11], $0x80  }
0x1d: {  	[sflag:s11] =	ssyncset.done $0x0  }
0x1e: {  	[sflag:s11] =	ssyncadd.s32 $0xFFFFFF80  }
0x1f: {  	[spmem:s3] =	stream.indirect.scatter.add.f32 [tilespmem:s10], [sflag:$0x1], $0x80, s4, s10, $0xb8;
	[tilespmem:$0x18080] =	vst v63  }
0x20: {  	_ =	swait.ge [sflag:s11], $0x4000  }
0x21: {  	s18 =	simm.s32 $0x20;
	s17 =	simm.s32 $0x10;
	[sflag:s11] =	ssyncset.done $0x0  }
.LBB2_2:
0x22: {  	s19 =	sadd.s32 s17, s9  }
0x23: {  	[sflag:s11] =	ssyncadd.s32 $0xFFFFC000;
	s17 =	smov.u32 s18;
	s20 =	sadd.s32 $0x10, s18  }
0x24: {  	[tilespmem:s4], [sflag:$0x1] =	stream.linear.gather [hbm4b:s19+s4], $0x80, $0x38;
	[tilespmem:$0x18080] =	vst v63  }
0x25: {  	p1 =	sne.s32 s18, $0x4E0;
	_ =	swait.ge [sflag:s11], $0x80  }
.Ltmp0:
0x26: {  	[sflag:s11] =	ssyncset.done $0x0;
	(pc) =	sbr.rel @p1 .LBB2_2-.Ltmp0, $4  }
0x27: {  	[sflag:s11] =	ssyncadd.s32 $0xFFFFFF80  }
0x28: {  	[spmem:s3] =	stream.indirect.scatter.add.f32 [tilespmem:s10], [sflag:$0x1], $0x80, s4, s10, $0xb8;
	[tilespmem:$0x18080] =	vst v63  }
0x29: {  	_ =	swait.ge [sflag:s11], $0x4000  }
0x2a: {  	s18 =	smov.u32 s20;
	[sflag:s11] =	ssyncset.done $0x0  }
0x2b: {  	s17 =	sadd.s32 s17, s9;
	[sflag:s11] =	ssyncadd.s32 $0xFFFFC000  }
0x2c: {  	[tilespmem:s4], [sflag:$0x1] =	stream.linear.gather [hbm4b:s17+s4], $0x80, $0x38;
	[tilespmem:$0x18080] =	vst v63  }
0x2d: {  	_ =	swait.ge [sflag:s11], $0x80  }
0x2e: {  	[sflag:s11] =	ssyncset.done $0x0  }
0x2f: {  	[sflag:s11] =	ssyncadd.s32 $0xFFFFFF80  }
0x30: {  	[spmem:s3] =	stream.indirect.scatter.add.f32 [tilespmem:s10], [sflag:$0x1], $0x80, s4, s10, $0xb8;
	[tilespmem:$0x18080] =	vst v63  }
0x31: {  	_ =	swait.ge [sflag:s11], $0x4000  }
0x32: {  	[sflag:s11] =	ssyncset.done $0x0  }
0x33: {  	[sflag:s11] =	ssyncadd.s32 $0xFFFFC000  }
0x34: {  	s17 =	simm.s32 @p0 $0x1;
	[bflag:$0x0] =	sbarrier.arrive $0xFFFF  }
0x35: {  	[hbm:s7], [sflag:s12] =	dma.local @p0 [spmem:s14], $0x2800  }
0x36: {  	_ =	swait.ge @p0 [sflag:s17], $0x2800  }
0x37: {  	s16 =	sadd.s32 $0x1, s16;
	[sflag:s17] =	ssyncset.done @p0 $0x0  }
0x38: {  	p1 =	sne.s32 s16, s8;
	[sflag:s17] =	ssyncadd.s32 @p0 $0xFFFFD800;
	s17 =	simm.s32 @!p0 $0x1  }
0x39: {  	[hbm:s6], [sflag:s12] =	dma.local @!p0 [spmem:s15], $0x2700  }
.Ltmp1:
0x3a: {  	_ =	swait.ge @!p0 [sflag:s17], $0x2700;
	(pc) =	sbr.rel @p1 .LBB2_1-.Ltmp1, $3  }
0x3b: {  	[sflag:s17] =	ssyncset.done @!p0 $0x0  }
0x3c: {  	[sflag:s17] =	ssyncadd.s32 @!p0 $0xFFFFD900  }
0x3d: {  	[bflag:$0x0] =	sbarrier.arrive $0xFFFF;
	_ =	sdelay $0x1  }
0x3e: {  	_ =	sfence.sel $0x180000  }
0x3f: {  	[bflag:$0x0] =	sbarrier.arrive $0xFFFF  }
0x40: {  	p0 =	sne.s32 s2, $0x0;
	_ =	strace $0x90000047  }
0x41: {  	s0 =	sadd.s32 @!p0 $0x100000, s0;
	[bflag:$0x2] =	sbarrier.arrive $0xFFFF  }
0x42: {  	[sflag:s0] =	ssyncadd.tile.s32 @!p0 $0x1;
	_ =	shalt  }
.Lfunc_end2:
_tile_overlayer_lowered:
.L_overlay_start_2:
0x43: {  	(tag) =	ssettag $0x2  }
0x44: {  	s0 =	rddreg [dreg:$0x0];
	s2 =	stileid.u32  }
0x45: {  	s1 =	rddreg [dreg:$0x1];
	p0 =	sne.s32 s2, $0x0  }
0x46: {  	s3 =	rddreg [dreg:$0x2];
	[bflag:$0x3] =	sbarrier.arrive $0xFFFF;
	s2 =	simm.s32 @!p0 $0x1C01  }
0x47: {  	[timem:s3], [sflag:s2] =	dma.local @!p0 [hbm:s0], s1  }
0x48: {  	s0 =	simm.s32 @!p0 $0x1  }
0x49: {  	_ =	swait.ge @!p0 [sflag:s0], s1  }
0x4a: {  	s1 =	ssub.s32 @!p0 $0x0, s1;
	[sflag:s0] =	ssyncset.done @!p0 $0x0  }
0x4b: {  	[sflag:s0] =	ssyncadd.s32 @!p0 s1  }
0x4c: {  	[bflag:$0x3] =	sbarrier.arrive $0xFFFF  }
0x4d: {  	_ =	shalt  }

// kernel: kernel.23.cloned.1.call-start
scs
__scs_entry_jumppad:
0x0: {  	(pc) =	sbr.rel $0x88, $3  }
0x1: {  	(tag) =	ssettag $0x0;
	lr =	simm.s32 $0x1  }
0x2: {  	[smem:$0x3F5F] =	sst lr;
	_ =	strace $0xD0000000  }
0x3: {  	_ = 	snop  }
0x4: {  	_ = 	snop  }
0x5: {  	_ = 	snop  }
0x6: {  	_ = 	snop  }
0x7: {  	_ = 	snop  }
__scs_overlays_trampoline_lowered:
0x8: {  	[smem:$0x3F6E] =	sst s0  }
0x9: {  	[smem:$0x3F6F] =	sst s1  }
0xa: {  	[smem:$0x3F70] =	sst s2  }
0xb: {  	[smem:$0x3F71] =	sst s3  }
0xc: {  	[smem:$0x3F72] =	sst s4  }
0xd: {  	[smem:$0x3F73] =	sst s5  }
0xe: {  	[smem:$0x3F74] =	sst s6  }
0xf: {  	[smem:$0x3F75] =	sst s7  }
0x10: {  	[smem:$0x3F76] =	sst s8  }
0x11: {  	[smem:$0x3F77] =	sst s9;
	s0 =	simm.s32 @!p0 $0x0  }
0x12: {  	s1 =	sld [smem:$0x3F5D];
	s0 =	simm.s32 @p0 $0x1  }
0x13: {  	[smem:$0x3F78] =	sst s0;
	s0 =	simm.s32 @!p1 $0x0  }
0x14: {  	s2 =	sld [smem:$0x3F5C];
	s0 =	simm.s32 @p1 $0x1  }
0x15: {  	[smem:$0x3F79] =	sst s0;
	s0 =	simm.s32 @!p2 $0x0  }
0x16: {  	s3 =	sld [smem:$0x3FDB];
	s0 =	simm.s32 @p2 $0x1  }
0x17: {  	s4 =	simm.s32 $0x1BF5;
	[smem:$0x3F7B] =	sst s0  }
0x18: {  	s0 =	sld [smem:$0x3F5E];
	_ =	swait.ge [sflag:s4], $0x0  }
0x19: {  	s7 =	sld [smem:$0x3F5F]  }
0x1a: {  	s8 =	sadd.s32 $0xFFFFE003, lr  }
0x1b: {  	s9 =	sadd.s32 $0xFFFFFEF7, lr;
	s5 =	simm.s32 $0xFFFFFFFF;
	p2 =	slt.u32 s8, $0xFFFFF086  }
0x1c: {  	p1 =	slt.u32 s9, $0xF7A;
	s5 =	simm.s32 @!p2 $0x0  }
0x1d: {  	s5 =	simm.s32 @p1 $0x1;
	p0 =	seq.s32 s7, s2  }
0x1e: {  	s7 =	smul.u32 @!p0 $0xF7A, s2;
	p2 =	seq.s32 @!p0 s5, $0x0  }
0x1f: {  	s9 =	smul.u32 $0xF7A, s1;
	s8 =	simm.s32 @!p0 $0x1BF5;
	p2 =	por !p2, p0  }
0x20: {  	[sflag:s8] =	ssyncset.s32 @!p0 $0xFFFFF086;
	s6 =	sadd.s32 @!p0 s3, s7;
	s7 =	simm.s32 @!p0 $0x108  }
0x21: {  	s3 =	sadd.s32 s3, s9;
	s6 =	sadd.s32 @!p0 $0x88, s6;
	s7 =	simm.s32 @p2 $0x1082  }
0x22: {  	[simem:s7], [sflag:s8] =	dma.local @!p0 [hbm:s6], $0xF7A  }
0x23: {  	s9 =	sor.u32 $0xD0000000, s2;
	s6 =	simm.s32 $0x108;
	_ =	swait.ge @!p0 [sflag:s8], $0x0  }
0x24: {  	s3 =	sadd.s32 $0x88, s3;
	s6 =	simm.s32 @!p1 $0x1082;
	[sflag:s4] =	ssyncset.s32 $0xFFFFF086  }
0x25: {  	[simem:s6], [sflag:s4] =	dma.local [hbm:s3], $0xF7A  }
0x26: {  	[smem:$0x3F5F] =	sst s1;
	(tag) =	ssettag s2;
	_ =	strace s9  }
0x27: {  	s1 =	sld [smem:$0x3F6F]  }
0x28: {  	s2 =	sld [smem:$0x3F70]  }
0x29: {  	s4 =	sld [smem:$0x3F72]  }
0x2a: {  	p0 =	seq.s32 s5, $0x0;
	s5 =	sld [smem:$0x3F73]  }
0x2b: {  	s6 =	sld [smem:$0x3F74]  }
0x2c: {  	s7 =	sld [smem:$0x3F75]  }
0x2d: {  	s3 =	simm.s32 $0x108;
	s8 =	sld [smem:$0x3F76]  }
0x2e: {  	s3 =	simm.s32 @!p0 $0x1082;
	s9 =	sld [smem:$0x3F77]  }
0x2f: {  	lr =	sadd.s32 s0, s3;
	s0 =	sld [smem:$0x3F6E]  }
0x30: {  	s3 =	sld [smem:$0x3F71]  }
0x31: {  	[smem:$0x3F7A] =	sst s10  }
0x32: {  	s10 =	sld [smem:$0x3F78];
	_ =	sdelay $0x3  }
0x33: {  	p0 =	seq.s32 s10, $0x1;
	s10 =	sld [smem:$0x3F7A];
	_ =	sdelay $0x3  }
0x34: {  	[smem:$0x3F7A] =	sst s10  }
0x35: {  	s10 =	sld [smem:$0x3F79];
	_ =	sdelay $0x3  }
0x36: {  	p1 =	seq.s32 s10, $0x1;
	s10 =	sld [smem:$0x3F7A];
	_ =	sdelay $0x3  }
0x37: {  	[smem:$0x3F7A] =	sst s10  }
0x38: {  	s10 =	sld [smem:$0x3F7B]  }
0x39: {  	_ = 	snop;
	(pc) =	sbr.ind lr, $3  }
0x3a: {  	_ = 	snop  }
0x3b: {  	_ = 	snop  }
0x3c: {  	p2 =	seq.s32 s10, $0x1;
	s10 =	sld [smem:$0x3F7A]  }
0x3d: {  	_ =	shalt  }
0x3e: {  	_ =	shalt  }
0x3f: {  	_ =	shalt  }
0x40: {  	_ =	shalt  }
0x41: {  	_ =	shalt  }
0x42: {  	_ =	shalt  }
0x43: {  	_ =	shalt  }
0x44: {  	_ =	shalt  }
0x45: {  	_ =	shalt  }
0x46: {  	_ =	shalt  }
0x47: {  	_ =	shalt  }
0x48: {  	_ =	shalt  }
0x49: {  	_ =	shalt  }
0x4a: {  	_ =	shalt  }
0x4b: {  	_ =	shalt  }
0x4c: {  	_ =	shalt  }
0x4d: {  	_ =	shalt  }
0x4e: {  	_ =	shalt  }
0x4f: {  	_ =	shalt  }
0x50: {  	_ =	shalt  }
0x51: {  	_ =	shalt  }
0x52: {  	_ =	shalt  }
0x53: {  	_ =	shalt  }
0x54: {  	_ =	shalt  }
0x55: {  	_ =	shalt  }
0x56: {  	_ =	shalt  }
0x57: {  	_ =	shalt  }
0x58: {  	_ =	shalt  }
0x59: {  	_ =	shalt  }
0x5a: {  	_ =	shalt  }
0x5b: {  	_ =	shalt  }
0x5c: {  	_ =	shalt  }
0x5d: {  	_ =	shalt  }
0x5e: {  	_ =	shalt  }
0x5f: {  	_ =	shalt  }
0x60: {  	_ =	shalt  }
0x61: {  	_ =	shalt  }
0x62: {  	_ =	shalt  }
0x63: {  	_ =	shalt  }
0x64: {  	_ =	shalt  }
0x65: {  	_ =	shalt  }
0x66: {  	_ =	shalt  }
0x67: {  	_ =	shalt  }
0x68: {  	_ =	shalt  }
0x69: {  	_ =	shalt  }
0x6a: {  	_ =	shalt  }
0x6b: {  	_ =	shalt  }
0x6c: {  	_ =	shalt  }
0x6d: {  	_ =	shalt  }
0x6e: {  	_ =	shalt  }
0x6f: {  	_ =	shalt  }
0x70: {  	_ =	shalt  }
0x71: {  	_ =	shalt  }
0x72: {  	_ =	shalt  }
0x73: {  	_ =	shalt  }
0x74: {  	_ =	shalt  }
0x75: {  	_ =	shalt  }
0x76: {  	_ =	shalt  }
0x77: {  	_ =	shalt  }
0x78: {  	_ =	shalt  }
0x79: {  	_ =	shalt  }
0x7a: {  	_ =	shalt  }
0x7b: {  	_ =	shalt  }
0x7c: {  	_ =	shalt  }
0x7d: {  	_ =	shalt  }
0x7e: {  	_ =	shalt  }
0x7f: {  	_ =	shalt  }
0x80: {  	_ =	shalt  }
0x81: {  	_ =	shalt  }
0x82: {  	_ =	shalt  }
0x83: {  	_ =	shalt  }
0x84: {  	_ =	shalt  }
0x85: {  	_ =	shalt  }
0x86: {  	_ =	shalt  }
0x87: {  	_ =	shalt  }
.Lfunc_end0:
.L_simem_size_0:
called_computation.1_lowered:
.L_overlay_start_0:
0x88: {  	s2 =	sld [smem:$0x3FD9]  }
0x89: {  	s3 =	sld [smem:$0x3FFE];
	_ =	sdelay $0x1  }
0x8a: {  	s1 =	srdreg.scid  }
0x8b: {  	s0 =	sand.u32 $0x1, s1  }
0x8c: {  	s17 =	sshll.u32 s0, $0xA;
	s2 =	sadd.s32 s3, s2  }
0x8d: {  	s2 =	sadd.s32 s2, s17  }
0x8e: {  	[smem:$0x3F86] =	sst s2  }
0x8f: {  	_ = 	snop  }
0x90: {  	s2 =	sld [smem:$0x3FD0];
	(tm) =	ssettm $0x1  }
0x91: {  	s18 =	sld [smem:$0x3FFB];
	_ =	sdelay $0x3  }
0x92: {  	_ =	strace s18  }
0x93: {  	s3 =	sld [smem:$0x3FFC];
	_ =	sdelay $0x3  }
0x94: {  	_ =	strace s3  }
0x95: {  	s3 =	sld [smem:$0x3FFD];
	_ =	sdelay $0x3  }
0x96: {  	_ =	strace s3  }
0x97: {  	_ =	strace $0x8FFFFFFF  }
0x98: {  	s19 =	sld [smem:$0x3FDB];
	_ =	sdelay $0x1  }
0x99: {  	s4 =	simm.s32 $_scs_section_size  }
0x9a: {  	s5 =	simm.s32 $_size__tile_overlayer_lowered;
	s6 =	simm.s32 $_tile_overlayer_lowered  }
0x9b: {  	s22 =	simm.s32 $0x1BFF;
	s21 =	sshll.u32 s6, $0x1;
	s3 =	sadd.s32 s4, s19  }
0x9c: {  	s7 =	simm.s32 $0x0;
	s20 =	sshll.u32 s5, $0x1;
	s5 =	sadd.s32 s21, s3  }
0x9d: {  	[timem:s7], [sflag:s22] =	dma.local [hbm:s5], s20  }
0x9e: {  	_ =	swait.ge [sflag:s22], s20  }
0x9f: {  	s4 =	ssub.s32 $0x0, s20;
	[sflag:s22] =	ssyncset.done $0x0  }
0xa0: {  	[sflag:s22] =	ssyncadd.s32 s4;
	_ =	sdelay $0x1  }
0xa1: {  	s23 =	simm.s32 $0x1B8B  }
0xa2: {  	_ =	swait.ge [sflag:s23], $0x1  }
0xa3: {  	[sflag:s23] =	ssyncset.done $0x0  }
0xa4: {  	s25 =	simm.s32 $0x1B8E;
	s24 =	sld [smem:$0x3FFE];
	[sflag:s23] =	ssyncadd.s32 $0xFFFFFFFF  }
0xa5: {  	s26 =	simm.s32 $execute0_lowered;
	[smem:$0x3FD2] =	sst s25  }
0xa6: {  	s5 =	sshll.u32 s26, $0x1;
	_ =	strace $0x80000049;
	[dreg:$0x1] =	wrdreg $0xFFFFFFFF  }
0xa7: {  	s28 =	simm.s32 $_size_execute0_lowered;
	s3 =	sadd.s32 s3, s5;
	[dreg:$0x0] =	wrdreg $0x0  }
0xa8: {  	s5 =	sshll.u32 s28, $0x1;
	[dreg:$0x2] =	wrdreg s3  }
0xa9: {  	[dreg:$0x3] =	wrdreg s5  }
0xaa: {  	[dreg:$0x4] =	wrdreg $0xC0  }
0xab: {  	_ =	task [dreg:s7], $0x5FFFF  }
0xac: {  	[dreg:$0x1] =	wrdreg $0xFFFFFFFF  }
0xad: {  	[dreg:$0x0] =	wrdreg $0x60  }
0xae: {  	[dreg:$0x2] =	wrdreg s2  }
0xaf: {  	[dreg:$0x3] =	wrdreg s24  }
0xb0: {  	[dreg:$0x4] =	wrdreg $0x41000  }
0xb1: {  	[dreg:$0x5] =	wrdreg $0x9  }
0xb2: {  	_ =	task.clear_ibuf [dreg:s7], $0x6FFFF;
	_ =	strace $0x90000049  }
0xb3: {  	s29 =	simm.s32 $0x9;
	_ =	strace $0x8000004B  }
0xb4: {  	_ =	swait.ge [sflag:s29], $0x1  }
0xb5: {  	[sflag:s29] =	ssyncadd.s32 $0xFFFFFFFF  }
0xb6: {  	_ =	strace $0x9000004B  }
0xb7: {  	_ =	sfence  }
0xb8: {  	s30 =	sld [smem:$0x0];
	_ =	sdelay $0x2  }
0xb9: {  	s31 =	sshll.u32 s1, $0xD;
	s1 =	sshrl.u32 s1, $0x2  }
0xba: {  	s3 =	sand.u32 $0x4000, s31;
	s1 =	sadd.s32 s1, s30  }
0xbb: {  	s0 =	sor.u32 s3, s0;
	s1 =	sshll.u32 s1, $0x11  }
0xbc: {  	s0 =	sor.u32 s1, s0  }
0xbd: {  	s0 =	sadd.s32 $0x8F2B, s0  }
0xbe: {  	[sflag:s0] =	ssyncadd.remote.s32 $0x1  }
0xbf: {  	_ =	sfence.sel $0xFFFF  }
0xc0: {  	[dreg:$0x0] =	wrdreg $0xFFFFFFFF;
	(pc) =	sbr.abs _section_cstart, $3  }
0xc1: {  	[dreg:$0x1] =	wrdreg $0xFFFFFFFF  }
0xc2: {  	_ =	task.clear_ibuf [dreg:s7], $0x2FFFF;
	_ =	strace $0x9FFFFFFF  }
0xc3: {  	(tm) =	ssettm $0x7FFFFFFF  }
tec
execute0_lowered:
.L_overlay_start_1:
0x0: {  	(tag) =	ssettag $0x1  }
0x1: {  	s1 =	rddreg [dreg:$0x0]  }
0x2: {  	s6 =	rddreg [dreg:$0x1]  }
0x3: {  	s3 =	rddreg [dreg:$0x2]  }
0x4: {  	s0 =	rddreg [dreg:$0x3];
	s4 =	simm.s32 $0x0;
	s2 =	stileid.u32  }
0x5: {  	s7 =	srdreg.scid;
	s16 =	simm.s32 $0x1;
	s5 =	smul.u32 $0x9E0, s2  }
0x6: {  	s19 =	simm.s32 $0x0;
	[smem:$0x7FF] =	sst s4;
	s8 =	smul.u32 $0x50000, s2  }
0x7: {  	s7 =	sand.u32 $0x1, s7;
	s13 =	smul.u32 $0x13800, s2;
	s14 =	sadd.s32 $0x4FC00, s6  }
0x8: {  	s25 =	smul.u32 $0x4E000, s2;
	s17 =	sadd.s32 $0x124800, s3;
	p0 =	seq.s32 s2, $0xF  }
0x9: {  	s23 =	sshll.u32 s2, $0x6;
	_ =	strace $0x8000004A;
	s11 =	smul.u32 $0x138800, s7  }
0xa: {  	s10 =	ssub.s32 $0x2, s7;
	s29 =	smul.u32 $0x4F0, s7;
	s17 =	sshrl.u32 @p0 s17, $0x3  }
0xb: {  	s9 =	sadd.s32 s5, s6;
	s5 =	sadd.s32 $0x26200, s6;
	s12 =	sshrl.u32 s10, $0x1  }
0xc: {  	s22 =	sshrl.u32 s8, $0x2;
	s6 =	sor.u32 $0x1C02, s23;
	s28 =	sshrl.u32 s25, $0x2  }
0xd: {  	s10 =	ssub.s32 s10, s12;
	s24 =	sadd.s32 s13, s11;
	s15 =	sadd.s32 s22, s3  }
0xe: {  	s11 =	sshrl.u32 s11, $0x3;
	s18 =	sadd.s32 s28, s3;
	s31 =	sadd.s32 s29, s9  }
0xf: {  	s13 =	simm.s32 $0x2;
	s26 =	sshrl.u32 s24, $0x3;
	s30 =	sadd.s32 s14, s11  }
0x10: {  	s9 =	smax.u32 s10, $0x1;
	s10 =	sadd.s32 $0x12600, s31;
	s11 =	sadd.s32 $0x1C400, s31  }
0x11: {  	s12 =	sshrl.u32 s15, $0x3;
	s15 =	simm.s32 $0x100;
	s18 =	sshrl.u32 @!p0 s18, $0x3  }
0x12: {  	s7 =	sadd.s32 s14, s26;
	s8 =	sadd.s32 $0x24900, s30;
	s14 =	simm.s32 $0x80  }
.LBB2_1:
0x13: {  	[spmem:s12], [sflag:s6] =	dma.local [hbm:s5], $0x2800  }
0x14: {  	_ =	swait.ge [sflag:s13], $0x2800  }
0x15: {  	[sflag:s13] =	ssyncset.done $0x0  }
0x16: {  	[sflag:s13] =	ssyncadd.s32 $0xFFFFD800  }
0x17: {  	s20 =	sadd.s32 $0x0, s11;
	[bflag:$0x0] =	sbarrier.arrive $0xFFFF  }
0x18: {  	[tilespmem:s14], [sflag:$0x2] =	stream.linear.gather [hbm4b:s20+s4], $0x80, $0x38;
	[tilespmem:$0x18100] =	vst v63  }
0x19: {  	_ =	swait.ge [sflag:s13], $0x80  }
0x1a: {  	[sflag:s13] =	ssyncset.done $0x0  }
0x1b: {  	s31 =	sadd.s32 $0x0, s10;
	[sflag:s13] =	ssyncadd.s32 $0xFFFFFF80  }
0x1c: {  	[tilespmem:s4], [sflag:$0x2] =	stream.linear.gather [hbm4b:s31+s4], $0x80, $0x38;
	[tilespmem:$0x18100] =	vst v63  }
0x1d: {  	_ =	swait.ge [sflag:s13], $0x80  }
0x1e: {  	[sflag:s13] =	ssyncset.done $0x0  }
0x1f: {  	[sflag:s13] =	ssyncadd.s32 $0xFFFFFF80  }
0x20: {  	[tilespmem:s15], [sflag:$0x1] =	stream.indirect.gather [hbm4b:s1+s14], $0x80, s4, s14, $0xb8;
	[tilespmem:$0x18100] =	vst v63  }
0x21: {  	_ =	swait.ge [sflag:s16], $0x4000  }
0x22: {  	[sflag:s16] =	ssyncset.done $0x0  }
0x23: {  	[sflag:s16] =	ssyncadd.s32 $0xFFFFC000  }
0x24: {  	[spmem:s3] =	stream.indirect.scatter.add.f32 [tilespmem:s15], [sflag:$0x2], $0x80, s14, s14, $0xb8;
	[tilespmem:$0x18100] =	vst v63  }
0x25: {  	_ =	swait.ge [sflag:s13], $0x4000  }
0x26: {  	s21 =	simm.s32 $0x20;
	s20 =	simm.s32 $0x10;
	[sflag:s13] =	ssyncset.done $0x0  }
.LBB2_2:
0x27: {  	s22 =	sadd.s32 s20, s11  }
0x28: {  	[sflag:s13] =	ssyncadd.s32 $0xFFFFC000;
	s23 =	smov.u32 s21;
	s24 =	sadd.s32 $0x10, s21  }
0x29: {  	[tilespmem:s14], [sflag:$0x2] =	stream.linear.gather [hbm4b:s22+s4], $0x80, $0x38;
	[tilespmem:$0x18100] =	vst v63  }
0x2a: {  	p1 =	sne.s32 s21, $0x4E0;
	_ =	swait.ge [sflag:s13], $0x80  }
0x2b: {  	[sflag:s13] =	ssyncset.done $0x0  }
0x2c: {  	s21 =	sadd.s32 s20, s10;
	s20 =	smov.u32 s23;
	[sflag:s13] =	ssyncadd.s32 $0xFFFFFF80  }
0x2d: {  	[tilespmem:s4], [sflag:$0x2] =	stream.linear.gather [hbm4b:s21+s4], $0x80, $0x38;
	[tilespmem:$0x18100] =	vst v63  }
0x2e: {  	_ =	swait.ge [sflag:s13], $0x80  }
0x2f: {  	[sflag:s13] =	ssyncset.done $0x0  }
0x30: {  	[sflag:s13] =	ssyncadd.s32 $0xFFFFFF80  }
0x31: {  	[tilespmem:s15], [sflag:$0x1] =	stream.indirect.gather [hbm4b:s1+s14], $0x80, s4, s14, $0xb8;
	[tilespmem:$0x18100] =	vst v63  }
0x32: {  	_ =	swait.ge [sflag:s16], $0x4000  }
.Ltmp0:
0x33: {  	[sflag:s16] =	ssyncset.done $0x0;
	(pc) =	sbr.rel @p1 .LBB2_2-.Ltmp0, $4  }
0x34: {  	[sflag:s16] =	ssyncadd.s32 $0xFFFFC000  }
0x35: {  	[spmem:s3] =	stream.indirect.scatter.add.f32 [tilespmem:s15], [sflag:$0x2], $0x80, s14, s14, $0xb8;
	[tilespmem:$0x18100] =	vst v63  }
0x36: {  	_ =	swait.ge [sflag:s13], $0x4000  }
0x37: {  	s21 =	smov.u32 s24;
	[sflag:s13] =	ssyncset.done $0x0  }
0x38: {  	s21 =	sadd.s32 s20, s11;
	[sflag:s13] =	ssyncadd.s32 $0xFFFFC000  }
0x39: {  	[tilespmem:s14], [sflag:$0x2] =	stream.linear.gather [hbm4b:s21+s4], $0x80, $0x38;
	[tilespmem:$0x18100] =	vst v63  }
0x3a: {  	_ =	swait.ge [sflag:s13], $0x80  }
0x3b: {  	[sflag:s13] =	ssyncset.done $0x0  }
0x3c: {  	s31 =	sadd.s32 s20, s10;
	[sflag:s13] =	ssyncadd.s32 $0xFFFFFF80  }
0x3d: {  	[tilespmem:s4], [sflag:$0x2] =	stream.linear.gather [hbm4b:s31+s4], $0x80, $0x38;
	[tilespmem:$0x18100] =	vst v63  }
0x3e: {  	_ =	swait.ge [sflag:s13], $0x80  }
0x3f: {  	[sflag:s13] =	ssyncset.done $0x0  }
0x40: {  	[sflag:s13] =	ssyncadd.s32 $0xFFFFFF80  }
0x41: {  	[tilespmem:s15], [sflag:$0x1] =	stream.indirect.gather [hbm4b:s1+s14], $0x80, s4, s14, $0xb8;
	[tilespmem:$0x18100] =	vst v63  }
0x42: {  	_ =	swait.ge [sflag:s16], $0x4000  }
0x43: {  	[sflag:s16] =	ssyncset.done $0x0  }
0x44: {  	[sflag:s16] =	ssyncadd.s32 $0xFFFFC000  }
0x45: {  	[spmem:s3] =	stream.indirect.scatter.add.f32 [tilespmem:s15], [sflag:$0x2], $0x80, s14, s14, $0xb8;
	[tilespmem:$0x18100] =	vst v63  }
0x46: {  	_ =	swait.ge [sflag:s13], $0x4000  }
0x47: {  	[sflag:s13] =	ssyncset.done $0x0  }
0x48: {  	[sflag:s13] =	ssyncadd.s32 $0xFFFFC000  }
0x49: {  	s20 =	simm.s32 @p0 $0x2;
	[bflag:$0x0] =	sbarrier.arrive $0xFFFF  }
0x4a: {  	[hbm:s8], [sflag:s6] =	dma.local @p0 [spmem:s17], $0x2800  }
0x4b: {  	_ =	swait.ge @p0 [sflag:s20], $0x2800  }
0x4c: {  	s19 =	sadd.s32 $0x1, s19;
	[sflag:s20] =	ssyncset.done @p0 $0x0  }
0x4d: {  	p1 =	sne.s32 s19, s9;
	[sflag:s20] =	ssyncadd.s32 @p0 $0xFFFFD800;
	s20 =	simm.s32 @!p0 $0x2  }
0x4e: {  	[hbm:s7], [sflag:s6] =	dma.local @!p0 [spmem:s18], $0x2700  }
.Ltmp1:
0x4f: {  	_ =	swait.ge @!p0 [sflag:s20], $0x2700;
	(pc) =	sbr.rel @p1 .LBB2_1-.Ltmp1, $3  }
0x50: {  	[sflag:s20] =	ssyncset.done @!p0 $0x0  }
0x51: {  	[sflag:s20] =	ssyncadd.s32 @!p0 $0xFFFFD900  }
0x52: {  	[bflag:$0x0] =	sbarrier.arrive $0xFFFF;
	_ =	sdelay $0x1  }
0x53: {  	_ =	sfence.sel $0x180000  }
0x54: {  	[bflag:$0x0] =	sbarrier.arrive $0xFFFF  }
0x55: {  	p0 =	sne.s32 s2, $0x0;
	_ =	strace $0x9000004A  }
0x56: {  	s0 =	sadd.s32 @!p0 $0x100000, s0;
	[bflag:$0x2] =	sbarrier.arrive $0xFFFF  }
0x57: {  	[sflag:s0] =	ssyncadd.tile.s32 @!p0 $0x1;
	_ =	shalt  }
.Lfunc_end2:
_tile_overlayer_lowered:
.L_overlay_start_2:
0x58: {  	(tag) =	ssettag $0x2  }
0x59: {  	s0 =	rddreg [dreg:$0x0];
	s2 =	stileid.u32  }
0x5a: {  	s1 =	rddreg [dreg:$0x1];
	p0 =	sne.s32 s2, $0x0  }
0x5b: {  	s3 =	rddreg [dreg:$0x2];
	[bflag:$0x3] =	sbarrier.arrive $0xFFFF;
	s2 =	simm.s32 @!p0 $0x1C02  }
0x5c: {  	[timem:s3], [sflag:s2] =	dma.local @!p0 [hbm:s0], s1  }
0x5d: {  	s0 =	simm.s32 @!p0 $0x2  }
0x5e: {  	_ =	swait.ge @!p0 [sflag:s0], s1  }
0x5f: {  	s1 =	ssub.s32 @!p0 $0x0, s1;
	[sflag:s0] =	ssyncset.done @!p0 $0x0  }
0x60: {  	[sflag:s0] =	ssyncadd.s32 @!p0 s1  }
0x61: {  	[bflag:$0x3] =	sbarrier.arrive $0xFFFF  }
0x62: {  	_ =	shalt  }

// kernel: kernel.26.cloned.1.call-start
scs
__scs_entry_jumppad:
0x0: {  	(pc) =	sbr.rel $0x88, $3  }
0x1: {  	(tag) =	ssettag $0x0;
	lr =	simm.s32 $0x1  }
0x2: {  	[smem:$0x3F5F] =	sst lr;
	_ =	strace $0xD0000000  }
0x3: {  	_ = 	snop  }
0x4: {  	_ = 	snop  }
0x5: {  	_ = 	snop  }
0x6: {  	_ = 	snop  }
0x7: {  	_ = 	snop  }
__scs_overlays_trampoline_lowered:
0x8: {  	[smem:$0x3F6E] =	sst s0  }
0x9: {  	[smem:$0x3F6F] =	sst s1  }
0xa: {  	[smem:$0x3F70] =	sst s2  }
0xb: {  	[smem:$0x3F71] =	sst s3  }
0xc: {  	[smem:$0x3F72] =	sst s4  }
0xd: {  	[smem:$0x3F73] =	sst s5  }
0xe: {  	[smem:$0x3F74] =	sst s6  }
0xf: {  	[smem:$0x3F75] =	sst s7  }
0x10: {  	[smem:$0x3F76] =	sst s8  }
0x11: {  	[smem:$0x3F77] =	sst s9;
	s0 =	simm.s32 @!p0 $0x0  }
0x12: {  	s1 =	sld [smem:$0x3F5D];
	s0 =	simm.s32 @p0 $0x1  }
0x13: {  	[smem:$0x3F78] =	sst s0;
	s0 =	simm.s32 @!p1 $0x0  }
0x14: {  	s2 =	sld [smem:$0x3F5C];
	s0 =	simm.s32 @p1 $0x1  }
0x15: {  	[smem:$0x3F79] =	sst s0;
	s0 =	simm.s32 @!p2 $0x0  }
0x16: {  	s3 =	sld [smem:$0x3FDB];
	s0 =	simm.s32 @p2 $0x1  }
0x17: {  	s4 =	simm.s32 $0x1BF5;
	[smem:$0x3F7B] =	sst s0  }
0x18: {  	s0 =	sld [smem:$0x3F5E];
	_ =	swait.ge [sflag:s4], $0x0  }
0x19: {  	s7 =	sld [smem:$0x3F5F]  }
0x1a: {  	s8 =	sadd.s32 $0xFFFFE003, lr  }
0x1b: {  	s9 =	sadd.s32 $0xFFFFFEF7, lr;
	s5 =	simm.s32 $0xFFFFFFFF;
	p2 =	slt.u32 s8, $0xFFFFF086  }
0x1c: {  	p1 =	slt.u32 s9, $0xF7A;
	s5 =	simm.s32 @!p2 $0x0  }
0x1d: {  	s5 =	simm.s32 @p1 $0x1;
	p0 =	seq.s32 s7, s2  }
0x1e: {  	s7 =	smul.u32 @!p0 $0xF7A, s2;
	p2 =	seq.s32 @!p0 s5, $0x0  }
0x1f: {  	s9 =	smul.u32 $0xF7A, s1;
	s8 =	simm.s32 @!p0 $0x1BF5;
	p2 =	por !p2, p0  }
0x20: {  	[sflag:s8] =	ssyncset.s32 @!p0 $0xFFFFF086;
	s6 =	sadd.s32 @!p0 s3, s7;
	s7 =	simm.s32 @!p0 $0x108  }
0x21: {  	s3 =	sadd.s32 s3, s9;
	s6 =	sadd.s32 @!p0 $0x88, s6;
	s7 =	simm.s32 @p2 $0x1082  }
0x22: {  	[simem:s7], [sflag:s8] =	dma.local @!p0 [hbm:s6], $0xF7A  }
0x23: {  	s9 =	sor.u32 $0xD0000000, s2;
	s6 =	simm.s32 $0x108;
	_ =	swait.ge @!p0 [sflag:s8], $0x0  }
0x24: {  	s3 =	sadd.s32 $0x88, s3;
	s6 =	simm.s32 @!p1 $0x1082;
	[sflag:s4] =	ssyncset.s32 $0xFFFFF086  }
0x25: {  	[simem:s6], [sflag:s4] =	dma.local [hbm:s3], $0xF7A  }
0x26: {  	[smem:$0x3F5F] =	sst s1;
	(tag) =	ssettag s2;
	_ =	strace s9  }
0x27: {  	s1 =	sld [smem:$0x3F6F]  }
0x28: {  	s2 =	sld [smem:$0x3F70]  }
0x29: {  	s4 =	sld [smem:$0x3F72]  }
0x2a: {  	p0 =	seq.s32 s5, $0x0;
	s5 =	sld [smem:$0x3F73]  }
0x2b: {  	s6 =	sld [smem:$0x3F74]  }
0x2c: {  	s7 =	sld [smem:$0x3F75]  }
0x2d: {  	s3 =	simm.s32 $0x108;
	s8 =	sld [smem:$0x3F76]  }
0x2e: {  	s3 =	simm.s32 @!p0 $0x1082;
	s9 =	sld [smem:$0x3F77]  }
0x2f: {  	lr =	sadd.s32 s0, s3;
	s0 =	sld [smem:$0x3F6E]  }
0x30: {  	s3 =	sld [smem:$0x3F71]  }
0x31: {  	[smem:$0x3F7A] =	sst s10  }
0x32: {  	s10 =	sld [smem:$0x3F78];
	_ =	sdelay $0x3  }
0x33: {  	p0 =	seq.s32 s10, $0x1;
	s10 =	sld [smem:$0x3F7A];
	_ =	sdelay $0x3  }
0x34: {  	[smem:$0x3F7A] =	sst s10  }
0x35: {  	s10 =	sld [smem:$0x3F79];
	_ =	sdelay $0x3  }
0x36: {  	p1 =	seq.s32 s10, $0x1;
	s10 =	sld [smem:$0x3F7A];
	_ =	sdelay $0x3  }
0x37: {  	[smem:$0x3F7A] =	sst s10  }
0x38: {  	s10 =	sld [smem:$0x3F7B]  }
0x39: {  	_ = 	snop;
	(pc) =	sbr.ind lr, $3  }
0x3a: {  	_ = 	snop  }
0x3b: {  	_ = 	snop  }
0x3c: {  	p2 =	seq.s32 s10, $0x1;
	s10 =	sld [smem:$0x3F7A]  }
0x3d: {  	_ =	shalt  }
0x3e: {  	_ =	shalt  }
0x3f: {  	_ =	shalt  }
0x40: {  	_ =	shalt  }
0x41: {  	_ =	shalt  }
0x42: {  	_ =	shalt  }
0x43: {  	_ =	shalt  }
0x44: {  	_ =	shalt  }
0x45: {  	_ =	shalt  }
0x46: {  	_ =	shalt  }
0x47: {  	_ =	shalt  }
0x48: {  	_ =	shalt  }
0x49: {  	_ =	shalt  }
0x4a: {  	_ =	shalt  }
0x4b: {  	_ =	shalt  }
0x4c: {  	_ =	shalt  }
0x4d: {  	_ =	shalt  }
0x4e: {  	_ =	shalt  }
0x4f: {  	_ =	shalt  }
0x50: {  	_ =	shalt  }
0x51: {  	_ =	shalt  }
0x52: {  	_ =	shalt  }
0x53: {  	_ =	shalt  }
0x54: {  	_ =	shalt  }
0x55: {  	_ =	shalt  }
0x56: {  	_ =	shalt  }
0x57: {  	_ =	shalt  }
0x58: {  	_ =	shalt  }
0x59: {  	_ =	shalt  }
0x5a: {  	_ =	shalt  }
0x5b: {  	_ =	shalt  }
0x5c: {  	_ =	shalt  }
0x5d: {  	_ =	shalt  }
0x5e: {  	_ =	shalt  }
0x5f: {  	_ =	shalt  }
0x60: {  	_ =	shalt  }
0x61: {  	_ =	shalt  }
0x62: {  	_ =	shalt  }
0x63: {  	_ =	shalt  }
0x64: {  	_ =	shalt  }
0x65: {  	_ =	shalt  }
0x66: {  	_ =	shalt  }
0x67: {  	_ =	shalt  }
0x68: {  	_ =	shalt  }
0x69: {  	_ =	shalt  }
0x6a: {  	_ =	shalt  }
0x6b: {  	_ =	shalt  }
0x6c: {  	_ =	shalt  }
0x6d: {  	_ =	shalt  }
0x6e: {  	_ =	shalt  }
0x6f: {  	_ =	shalt  }
0x70: {  	_ =	shalt  }
0x71: {  	_ =	shalt  }
0x72: {  	_ =	shalt  }
0x73: {  	_ =	shalt  }
0x74: {  	_ =	shalt  }
0x75: {  	_ =	shalt  }
0x76: {  	_ =	shalt  }
0x77: {  	_ =	shalt  }
0x78: {  	_ =	shalt  }
0x79: {  	_ =	shalt  }
0x7a: {  	_ =	shalt  }
0x7b: {  	_ =	shalt  }
0x7c: {  	_ =	shalt  }
0x7d: {  	_ =	shalt  }
0x7e: {  	_ =	shalt  }
0x7f: {  	_ =	shalt  }
0x80: {  	_ =	shalt  }
0x81: {  	_ =	shalt  }
0x82: {  	_ =	shalt  }
0x83: {  	_ =	shalt  }
0x84: {  	_ =	shalt  }
0x85: {  	_ =	shalt  }
0x86: {  	_ =	shalt  }
0x87: {  	_ =	shalt  }
.Lfunc_end0:
.L_simem_size_0:
called_computation.2_lowered:
.L_overlay_start_0:
0x88: {  	s2 =	sld [smem:$0x3FD9]  }
0x89: {  	s3 =	sld [smem:$0x3FFE];
	_ =	sdelay $0x1  }
0x8a: {  	s1 =	srdreg.scid  }
0x8b: {  	s0 =	sand.u32 $0x1, s1  }
0x8c: {  	s17 =	sshll.u32 s0, $0xA;
	s2 =	sadd.s32 s3, s2  }
0x8d: {  	s2 =	sadd.s32 s2, s17  }
0x8e: {  	[smem:$0x3F86] =	sst s2  }
0x8f: {  	_ = 	snop  }
0x90: {  	s2 =	sld [smem:$0x3FD0];
	(tm) =	ssettm $0x1  }
0x91: {  	s18 =	sld [smem:$0x3FFB];
	_ =	sdelay $0x3  }
0x92: {  	_ =	strace s18  }
0x93: {  	s3 =	sld [smem:$0x3FFC];
	_ =	sdelay $0x3  }
0x94: {  	_ =	strace s3  }
0x95: {  	s3 =	sld [smem:$0x3FFD];
	_ =	sdelay $0x3  }
0x96: {  	_ =	strace s3  }
0x97: {  	_ =	strace $0x8FFFFFFF  }
0x98: {  	s19 =	sld [smem:$0x3FDB];
	_ =	sdelay $0x1  }
0x99: {  	s4 =	simm.s32 $_scs_section_size  }
0x9a: {  	s5 =	simm.s32 $_size__tile_overlayer_lowered;
	s6 =	simm.s32 $_tile_overlayer_lowered  }
0x9b: {  	s22 =	simm.s32 $0x1BFF;
	s21 =	sshll.u32 s6, $0x1;
	s3 =	sadd.s32 s4, s19  }
0x9c: {  	s7 =	simm.s32 $0x0;
	s20 =	sshll.u32 s5, $0x1;
	s5 =	sadd.s32 s21, s3  }
0x9d: {  	[timem:s7], [sflag:s22] =	dma.local [hbm:s5], s20  }
0x9e: {  	_ =	swait.ge [sflag:s22], s20  }
0x9f: {  	s4 =	ssub.s32 $0x0, s20;
	[sflag:s22] =	ssyncset.done $0x0  }
0xa0: {  	[sflag:s22] =	ssyncadd.s32 s4;
	_ =	sdelay $0x1  }
0xa1: {  	s23 =	simm.s32 $0x1B8B  }
0xa2: {  	_ =	swait.ge [sflag:s23], $0x1  }
0xa3: {  	[sflag:s23] =	ssyncset.done $0x0  }
0xa4: {  	s25 =	simm.s32 $0x1B8E;
	s24 =	sld [smem:$0x3FFE];
	[sflag:s23] =	ssyncadd.s32 $0xFFFFFFFF  }
0xa5: {  	s26 =	simm.s32 $execute0_lowered;
	[smem:$0x3FD2] =	sst s25  }
0xa6: {  	s5 =	sshll.u32 s26, $0x1;
	_ =	strace $0x8000004C;
	[dreg:$0x1] =	wrdreg $0xFFFFFFFF  }
0xa7: {  	s28 =	simm.s32 $_size_execute0_lowered;
	s3 =	sadd.s32 s3, s5;
	[dreg:$0x0] =	wrdreg $0x0  }
0xa8: {  	s5 =	sshll.u32 s28, $0x1;
	[dreg:$0x2] =	wrdreg s3  }
0xa9: {  	[dreg:$0x3] =	wrdreg s5  }
0xaa: {  	[dreg:$0x4] =	wrdreg $0xC0  }
0xab: {  	_ =	task [dreg:s7], $0x5FFFF  }
0xac: {  	[dreg:$0x1] =	wrdreg $0xFFFFFFFF  }
0xad: {  	[dreg:$0x0] =	wrdreg $0x60  }
0xae: {  	[dreg:$0x2] =	wrdreg s2  }
0xaf: {  	[dreg:$0x3] =	wrdreg s24  }
0xb0: {  	[dreg:$0x4] =	wrdreg $0x41000  }
0xb1: {  	[dreg:$0x5] =	wrdreg $0x9  }
0xb2: {  	_ =	task.clear_ibuf [dreg:s7], $0x6FFFF;
	_ =	strace $0x9000004C  }
0xb3: {  	s29 =	simm.s32 $0x9;
	_ =	strace $0x8000004E  }
0xb4: {  	_ =	swait.ge [sflag:s29], $0x1  }
0xb5: {  	[sflag:s29] =	ssyncadd.s32 $0xFFFFFFFF  }
0xb6: {  	_ =	strace $0x9000004E  }
0xb7: {  	_ =	sfence  }
0xb8: {  	s30 =	sld [smem:$0x0];
	_ =	sdelay $0x2  }
0xb9: {  	s31 =	sshll.u32 s1, $0xD;
	s1 =	sshrl.u32 s1, $0x2  }
0xba: {  	s3 =	sand.u32 $0x4000, s31;
	s1 =	sadd.s32 s1, s30  }
0xbb: {  	s0 =	sor.u32 s3, s0;
	s1 =	sshll.u32 s1, $0x11  }
0xbc: {  	s0 =	sor.u32 s1, s0  }
0xbd: {  	s0 =	sadd.s32 $0x8F2B, s0  }
0xbe: {  	[sflag:s0] =	ssyncadd.remote.s32 $0x1  }
0xbf: {  	_ =	sfence.sel $0xFFFF  }
0xc0: {  	[dreg:$0x0] =	wrdreg $0xFFFFFFFF;
	(pc) =	sbr.abs _section_cstart, $3  }
0xc1: {  	[dreg:$0x1] =	wrdreg $0xFFFFFFFF  }
0xc2: {  	_ =	task.clear_ibuf [dreg:s7], $0x2FFFF;
	_ =	strace $0x9FFFFFFF  }
0xc3: {  	(tm) =	ssettm $0x7FFFFFFF  }
tec
execute0_lowered:
.L_overlay_start_1:
0x0: {  	(tag) =	ssettag $0x1  }
0x1: {  	s1 =	rddreg [dreg:$0x0]  }
0x2: {  	s6 =	rddreg [dreg:$0x1]  }
0x3: {  	s3 =	rddreg [dreg:$0x2]  }
0x4: {  	s0 =	rddreg [dreg:$0x3];
	s4 =	simm.s32 $0x0;
	s2 =	stileid.u32  }
0x5: {  	s7 =	srdreg.scid;
	s16 =	simm.s32 $0x1;
	s5 =	smul.u32 $0x9E0, s2  }
0x6: {  	s19 =	simm.s32 $0x0;
	[smem:$0x7FF] =	sst s4;
	s8 =	smul.u32 $0x50000, s2  }
0x7: {  	s7 =	sand.u32 $0x1, s7;
	s13 =	smul.u32 $0x13800, s2;
	s14 =	sadd.s32 $0x9E000, s6  }
0x8: {  	s25 =	smul.u32 $0x4E000, s2;
	s17 =	sadd.s32 $0x124800, s3;
	p0 =	seq.s32 s2, $0xF  }
0x9: {  	s23 =	sshll.u32 s2, $0x6;
	_ =	strace $0x8000004D;
	s11 =	smul.u32 $0x138800, s7  }
0xa: {  	s10 =	ssub.s32 $0x2, s7;
	s29 =	smul.u32 $0x4F0, s7;
	s17 =	sshrl.u32 @p0 s17, $0x3  }
0xb: {  	s9 =	sadd.s32 s5, s6;
	s5 =	sadd.s32 $0x26200, s6;
	s12 =	sshrl.u32 s10, $0x1  }
0xc: {  	s22 =	sshrl.u32 s8, $0x2;
	s6 =	sor.u32 $0x1C02, s23;
	s28 =	sshrl.u32 s25, $0x2  }
0xd: {  	s10 =	ssub.s32 s10, s12;
	s24 =	sadd.s32 s13, s11;
	s15 =	sadd.s32 s22, s3  }
0xe: {  	s11 =	sshrl.u32 s11, $0x3;
	s18 =	sadd.s32 s28, s3;
	s31 =	sadd.s32 s29, s9  }
0xf: {  	s13 =	simm.s32 $0x2;
	s26 =	sshrl.u32 s24, $0x3;
	s30 =	sadd.s32 s14, s11  }
0x10: {  	s9 =	smax.u32 s10, $0x1;
	s10 =	sadd.s32 $0x12600, s31;
	s11 =	sadd.s32 $0x1C400, s31  }
0x11: {  	s12 =	sshrl.u32 s15, $0x3;
	s15 =	simm.s32 $0x100;
	s18 =	sshrl.u32 @!p0 s18, $0x3  }
0x12: {  	s7 =	sadd.s32 s14, s26;
	s8 =	sadd.s32 $0x24900, s30;
	s14 =	simm.s32 $0x80  }
.LBB2_1:
0x13: {  	[spmem:s12], [sflag:s6] =	dma.local [hbm:s5], $0x2800  }
0x14: {  	_ =	swait.ge [sflag:s13], $0x2800  }
0x15: {  	[sflag:s13] =	ssyncset.done $0x0  }
0x16: {  	[sflag:s13] =	ssyncadd.s32 $0xFFFFD800  }
0x17: {  	s20 =	sadd.s32 $0x0, s11;
	[bflag:$0x0] =	sbarrier.arrive $0xFFFF  }
0x18: {  	[tilespmem:s14], [sflag:$0x2] =	stream.linear.gather [hbm4b:s20+s4], $0x80, $0x38;
	[tilespmem:$0x18100] =	vst v63  }
0x19: {  	_ =	swait.ge [sflag:s13], $0x80  }
0x1a: {  	[sflag:s13] =	ssyncset.done $0x0  }
0x1b: {  	s31 =	sadd.s32 $0x0, s10;
	[sflag:s13] =	ssyncadd.s32 $0xFFFFFF80  }
0x1c: {  	[tilespmem:s4], [sflag:$0x2] =	stream.linear.gather [hbm4b:s31+s4], $0x80, $0x38;
	[tilespmem:$0x18100] =	vst v63  }
0x1d: {  	_ =	swait.ge [sflag:s13], $0x80  }
0x1e: {  	[sflag:s13] =	ssyncset.done $0x0  }
0x1f: {  	[sflag:s13] =	ssyncadd.s32 $0xFFFFFF80  }
0x20: {  	[tilespmem:s15], [sflag:$0x1] =	stream.indirect.gather [hbm4b:s1+s14], $0x80, s4, s14, $0xb8;
	[tilespmem:$0x18100] =	vst v63  }
0x21: {  	_ =	swait.ge [sflag:s16], $0x4000  }
0x22: {  	[sflag:s16] =	ssyncset.done $0x0  }
0x23: {  	[sflag:s16] =	ssyncadd.s32 $0xFFFFC000  }
0x24: {  	[spmem:s3] =	stream.indirect.scatter.add.f32 [tilespmem:s15], [sflag:$0x2], $0x80, s14, s14, $0xb8;
	[tilespmem:$0x18100] =	vst v63  }
0x25: {  	_ =	swait.ge [sflag:s13], $0x4000  }
0x26: {  	s21 =	simm.s32 $0x20;
	s20 =	simm.s32 $0x10;
	[sflag:s13] =	ssyncset.done $0x0  }
.LBB2_2:
0x27: {  	s22 =	sadd.s32 s20, s11  }
0x28: {  	[sflag:s13] =	ssyncadd.s32 $0xFFFFC000;
	s23 =	smov.u32 s21;
	s24 =	sadd.s32 $0x10, s21  }
0x29: {  	[tilespmem:s14], [sflag:$0x2] =	stream.linear.gather [hbm4b:s22+s4], $0x80, $0x38;
	[tilespmem:$0x18100] =	vst v63  }
0x2a: {  	p1 =	sne.s32 s21, $0x4E0;
	_ =	swait.ge [sflag:s13], $0x80  }
0x2b: {  	[sflag:s13] =	ssyncset.done $0x0  }
0x2c: {  	s21 =	sadd.s32 s20, s10;
	s20 =	smov.u32 s23;
	[sflag:s13] =	ssyncadd.s32 $0xFFFFFF80  }
0x2d: {  	[tilespmem:s4], [sflag:$0x2] =	stream.linear.gather [hbm4b:s21+s4], $0x80, $0x38;
	[tilespmem:$0x18100] =	vst v63  }
0x2e: {  	_ =	swait.ge [sflag:s13], $0x80  }
0x2f: {  	[sflag:s13] =	ssyncset.done $0x0  }
0x30: {  	[sflag:s13] =	ssyncadd.s32 $0xFFFFFF80  }
0x31: {  	[tilespmem:s15], [sflag:$0x1] =	stream.indirect.gather [hbm4b:s1+s14], $0x80, s4, s14, $0xb8;
	[tilespmem:$0x18100] =	vst v63  }
0x32: {  	_ =	swait.ge [sflag:s16], $0x4000  }
.Ltmp0:
0x33: {  	[sflag:s16] =	ssyncset.done $0x0;
	(pc) =	sbr.rel @p1 .LBB2_2-.Ltmp0, $4  }
0x34: {  	[sflag:s16] =	ssyncadd.s32 $0xFFFFC000  }
0x35: {  	[spmem:s3] =	stream.indirect.scatter.add.f32 [tilespmem:s15], [sflag:$0x2], $0x80, s14, s14, $0xb8;
	[tilespmem:$0x18100] =	vst v63  }
0x36: {  	_ =	swait.ge [sflag:s13], $0x4000  }
0x37: {  	s21 =	smov.u32 s24;
	[sflag:s13] =	ssyncset.done $0x0  }
0x38: {  	s21 =	sadd.s32 s20, s11;
	[sflag:s13] =	ssyncadd.s32 $0xFFFFC000  }
0x39: {  	[tilespmem:s14], [sflag:$0x2] =	stream.linear.gather [hbm4b:s21+s4], $0x80, $0x38;
	[tilespmem:$0x18100] =	vst v63  }
0x3a: {  	_ =	swait.ge [sflag:s13], $0x80  }
0x3b: {  	[sflag:s13] =	ssyncset.done $0x0  }
0x3c: {  	s31 =	sadd.s32 s20, s10;
	[sflag:s13] =	ssyncadd.s32 $0xFFFFFF80  }
0x3d: {  	[tilespmem:s4], [sflag:$0x2] =	stream.linear.gather [hbm4b:s31+s4], $0x80, $0x38;
	[tilespmem:$0x18100] =	vst v63  }
0x3e: {  	_ =	swait.ge [sflag:s13], $0x80  }
0x3f: {  	[sflag:s13] =	ssyncset.done $0x0  }
0x40: {  	[sflag:s13] =	ssyncadd.s32 $0xFFFFFF80  }
0x41: {  	[tilespmem:s15], [sflag:$0x1] =	stream.indirect.gather [hbm4b:s1+s14], $0x80, s4, s14, $0xb8;
	[tilespmem:$0x18100] =	vst v63  }
0x42: {  	_ =	swait.ge [sflag:s16], $0x4000  }
0x43: {  	[sflag:s16] =	ssyncset.done $0x0  }
0x44: {  	[sflag:s16] =	ssyncadd.s32 $0xFFFFC000  }
0x45: {  	[spmem:s3] =	stream.indirect.scatter.add.f32 [tilespmem:s15], [sflag:$0x2], $0x80, s14, s14, $0xb8;
	[tilespmem:$0x18100] =	vst v63  }
0x46: {  	_ =	swait.ge [sflag:s13], $0x4000  }
0x47: {  	[sflag:s13] =	ssyncset.done $0x0  }
0x48: {  	[sflag:s13] =	ssyncadd.s32 $0xFFFFC000  }
0x49: {  	s20 =	simm.s32 @p0 $0x2;
	[bflag:$0x0] =	sbarrier.arrive $0xFFFF  }
0x4a: {  	[hbm:s8], [sflag:s6] =	dma.local @p0 [spmem:s17], $0x2800  }
0x4b: {  	_ =	swait.ge @p0 [sflag:s20], $0x2800  }
0x4c: {  	s19 =	sadd.s32 $0x1, s19;
	[sflag:s20] =	ssyncset.done @p0 $0x0  }
0x4d: {  	p1 =	sne.s32 s19, s9;
	[sflag:s20] =	ssyncadd.s32 @p0 $0xFFFFD800;
	s20 =	simm.s32 @!p0 $0x2  }
0x4e: {  	[hbm:s7], [sflag:s6] =	dma.local @!p0 [spmem:s18], $0x2700  }
.Ltmp1:
0x4f: {  	_ =	swait.ge @!p0 [sflag:s20], $0x2700;
	(pc) =	sbr.rel @p1 .LBB2_1-.Ltmp1, $3  }
0x50: {  	[sflag:s20] =	ssyncset.done @!p0 $0x0  }
0x51: {  	[sflag:s20] =	ssyncadd.s32 @!p0 $0xFFFFD900  }
0x52: {  	[bflag:$0x0] =	sbarrier.arrive $0xFFFF;
	_ =	sdelay $0x1  }
0x53: {  	_ =	sfence.sel $0x180000  }
0x54: {  	[bflag:$0x0] =	sbarrier.arrive $0xFFFF  }
0x55: {  	p0 =	sne.s32 s2, $0x0;
	_ =	strace $0x9000004D  }
0x56: {  	s0 =	sadd.s32 @!p0 $0x100000, s0;
	[bflag:$0x2] =	sbarrier.arrive $0xFFFF  }
0x57: {  	[sflag:s0] =	ssyncadd.tile.s32 @!p0 $0x1;
	_ =	shalt  }
.Lfunc_end2:
_tile_overlayer_lowered:
.L_overlay_start_2:
0x58: {  	(tag) =	ssettag $0x2  }
0x59: {  	s0 =	rddreg [dreg:$0x0];
	s2 =	stileid.u32  }
0x5a: {  	s1 =	rddreg [dreg:$0x1];
	p0 =	sne.s32 s2, $0x0  }
0x5b: {  	s3 =	rddreg [dreg:$0x2];
	[bflag:$0x3] =	sbarrier.arrive $0xFFFF;
	s2 =	simm.s32 @!p0 $0x1C02  }
0x5c: {  	[timem:s3], [sflag:s2] =	dma.local @!p0 [hbm:s0], s1  }
0x5d: {  	s0 =	simm.s32 @!p0 $0x2  }
0x5e: {  	_ =	swait.ge @!p0 [sflag:s0], s1  }
0x5f: {  	s1 =	ssub.s32 @!p0 $0x0, s1;
	[sflag:s0] =	ssyncset.done @!p0 $0x0  }
0x60: {  	[sflag:s0] =	ssyncadd.s32 @!p0 s1  }
0x61: {  	[bflag:$0x3] =	sbarrier.arrive $0xFFFF  }
0x62: {  	_ =	shalt  }

// kernel: kernel.29.cloned.1.call-start
scs
__scs_entry_jumppad:
0x0: {  	(pc) =	sbr.rel $0x88, $3  }
0x1: {  	(tag) =	ssettag $0x0;
	lr =	simm.s32 $0x1  }
0x2: {  	[smem:$0x3F5F] =	sst lr;
	_ =	strace $0xD0000000  }
0x3: {  	_ = 	snop  }
0x4: {  	_ = 	snop  }
0x5: {  	_ = 	snop  }
0x6: {  	_ = 	snop  }
0x7: {  	_ = 	snop  }
__scs_overlays_trampoline_lowered:
0x8: {  	[smem:$0x3F6E] =	sst s0  }
0x9: {  	[smem:$0x3F6F] =	sst s1  }
0xa: {  	[smem:$0x3F70] =	sst s2  }
0xb: {  	[smem:$0x3F71] =	sst s3  }
0xc: {  	[smem:$0x3F72] =	sst s4  }
0xd: {  	[smem:$0x3F73] =	sst s5  }
0xe: {  	[smem:$0x3F74] =	sst s6  }
0xf: {  	[smem:$0x3F75] =	sst s7  }
0x10: {  	[smem:$0x3F76] =	sst s8  }
0x11: {  	[smem:$0x3F77] =	sst s9;
	s0 =	simm.s32 @!p0 $0x0  }
0x12: {  	s1 =	sld [smem:$0x3F5D];
	s0 =	simm.s32 @p0 $0x1  }
0x13: {  	[smem:$0x3F78] =	sst s0;
	s0 =	simm.s32 @!p1 $0x0  }
0x14: {  	s2 =	sld [smem:$0x3F5C];
	s0 =	simm.s32 @p1 $0x1  }
0x15: {  	[smem:$0x3F79] =	sst s0;
	s0 =	simm.s32 @!p2 $0x0  }
0x16: {  	s3 =	sld [smem:$0x3FDB];
	s0 =	simm.s32 @p2 $0x1  }
0x17: {  	s4 =	simm.s32 $0x1BF5;
	[smem:$0x3F7B] =	sst s0  }
0x18: {  	s0 =	sld [smem:$0x3F5E];
	_ =	swait.ge [sflag:s4], $0x0  }
0x19: {  	s7 =	sld [smem:$0x3F5F]  }
0x1a: {  	s8 =	sadd.s32 $0xFFFFE003, lr  }
0x1b: {  	s9 =	sadd.s32 $0xFFFFFEF7, lr;
	s5 =	simm.s32 $0xFFFFFFFF;
	p2 =	slt.u32 s8, $0xFFFFF086  }
0x1c: {  	p1 =	slt.u32 s9, $0xF7A;
	s5 =	simm.s32 @!p2 $0x0  }
0x1d: {  	s5 =	simm.s32 @p1 $0x1;
	p0 =	seq.s32 s7, s2  }
0x1e: {  	s7 =	smul.u32 @!p0 $0xF7A, s2;
	p2 =	seq.s32 @!p0 s5, $0x0  }
0x1f: {  	s9 =	smul.u32 $0xF7A, s1;
	s8 =	simm.s32 @!p0 $0x1BF5;
	p2 =	por !p2, p0  }
0x20: {  	[sflag:s8] =	ssyncset.s32 @!p0 $0xFFFFF086;
	s6 =	sadd.s32 @!p0 s3, s7;
	s7 =	simm.s32 @!p0 $0x108  }
0x21: {  	s3 =	sadd.s32 s3, s9;
	s6 =	sadd.s32 @!p0 $0x88, s6;
	s7 =	simm.s32 @p2 $0x1082  }
0x22: {  	[simem:s7], [sflag:s8] =	dma.local @!p0 [hbm:s6], $0xF7A  }
0x23: {  	s9 =	sor.u32 $0xD0000000, s2;
	s6 =	simm.s32 $0x108;
	_ =	swait.ge @!p0 [sflag:s8], $0x0  }
0x24: {  	s3 =	sadd.s32 $0x88, s3;
	s6 =	simm.s32 @!p1 $0x1082;
	[sflag:s4] =	ssyncset.s32 $0xFFFFF086  }
0x25: {  	[simem:s6], [sflag:s4] =	dma.local [hbm:s3], $0xF7A  }
0x26: {  	[smem:$0x3F5F] =	sst s1;
	(tag) =	ssettag s2;
	_ =	strace s9  }
0x27: {  	s1 =	sld [smem:$0x3F6F]  }
0x28: {  	s2 =	sld [smem:$0x3F70]  }
0x29: {  	s4 =	sld [smem:$0x3F72]  }
0x2a: {  	p0 =	seq.s32 s5, $0x0;
	s5 =	sld [smem:$0x3F73]  }
0x2b: {  	s6 =	sld [smem:$0x3F74]  }
0x2c: {  	s7 =	sld [smem:$0x3F75]  }
0x2d: {  	s3 =	simm.s32 $0x108;
	s8 =	sld [smem:$0x3F76]  }
0x2e: {  	s3 =	simm.s32 @!p0 $0x1082;
	s9 =	sld [smem:$0x3F77]  }
0x2f: {  	lr =	sadd.s32 s0, s3;
	s0 =	sld [smem:$0x3F6E]  }
0x30: {  	s3 =	sld [smem:$0x3F71]  }
0x31: {  	[smem:$0x3F7A] =	sst s10  }
0x32: {  	s10 =	sld [smem:$0x3F78];
	_ =	sdelay $0x3  }
0x33: {  	p0 =	seq.s32 s10, $0x1;
	s10 =	sld [smem:$0x3F7A];
	_ =	sdelay $0x3  }
0x34: {  	[smem:$0x3F7A] =	sst s10  }
0x35: {  	s10 =	sld [smem:$0x3F79];
	_ =	sdelay $0x3  }
0x36: {  	p1 =	seq.s32 s10, $0x1;
	s10 =	sld [smem:$0x3F7A];
	_ =	sdelay $0x3  }
0x37: {  	[smem:$0x3F7A] =	sst s10  }
0x38: {  	s10 =	sld [smem:$0x3F7B]  }
0x39: {  	_ = 	snop;
	(pc) =	sbr.ind lr, $3  }
0x3a: {  	_ = 	snop  }
0x3b: {  	_ = 	snop  }
0x3c: {  	p2 =	seq.s32 s10, $0x1;
	s10 =	sld [smem:$0x3F7A]  }
0x3d: {  	_ =	shalt  }
0x3e: {  	_ =	shalt  }
0x3f: {  	_ =	shalt  }
0x40: {  	_ =	shalt  }
0x41: {  	_ =	shalt  }
0x42: {  	_ =	shalt  }
0x43: {  	_ =	shalt  }
0x44: {  	_ =	shalt  }
0x45: {  	_ =	shalt  }
0x46: {  	_ =	shalt  }
0x47: {  	_ =	shalt  }
0x48: {  	_ =	shalt  }
0x49: {  	_ =	shalt  }
0x4a: {  	_ =	shalt  }
0x4b: {  	_ =	shalt  }
0x4c: {  	_ =	shalt  }
0x4d: {  	_ =	shalt  }
0x4e: {  	_ =	shalt  }
0x4f: {  	_ =	shalt  }
0x50: {  	_ =	shalt  }
0x51: {  	_ =	shalt  }
0x52: {  	_ =	shalt  }
0x53: {  	_ =	shalt  }
0x54: {  	_ =	shalt  }
0x55: {  	_ =	shalt  }
0x56: {  	_ =	shalt  }
0x57: {  	_ =	shalt  }
0x58: {  	_ =	shalt  }
0x59: {  	_ =	shalt  }
0x5a: {  	_ =	shalt  }
0x5b: {  	_ =	shalt  }
0x5c: {  	_ =	shalt  }
0x5d: {  	_ =	shalt  }
0x5e: {  	_ =	shalt  }
0x5f: {  	_ =	shalt  }
0x60: {  	_ =	shalt  }
0x61: {  	_ =	shalt  }
0x62: {  	_ =	shalt  }
0x63: {  	_ =	shalt  }
0x64: {  	_ =	shalt  }
0x65: {  	_ =	shalt  }
0x66: {  	_ =	shalt  }
0x67: {  	_ =	shalt  }
0x68: {  	_ =	shalt  }
0x69: {  	_ =	shalt  }
0x6a: {  	_ =	shalt  }
0x6b: {  	_ =	shalt  }
0x6c: {  	_ =	shalt  }
0x6d: {  	_ =	shalt  }
0x6e: {  	_ =	shalt  }
0x6f: {  	_ =	shalt  }
0x70: {  	_ =	shalt  }
0x71: {  	_ =	shalt  }
0x72: {  	_ =	shalt  }
0x73: {  	_ =	shalt  }
0x74: {  	_ =	shalt  }
0x75: {  	_ =	shalt  }
0x76: {  	_ =	shalt  }
0x77: {  	_ =	shalt  }
0x78: {  	_ =	shalt  }
0x79: {  	_ =	shalt  }
0x7a: {  	_ =	shalt  }
0x7b: {  	_ =	shalt  }
0x7c: {  	_ =	shalt  }
0x7d: {  	_ =	shalt  }
0x7e: {  	_ =	shalt  }
0x7f: {  	_ =	shalt  }
0x80: {  	_ =	shalt  }
0x81: {  	_ =	shalt  }
0x82: {  	_ =	shalt  }
0x83: {  	_ =	shalt  }
0x84: {  	_ =	shalt  }
0x85: {  	_ =	shalt  }
0x86: {  	_ =	shalt  }
0x87: {  	_ =	shalt  }
.Lfunc_end0:
.L_simem_size_0:
called_computation.3_lowered:
.L_overlay_start_0:
0x88: {  	s2 =	sld [smem:$0x3FD9]  }
0x89: {  	s3 =	sld [smem:$0x3FFE];
	_ =	sdelay $0x1  }
0x8a: {  	s1 =	srdreg.scid  }
0x8b: {  	s0 =	sand.u32 $0x1, s1  }
0x8c: {  	s17 =	sshll.u32 s0, $0xA;
	s2 =	sadd.s32 s3, s2  }
0x8d: {  	s2 =	sadd.s32 s2, s17  }
0x8e: {  	[smem:$0x3F86] =	sst s2  }
0x8f: {  	_ = 	snop  }
0x90: {  	s2 =	sld [smem:$0x3FD0];
	(tm) =	ssettm $0x1  }
0x91: {  	s18 =	sld [smem:$0x3FFB];
	_ =	sdelay $0x3  }
0x92: {  	_ =	strace s18  }
0x93: {  	s3 =	sld [smem:$0x3FFC];
	_ =	sdelay $0x3  }
0x94: {  	_ =	strace s3  }
0x95: {  	s3 =	sld [smem:$0x3FFD];
	_ =	sdelay $0x3  }
0x96: {  	_ =	strace s3  }
0x97: {  	_ =	strace $0x8FFFFFFF  }
0x98: {  	s19 =	sld [smem:$0x3FDB];
	_ =	sdelay $0x1  }
0x99: {  	s4 =	simm.s32 $_scs_section_size  }
0x9a: {  	s5 =	simm.s32 $_size__tile_overlayer_lowered;
	s6 =	simm.s32 $_tile_overlayer_lowered  }
0x9b: {  	s22 =	simm.s32 $0x1BFF;
	s21 =	sshll.u32 s6, $0x1;
	s3 =	sadd.s32 s4, s19  }
0x9c: {  	s7 =	simm.s32 $0x0;
	s20 =	sshll.u32 s5, $0x1;
	s5 =	sadd.s32 s21, s3  }
0x9d: {  	[timem:s7], [sflag:s22] =	dma.local [hbm:s5], s20  }
0x9e: {  	_ =	swait.ge [sflag:s22], s20  }
0x9f: {  	s4 =	ssub.s32 $0x0, s20;
	[sflag:s22] =	ssyncset.done $0x0  }
0xa0: {  	[sflag:s22] =	ssyncadd.s32 s4;
	_ =	sdelay $0x1  }
0xa1: {  	s23 =	simm.s32 $0x1B8B  }
0xa2: {  	_ =	swait.ge [sflag:s23], $0x1  }
0xa3: {  	[sflag:s23] =	ssyncset.done $0x0  }
0xa4: {  	s25 =	simm.s32 $0x1B8E;
	s24 =	sld [smem:$0x3FFE];
	[sflag:s23] =	ssyncadd.s32 $0xFFFFFFFF  }
0xa5: {  	s26 =	simm.s32 $execute0_lowered;
	[smem:$0x3FD2] =	sst s25  }
0xa6: {  	s5 =	sshll.u32 s26, $0x1;
	_ =	strace $0x8000004F;
	[dreg:$0x1] =	wrdreg $0xFFFFFFFF  }
0xa7: {  	s28 =	simm.s32 $_size_execute0_lowered;
	s3 =	sadd.s32 s3, s5;
	[dreg:$0x0] =	wrdreg $0x0  }
0xa8: {  	s5 =	sshll.u32 s28, $0x1;
	[dreg:$0x2] =	wrdreg s3  }
0xa9: {  	[dreg:$0x3] =	wrdreg s5  }
0xaa: {  	[dreg:$0x4] =	wrdreg $0xC0  }
0xab: {  	_ =	task [dreg:s7], $0x5FFFF  }
0xac: {  	[dreg:$0x1] =	wrdreg $0xFFFFFFFF  }
0xad: {  	[dreg:$0x0] =	wrdreg $0x60  }
0xae: {  	[dreg:$0x2] =	wrdreg s2  }
0xaf: {  	[dreg:$0x3] =	wrdreg s24  }
0xb0: {  	[dreg:$0x4] =	wrdreg $0x41000  }
0xb1: {  	[dreg:$0x5] =	wrdreg $0x9  }
0xb2: {  	_ =	task.clear_ibuf [dreg:s7], $0x6FFFF;
	_ =	strace $0x9000004F  }
0xb3: {  	s29 =	simm.s32 $0x9;
	_ =	strace $0x80000051  }
0xb4: {  	_ =	swait.ge [sflag:s29], $0x1  }
0xb5: {  	[sflag:s29] =	ssyncadd.s32 $0xFFFFFFFF  }
0xb6: {  	_ =	strace $0x90000051  }
0xb7: {  	_ =	sfence  }
0xb8: {  	s30 =	sld [smem:$0x0];
	_ =	sdelay $0x2  }
0xb9: {  	s31 =	sshll.u32 s1, $0xD;
	s1 =	sshrl.u32 s1, $0x2  }
0xba: {  	s3 =	sand.u32 $0x4000, s31;
	s1 =	sadd.s32 s1, s30  }
0xbb: {  	s0 =	sor.u32 s3, s0;
	s1 =	sshll.u32 s1, $0x11  }
0xbc: {  	s0 =	sor.u32 s1, s0  }
0xbd: {  	s0 =	sadd.s32 $0x8F2B, s0  }
0xbe: {  	[sflag:s0] =	ssyncadd.remote.s32 $0x1  }
0xbf: {  	_ =	sfence.sel $0xFFFF  }
0xc0: {  	[dreg:$0x0] =	wrdreg $0xFFFFFFFF;
	(pc) =	sbr.abs _section_cstart, $3  }
0xc1: {  	[dreg:$0x1] =	wrdreg $0xFFFFFFFF  }
0xc2: {  	_ =	task.clear_ibuf [dreg:s7], $0x2FFFF;
	_ =	strace $0x9FFFFFFF  }
0xc3: {  	(tm) =	ssettm $0x7FFFFFFF  }
tec
execute0_lowered:
.L_overlay_start_1:
0x0: {  	(tag) =	ssettag $0x1  }
0x1: {  	s1 =	rddreg [dreg:$0x0]  }
0x2: {  	s8 =	rddreg [dreg:$0x1]  }
0x3: {  	s3 =	rddreg [dreg:$0x2]  }
0x4: {  	s4 =	simm.s32 $0x0;
	s0 =	stileid.u32;
	s9 =	srdreg.scid  }
0x5: {  	s21 =	simm.s32 $0x2;
	s22 =	simm.s32 $0x80;
	s23 =	simm.s32 $0x100  }
0x6: {  	s24 =	simm.s32 $0x1;
	[smem:$0x7FF] =	sst s4;
	s7 =	smul.u32 $0x9E0, s0  }
0x7: {  	s5 =	sadd.s32 $0x9E000, s8;
	s6 =	sadd.s32 $0xC5200, s8;
	s10 =	smul.u32 $0x50000, s0  }
0x8: {  	s13 =	sand.u32 $0x1, s9;
	s14 =	sadd.s32 $0xEC400, s8;
	s25 =	smul.u32 $0x13800, s0  }
0x9: {  	s28 =	sshll.u32 s0, $0x6;
	s29 =	smul.u32 $0x4E000, s0;
	p0 =	seq.s32 s0, $0xF  }
0xa: {  	_ =	strace $0x80000050;
	s9 =	ssub.s32 $0x2, s13;
	s12 =	smul.u32 $0x138800, s13  }
0xb: {  	s19 =	smul.u32 $0x4F0, s13;
	s18 =	sadd.s32 s7, s8;
	s7 =	sadd.s32 $0x26200, s8  }
0xc: {  	s11 =	sshrl.u32 s9, $0x1;
	s26 =	sshrl.u32 s10, $0x2;
	s8 =	sor.u32 $0x1C02, s28  }
0xd: {  	s30 =	sshrl.u32 s29, $0x2;
	s17 =	ssub.s32 s9, s11;
	s20 =	sadd.s32 s26, s3  }
0xe: {  	s9 =	sadd.s32 s25, s12;
	s31 =	sshrl.u32 s12, $0x3;
	s10 =	sadd.s32 s30, s3  }
0xf: {  	s12 =	sadd.s32 $0x124800, s3;
	s19 =	sadd.s32 s19, s18;
	s25 =	simm.s32 $0x0  }
0x10: {  	s9 =	sshrl.u32 s9, $0x3;
	s16 =	sadd.s32 s14, s31;
	s17 =	smax.u32 s17, $0x1  }
0x11: {  	s18 =	sadd.s32 $0x12600, s19;
	s19 =	sadd.s32 $0x1C400, s19;
	s20 =	sshrl.u32 s20, $0x3  }
0x12: {  	s9 =	sadd.s32 s14, s9;
	s11 =	sadd.s32 $0x24900, s16;
	s14 =	sadd.s32 $0x72B00, s16  }
0x13: {  	s16 =	sadd.s32 $0xC0D00, s16;
	s13 =	sadd.s32 $0x4E200, s9;
	s15 =	sadd.s32 $0x9C400, s9  }
.LBB2_1:
0x14: {  	[spmem:s20], [sflag:s8] =	dma.local [hbm:s7], $0x2800  }
0x15: {  	_ =	swait.ge [sflag:s21], $0x2800  }
0x16: {  	[sflag:s21] =	ssyncset.done $0x0  }
0x17: {  	[sflag:s21] =	ssyncadd.s32 $0xFFFFD800  }
0x18: {  	s26 =	sadd.s32 $0x0, s19;
	[bflag:$0x0] =	sbarrier.arrive $0xFFFF  }
0x19: {  	[tilespmem:s22], [sflag:$0x2] =	stream.linear.gather [hbm4b:s26+s4], $0x80, $0x38;
	[tilespmem:$0x18100] =	vst v63  }
0x1a: {  	_ =	swait.ge [sflag:s21], $0x80  }
0x1b: {  	[sflag:s21] =	ssyncset.done $0x0  }
0x1c: {  	s31 =	sadd.s32 $0x0, s18;
	[sflag:s21] =	ssyncadd.s32 $0xFFFFFF80  }
0x1d: {  	[tilespmem:s4], [sflag:$0x2] =	stream.linear.gather [hbm4b:s31+s4], $0x80, $0x38;
	[tilespmem:$0x18100] =	vst v63  }
0x1e: {  	_ =	swait.ge [sflag:s21], $0x80  }
0x1f: {  	[sflag:s21] =	ssyncset.done $0x0  }
0x20: {  	[sflag:s21] =	ssyncadd.s32 $0xFFFFFF80  }
0x21: {  	[tilespmem:s23], [sflag:$0x1] =	stream.indirect.gather [hbm4b:s1+s22], $0x80, s4, s22, $0xb8;
	[tilespmem:$0x18100] =	vst v63  }
0x22: {  	_ =	swait.ge [sflag:s24], $0x4000  }
0x23: {  	[sflag:s24] =	ssyncset.done $0x0  }
0x24: {  	[sflag:s24] =	ssyncadd.s32 $0xFFFFC000  }
0x25: {  	[spmem:s3] =	stream.indirect.scatter.add.f32 [tilespmem:s23], [sflag:$0x2], $0x80, s22, s22, $0xb8;
	[tilespmem:$0x18100] =	vst v63  }
0x26: {  	_ =	swait.ge [sflag:s21], $0x4000  }
0x27: {  	s28 =	simm.s32 $0x20;
	s26 =	simm.s32 $0x10;
	[sflag:s21] =	ssyncset.done $0x0  }
.LBB2_2:
0x28: {  	s29 =	sadd.s32 s26, s19  }
0x29: {  	[sflag:s21] =	ssyncadd.s32 $0xFFFFC000;
	s30 =	smov.u32 s28;
	s31 =	sadd.s32 $0x10, s28  }
0x2a: {  	[tilespmem:s22], [sflag:$0x2] =	stream.linear.gather [hbm4b:s29+s4], $0x80, $0x38;
	[tilespmem:$0x18100] =	vst v63  }
0x2b: {  	p1 =	sne.s32 s28, $0x4E0;
	_ =	swait.ge [sflag:s21], $0x80  }
0x2c: {  	[sflag:s21] =	ssyncset.done $0x0  }
0x2d: {  	s28 =	sadd.s32 s26, s18;
	s26 =	smov.u32 s30;
	[sflag:s21] =	ssyncadd.s32 $0xFFFFFF80  }
0x2e: {  	[tilespmem:s4], [sflag:$0x2] =	stream.linear.gather [hbm4b:s28+s4], $0x80, $0x38;
	[tilespmem:$0x18100] =	vst v63  }
0x2f: {  	_ =	swait.ge [sflag:s21], $0x80  }
0x30: {  	[sflag:s21] =	ssyncset.done $0x0  }
0x31: {  	[sflag:s21] =	ssyncadd.s32 $0xFFFFFF80  }
0x32: {  	[tilespmem:s23], [sflag:$0x1] =	stream.indirect.gather [hbm4b:s1+s22], $0x80, s4, s22, $0xb8;
	[tilespmem:$0x18100] =	vst v63  }
0x33: {  	_ =	swait.ge [sflag:s24], $0x4000  }
.Ltmp0:
0x34: {  	[sflag:s24] =	ssyncset.done $0x0;
	(pc) =	sbr.rel @p1 .LBB2_2-.Ltmp0, $4  }
0x35: {  	[sflag:s24] =	ssyncadd.s32 $0xFFFFC000  }
0x36: {  	[spmem:s3] =	stream.indirect.scatter.add.f32 [tilespmem:s23], [sflag:$0x2], $0x80, s22, s22, $0xb8;
	[tilespmem:$0x18100] =	vst v63  }
0x37: {  	_ =	swait.ge [sflag:s21], $0x4000  }
0x38: {  	s28 =	smov.u32 s31;
	[sflag:s21] =	ssyncset.done $0x0  }
0x39: {  	s28 =	sadd.s32 s26, s19;
	[sflag:s21] =	ssyncadd.s32 $0xFFFFC000  }
0x3a: {  	[tilespmem:s22], [sflag:$0x2] =	stream.linear.gather [hbm4b:s28+s4], $0x80, $0x38;
	[tilespmem:$0x18100] =	vst v63  }
0x3b: {  	_ =	swait.ge [sflag:s21], $0x80  }
0x3c: {  	[sflag:s21] =	ssyncset.done $0x0  }
0x3d: {  	s31 =	sadd.s32 s26, s18;
	[sflag:s21] =	ssyncadd.s32 $0xFFFFFF80  }
0x3e: {  	[tilespmem:s4], [sflag:$0x2] =	stream.linear.gather [hbm4b:s31+s4], $0x80, $0x38;
	[tilespmem:$0x18100] =	vst v63  }
0x3f: {  	_ =	swait.ge [sflag:s21], $0x80  }
0x40: {  	[sflag:s21] =	ssyncset.done $0x0  }
0x41: {  	[sflag:s21] =	ssyncadd.s32 $0xFFFFFF80  }
0x42: {  	[tilespmem:s23], [sflag:$0x1] =	stream.indirect.gather [hbm4b:s1+s22], $0x80, s4, s22, $0xb8;
	[tilespmem:$0x18100] =	vst v63  }
0x43: {  	_ =	swait.ge [sflag:s24], $0x4000  }
0x44: {  	[sflag:s24] =	ssyncset.done $0x0  }
0x45: {  	[sflag:s24] =	ssyncadd.s32 $0xFFFFC000  }
0x46: {  	[spmem:s3] =	stream.indirect.scatter.add.f32 [tilespmem:s23], [sflag:$0x2], $0x80, s22, s22, $0xb8;
	[tilespmem:$0x18100] =	vst v63  }
0x47: {  	_ =	swait.ge [sflag:s21], $0x4000  }
0x48: {  	[sflag:s21] =	ssyncset.done $0x0  }
0x49: {  	[sflag:s21] =	ssyncadd.s32 $0xFFFFC000  }
0x4a: {  	s26 =	sshrl.u32 @p0 s12, $0x3;
	s28 =	simm.s32 @p0 $0x2;
	[bflag:$0x0] =	sbarrier.arrive $0xFFFF  }
0x4b: {  	[hbm:s11], [sflag:s8] =	dma.local @p0 [spmem:s26], $0x2800  }
0x4c: {  	_ =	swait.ge @p0 [sflag:s28], $0x2800  }
0x4d: {  	[sflag:s28] =	ssyncset.done @p0 $0x0  }
0x4e: {  	s29 =	simm.s32 @!p0 $0x2;
	[sflag:s28] =	ssyncadd.s32 @p0 $0xFFFFD800;
	s28 =	sshrl.u32 @!p0 s10, $0x3  }
0x4f: {  	[hbm:s9], [sflag:s8] =	dma.local @!p0 [spmem:s28], $0x2700  }
0x50: {  	_ =	swait.ge @!p0 [sflag:s29], $0x2700  }
0x51: {  	[sflag:s29] =	ssyncset.done @!p0 $0x0  }
0x52: {  	[sflag:s29] =	ssyncadd.s32 @!p0 $0xFFFFD900  }
0x53: {  	[bflag:$0x0] =	sbarrier.arrive $0xFFFF  }
0x54: {  	[spmem:s20], [sflag:s8] =	dma.local [hbm:s7], $0x2800  }
0x55: {  	_ =	swait.ge [sflag:s21], $0x2800  }
0x56: {  	[sflag:s21] =	ssyncset.done $0x0  }
0x57: {  	[sflag:s21] =	ssyncadd.s32 $0xFFFFD800  }
0x58: {  	s29 =	sadd.s32 $0x0, s19;
	[bflag:$0x0] =	sbarrier.arrive $0xFFFF  }
0x59: {  	[tilespmem:s22], [sflag:$0x2] =	stream.linear.gather [hbm4b:s29+s4], $0x80, $0x38;
	[tilespmem:$0x18100] =	vst v63  }
0x5a: {  	_ =	swait.ge [sflag:s21], $0x80  }
0x5b: {  	[sflag:s21] =	ssyncset.done $0x0  }
0x5c: {  	s29 =	sadd.s32 $0x0, s18;
	[sflag:s21] =	ssyncadd.s32 $0xFFFFFF80  }
0x5d: {  	[tilespmem:s4], [sflag:$0x2] =	stream.linear.gather [hbm4b:s29+s4], $0x80, $0x38;
	[tilespmem:$0x18100] =	vst v63  }
0x5e: {  	_ =	swait.ge [sflag:s21], $0x80  }
0x5f: {  	[sflag:s21] =	ssyncset.done $0x0  }
0x60: {  	[sflag:s21] =	ssyncadd.s32 $0xFFFFFF80  }
0x61: {  	[tilespmem:s23], [sflag:$0x1] =	stream.indirect.gather [hbm4b:s5+s22], $0x80, s4, s22, $0xb8;
	[tilespmem:$0x18100] =	vst v63  }
0x62: {  	_ =	swait.ge [sflag:s24], $0x4000  }
0x63: {  	[sflag:s24] =	ssyncset.done $0x0  }
0x64: {  	[sflag:s24] =	ssyncadd.s32 $0xFFFFC000  }
0x65: {  	[spmem:s3] =	stream.indirect.scatter.add.f32 [tilespmem:s23], [sflag:$0x2], $0x80, s22, s22, $0xb8;
	[tilespmem:$0x18100] =	vst v63  }
0x66: {  	_ =	swait.ge [sflag:s21], $0x4000  }
0x67: {  	s30 =	simm.s32 $0x20;
	s29 =	simm.s32 $0x10;
	[sflag:s21] =	ssyncset.done $0x0  }
.LBB2_4:
0x68: {  	s31 =	sadd.s32 s29, s19  }
0x69: {  	[sflag:s21] =	ssyncadd.s32 $0xFFFFC000;
	s0 =	smov.u32 s30;
	s2 =	sadd.s32 $0x10, s30  }
0x6a: {  	[tilespmem:s22], [sflag:$0x2] =	stream.linear.gather [hbm4b:s31+s4], $0x80, $0x38;
	[tilespmem:$0x18100] =	vst v63  }
0x6b: {  	p1 =	sne.s32 s30, $0x4E0;
	_ =	swait.ge [sflag:s21], $0x80  }
0x6c: {  	[sflag:s21] =	ssyncset.done $0x0  }
0x6d: {  	s30 =	sadd.s32 s29, s18;
	s29 =	smov.u32 s0;
	[sflag:s21] =	ssyncadd.s32 $0xFFFFFF80  }
0x6e: {  	[tilespmem:s4], [sflag:$0x2] =	stream.linear.gather [hbm4b:s30+s4], $0x80, $0x38;
	[tilespmem:$0x18100] =	vst v63  }
0x6f: {  	_ =	swait.ge [sflag:s21], $0x80  }
0x70: {  	[sflag:s21] =	ssyncset.done $0x0  }
0x71: {  	[sflag:s21] =	ssyncadd.s32 $0xFFFFFF80  }
0x72: {  	[tilespmem:s23], [sflag:$0x1] =	stream.indirect.gather [hbm4b:s5+s22], $0x80, s4, s22, $0xb8;
	[tilespmem:$0x18100] =	vst v63  }
0x73: {  	_ =	swait.ge [sflag:s24], $0x4000  }
.Ltmp1:
0x74: {  	[sflag:s24] =	ssyncset.done $0x0;
	(pc) =	sbr.rel @p1 .LBB2_4-.Ltmp1, $4  }
0x75: {  	[sflag:s24] =	ssyncadd.s32 $0xFFFFC000  }
0x76: {  	[spmem:s3] =	stream.indirect.scatter.add.f32 [tilespmem:s23], [sflag:$0x2], $0x80, s22, s22, $0xb8;
	[tilespmem:$0x18100] =	vst v63  }
0x77: {  	_ =	swait.ge [sflag:s21], $0x4000  }
0x78: {  	s30 =	smov.u32 s2;
	[sflag:s21] =	ssyncset.done $0x0  }
0x79: {  	s0 =	sadd.s32 s29, s19;
	[sflag:s21] =	ssyncadd.s32 $0xFFFFC000  }
0x7a: {  	[tilespmem:s22], [sflag:$0x2] =	stream.linear.gather [hbm4b:s0+s4], $0x80, $0x38;
	[tilespmem:$0x18100] =	vst v63  }
0x7b: {  	_ =	swait.ge [sflag:s21], $0x80  }
0x7c: {  	[sflag:s21] =	ssyncset.done $0x0  }
0x7d: {  	s31 =	sadd.s32 s29, s18;
	[sflag:s21] =	ssyncadd.s32 $0xFFFFFF80  }
0x7e: {  	[tilespmem:s4], [sflag:$0x2] =	stream.linear.gather [hbm4b:s31+s4], $0x80, $0x38;
	[tilespmem:$0x18100] =	vst v63  }
0x7f: {  	_ =	swait.ge [sflag:s21], $0x80  }
0x80: {  	[sflag:s21] =	ssyncset.done $0x0  }
0x81: {  	[sflag:s21] =	ssyncadd.s32 $0xFFFFFF80  }
0x82: {  	[tilespmem:s23], [sflag:$0x1] =	stream.indirect.gather [hbm4b:s5+s22], $0x80, s4, s22, $0xb8;
	[tilespmem:$0x18100] =	vst v63  }
0x83: {  	_ =	swait.ge [sflag:s24], $0x4000  }
0x84: {  	[sflag:s24] =	ssyncset.done $0x0  }
0x85: {  	[sflag:s24] =	ssyncadd.s32 $0xFFFFC000  }
0x86: {  	[spmem:s3] =	stream.indirect.scatter.add.f32 [tilespmem:s23], [sflag:$0x2], $0x80, s22, s22, $0xb8;
	[tilespmem:$0x18100] =	vst v63  }
0x87: {  	_ =	swait.ge [sflag:s21], $0x4000  }
0x88: {  	[sflag:s21] =	ssyncset.done $0x0  }
0x89: {  	[sflag:s21] =	ssyncadd.s32 $0xFFFFC000  }
0x8a: {  	s0 =	simm.s32 @p0 $0x2;
	[bflag:$0x0] =	sbarrier.arrive $0xFFFF  }
0x8b: {  	[hbm:s14], [sflag:s8] =	dma.local @p0 [spmem:s26], $0x2800  }
0x8c: {  	_ =	swait.ge @p0 [sflag:s0], $0x2800  }
0x8d: {  	[sflag:s0] =	ssyncset.done @p0 $0x0  }
0x8e: {  	[sflag:s0] =	ssyncadd.s32 @p0 $0xFFFFD800;
	s0 =	simm.s32 @!p0 $0x2  }
0x8f: {  	[hbm:s13], [sflag:s8] =	dma.local @!p0 [spmem:s28], $0x2700  }
0x90: {  	_ =	swait.ge @!p0 [sflag:s0], $0x2700  }
0x91: {  	[sflag:s0] =	ssyncset.done @!p0 $0x0  }
0x92: {  	[sflag:s0] =	ssyncadd.s32 @!p0 $0xFFFFD900  }
0x93: {  	[bflag:$0x0] =	sbarrier.arrive $0xFFFF  }
0x94: {  	[spmem:s20], [sflag:s8] =	dma.local [hbm:s7], $0x2800  }
0x95: {  	_ =	swait.ge [sflag:s21], $0x2800  }
0x96: {  	[sflag:s21] =	ssyncset.done $0x0  }
0x97: {  	[sflag:s21] =	ssyncadd.s32 $0xFFFFD800  }
0x98: {  	s2 =	sadd.s32 $0x0, s19;
	[bflag:$0x0] =	sbarrier.arrive $0xFFFF  }
0x99: {  	[tilespmem:s22], [sflag:$0x2] =	stream.linear.gather [hbm4b:s2+s4], $0x80, $0x38;
	[tilespmem:$0x18100] =	vst v63  }
0x9a: {  	_ =	swait.ge [sflag:s21], $0x80  }
0x9b: {  	[sflag:s21] =	ssyncset.done $0x0  }
0x9c: {  	s31 =	sadd.s32 $0x0, s18;
	[sflag:s21] =	ssyncadd.s32 $0xFFFFFF80  }
0x9d: {  	[tilespmem:s4], [sflag:$0x2] =	stream.linear.gather [hbm4b:s31+s4], $0x80, $0x38;
	[tilespmem:$0x18100] =	vst v63  }
0x9e: {  	_ =	swait.ge [sflag:s21], $0x80  }
0x9f: {  	[sflag:s21] =	ssyncset.done $0x0  }
0xa0: {  	[sflag:s21] =	ssyncadd.s32 $0xFFFFFF80  }
0xa1: {  	[tilespmem:s23], [sflag:$0x1] =	stream.indirect.gather [hbm4b:s6+s22], $0x80, s4, s22, $0xb8;
	[tilespmem:$0x18100] =	vst v63  }
0xa2: {  	_ =	swait.ge [sflag:s24], $0x4000  }
0xa3: {  	[sflag:s24] =	ssyncset.done $0x0  }
0xa4: {  	[sflag:s24] =	ssyncadd.s32 $0xFFFFC000  }
0xa5: {  	[spmem:s3] =	stream.indirect.scatter.add.f32 [tilespmem:s23], [sflag:$0x2], $0x80, s22, s22, $0xb8;
	[tilespmem:$0x18100] =	vst v63  }
0xa6: {  	_ =	swait.ge [sflag:s21], $0x4000  }
0xa7: {  	s29 =	simm.s32 $0x10;
	s30 =	simm.s32 $0x20;
	[sflag:s21] =	ssyncset.done $0x0  }
.LBB2_6:
0xa8: {  	s0 =	sadd.s32 s29, s19  }
0xa9: {  	[sflag:s21] =	ssyncadd.s32 $0xFFFFC000;
	s2 =	smov.u32 s30;
	s31 =	sadd.s32 $0x10, s30  }
0xaa: {  	[tilespmem:s22], [sflag:$0x2] =	stream.linear.gather [hbm4b:s0+s4], $0x80, $0x38;
	[tilespmem:$0x18100] =	vst v63  }
0xab: {  	p1 =	sne.s32 s30, $0x4E0;
	_ =	swait.ge [sflag:s21], $0x80  }
0xac: {  	[sflag:s21] =	ssyncset.done $0x0  }
0xad: {  	s0 =	sadd.s32 s29, s18;
	s29 =	smov.u32 s2;
	[sflag:s21] =	ssyncadd.s32 $0xFFFFFF80  }
0xae: {  	[tilespmem:s4], [sflag:$0x2] =	stream.linear.gather [hbm4b:s0+s4], $0x80, $0x38;
	[tilespmem:$0x18100] =	vst v63  }
0xaf: {  	_ =	swait.ge [sflag:s21], $0x80  }
0xb0: {  	[sflag:s21] =	ssyncset.done $0x0  }
0xb1: {  	[sflag:s21] =	ssyncadd.s32 $0xFFFFFF80  }
0xb2: {  	[tilespmem:s23], [sflag:$0x1] =	stream.indirect.gather [hbm4b:s6+s22], $0x80, s4, s22, $0xb8;
	[tilespmem:$0x18100] =	vst v63  }
0xb3: {  	_ =	swait.ge [sflag:s24], $0x4000  }
.Ltmp2:
0xb4: {  	[sflag:s24] =	ssyncset.done $0x0;
	(pc) =	sbr.rel @p1 .LBB2_6-.Ltmp2, $4  }
0xb5: {  	[sflag:s24] =	ssyncadd.s32 $0xFFFFC000  }
0xb6: {  	[spmem:s3] =	stream.indirect.scatter.add.f32 [tilespmem:s23], [sflag:$0x2], $0x80, s22, s22, $0xb8;
	[tilespmem:$0x18100] =	vst v63  }
0xb7: {  	_ =	swait.ge [sflag:s21], $0x4000  }
0xb8: {  	s30 =	smov.u32 s31;
	[sflag:s21] =	ssyncset.done $0x0  }
0xb9: {  	s0 =	sadd.s32 s29, s19;
	[sflag:s21] =	ssyncadd.s32 $0xFFFFC000  }
0xba: {  	[tilespmem:s22], [sflag:$0x2] =	stream.linear.gather [hbm4b:s0+s4], $0x80, $0x38;
	[tilespmem:$0x18100] =	vst v63  }
0xbb: {  	_ =	swait.ge [sflag:s21], $0x80  }
0xbc: {  	[sflag:s21] =	ssyncset.done $0x0  }
0xbd: {  	s31 =	sadd.s32 s29, s18;
	[sflag:s21] =	ssyncadd.s32 $0xFFFFFF80  }
0xbe: {  	[tilespmem:s4], [sflag:$0x2] =	stream.linear.gather [hbm4b:s31+s4], $0x80, $0x38;
	[tilespmem:$0x18100] =	vst v63  }
0xbf: {  	_ =	swait.ge [sflag:s21], $0x80  }
0xc0: {  	[sflag:s21] =	ssyncset.done $0x0  }
0xc1: {  	[sflag:s21] =	ssyncadd.s32 $0xFFFFFF80  }
0xc2: {  	[tilespmem:s23], [sflag:$0x1] =	stream.indirect.gather [hbm4b:s6+s22], $0x80, s4, s22, $0xb8;
	[tilespmem:$0x18100] =	vst v63  }
0xc3: {  	_ =	swait.ge [sflag:s24], $0x4000  }
0xc4: {  	[sflag:s24] =	ssyncset.done $0x0  }
0xc5: {  	[sflag:s24] =	ssyncadd.s32 $0xFFFFC000  }
0xc6: {  	[spmem:s3] =	stream.indirect.scatter.add.f32 [tilespmem:s23], [sflag:$0x2], $0x80, s22, s22, $0xb8;
	[tilespmem:$0x18100] =	vst v63  }
0xc7: {  	_ =	swait.ge [sflag:s21], $0x4000  }
0xc8: {  	[sflag:s21] =	ssyncset.done $0x0  }
0xc9: {  	[sflag:s21] =	ssyncadd.s32 $0xFFFFC000  }
0xca: {  	s0 =	simm.s32 @p0 $0x2;
	[bflag:$0x0] =	sbarrier.arrive $0xFFFF  }
0xcb: {  	[hbm:s16], [sflag:s8] =	dma.local @p0 [spmem:s26], $0x2800  }
0xcc: {  	_ =	swait.ge @p0 [sflag:s0], $0x2800  }
0xcd: {  	s25 =	sadd.s32 $0x1, s25;
	[sflag:s0] =	ssyncset.done @p0 $0x0  }
0xce: {  	p1 =	sne.s32 s25, s17;
	[sflag:s0] =	ssyncadd.s32 @p0 $0xFFFFD800;
	s0 =	simm.s32 @!p0 $0x2  }
0xcf: {  	[hbm:s15], [sflag:s8] =	dma.local @!p0 [spmem:s28], $0x2700  }
.Ltmp3:
0xd0: {  	_ =	swait.ge @!p0 [sflag:s0], $0x2700;
	(pc) =	sbr.rel @p1 .LBB2_1-.Ltmp3, $3  }
0xd1: {  	[sflag:s0] =	ssyncset.done @!p0 $0x0  }
0xd2: {  	[sflag:s0] =	ssyncadd.s32 @!p0 $0xFFFFD900  }
0xd3: {  	[bflag:$0x0] =	sbarrier.arrive $0xFFFF;
	_ =	sdelay $0x1  }
0xd4: {  	_ =	sfence.sel $0x180000  }
0xd5: {  	[bflag:$0x0] =	sbarrier.arrive $0xFFFF  }
0xd6: {  	_ =	strace $0x90000050  }
0xd7: {  	s0 =	stileid.u32;
	[bflag:$0x2] =	sbarrier.arrive $0xFFFF  }
0xd8: {  	p0 =	sne.s32 s0, $0x0;
	s0 =	rddreg [dreg:$0x3]  }
0xd9: {  	s0 =	sadd.s32 @!p0 $0x100000, s0  }
0xda: {  	[sflag:s0] =	ssyncadd.tile.s32 @!p0 $0x1;
	_ =	shalt  }
.Lfunc_end2:
_tile_overlayer_lowered:
.L_overlay_start_2:
0xdb: {  	(tag) =	ssettag $0x2  }
0xdc: {  	s0 =	rddreg [dreg:$0x0];
	s2 =	stileid.u32  }
0xdd: {  	s1 =	rddreg [dreg:$0x1];
	p0 =	sne.s32 s2, $0x0  }
0xde: {  	s3 =	rddreg [dreg:$0x2];
	[bflag:$0x3] =	sbarrier.arrive $0xFFFF;
	s2 =	simm.s32 @!p0 $0x1C02  }
0xdf: {  	[timem:s3], [sflag:s2] =	dma.local @!p0 [hbm:s0], s1  }
0xe0: {  	s0 =	simm.s32 @!p0 $0x2  }
0xe1: {  	_ =	swait.ge @!p0 [sflag:s0], s1  }
0xe2: {  	s1 =	ssub.s32 @!p0 $0x0, s1;
	[sflag:s0] =	ssyncset.done @!p0 $0x0  }
0xe3: {  	[sflag:s0] =	ssyncadd.s32 @!p0 s1  }
0xe4: {  	[bflag:$0x3] =	sbarrier.arrive $0xFFFF  }
0xe5: {  	_ =	shalt  }

// kernel: kernel.32.cloned.1.call-start
scs
__scs_entry_jumppad:
0x0: {  	(pc) =	sbr.rel $0x88, $3  }
0x1: {  	(tag) =	ssettag $0x0;
	lr =	simm.s32 $0x1  }
0x2: {  	[smem:$0x3F5F] =	sst lr;
	_ =	strace $0xD0000000  }
0x3: {  	_ = 	snop  }
0x4: {  	_ = 	snop  }
0x5: {  	_ = 	snop  }
0x6: {  	_ = 	snop  }
0x7: {  	_ = 	snop  }
__scs_overlays_trampoline_lowered:
0x8: {  	[smem:$0x3F6E] =	sst s0  }
0x9: {  	[smem:$0x3F6F] =	sst s1  }
0xa: {  	[smem:$0x3F70] =	sst s2  }
0xb: {  	[smem:$0x3F71] =	sst s3  }
0xc: {  	[smem:$0x3F72] =	sst s4  }
0xd: {  	[smem:$0x3F73] =	sst s5  }
0xe: {  	[smem:$0x3F74] =	sst s6  }
0xf: {  	[smem:$0x3F75] =	sst s7  }
0x10: {  	[smem:$0x3F76] =	sst s8  }
0x11: {  	[smem:$0x3F77] =	sst s9;
	s0 =	simm.s32 @!p0 $0x0  }
0x12: {  	s1 =	sld [smem:$0x3F5D];
	s0 =	simm.s32 @p0 $0x1  }
0x13: {  	[smem:$0x3F78] =	sst s0;
	s0 =	simm.s32 @!p1 $0x0  }
0x14: {  	s2 =	sld [smem:$0x3F5C];
	s0 =	simm.s32 @p1 $0x1  }
0x15: {  	[smem:$0x3F79] =	sst s0;
	s0 =	simm.s32 @!p2 $0x0  }
0x16: {  	s3 =	sld [smem:$0x3FDB];
	s0 =	simm.s32 @p2 $0x1  }
0x17: {  	s4 =	simm.s32 $0x1BF5;
	[smem:$0x3F7B] =	sst s0  }
0x18: {  	s0 =	sld [smem:$0x3F5E];
	_ =	swait.ge [sflag:s4], $0x0  }
0x19: {  	s7 =	sld [smem:$0x3F5F]  }
0x1a: {  	s8 =	sadd.s32 $0xFFFFE003, lr  }
0x1b: {  	s9 =	sadd.s32 $0xFFFFFEF7, lr;
	s5 =	simm.s32 $0xFFFFFFFF;
	p2 =	slt.u32 s8, $0xFFFFF086  }
0x1c: {  	p1 =	slt.u32 s9, $0xF7A;
	s5 =	simm.s32 @!p2 $0x0  }
0x1d: {  	s5 =	simm.s32 @p1 $0x1;
	p0 =	seq.s32 s7, s2  }
0x1e: {  	s7 =	smul.u32 @!p0 $0xF7A, s2;
	p2 =	seq.s32 @!p0 s5, $0x0  }
0x1f: {  	s9 =	smul.u32 $0xF7A, s1;
	s8 =	simm.s32 @!p0 $0x1BF5;
	p2 =	por !p2, p0  }
0x20: {  	[sflag:s8] =	ssyncset.s32 @!p0 $0xFFFFF086;
	s6 =	sadd.s32 @!p0 s3, s7;
	s7 =	simm.s32 @!p0 $0x108  }
0x21: {  	s3 =	sadd.s32 s3, s9;
	s6 =	sadd.s32 @!p0 $0x88, s6;
	s7 =	simm.s32 @p2 $0x1082  }
0x22: {  	[simem:s7], [sflag:s8] =	dma.local @!p0 [hbm:s6], $0xF7A  }
0x23: {  	s9 =	sor.u32 $0xD0000000, s2;
	s6 =	simm.s32 $0x108;
	_ =	swait.ge @!p0 [sflag:s8], $0x0  }
0x24: {  	s3 =	sadd.s32 $0x88, s3;
	s6 =	simm.s32 @!p1 $0x1082;
	[sflag:s4] =	ssyncset.s32 $0xFFFFF086  }
0x25: {  	[simem:s6], [sflag:s4] =	dma.local [hbm:s3], $0xF7A  }
0x26: {  	[smem:$0x3F5F] =	sst s1;
	(tag) =	ssettag s2;
	_ =	strace s9  }
0x27: {  	s1 =	sld [smem:$0x3F6F]  }
0x28: {  	s2 =	sld [smem:$0x3F70]  }
0x29: {  	s4 =	sld [smem:$0x3F72]  }
0x2a: {  	p0 =	seq.s32 s5, $0x0;
	s5 =	sld [smem:$0x3F73]  }
0x2b: {  	s6 =	sld [smem:$0x3F74]  }
0x2c: {  	s7 =	sld [smem:$0x3F75]  }
0x2d: {  	s3 =	simm.s32 $0x108;
	s8 =	sld [smem:$0x3F76]  }
0x2e: {  	s3 =	simm.s32 @!p0 $0x1082;
	s9 =	sld [smem:$0x3F77]  }
0x2f: {  	lr =	sadd.s32 s0, s3;
	s0 =	sld [smem:$0x3F6E]  }
0x30: {  	s3 =	sld [smem:$0x3F71]  }
0x31: {  	[smem:$0x3F7A] =	sst s10  }
0x32: {  	s10 =	sld [smem:$0x3F78];
	_ =	sdelay $0x3  }
0x33: {  	p0 =	seq.s32 s10, $0x1;
	s10 =	sld [smem:$0x3F7A];
	_ =	sdelay $0x3  }
0x34: {  	[smem:$0x3F7A] =	sst s10  }
0x35: {  	s10 =	sld [smem:$0x3F79];
	_ =	sdelay $0x3  }
0x36: {  	p1 =	seq.s32 s10, $0x1;
	s10 =	sld [smem:$0x3F7A];
	_ =	sdelay $0x3  }
0x37: {  	[smem:$0x3F7A] =	sst s10  }
0x38: {  	s10 =	sld [smem:$0x3F7B]  }
0x39: {  	_ = 	snop;
	(pc) =	sbr.ind lr, $3  }
0x3a: {  	_ = 	snop  }
0x3b: {  	_ = 	snop  }
0x3c: {  	p2 =	seq.s32 s10, $0x1;
	s10 =	sld [smem:$0x3F7A]  }
0x3d: {  	_ =	shalt  }
0x3e: {  	_ =	shalt  }
0x3f: {  	_ =	shalt  }
0x40: {  	_ =	shalt  }
0x41: {  	_ =	shalt  }
0x42: {  	_ =	shalt  }
0x43: {  	_ =	shalt  }
0x44: {  	_ =	shalt  }
0x45: {  	_ =	shalt  }
0x46: {  	_ =	shalt  }
0x47: {  	_ =	shalt  }
0x48: {  	_ =	shalt  }
0x49: {  	_ =	shalt  }
0x4a: {  	_ =	shalt  }
0x4b: {  	_ =	shalt  }
0x4c: {  	_ =	shalt  }
0x4d: {  	_ =	shalt  }
0x4e: {  	_ =	shalt  }
0x4f: {  	_ =	shalt  }
0x50: {  	_ =	shalt  }
0x51: {  	_ =	shalt  }
0x52: {  	_ =	shalt  }
0x53: {  	_ =	shalt  }
0x54: {  	_ =	shalt  }
0x55: {  	_ =	shalt  }
0x56: {  	_ =	shalt  }
0x57: {  	_ =	shalt  }
0x58: {  	_ =	shalt  }
0x59: {  	_ =	shalt  }
0x5a: {  	_ =	shalt  }
0x5b: {  	_ =	shalt  }
0x5c: {  	_ =	shalt  }
0x5d: {  	_ =	shalt  }
0x5e: {  	_ =	shalt  }
0x5f: {  	_ =	shalt  }
0x60: {  	_ =	shalt  }
0x61: {  	_ =	shalt  }
0x62: {  	_ =	shalt  }
0x63: {  	_ =	shalt  }
0x64: {  	_ =	shalt  }
0x65: {  	_ =	shalt  }
0x66: {  	_ =	shalt  }
0x67: {  	_ =	shalt  }
0x68: {  	_ =	shalt  }
0x69: {  	_ =	shalt  }
0x6a: {  	_ =	shalt  }
0x6b: {  	_ =	shalt  }
0x6c: {  	_ =	shalt  }
0x6d: {  	_ =	shalt  }
0x6e: {  	_ =	shalt  }
0x6f: {  	_ =	shalt  }
0x70: {  	_ =	shalt  }
0x71: {  	_ =	shalt  }
0x72: {  	_ =	shalt  }
0x73: {  	_ =	shalt  }
0x74: {  	_ =	shalt  }
0x75: {  	_ =	shalt  }
0x76: {  	_ =	shalt  }
0x77: {  	_ =	shalt  }
0x78: {  	_ =	shalt  }
0x79: {  	_ =	shalt  }
0x7a: {  	_ =	shalt  }
0x7b: {  	_ =	shalt  }
0x7c: {  	_ =	shalt  }
0x7d: {  	_ =	shalt  }
0x7e: {  	_ =	shalt  }
0x7f: {  	_ =	shalt  }
0x80: {  	_ =	shalt  }
0x81: {  	_ =	shalt  }
0x82: {  	_ =	shalt  }
0x83: {  	_ =	shalt  }
0x84: {  	_ =	shalt  }
0x85: {  	_ =	shalt  }
0x86: {  	_ =	shalt  }
0x87: {  	_ =	shalt  }
.Lfunc_end0:
.L_simem_size_0:
called_computation.4_lowered:
.L_overlay_start_0:
0x88: {  	s2 =	sld [smem:$0x3FD9]  }
0x89: {  	s3 =	sld [smem:$0x3FFE];
	_ =	sdelay $0x1  }
0x8a: {  	s1 =	srdreg.scid  }
0x8b: {  	s0 =	sand.u32 $0x1, s1  }
0x8c: {  	s17 =	sshll.u32 s0, $0xA;
	s2 =	sadd.s32 s3, s2  }
0x8d: {  	s2 =	sadd.s32 s2, s17  }
0x8e: {  	[smem:$0x3F86] =	sst s2  }
0x8f: {  	_ = 	snop  }
0x90: {  	s2 =	sld [smem:$0x3FD0];
	(tm) =	ssettm $0x1  }
0x91: {  	s18 =	sld [smem:$0x3FFB];
	_ =	sdelay $0x3  }
0x92: {  	_ =	strace s18  }
0x93: {  	s3 =	sld [smem:$0x3FFC];
	_ =	sdelay $0x3  }
0x94: {  	_ =	strace s3  }
0x95: {  	s3 =	sld [smem:$0x3FFD];
	_ =	sdelay $0x3  }
0x96: {  	_ =	strace s3  }
0x97: {  	_ =	strace $0x8FFFFFFF  }
0x98: {  	s19 =	sld [smem:$0x3FDB];
	_ =	sdelay $0x1  }
0x99: {  	s4 =	simm.s32 $_scs_section_size  }
0x9a: {  	s5 =	simm.s32 $_size__tile_overlayer_lowered;
	s6 =	simm.s32 $_tile_overlayer_lowered  }
0x9b: {  	s22 =	simm.s32 $0x1BFF;
	s21 =	sshll.u32 s6, $0x1;
	s3 =	sadd.s32 s4, s19  }
0x9c: {  	s7 =	simm.s32 $0x0;
	s20 =	sshll.u32 s5, $0x1;
	s5 =	sadd.s32 s21, s3  }
0x9d: {  	[timem:s7], [sflag:s22] =	dma.local [hbm:s5], s20  }
0x9e: {  	_ =	swait.ge [sflag:s22], s20  }
0x9f: {  	s4 =	ssub.s32 $0x0, s20;
	[sflag:s22] =	ssyncset.done $0x0  }
0xa0: {  	[sflag:s22] =	ssyncadd.s32 s4;
	_ =	sdelay $0x1  }
0xa1: {  	s23 =	simm.s32 $0x1B8B  }
0xa2: {  	_ =	swait.ge [sflag:s23], $0x1  }
0xa3: {  	[sflag:s23] =	ssyncset.done $0x0  }
0xa4: {  	s25 =	simm.s32 $0x1B8E;
	s24 =	sld [smem:$0x3FFE];
	[sflag:s23] =	ssyncadd.s32 $0xFFFFFFFF  }
0xa5: {  	s26 =	simm.s32 $execute0_lowered;
	[smem:$0x3FD2] =	sst s25  }
0xa6: {  	s5 =	sshll.u32 s26, $0x1;
	_ =	strace $0x80000052;
	[dreg:$0x1] =	wrdreg $0xFFFFFFFF  }
0xa7: {  	s28 =	simm.s32 $_size_execute0_lowered;
	s3 =	sadd.s32 s3, s5;
	[dreg:$0x0] =	wrdreg $0x0  }
0xa8: {  	s5 =	sshll.u32 s28, $0x1;
	[dreg:$0x2] =	wrdreg s3  }
0xa9: {  	[dreg:$0x3] =	wrdreg s5  }
0xaa: {  	[dreg:$0x4] =	wrdreg $0xC0  }
0xab: {  	_ =	task [dreg:s7], $0x5FFFF  }
0xac: {  	[dreg:$0x1] =	wrdreg $0xFFFFFFFF  }
0xad: {  	[dreg:$0x0] =	wrdreg $0x60  }
0xae: {  	[dreg:$0x2] =	wrdreg s2  }
0xaf: {  	[dreg:$0x3] =	wrdreg s24  }
0xb0: {  	[dreg:$0x4] =	wrdreg $0x41000  }
0xb1: {  	[dreg:$0x5] =	wrdreg $0x9  }
0xb2: {  	_ =	task.clear_ibuf [dreg:s7], $0x6FFFF;
	_ =	strace $0x90000052  }
0xb3: {  	s29 =	simm.s32 $0x9;
	_ =	strace $0x80000054  }
0xb4: {  	_ =	swait.ge [sflag:s29], $0x1  }
0xb5: {  	[sflag:s29] =	ssyncadd.s32 $0xFFFFFFFF  }
0xb6: {  	_ =	strace $0x90000054  }
0xb7: {  	_ =	sfence  }
0xb8: {  	s30 =	sld [smem:$0x0];
	_ =	sdelay $0x2  }
0xb9: {  	s31 =	sshll.u32 s1, $0xD;
	s1 =	sshrl.u32 s1, $0x2  }
0xba: {  	s3 =	sand.u32 $0x4000, s31;
	s1 =	sadd.s32 s1, s30  }
0xbb: {  	s0 =	sor.u32 s3, s0;
	s1 =	sshll.u32 s1, $0x11  }
0xbc: {  	s0 =	sor.u32 s1, s0  }
0xbd: {  	s0 =	sadd.s32 $0x8F2B, s0  }
0xbe: {  	[sflag:s0] =	ssyncadd.remote.s32 $0x1  }
0xbf: {  	_ =	sfence.sel $0xFFFF  }
0xc0: {  	[dreg:$0x0] =	wrdreg $0xFFFFFFFF;
	(pc) =	sbr.abs _section_cstart, $3  }
0xc1: {  	[dreg:$0x1] =	wrdreg $0xFFFFFFFF  }
0xc2: {  	_ =	task.clear_ibuf [dreg:s7], $0x2FFFF;
	_ =	strace $0x9FFFFFFF  }
0xc3: {  	(tm) =	ssettm $0x7FFFFFFF  }
tec
execute0_lowered:
.L_overlay_start_1:
0x0: {  	(tag) =	ssettag $0x1  }
0x1: {  	s1 =	rddreg [dreg:$0x0]  }
0x2: {  	s6 =	rddreg [dreg:$0x1]  }
0x3: {  	s3 =	rddreg [dreg:$0x2]  }
0x4: {  	s0 =	rddreg [dreg:$0x3];
	s4 =	simm.s32 $0x0;
	s2 =	stileid.u32  }
0x5: {  	s7 =	srdreg.scid;
	s16 =	simm.s32 $0x1;
	s5 =	smul.u32 $0x9E0, s2  }
0x6: {  	s19 =	simm.s32 $0x0;
	[smem:$0x7FF] =	sst s4;
	s8 =	smul.u32 $0x50000, s2  }
0x7: {  	s7 =	sand.u32 $0x1, s7;
	s13 =	smul.u32 $0x13800, s2;
	s14 =	sadd.s32 $0x9E000, s6  }
0x8: {  	s25 =	smul.u32 $0x4E000, s2;
	s17 =	sadd.s32 $0x124800, s3;
	p0 =	seq.s32 s2, $0xF  }
0x9: {  	s23 =	sshll.u32 s2, $0x6;
	_ =	strace $0x80000053;
	s11 =	smul.u32 $0x138800, s7  }
0xa: {  	s10 =	ssub.s32 $0x2, s7;
	s29 =	smul.u32 $0x4F0, s7;
	s17 =	sshrl.u32 @p0 s17, $0x3  }
0xb: {  	s9 =	sadd.s32 s5, s6;
	s5 =	sadd.s32 $0x26200, s6;
	s12 =	sshrl.u32 s10, $0x1  }
0xc: {  	s22 =	sshrl.u32 s8, $0x2;
	s6 =	sor.u32 $0x1C02, s23;
	s28 =	sshrl.u32 s25, $0x2  }
0xd: {  	s10 =	ssub.s32 s10, s12;
	s24 =	sadd.s32 s13, s11;
	s15 =	sadd.s32 s22, s3  }
0xe: {  	s11 =	sshrl.u32 s11, $0x3;
	s18 =	sadd.s32 s28, s3;
	s31 =	sadd.s32 s29, s9  }
0xf: {  	s13 =	simm.s32 $0x2;
	s26 =	sshrl.u32 s24, $0x3;
	s30 =	sadd.s32 s14, s11  }
0x10: {  	s9 =	smax.u32 s10, $0x1;
	s10 =	sadd.s32 $0x12600, s31;
	s11 =	sadd.s32 $0x1C400, s31  }
0x11: {  	s12 =	sshrl.u32 s15, $0x3;
	s15 =	simm.s32 $0x100;
	s18 =	sshrl.u32 @!p0 s18, $0x3  }
0x12: {  	s7 =	sadd.s32 s14, s26;
	s8 =	sadd.s32 $0x24900, s30;
	s14 =	simm.s32 $0x80  }
.LBB2_1:
0x13: {  	[spmem:s12], [sflag:s6] =	dma.local [hbm:s5], $0x2800  }
0x14: {  	_ =	swait.ge [sflag:s13], $0x2800  }
0x15: {  	[sflag:s13] =	ssyncset.done $0x0  }
0x16: {  	[sflag:s13] =	ssyncadd.s32 $0xFFFFD800  }
0x17: {  	s20 =	sadd.s32 $0x0, s11;
	[bflag:$0x0] =	sbarrier.arrive $0xFFFF  }
0x18: {  	[tilespmem:s14], [sflag:$0x2] =	stream.linear.gather [hbm4b:s20+s4], $0x80, $0x38;
	[tilespmem:$0x18100] =	vst v63  }
0x19: {  	_ =	swait.ge [sflag:s13], $0x80  }
0x1a: {  	[sflag:s13] =	ssyncset.done $0x0  }
0x1b: {  	s31 =	sadd.s32 $0x0, s10;
	[sflag:s13] =	ssyncadd.s32 $0xFFFFFF80  }
0x1c: {  	[tilespmem:s4], [sflag:$0x2] =	stream.linear.gather [hbm4b:s31+s4], $0x80, $0x38;
	[tilespmem:$0x18100] =	vst v63  }
0x1d: {  	_ =	swait.ge [sflag:s13], $0x80  }
0x1e: {  	[sflag:s13] =	ssyncset.done $0x0  }
0x1f: {  	[sflag:s13] =	ssyncadd.s32 $0xFFFFFF80  }
0x20: {  	[tilespmem:s15], [sflag:$0x1] =	stream.indirect.gather [hbm4b:s1+s14], $0x80, s4, s14, $0xb8;
	[tilespmem:$0x18100] =	vst v63  }
0x21: {  	_ =	swait.ge [sflag:s16], $0x4000  }
0x22: {  	[sflag:s16] =	ssyncset.done $0x0  }
0x23: {  	[sflag:s16] =	ssyncadd.s32 $0xFFFFC000  }
0x24: {  	[spmem:s3] =	stream.indirect.scatter.add.f32 [tilespmem:s15], [sflag:$0x2], $0x80, s14, s14, $0xb8;
	[tilespmem:$0x18100] =	vst v63  }
0x25: {  	_ =	swait.ge [sflag:s13], $0x4000  }
0x26: {  	s21 =	simm.s32 $0x20;
	s20 =	simm.s32 $0x10;
	[sflag:s13] =	ssyncset.done $0x0  }
.LBB2_2:
0x27: {  	s22 =	sadd.s32 s20, s11  }
0x28: {  	[sflag:s13] =	ssyncadd.s32 $0xFFFFC000;
	s23 =	smov.u32 s21;
	s24 =	sadd.s32 $0x10, s21  }
0x29: {  	[tilespmem:s14], [sflag:$0x2] =	stream.linear.gather [hbm4b:s22+s4], $0x80, $0x38;
	[tilespmem:$0x18100] =	vst v63  }
0x2a: {  	p1 =	sne.s32 s21, $0x4E0;
	_ =	swait.ge [sflag:s13], $0x80  }
0x2b: {  	[sflag:s13] =	ssyncset.done $0x0  }
0x2c: {  	s21 =	sadd.s32 s20, s10;
	s20 =	smov.u32 s23;
	[sflag:s13] =	ssyncadd.s32 $0xFFFFFF80  }
0x2d: {  	[tilespmem:s4], [sflag:$0x2] =	stream.linear.gather [hbm4b:s21+s4], $0x80, $0x38;
	[tilespmem:$0x18100] =	vst v63  }
0x2e: {  	_ =	swait.ge [sflag:s13], $0x80  }
0x2f: {  	[sflag:s13] =	ssyncset.done $0x0  }
0x30: {  	[sflag:s13] =	ssyncadd.s32 $0xFFFFFF80  }
0x31: {  	[tilespmem:s15], [sflag:$0x1] =	stream.indirect.gather [hbm4b:s1+s14], $0x80, s4, s14, $0xb8;
	[tilespmem:$0x18100] =	vst v63  }
0x32: {  	_ =	swait.ge [sflag:s16], $0x4000  }
.Ltmp0:
0x33: {  	[sflag:s16] =	ssyncset.done $0x0;
	(pc) =	sbr.rel @p1 .LBB2_2-.Ltmp0, $4  }
0x34: {  	[sflag:s16] =	ssyncadd.s32 $0xFFFFC000  }
0x35: {  	[spmem:s3] =	stream.indirect.scatter.add.f32 [tilespmem:s15], [sflag:$0x2], $0x80, s14, s14, $0xb8;
	[tilespmem:$0x18100] =	vst v63  }
0x36: {  	_ =	swait.ge [sflag:s13], $0x4000  }
0x37: {  	s21 =	smov.u32 s24;
	[sflag:s13] =	ssyncset.done $0x0  }
0x38: {  	s21 =	sadd.s32 s20, s11;
	[sflag:s13] =	ssyncadd.s32 $0xFFFFC000  }
0x39: {  	[tilespmem:s14], [sflag:$0x2] =	stream.linear.gather [hbm4b:s21+s4], $0x80, $0x38;
	[tilespmem:$0x18100] =	vst v63  }
0x3a: {  	_ =	swait.ge [sflag:s13], $0x80  }
0x3b: {  	[sflag:s13] =	ssyncset.done $0x0  }
0x3c: {  	s31 =	sadd.s32 s20, s10;
	[sflag:s13] =	ssyncadd.s32 $0xFFFFFF80  }
0x3d: {  	[tilespmem:s4], [sflag:$0x2] =	stream.linear.gather [hbm4b:s31+s4], $0x80, $0x38;
	[tilespmem:$0x18100] =	vst v63  }
0x3e: {  	_ =	swait.ge [sflag:s13], $0x80  }
0x3f: {  	[sflag:s13] =	ssyncset.done $0x0  }
0x40: {  	[sflag:s13] =	ssyncadd.s32 $0xFFFFFF80  }
0x41: {  	[tilespmem:s15], [sflag:$0x1] =	stream.indirect.gather [hbm4b:s1+s14], $0x80, s4, s14, $0xb8;
	[tilespmem:$0x18100] =	vst v63  }
0x42: {  	_ =	swait.ge [sflag:s16], $0x4000  }
0x43: {  	[sflag:s16] =	ssyncset.done $0x0  }
0x44: {  	[sflag:s16] =	ssyncadd.s32 $0xFFFFC000  }
0x45: {  	[spmem:s3] =	stream.indirect.scatter.add.f32 [tilespmem:s15], [sflag:$0x2], $0x80, s14, s14, $0xb8;
	[tilespmem:$0x18100] =	vst v63  }
0x46: {  	_ =	swait.ge [sflag:s13], $0x4000  }
0x47: {  	[sflag:s13] =	ssyncset.done $0x0  }
0x48: {  	[sflag:s13] =	ssyncadd.s32 $0xFFFFC000  }
0x49: {  	s20 =	simm.s32 @p0 $0x2;
	[bflag:$0x0] =	sbarrier.arrive $0xFFFF  }
0x4a: {  	[hbm:s8], [sflag:s6] =	dma.local @p0 [spmem:s17], $0x2800  }
0x4b: {  	_ =	swait.ge @p0 [sflag:s20], $0x2800  }
0x4c: {  	s19 =	sadd.s32 $0x1, s19;
	[sflag:s20] =	ssyncset.done @p0 $0x0  }
0x4d: {  	p1 =	sne.s32 s19, s9;
	[sflag:s20] =	ssyncadd.s32 @p0 $0xFFFFD800;
	s20 =	simm.s32 @!p0 $0x2  }
0x4e: {  	[hbm:s7], [sflag:s6] =	dma.local @!p0 [spmem:s18], $0x2700  }
.Ltmp1:
0x4f: {  	_ =	swait.ge @!p0 [sflag:s20], $0x2700;
	(pc) =	sbr.rel @p1 .LBB2_1-.Ltmp1, $3  }
0x50: {  	[sflag:s20] =	ssyncset.done @!p0 $0x0  }
0x51: {  	[sflag:s20] =	ssyncadd.s32 @!p0 $0xFFFFD900  }
0x52: {  	[bflag:$0x0] =	sbarrier.arrive $0xFFFF;
	_ =	sdelay $0x1  }
0x53: {  	_ =	sfence.sel $0x180000  }
0x54: {  	[bflag:$0x0] =	sbarrier.arrive $0xFFFF  }
0x55: {  	p0 =	sne.s32 s2, $0x0;
	_ =	strace $0x90000053  }
0x56: {  	s0 =	sadd.s32 @!p0 $0x100000, s0;
	[bflag:$0x2] =	sbarrier.arrive $0xFFFF  }
0x57: {  	[sflag:s0] =	ssyncadd.tile.s32 @!p0 $0x1;
	_ =	shalt  }
.Lfunc_end2:
_tile_overlayer_lowered:
.L_overlay_start_2:
0x58: {  	(tag) =	ssettag $0x2  }
0x59: {  	s0 =	rddreg [dreg:$0x0];
	s2 =	stileid.u32  }
0x5a: {  	s1 =	rddreg [dreg:$0x1];
	p0 =	sne.s32 s2, $0x0  }
0x5b: {  	s3 =	rddreg [dreg:$0x2];
	[bflag:$0x3] =	sbarrier.arrive $0xFFFF;
	s2 =	simm.s32 @!p0 $0x1C02  }
0x5c: {  	[timem:s3], [sflag:s2] =	dma.local @!p0 [hbm:s0], s1  }
0x5d: {  	s0 =	simm.s32 @!p0 $0x2  }
0x5e: {  	_ =	swait.ge @!p0 [sflag:s0], s1  }
0x5f: {  	s1 =	ssub.s32 @!p0 $0x0, s1;
	[sflag:s0] =	ssyncset.done @!p0 $0x0  }
0x60: {  	[sflag:s0] =	ssyncadd.s32 @!p0 s1  }
0x61: {  	[bflag:$0x3] =	sbarrier.arrive $0xFFFF  }
0x62: {  	_ =	shalt  }

// kernel: kernel.35.cloned.1.call-start
scs
__scs_entry_jumppad:
0x0: {  	(pc) =	sbr.rel $0x88, $3  }
0x1: {  	(tag) =	ssettag $0x0;
	lr =	simm.s32 $0x1  }
0x2: {  	[smem:$0x3F5F] =	sst lr;
	_ =	strace $0xD0000000  }
0x3: {  	_ = 	snop  }
0x4: {  	_ = 	snop  }
0x5: {  	_ = 	snop  }
0x6: {  	_ = 	snop  }
0x7: {  	_ = 	snop  }
__scs_overlays_trampoline_lowered:
0x8: {  	[smem:$0x3F6E] =	sst s0  }
0x9: {  	[smem:$0x3F6F] =	sst s1  }
0xa: {  	[smem:$0x3F70] =	sst s2  }
0xb: {  	[smem:$0x3F71] =	sst s3  }
0xc: {  	[smem:$0x3F72] =	sst s4  }
0xd: {  	[smem:$0x3F73] =	sst s5  }
0xe: {  	[smem:$0x3F74] =	sst s6  }
0xf: {  	[smem:$0x3F75] =	sst s7  }
0x10: {  	[smem:$0x3F76] =	sst s8  }
0x11: {  	[smem:$0x3F77] =	sst s9;
	s0 =	simm.s32 @!p0 $0x0  }
0x12: {  	s1 =	sld [smem:$0x3F5D];
	s0 =	simm.s32 @p0 $0x1  }
0x13: {  	[smem:$0x3F78] =	sst s0;
	s0 =	simm.s32 @!p1 $0x0  }
0x14: {  	s2 =	sld [smem:$0x3F5C];
	s0 =	simm.s32 @p1 $0x1  }
0x15: {  	[smem:$0x3F79] =	sst s0;
	s0 =	simm.s32 @!p2 $0x0  }
0x16: {  	s3 =	sld [smem:$0x3FDB];
	s0 =	simm.s32 @p2 $0x1  }
0x17: {  	s4 =	simm.s32 $0x1BF5;
	[smem:$0x3F7B] =	sst s0  }
0x18: {  	s0 =	sld [smem:$0x3F5E];
	_ =	swait.ge [sflag:s4], $0x0  }
0x19: {  	s7 =	sld [smem:$0x3F5F]  }
0x1a: {  	s8 =	sadd.s32 $0xFFFFE003, lr  }
0x1b: {  	s9 =	sadd.s32 $0xFFFFFEF7, lr;
	s5 =	simm.s32 $0xFFFFFFFF;
	p2 =	slt.u32 s8, $0xFFFFF086  }
0x1c: {  	p1 =	slt.u32 s9, $0xF7A;
	s5 =	simm.s32 @!p2 $0x0  }
0x1d: {  	s5 =	simm.s32 @p1 $0x1;
	p0 =	seq.s32 s7, s2  }
0x1e: {  	s7 =	smul.u32 @!p0 $0xF7A, s2;
	p2 =	seq.s32 @!p0 s5, $0x0  }
0x1f: {  	s9 =	smul.u32 $0xF7A, s1;
	s8 =	simm.s32 @!p0 $0x1BF5;
	p2 =	por !p2, p0  }
0x20: {  	[sflag:s8] =	ssyncset.s32 @!p0 $0xFFFFF086;
	s6 =	sadd.s32 @!p0 s3, s7;
	s7 =	simm.s32 @!p0 $0x108  }
0x21: {  	s3 =	sadd.s32 s3, s9;
	s6 =	sadd.s32 @!p0 $0x88, s6;
	s7 =	simm.s32 @p2 $0x1082  }
0x22: {  	[simem:s7], [sflag:s8] =	dma.local @!p0 [hbm:s6], $0xF7A  }
0x23: {  	s9 =	sor.u32 $0xD0000000, s2;
	s6 =	simm.s32 $0x108;
	_ =	swait.ge @!p0 [sflag:s8], $0x0  }
0x24: {  	s3 =	sadd.s32 $0x88, s3;
	s6 =	simm.s32 @!p1 $0x1082;
	[sflag:s4] =	ssyncset.s32 $0xFFFFF086  }
0x25: {  	[simem:s6], [sflag:s4] =	dma.local [hbm:s3], $0xF7A  }
0x26: {  	[smem:$0x3F5F] =	sst s1;
	(tag) =	ssettag s2;
	_ =	strace s9  }
0x27: {  	s1 =	sld [smem:$0x3F6F]  }
0x28: {  	s2 =	sld [smem:$0x3F70]  }
0x29: {  	s4 =	sld [smem:$0x3F72]  }
0x2a: {  	p0 =	seq.s32 s5, $0x0;
	s5 =	sld [smem:$0x3F73]  }
0x2b: {  	s6 =	sld [smem:$0x3F74]  }
0x2c: {  	s7 =	sld [smem:$0x3F75]  }
0x2d: {  	s3 =	simm.s32 $0x108;
	s8 =	sld [smem:$0x3F76]  }
0x2e: {  	s3 =	simm.s32 @!p0 $0x1082;
	s9 =	sld [smem:$0x3F77]  }
0x2f: {  	lr =	sadd.s32 s0, s3;
	s0 =	sld [smem:$0x3F6E]  }
0x30: {  	s3 =	sld [smem:$0x3F71]  }
0x31: {  	[smem:$0x3F7A] =	sst s10  }
0x32: {  	s10 =	sld [smem:$0x3F78];
	_ =	sdelay $0x3  }
0x33: {  	p0 =	seq.s32 s10, $0x1;
	s10 =	sld [smem:$0x3F7A];
	_ =	sdelay $0x3  }
0x34: {  	[smem:$0x3F7A] =	sst s10  }
0x35: {  	s10 =	sld [smem:$0x3F79];
	_ =	sdelay $0x3  }
0x36: {  	p1 =	seq.s32 s10, $0x1;
	s10 =	sld [smem:$0x3F7A];
	_ =	sdelay $0x3  }
0x37: {  	[smem:$0x3F7A] =	sst s10  }
0x38: {  	s10 =	sld [smem:$0x3F7B]  }
0x39: {  	_ = 	snop;
	(pc) =	sbr.ind lr, $3  }
0x3a: {  	_ = 	snop  }
0x3b: {  	_ = 	snop  }
0x3c: {  	p2 =	seq.s32 s10, $0x1;
	s10 =	sld [smem:$0x3F7A]  }
0x3d: {  	_ =	shalt  }
0x3e: {  	_ =	shalt  }
0x3f: {  	_ =	shalt  }
0x40: {  	_ =	shalt  }
0x41: {  	_ =	shalt  }
0x42: {  	_ =	shalt  }
0x43: {  	_ =	shalt  }
0x44: {  	_ =	shalt  }
0x45: {  	_ =	shalt  }
0x46: {  	_ =	shalt  }
0x47: {  	_ =	shalt  }
0x48: {  	_ =	shalt  }
0x49: {  	_ =	shalt  }
0x4a: {  	_ =	shalt  }
0x4b: {  	_ =	shalt  }
0x4c: {  	_ =	shalt  }
0x4d: {  	_ =	shalt  }
0x4e: {  	_ =	shalt  }
0x4f: {  	_ =	shalt  }
0x50: {  	_ =	shalt  }
0x51: {  	_ =	shalt  }
0x52: {  	_ =	shalt  }
0x53: {  	_ =	shalt  }
0x54: {  	_ =	shalt  }
0x55: {  	_ =	shalt  }
0x56: {  	_ =	shalt  }
0x57: {  	_ =	shalt  }
0x58: {  	_ =	shalt  }
0x59: {  	_ =	shalt  }
0x5a: {  	_ =	shalt  }
0x5b: {  	_ =	shalt  }
0x5c: {  	_ =	shalt  }
0x5d: {  	_ =	shalt  }
0x5e: {  	_ =	shalt  }
0x5f: {  	_ =	shalt  }
0x60: {  	_ =	shalt  }
0x61: {  	_ =	shalt  }
0x62: {  	_ =	shalt  }
0x63: {  	_ =	shalt  }
0x64: {  	_ =	shalt  }
0x65: {  	_ =	shalt  }
0x66: {  	_ =	shalt  }
0x67: {  	_ =	shalt  }
0x68: {  	_ =	shalt  }
0x69: {  	_ =	shalt  }
0x6a: {  	_ =	shalt  }
0x6b: {  	_ =	shalt  }
0x6c: {  	_ =	shalt  }
0x6d: {  	_ =	shalt  }
0x6e: {  	_ =	shalt  }
0x6f: {  	_ =	shalt  }
0x70: {  	_ =	shalt  }
0x71: {  	_ =	shalt  }
0x72: {  	_ =	shalt  }
0x73: {  	_ =	shalt  }
0x74: {  	_ =	shalt  }
0x75: {  	_ =	shalt  }
0x76: {  	_ =	shalt  }
0x77: {  	_ =	shalt  }
0x78: {  	_ =	shalt  }
0x79: {  	_ =	shalt  }
0x7a: {  	_ =	shalt  }
0x7b: {  	_ =	shalt  }
0x7c: {  	_ =	shalt  }
0x7d: {  	_ =	shalt  }
0x7e: {  	_ =	shalt  }
0x7f: {  	_ =	shalt  }
0x80: {  	_ =	shalt  }
0x81: {  	_ =	shalt  }
0x82: {  	_ =	shalt  }
0x83: {  	_ =	shalt  }
0x84: {  	_ =	shalt  }
0x85: {  	_ =	shalt  }
0x86: {  	_ =	shalt  }
0x87: {  	_ =	shalt  }
.Lfunc_end0:
.L_simem_size_0:
called_computation.5_lowered:
.L_overlay_start_0:
0x88: {  	s2 =	sld [smem:$0x3FD9]  }
0x89: {  	s3 =	sld [smem:$0x3FFE];
	_ =	sdelay $0x1  }
0x8a: {  	s1 =	srdreg.scid  }
0x8b: {  	s0 =	sand.u32 $0x1, s1  }
0x8c: {  	s17 =	sshll.u32 s0, $0xA;
	s2 =	sadd.s32 s3, s2  }
0x8d: {  	s2 =	sadd.s32 s2, s17  }
0x8e: {  	[smem:$0x3F86] =	sst s2  }
0x8f: {  	_ = 	snop  }
0x90: {  	s2 =	sld [smem:$0x3FD0];
	(tm) =	ssettm $0x1  }
0x91: {  	s18 =	sld [smem:$0x3FFB];
	_ =	sdelay $0x3  }
0x92: {  	_ =	strace s18  }
0x93: {  	s3 =	sld [smem:$0x3FFC];
	_ =	sdelay $0x3  }
0x94: {  	_ =	strace s3  }
0x95: {  	s3 =	sld [smem:$0x3FFD];
	_ =	sdelay $0x3  }
0x96: {  	_ =	strace s3  }
0x97: {  	_ =	strace $0x8FFFFFFF  }
0x98: {  	s19 =	sld [smem:$0x3FDB];
	_ =	sdelay $0x1  }
0x99: {  	s4 =	simm.s32 $_scs_section_size  }
0x9a: {  	s5 =	simm.s32 $_size__tile_overlayer_lowered;
	s6 =	simm.s32 $_tile_overlayer_lowered  }
0x9b: {  	s22 =	simm.s32 $0x1BFF;
	s21 =	sshll.u32 s6, $0x1;
	s3 =	sadd.s32 s4, s19  }
0x9c: {  	s7 =	simm.s32 $0x0;
	s20 =	sshll.u32 s5, $0x1;
	s5 =	sadd.s32 s21, s3  }
0x9d: {  	[timem:s7], [sflag:s22] =	dma.local [hbm:s5], s20  }
0x9e: {  	_ =	swait.ge [sflag:s22], s20  }
0x9f: {  	s4 =	ssub.s32 $0x0, s20;
	[sflag:s22] =	ssyncset.done $0x0  }
0xa0: {  	[sflag:s22] =	ssyncadd.s32 s4;
	_ =	sdelay $0x1  }
0xa1: {  	s23 =	simm.s32 $0x1B8B  }
0xa2: {  	_ =	swait.ge [sflag:s23], $0x1  }
0xa3: {  	[sflag:s23] =	ssyncset.done $0x0  }
0xa4: {  	s25 =	simm.s32 $0x1B8E;
	s24 =	sld [smem:$0x3FFE];
	[sflag:s23] =	ssyncadd.s32 $0xFFFFFFFF  }
0xa5: {  	s26 =	simm.s32 $execute0_lowered;
	[smem:$0x3FD2] =	sst s25  }
0xa6: {  	s5 =	sshll.u32 s26, $0x1;
	_ =	strace $0x80000055;
	[dreg:$0x1] =	wrdreg $0xFFFFFFFF  }
0xa7: {  	s28 =	simm.s32 $_size_execute0_lowered;
	s3 =	sadd.s32 s3, s5;
	[dreg:$0x0] =	wrdreg $0x0  }
0xa8: {  	s5 =	sshll.u32 s28, $0x1;
	[dreg:$0x2] =	wrdreg s3  }
0xa9: {  	[dreg:$0x3] =	wrdreg s5  }
0xaa: {  	[dreg:$0x4] =	wrdreg $0xC0  }
0xab: {  	_ =	task [dreg:s7], $0x5FFFF  }
0xac: {  	[dreg:$0x1] =	wrdreg $0xFFFFFFFF  }
0xad: {  	[dreg:$0x0] =	wrdreg $0x60  }
0xae: {  	[dreg:$0x2] =	wrdreg s2  }
0xaf: {  	[dreg:$0x3] =	wrdreg s24  }
0xb0: {  	[dreg:$0x4] =	wrdreg $0x41000  }
0xb1: {  	[dreg:$0x5] =	wrdreg $0x9  }
0xb2: {  	_ =	task.clear_ibuf [dreg:s7], $0x6FFFF;
	_ =	strace $0x90000055  }
0xb3: {  	s29 =	simm.s32 $0x9;
	_ =	strace $0x80000057  }
0xb4: {  	_ =	swait.ge [sflag:s29], $0x1  }
0xb5: {  	[sflag:s29] =	ssyncadd.s32 $0xFFFFFFFF  }
0xb6: {  	_ =	strace $0x90000057  }
0xb7: {  	_ =	sfence  }
0xb8: {  	s30 =	sld [smem:$0x0];
	_ =	sdelay $0x2  }
0xb9: {  	s31 =	sshll.u32 s1, $0xD;
	s1 =	sshrl.u32 s1, $0x2  }
0xba: {  	s3 =	sand.u32 $0x4000, s31;
	s1 =	sadd.s32 s1, s30  }
0xbb: {  	s0 =	sor.u32 s3, s0;
	s1 =	sshll.u32 s1, $0x11  }
0xbc: {  	s0 =	sor.u32 s1, s0  }
0xbd: {  	s0 =	sadd.s32 $0x8F2B, s0  }
0xbe: {  	[sflag:s0] =	ssyncadd.remote.s32 $0x1  }
0xbf: {  	_ =	sfence.sel $0xFFFF  }
0xc0: {  	[dreg:$0x0] =	wrdreg $0xFFFFFFFF;
	(pc) =	sbr.abs _section_cstart, $3  }
0xc1: {  	[dreg:$0x1] =	wrdreg $0xFFFFFFFF  }
0xc2: {  	_ =	task.clear_ibuf [dreg:s7], $0x2FFFF;
	_ =	strace $0x9FFFFFFF  }
0xc3: {  	(tm) =	ssettm $0x7FFFFFFF  }
tec
execute0_lowered:
.L_overlay_start_1:
0x0: {  	(tag) =	ssettag $0x1  }
0x1: {  	s1 =	rddreg [dreg:$0x0]  }
0x2: {  	s6 =	rddreg [dreg:$0x1]  }
0x3: {  	s3 =	rddreg [dreg:$0x2]  }
0x4: {  	s0 =	rddreg [dreg:$0x3];
	s4 =	simm.s32 $0x0;
	s2 =	stileid.u32  }
0x5: {  	s7 =	srdreg.scid;
	s16 =	simm.s32 $0x1;
	s5 =	smul.u32 $0x9E0, s2  }
0x6: {  	s19 =	simm.s32 $0x0;
	[smem:$0x7FF] =	sst s4;
	s8 =	smul.u32 $0x50000, s2  }
0x7: {  	s7 =	sand.u32 $0x1, s7;
	s13 =	smul.u32 $0x13800, s2;
	s14 =	sadd.s32 $0xC5200, s6  }
0x8: {  	s25 =	smul.u32 $0x4E000, s2;
	s17 =	sadd.s32 $0x124800, s3;
	p0 =	seq.s32 s2, $0xF  }
0x9: {  	s23 =	sshll.u32 s2, $0x6;
	_ =	strace $0x80000056;
	s11 =	smul.u32 $0x138800, s7  }
0xa: {  	s10 =	ssub.s32 $0x2, s7;
	s29 =	smul.u32 $0x4F0, s7;
	s17 =	sshrl.u32 @p0 s17, $0x3  }
0xb: {  	s9 =	sadd.s32 s5, s6;
	s5 =	sadd.s32 $0x26200, s6;
	s12 =	sshrl.u32 s10, $0x1  }
0xc: {  	s22 =	sshrl.u32 s8, $0x2;
	s6 =	sor.u32 $0x1C02, s23;
	s28 =	sshrl.u32 s25, $0x2  }
0xd: {  	s10 =	ssub.s32 s10, s12;
	s24 =	sadd.s32 s13, s11;
	s15 =	sadd.s32 s22, s3  }
0xe: {  	s11 =	sshrl.u32 s11, $0x3;
	s18 =	sadd.s32 s28, s3;
	s31 =	sadd.s32 s29, s9  }
0xf: {  	s13 =	simm.s32 $0x2;
	s26 =	sshrl.u32 s24, $0x3;
	s30 =	sadd.s32 s14, s11  }
0x10: {  	s9 =	smax.u32 s10, $0x1;
	s10 =	sadd.s32 $0x12600, s31;
	s11 =	sadd.s32 $0x1C400, s31  }
0x11: {  	s12 =	sshrl.u32 s15, $0x3;
	s15 =	simm.s32 $0x100;
	s18 =	sshrl.u32 @!p0 s18, $0x3  }
0x12: {  	s7 =	sadd.s32 s14, s26;
	s8 =	sadd.s32 $0x24900, s30;
	s14 =	simm.s32 $0x80  }
.LBB2_1:
0x13: {  	[spmem:s12], [sflag:s6] =	dma.local [hbm:s5], $0x2800  }
0x14: {  	_ =	swait.ge [sflag:s13], $0x2800  }
0x15: {  	[sflag:s13] =	ssyncset.done $0x0  }
0x16: {  	[sflag:s13] =	ssyncadd.s32 $0xFFFFD800  }
0x17: {  	s20 =	sadd.s32 $0x0, s11;
	[bflag:$0x0] =	sbarrier.arrive $0xFFFF  }
0x18: {  	[tilespmem:s14], [sflag:$0x2] =	stream.linear.gather [hbm4b:s20+s4], $0x80, $0x38;
	[tilespmem:$0x18100] =	vst v63  }
0x19: {  	_ =	swait.ge [sflag:s13], $0x80  }
0x1a: {  	[sflag:s13] =	ssyncset.done $0x0  }
0x1b: {  	s31 =	sadd.s32 $0x0, s10;
	[sflag:s13] =	ssyncadd.s32 $0xFFFFFF80  }
0x1c: {  	[tilespmem:s4], [sflag:$0x2] =	stream.linear.gather [hbm4b:s31+s4], $0x80, $0x38;
	[tilespmem:$0x18100] =	vst v63  }
0x1d: {  	_ =	swait.ge [sflag:s13], $0x80  }
0x1e: {  	[sflag:s13] =	ssyncset.done $0x0  }
0x1f: {  	[sflag:s13] =	ssyncadd.s32 $0xFFFFFF80  }
0x20: {  	[tilespmem:s15], [sflag:$0x1] =	stream.indirect.gather [hbm4b:s1+s14], $0x80, s4, s14, $0xb8;
	[tilespmem:$0x18100] =	vst v63  }
0x21: {  	_ =	swait.ge [sflag:s16], $0x4000  }
0x22: {  	[sflag:s16] =	ssyncset.done $0x0  }
0x23: {  	[sflag:s16] =	ssyncadd.s32 $0xFFFFC000  }
0x24: {  	[spmem:s3] =	stream.indirect.scatter.add.f32 [tilespmem:s15], [sflag:$0x2], $0x80, s14, s14, $0xb8;
	[tilespmem:$0x18100] =	vst v63  }
0x25: {  	_ =	swait.ge [sflag:s13], $0x4000  }
0x26: {  	s21 =	simm.s32 $0x20;
	s20 =	simm.s32 $0x10;
	[sflag:s13] =	ssyncset.done $0x0  }
.LBB2_2:
0x27: {  	s22 =	sadd.s32 s20, s11  }
0x28: {  	[sflag:s13] =	ssyncadd.s32 $0xFFFFC000;
	s23 =	smov.u32 s21;
	s24 =	sadd.s32 $0x10, s21  }
0x29: {  	[tilespmem:s14], [sflag:$0x2] =	stream.linear.gather [hbm4b:s22+s4], $0x80, $0x38;
	[tilespmem:$0x18100] =	vst v63  }
0x2a: {  	p1 =	sne.s32 s21, $0x4E0;
	_ =	swait.ge [sflag:s13], $0x80  }
0x2b: {  	[sflag:s13] =	ssyncset.done $0x0  }
0x2c: {  	s21 =	sadd.s32 s20, s10;
	s20 =	smov.u32 s23;
	[sflag:s13] =	ssyncadd.s32 $0xFFFFFF80  }
0x2d: {  	[tilespmem:s4], [sflag:$0x2] =	stream.linear.gather [hbm4b:s21+s4], $0x80, $0x38;
	[tilespmem:$0x18100] =	vst v63  }
0x2e: {  	_ =	swait.ge [sflag:s13], $0x80  }
0x2f: {  	[sflag:s13] =	ssyncset.done $0x0  }
0x30: {  	[sflag:s13] =	ssyncadd.s32 $0xFFFFFF80  }
0x31: {  	[tilespmem:s15], [sflag:$0x1] =	stream.indirect.gather [hbm4b:s1+s14], $0x80, s4, s14, $0xb8;
	[tilespmem:$0x18100] =	vst v63  }
0x32: {  	_ =	swait.ge [sflag:s16], $0x4000  }
.Ltmp0:
0x33: {  	[sflag:s16] =	ssyncset.done $0x0;
	(pc) =	sbr.rel @p1 .LBB2_2-.Ltmp0, $4  }
0x34: {  	[sflag:s16] =	ssyncadd.s32 $0xFFFFC000  }
0x35: {  	[spmem:s3] =	stream.indirect.scatter.add.f32 [tilespmem:s15], [sflag:$0x2], $0x80, s14, s14, $0xb8;
	[tilespmem:$0x18100] =	vst v63  }
0x36: {  	_ =	swait.ge [sflag:s13], $0x4000  }
0x37: {  	s21 =	smov.u32 s24;
	[sflag:s13] =	ssyncset.done $0x0  }
0x38: {  	s21 =	sadd.s32 s20, s11;
	[sflag:s13] =	ssyncadd.s32 $0xFFFFC000  }
0x39: {  	[tilespmem:s14], [sflag:$0x2] =	stream.linear.gather [hbm4b:s21+s4], $0x80, $0x38;
	[tilespmem:$0x18100] =	vst v63  }
0x3a: {  	_ =	swait.ge [sflag:s13], $0x80  }
0x3b: {  	[sflag:s13] =	ssyncset.done $0x0  }
0x3c: {  	s31 =	sadd.s32 s20, s10;
	[sflag:s13] =	ssyncadd.s32 $0xFFFFFF80  }
0x3d: {  	[tilespmem:s4], [sflag:$0x2] =	stream.linear.gather [hbm4b:s31+s4], $0x80, $0x38;
	[tilespmem:$0x18100] =	vst v63  }
0x3e: {  	_ =	swait.ge [sflag:s13], $0x80  }
0x3f: {  	[sflag:s13] =	ssyncset.done $0x0  }
0x40: {  	[sflag:s13] =	ssyncadd.s32 $0xFFFFFF80  }
0x41: {  	[tilespmem:s15], [sflag:$0x1] =	stream.indirect.gather [hbm4b:s1+s14], $0x80, s4, s14, $0xb8;
	[tilespmem:$0x18100] =	vst v63  }
0x42: {  	_ =	swait.ge [sflag:s16], $0x4000  }
0x43: {  	[sflag:s16] =	ssyncset.done $0x0  }
0x44: {  	[sflag:s16] =	ssyncadd.s32 $0xFFFFC000  }
0x45: {  	[spmem:s3] =	stream.indirect.scatter.add.f32 [tilespmem:s15], [sflag:$0x2], $0x80, s14, s14, $0xb8;
	[tilespmem:$0x18100] =	vst v63  }
0x46: {  	_ =	swait.ge [sflag:s13], $0x4000  }
0x47: {  	[sflag:s13] =	ssyncset.done $0x0  }
0x48: {  	[sflag:s13] =	ssyncadd.s32 $0xFFFFC000  }
0x49: {  	s20 =	simm.s32 @p0 $0x2;
	[bflag:$0x0] =	sbarrier.arrive $0xFFFF  }
0x4a: {  	[hbm:s8], [sflag:s6] =	dma.local @p0 [spmem:s17], $0x2800  }
0x4b: {  	_ =	swait.ge @p0 [sflag:s20], $0x2800  }
0x4c: {  	s19 =	sadd.s32 $0x1, s19;
	[sflag:s20] =	ssyncset.done @p0 $0x0  }
0x4d: {  	p1 =	sne.s32 s19, s9;
	[sflag:s20] =	ssyncadd.s32 @p0 $0xFFFFD800;
	s20 =	simm.s32 @!p0 $0x2  }
0x4e: {  	[hbm:s7], [sflag:s6] =	dma.local @!p0 [spmem:s18], $0x2700  }
.Ltmp1:
0x4f: {  	_ =	swait.ge @!p0 [sflag:s20], $0x2700;
	(pc) =	sbr.rel @p1 .LBB2_1-.Ltmp1, $3  }
0x50: {  	[sflag:s20] =	ssyncset.done @!p0 $0x0  }
0x51: {  	[sflag:s20] =	ssyncadd.s32 @!p0 $0xFFFFD900  }
0x52: {  	[bflag:$0x0] =	sbarrier.arrive $0xFFFF;
	_ =	sdelay $0x1  }
0x53: {  	_ =	sfence.sel $0x180000  }
0x54: {  	[bflag:$0x0] =	sbarrier.arrive $0xFFFF  }
0x55: {  	p0 =	sne.s32 s2, $0x0;
	_ =	strace $0x90000056  }
0x56: {  	s0 =	sadd.s32 @!p0 $0x100000, s0;
	[bflag:$0x2] =	sbarrier.arrive $0xFFFF  }
0x57: {  	[sflag:s0] =	ssyncadd.tile.s32 @!p0 $0x1;
	_ =	shalt  }
.Lfunc_end2:
_tile_overlayer_lowered:
.L_overlay_start_2:
0x58: {  	(tag) =	ssettag $0x2  }
0x59: {  	s0 =	rddreg [dreg:$0x0];
	s2 =	stileid.u32  }
0x5a: {  	s1 =	rddreg [dreg:$0x1];
	p0 =	sne.s32 s2, $0x0  }
0x5b: {  	s3 =	rddreg [dreg:$0x2];
	[bflag:$0x3] =	sbarrier.arrive $0xFFFF;
	s2 =	simm.s32 @!p0 $0x1C02  }
0x5c: {  	[timem:s3], [sflag:s2] =	dma.local @!p0 [hbm:s0], s1  }
0x5d: {  	s0 =	simm.s32 @!p0 $0x2  }
0x5e: {  	_ =	swait.ge @!p0 [sflag:s0], s1  }
0x5f: {  	s1 =	ssub.s32 @!p0 $0x0, s1;
	[sflag:s0] =	ssyncset.done @!p0 $0x0  }
0x60: {  	[sflag:s0] =	ssyncadd.s32 @!p0 s1  }
0x61: {  	[bflag:$0x3] =	sbarrier.arrive $0xFFFF  }
0x62: {  	_ =	shalt  }

// kernel: kernel.38.cloned.1.call-start
scs
__scs_entry_jumppad:
0x0: {  	(pc) =	sbr.rel $0x88, $3  }
0x1: {  	(tag) =	ssettag $0x0;
	lr =	simm.s32 $0x1  }
0x2: {  	[smem:$0x3F5F] =	sst lr;
	_ =	strace $0xD0000000  }
0x3: {  	_ = 	snop  }
0x4: {  	_ = 	snop  }
0x5: {  	_ = 	snop  }
0x6: {  	_ = 	snop  }
0x7: {  	_ = 	snop  }
__scs_overlays_trampoline_lowered:
0x8: {  	[smem:$0x3F6E] =	sst s0  }
0x9: {  	[smem:$0x3F6F] =	sst s1  }
0xa: {  	[smem:$0x3F70] =	sst s2  }
0xb: {  	[smem:$0x3F71] =	sst s3  }
0xc: {  	[smem:$0x3F72] =	sst s4  }
0xd: {  	[smem:$0x3F73] =	sst s5  }
0xe: {  	[smem:$0x3F74] =	sst s6  }
0xf: {  	[smem:$0x3F75] =	sst s7  }
0x10: {  	[smem:$0x3F76] =	sst s8  }
0x11: {  	[smem:$0x3F77] =	sst s9;
	s0 =	simm.s32 @!p0 $0x0  }
0x12: {  	s1 =	sld [smem:$0x3F5D];
	s0 =	simm.s32 @p0 $0x1  }
0x13: {  	[smem:$0x3F78] =	sst s0;
	s0 =	simm.s32 @!p1 $0x0  }
0x14: {  	s2 =	sld [smem:$0x3F5C];
	s0 =	simm.s32 @p1 $0x1  }
0x15: {  	[smem:$0x3F79] =	sst s0;
	s0 =	simm.s32 @!p2 $0x0  }
0x16: {  	s3 =	sld [smem:$0x3FDB];
	s0 =	simm.s32 @p2 $0x1  }
0x17: {  	s4 =	simm.s32 $0x1BF5;
	[smem:$0x3F7B] =	sst s0  }
0x18: {  	s0 =	sld [smem:$0x3F5E];
	_ =	swait.ge [sflag:s4], $0x0  }
0x19: {  	s7 =	sld [smem:$0x3F5F]  }
0x1a: {  	s8 =	sadd.s32 $0xFFFFE003, lr  }
0x1b: {  	s9 =	sadd.s32 $0xFFFFFEF7, lr;
	s5 =	simm.s32 $0xFFFFFFFF;
	p2 =	slt.u32 s8, $0xFFFFF086  }
0x1c: {  	p1 =	slt.u32 s9, $0xF7A;
	s5 =	simm.s32 @!p2 $0x0  }
0x1d: {  	s5 =	simm.s32 @p1 $0x1;
	p0 =	seq.s32 s7, s2  }
0x1e: {  	s7 =	smul.u32 @!p0 $0xF7A, s2;
	p2 =	seq.s32 @!p0 s5, $0x0  }
0x1f: {  	s9 =	smul.u32 $0xF7A, s1;
	s8 =	simm.s32 @!p0 $0x1BF5;
	p2 =	por !p2, p0  }
0x20: {  	[sflag:s8] =	ssyncset.s32 @!p0 $0xFFFFF086;
	s6 =	sadd.s32 @!p0 s3, s7;
	s7 =	simm.s32 @!p0 $0x108  }
0x21: {  	s3 =	sadd.s32 s3, s9;
	s6 =	sadd.s32 @!p0 $0x88, s6;
	s7 =	simm.s32 @p2 $0x1082  }
0x22: {  	[simem:s7], [sflag:s8] =	dma.local @!p0 [hbm:s6], $0xF7A  }
0x23: {  	s9 =	sor.u32 $0xD0000000, s2;
	s6 =	simm.s32 $0x108;
	_ =	swait.ge @!p0 [sflag:s8], $0x0  }
0x24: {  	s3 =	sadd.s32 $0x88, s3;
	s6 =	simm.s32 @!p1 $0x1082;
	[sflag:s4] =	ssyncset.s32 $0xFFFFF086  }
0x25: {  	[simem:s6], [sflag:s4] =	dma.local [hbm:s3], $0xF7A  }
0x26: {  	[smem:$0x3F5F] =	sst s1;
	(tag) =	ssettag s2;
	_ =	strace s9  }
0x27: {  	s1 =	sld [smem:$0x3F6F]  }
0x28: {  	s2 =	sld [smem:$0x3F70]  }
0x29: {  	s4 =	sld [smem:$0x3F72]  }
0x2a: {  	p0 =	seq.s32 s5, $0x0;
	s5 =	sld [smem:$0x3F73]  }
0x2b: {  	s6 =	sld [smem:$0x3F74]  }
0x2c: {  	s7 =	sld [smem:$0x3F75]  }
0x2d: {  	s3 =	simm.s32 $0x108;
	s8 =	sld [smem:$0x3F76]  }
0x2e: {  	s3 =	simm.s32 @!p0 $0x1082;
	s9 =	sld [smem:$0x3F77]  }
0x2f: {  	lr =	sadd.s32 s0, s3;
	s0 =	sld [smem:$0x3F6E]  }
0x30: {  	s3 =	sld [smem:$0x3F71]  }
0x31: {  	[smem:$0x3F7A] =	sst s10  }
0x32: {  	s10 =	sld [smem:$0x3F78];
	_ =	sdelay $0x3  }
0x33: {  	p0 =	seq.s32 s10, $0x1;
	s10 =	sld [smem:$0x3F7A];
	_ =	sdelay $0x3  }
0x34: {  	[smem:$0x3F7A] =	sst s10  }
0x35: {  	s10 =	sld [smem:$0x3F79];
	_ =	sdelay $0x3  }
0x36: {  	p1 =	seq.s32 s10, $0x1;
	s10 =	sld [smem:$0x3F7A];
	_ =	sdelay $0x3  }
0x37: {  	[smem:$0x3F7A] =	sst s10  }
0x38: {  	s10 =	sld [smem:$0x3F7B]  }
0x39: {  	_ = 	snop;
	(pc) =	sbr.ind lr, $3  }
0x3a: {  	_ = 	snop  }
0x3b: {  	_ = 	snop  }
0x3c: {  	p2 =	seq.s32 s10, $0x1;
	s10 =	sld [smem:$0x3F7A]  }
0x3d: {  	_ =	shalt  }
0x3e: {  	_ =	shalt  }
0x3f: {  	_ =	shalt  }
0x40: {  	_ =	shalt  }
0x41: {  	_ =	shalt  }
0x42: {  	_ =	shalt  }
0x43: {  	_ =	shalt  }
0x44: {  	_ =	shalt  }
0x45: {  	_ =	shalt  }
0x46: {  	_ =	shalt  }
0x47: {  	_ =	shalt  }
0x48: {  	_ =	shalt  }
0x49: {  	_ =	shalt  }
0x4a: {  	_ =	shalt  }
0x4b: {  	_ =	shalt  }
0x4c: {  	_ =	shalt  }
0x4d: {  	_ =	shalt  }
0x4e: {  	_ =	shalt  }
0x4f: {  	_ =	shalt  }
0x50: {  	_ =	shalt  }
0x51: {  	_ =	shalt  }
0x52: {  	_ =	shalt  }
0x53: {  	_ =	shalt  }
0x54: {  	_ =	shalt  }
0x55: {  	_ =	shalt  }
0x56: {  	_ =	shalt  }
0x57: {  	_ =	shalt  }
0x58: {  	_ =	shalt  }
0x59: {  	_ =	shalt  }
0x5a: {  	_ =	shalt  }
0x5b: {  	_ =	shalt  }
0x5c: {  	_ =	shalt  }
0x5d: {  	_ =	shalt  }
0x5e: {  	_ =	shalt  }
0x5f: {  	_ =	shalt  }
0x60: {  	_ =	shalt  }
0x61: {  	_ =	shalt  }
0x62: {  	_ =	shalt  }
0x63: {  	_ =	shalt  }
0x64: {  	_ =	shalt  }
0x65: {  	_ =	shalt  }
0x66: {  	_ =	shalt  }
0x67: {  	_ =	shalt  }
0x68: {  	_ =	shalt  }
0x69: {  	_ =	shalt  }
0x6a: {  	_ =	shalt  }
0x6b: {  	_ =	shalt  }
0x6c: {  	_ =	shalt  }
0x6d: {  	_ =	shalt  }
0x6e: {  	_ =	shalt  }
0x6f: {  	_ =	shalt  }
0x70: {  	_ =	shalt  }
0x71: {  	_ =	shalt  }
0x72: {  	_ =	shalt  }
0x73: {  	_ =	shalt  }
0x74: {  	_ =	shalt  }
0x75: {  	_ =	shalt  }
0x76: {  	_ =	shalt  }
0x77: {  	_ =	shalt  }
0x78: {  	_ =	shalt  }
0x79: {  	_ =	shalt  }
0x7a: {  	_ =	shalt  }
0x7b: {  	_ =	shalt  }
0x7c: {  	_ =	shalt  }
0x7d: {  	_ =	shalt  }
0x7e: {  	_ =	shalt  }
0x7f: {  	_ =	shalt  }
0x80: {  	_ =	shalt  }
0x81: {  	_ =	shalt  }
0x82: {  	_ =	shalt  }
0x83: {  	_ =	shalt  }
0x84: {  	_ =	shalt  }
0x85: {  	_ =	shalt  }
0x86: {  	_ =	shalt  }
0x87: {  	_ =	shalt  }
.Lfunc_end0:
.L_simem_size_0:
called_computation.6_lowered:
.L_overlay_start_0:
0x88: {  	s2 =	sld [smem:$0x3FD9]  }
0x89: {  	s3 =	sld [smem:$0x3FFE];
	_ =	sdelay $0x1  }
0x8a: {  	s1 =	srdreg.scid  }
0x8b: {  	s0 =	sand.u32 $0x1, s1  }
0x8c: {  	s17 =	sshll.u32 s0, $0xA;
	s2 =	sadd.s32 s3, s2  }
0x8d: {  	s2 =	sadd.s32 s2, s17  }
0x8e: {  	[smem:$0x3F86] =	sst s2  }
0x8f: {  	_ = 	snop  }
0x90: {  	s2 =	sld [smem:$0x3FD0];
	(tm) =	ssettm $0x1  }
0x91: {  	s18 =	sld [smem:$0x3FFB];
	_ =	sdelay $0x3  }
0x92: {  	_ =	strace s18  }
0x93: {  	s3 =	sld [smem:$0x3FFC];
	_ =	sdelay $0x3  }
0x94: {  	_ =	strace s3  }
0x95: {  	s3 =	sld [smem:$0x3FFD];
	_ =	sdelay $0x3  }
0x96: {  	_ =	strace s3  }
0x97: {  	_ =	strace $0x8FFFFFFF  }
0x98: {  	s19 =	sld [smem:$0x3FDB];
	_ =	sdelay $0x1  }
0x99: {  	s4 =	simm.s32 $_scs_section_size  }
0x9a: {  	s5 =	simm.s32 $_size__tile_overlayer_lowered;
	s6 =	simm.s32 $_tile_overlayer_lowered  }
0x9b: {  	s22 =	simm.s32 $0x1BFF;
	s21 =	sshll.u32 s6, $0x1;
	s3 =	sadd.s32 s4, s19  }
0x9c: {  	s7 =	simm.s32 $0x0;
	s20 =	sshll.u32 s5, $0x1;
	s5 =	sadd.s32 s21, s3  }
0x9d: {  	[timem:s7], [sflag:s22] =	dma.local [hbm:s5], s20  }
0x9e: {  	_ =	swait.ge [sflag:s22], s20  }
0x9f: {  	s4 =	ssub.s32 $0x0, s20;
	[sflag:s22] =	ssyncset.done $0x0  }
0xa0: {  	[sflag:s22] =	ssyncadd.s32 s4;
	_ =	sdelay $0x1  }
0xa1: {  	s23 =	simm.s32 $0x1B8B  }
0xa2: {  	_ =	swait.ge [sflag:s23], $0x1  }
0xa3: {  	[sflag:s23] =	ssyncset.done $0x0  }
0xa4: {  	s25 =	simm.s32 $0x1B8E;
	s24 =	sld [smem:$0x3FFE];
	[sflag:s23] =	ssyncadd.s32 $0xFFFFFFFF  }
0xa5: {  	s26 =	simm.s32 $execute0_lowered;
	[smem:$0x3FD2] =	sst s25  }
0xa6: {  	s5 =	sshll.u32 s26, $0x1;
	_ =	strace $0x80000058;
	[dreg:$0x1] =	wrdreg $0xFFFFFFFF  }
0xa7: {  	s28 =	simm.s32 $_size_execute0_lowered;
	s3 =	sadd.s32 s3, s5;
	[dreg:$0x0] =	wrdreg $0x0  }
0xa8: {  	s5 =	sshll.u32 s28, $0x1;
	[dreg:$0x2] =	wrdreg s3  }
0xa9: {  	[dreg:$0x3] =	wrdreg s5  }
0xaa: {  	[dreg:$0x4] =	wrdreg $0xC0  }
0xab: {  	_ =	task [dreg:s7], $0x5FFFF  }
0xac: {  	[dreg:$0x1] =	wrdreg $0xFFFFFFFF  }
0xad: {  	[dreg:$0x0] =	wrdreg $0x60  }
0xae: {  	[dreg:$0x2] =	wrdreg s2  }
0xaf: {  	[dreg:$0x3] =	wrdreg s24  }
0xb0: {  	[dreg:$0x4] =	wrdreg $0x41000  }
0xb1: {  	[dreg:$0x5] =	wrdreg $0x9  }
0xb2: {  	_ =	task.clear_ibuf [dreg:s7], $0x6FFFF;
	_ =	strace $0x90000058  }
0xb3: {  	s29 =	simm.s32 $0x9;
	_ =	strace $0x8000005A  }
0xb4: {  	_ =	swait.ge [sflag:s29], $0x1  }
0xb5: {  	[sflag:s29] =	ssyncadd.s32 $0xFFFFFFFF  }
0xb6: {  	_ =	strace $0x9000005A  }
0xb7: {  	_ =	sfence  }
0xb8: {  	s30 =	sld [smem:$0x0];
	_ =	sdelay $0x2  }
0xb9: {  	s31 =	sshll.u32 s1, $0xD;
	s1 =	sshrl.u32 s1, $0x2  }
0xba: {  	s3 =	sand.u32 $0x4000, s31;
	s1 =	sadd.s32 s1, s30  }
0xbb: {  	s0 =	sor.u32 s3, s0;
	s1 =	sshll.u32 s1, $0x11  }
0xbc: {  	s0 =	sor.u32 s1, s0  }
0xbd: {  	s0 =	sadd.s32 $0x8F2B, s0  }
0xbe: {  	[sflag:s0] =	ssyncadd.remote.s32 $0x1  }
0xbf: {  	_ =	sfence.sel $0xFFFF  }
0xc0: {  	[dreg:$0x0] =	wrdreg $0xFFFFFFFF;
	(pc) =	sbr.abs _section_cstart, $3  }
0xc1: {  	[dreg:$0x1] =	wrdreg $0xFFFFFFFF  }
0xc2: {  	_ =	task.clear_ibuf [dreg:s7], $0x2FFFF;
	_ =	strace $0x9FFFFFFF  }
0xc3: {  	(tm) =	ssettm $0x7FFFFFFF  }
tec
execute0_lowered:
.L_overlay_start_1:
0x0: {  	(tag) =	ssettag $0x1  }
0x1: {  	s1 =	rddreg [dreg:$0x0]  }
0x2: {  	s8 =	rddreg [dreg:$0x1]  }
0x3: {  	s3 =	rddreg [dreg:$0x2]  }
0x4: {  	s4 =	simm.s32 $0x0;
	s0 =	stileid.u32;
	s9 =	srdreg.scid  }
0x5: {  	s21 =	simm.s32 $0x2;
	s22 =	simm.s32 $0x80;
	s23 =	simm.s32 $0x100  }
0x6: {  	s24 =	simm.s32 $0x1;
	[smem:$0x7FF] =	sst s4;
	s7 =	smul.u32 $0x9E0, s0  }
0x7: {  	s5 =	sadd.s32 $0xC5200, s8;
	s6 =	sadd.s32 $0xEC400, s8;
	s10 =	smul.u32 $0x50000, s0  }
0x8: {  	s13 =	sand.u32 $0x1, s9;
	s14 =	sadd.s32 $0x113600, s8;
	s25 =	smul.u32 $0x13800, s0  }
0x9: {  	s28 =	sshll.u32 s0, $0x6;
	s29 =	smul.u32 $0x4E000, s0;
	p0 =	seq.s32 s0, $0xF  }
0xa: {  	_ =	strace $0x80000059;
	s9 =	ssub.s32 $0x2, s13;
	s12 =	smul.u32 $0x138800, s13  }
0xb: {  	s19 =	smul.u32 $0x4F0, s13;
	s18 =	sadd.s32 s7, s8;
	s7 =	sadd.s32 $0x26200, s8  }
0xc: {  	s11 =	sshrl.u32 s9, $0x1;
	s26 =	sshrl.u32 s10, $0x2;
	s8 =	sor.u32 $0x1C02, s28  }
0xd: {  	s30 =	sshrl.u32 s29, $0x2;
	s17 =	ssub.s32 s9, s11;
	s20 =	sadd.s32 s26, s3  }
0xe: {  	s9 =	sadd.s32 s25, s12;
	s31 =	sshrl.u32 s12, $0x3;
	s10 =	sadd.s32 s30, s3  }
0xf: {  	s12 =	sadd.s32 $0x124800, s3;
	s19 =	sadd.s32 s19, s18;
	s25 =	simm.s32 $0x0  }
0x10: {  	s9 =	sshrl.u32 s9, $0x3;
	s16 =	sadd.s32 s14, s31;
	s17 =	smax.u32 s17, $0x1  }
0x11: {  	s18 =	sadd.s32 $0x12600, s19;
	s19 =	sadd.s32 $0x1C400, s19;
	s20 =	sshrl.u32 s20, $0x3  }
0x12: {  	s9 =	sadd.s32 s14, s9;
	s11 =	sadd.s32 $0x24900, s16;
	s14 =	sadd.s32 $0x72B00, s16  }
0x13: {  	s16 =	sadd.s32 $0xC0D00, s16;
	s13 =	sadd.s32 $0x4E200, s9;
	s15 =	sadd.s32 $0x9C400, s9  }
.LBB2_1:
0x14: {  	[spmem:s20], [sflag:s8] =	dma.local [hbm:s7], $0x2800  }
0x15: {  	_ =	swait.ge [sflag:s21], $0x2800  }
0x16: {  	[sflag:s21] =	ssyncset.done $0x0  }
0x17: {  	[sflag:s21] =	ssyncadd.s32 $0xFFFFD800  }
0x18: {  	s26 =	sadd.s32 $0x0, s19;
	[bflag:$0x0] =	sbarrier.arrive $0xFFFF  }
0x19: {  	[tilespmem:s22], [sflag:$0x2] =	stream.linear.gather [hbm4b:s26+s4], $0x80, $0x38;
	[tilespmem:$0x18100] =	vst v63  }
0x1a: {  	_ =	swait.ge [sflag:s21], $0x80  }
0x1b: {  	[sflag:s21] =	ssyncset.done $0x0  }
0x1c: {  	s31 =	sadd.s32 $0x0, s18;
	[sflag:s21] =	ssyncadd.s32 $0xFFFFFF80  }
0x1d: {  	[tilespmem:s4], [sflag:$0x2] =	stream.linear.gather [hbm4b:s31+s4], $0x80, $0x38;
	[tilespmem:$0x18100] =	vst v63  }
0x1e: {  	_ =	swait.ge [sflag:s21], $0x80  }
0x1f: {  	[sflag:s21] =	ssyncset.done $0x0  }
0x20: {  	[sflag:s21] =	ssyncadd.s32 $0xFFFFFF80  }
0x21: {  	[tilespmem:s23], [sflag:$0x1] =	stream.indirect.gather [hbm4b:s1+s22], $0x80, s4, s22, $0xb8;
	[tilespmem:$0x18100] =	vst v63  }
0x22: {  	_ =	swait.ge [sflag:s24], $0x4000  }
0x23: {  	[sflag:s24] =	ssyncset.done $0x0  }
0x24: {  	[sflag:s24] =	ssyncadd.s32 $0xFFFFC000  }
0x25: {  	[spmem:s3] =	stream.indirect.scatter.add.f32 [tilespmem:s23], [sflag:$0x2], $0x80, s22, s22, $0xb8;
	[tilespmem:$0x18100] =	vst v63  }
0x26: {  	_ =	swait.ge [sflag:s21], $0x4000  }
0x27: {  	s28 =	simm.s32 $0x20;
	s26 =	simm.s32 $0x10;
	[sflag:s21] =	ssyncset.done $0x0  }
.LBB2_2:
0x28: {  	s29 =	sadd.s32 s26, s19  }
0x29: {  	[sflag:s21] =	ssyncadd.s32 $0xFFFFC000;
	s30 =	smov.u32 s28;
	s31 =	sadd.s32 $0x10, s28  }
0x2a: {  	[tilespmem:s22], [sflag:$0x2] =	stream.linear.gather [hbm4b:s29+s4], $0x80, $0x38;
	[tilespmem:$0x18100] =	vst v63  }
0x2b: {  	p1 =	sne.s32 s28, $0x4E0;
	_ =	swait.ge [sflag:s21], $0x80  }
0x2c: {  	[sflag:s21] =	ssyncset.done $0x0  }
0x2d: {  	s28 =	sadd.s32 s26, s18;
	s26 =	smov.u32 s30;
	[sflag:s21] =	ssyncadd.s32 $0xFFFFFF80  }
0x2e: {  	[tilespmem:s4], [sflag:$0x2] =	stream.linear.gather [hbm4b:s28+s4], $0x80, $0x38;
	[tilespmem:$0x18100] =	vst v63  }
0x2f: {  	_ =	swait.ge [sflag:s21], $0x80  }
0x30: {  	[sflag:s21] =	ssyncset.done $0x0  }
0x31: {  	[sflag:s21] =	ssyncadd.s32 $0xFFFFFF80  }
0x32: {  	[tilespmem:s23], [sflag:$0x1] =	stream.indirect.gather [hbm4b:s1+s22], $0x80, s4, s22, $0xb8;
	[tilespmem:$0x18100] =	vst v63  }
0x33: {  	_ =	swait.ge [sflag:s24], $0x4000  }
.Ltmp0:
0x34: {  	[sflag:s24] =	ssyncset.done $0x0;
	(pc) =	sbr.rel @p1 .LBB2_2-.Ltmp0, $4  }
0x35: {  	[sflag:s24] =	ssyncadd.s32 $0xFFFFC000  }
0x36: {  	[spmem:s3] =	stream.indirect.scatter.add.f32 [tilespmem:s23], [sflag:$0x2], $0x80, s22, s22, $0xb8;
	[tilespmem:$0x18100] =	vst v63  }
0x37: {  	_ =	swait.ge [sflag:s21], $0x4000  }
0x38: {  	s28 =	smov.u32 s31;
	[sflag:s21] =	ssyncset.done $0x0  }
0x39: {  	s28 =	sadd.s32 s26, s19;
	[sflag:s21] =	ssyncadd.s32 $0xFFFFC000  }
0x3a: {  	[tilespmem:s22], [sflag:$0x2] =	stream.linear.gather [hbm4b:s28+s4], $0x80, $0x38;
	[tilespmem:$0x18100] =	vst v63  }
0x3b: {  	_ =	swait.ge [sflag:s21], $0x80  }
0x3c: {  	[sflag:s21] =	ssyncset.done $0x0  }
0x3d: {  	s31 =	sadd.s32 s26, s18;
	[sflag:s21] =	ssyncadd.s32 $0xFFFFFF80  }
0x3e: {  	[tilespmem:s4], [sflag:$0x2] =	stream.linear.gather [hbm4b:s31+s4], $0x80, $0x38;
	[tilespmem:$0x18100] =	vst v63  }
0x3f: {  	_ =	swait.ge [sflag:s21], $0x80  }
0x40: {  	[sflag:s21] =	ssyncset.done $0x0  }
0x41: {  	[sflag:s21] =	ssyncadd.s32 $0xFFFFFF80  }
0x42: {  	[tilespmem:s23], [sflag:$0x1] =	stream.indirect.gather [hbm4b:s1+s22], $0x80, s4, s22, $0xb8;
	[tilespmem:$0x18100] =	vst v63  }
0x43: {  	_ =	swait.ge [sflag:s24], $0x4000  }
0x44: {  	[sflag:s24] =	ssyncset.done $0x0  }
0x45: {  	[sflag:s24] =	ssyncadd.s32 $0xFFFFC000  }
0x46: {  	[spmem:s3] =	stream.indirect.scatter.add.f32 [tilespmem:s23], [sflag:$0x2], $0x80, s22, s22, $0xb8;
	[tilespmem:$0x18100] =	vst v63  }
0x47: {  	_ =	swait.ge [sflag:s21], $0x4000  }
0x48: {  	[sflag:s21] =	ssyncset.done $0x0  }
0x49: {  	[sflag:s21] =	ssyncadd.s32 $0xFFFFC000  }
0x4a: {  	s26 =	sshrl.u32 @p0 s12, $0x3;
	s28 =	simm.s32 @p0 $0x2;
	[bflag:$0x0] =	sbarrier.arrive $0xFFFF  }
0x4b: {  	[hbm:s11], [sflag:s8] =	dma.local @p0 [spmem:s26], $0x2800  }
0x4c: {  	_ =	swait.ge @p0 [sflag:s28], $0x2800  }
0x4d: {  	[sflag:s28] =	ssyncset.done @p0 $0x0  }
0x4e: {  	s29 =	simm.s32 @!p0 $0x2;
	[sflag:s28] =	ssyncadd.s32 @p0 $0xFFFFD800;
	s28 =	sshrl.u32 @!p0 s10, $0x3  }
0x4f: {  	[hbm:s9], [sflag:s8] =	dma.local @!p0 [spmem:s28], $0x2700  }
0x50: {  	_ =	swait.ge @!p0 [sflag:s29], $0x2700  }
0x51: {  	[sflag:s29] =	ssyncset.done @!p0 $0x0  }
0x52: {  	[sflag:s29] =	ssyncadd.s32 @!p0 $0xFFFFD900  }
0x53: {  	[bflag:$0x0] =	sbarrier.arrive $0xFFFF  }
0x54: {  	[spmem:s20], [sflag:s8] =	dma.local [hbm:s7], $0x2800  }
0x55: {  	_ =	swait.ge [sflag:s21], $0x2800  }
0x56: {  	[sflag:s21] =	ssyncset.done $0x0  }
0x57: {  	[sflag:s21] =	ssyncadd.s32 $0xFFFFD800  }
0x58: {  	s29 =	sadd.s32 $0x0, s19;
	[bflag:$0x0] =	sbarrier.arrive $0xFFFF  }
0x59: {  	[tilespmem:s22], [sflag:$0x2] =	stream.linear.gather [hbm4b:s29+s4], $0x80, $0x38;
	[tilespmem:$0x18100] =	vst v63  }
0x5a: {  	_ =	swait.ge [sflag:s21], $0x80  }
0x5b: {  	[sflag:s21] =	ssyncset.done $0x0  }
0x5c: {  	s29 =	sadd.s32 $0x0, s18;
	[sflag:s21] =	ssyncadd.s32 $0xFFFFFF80  }
0x5d: {  	[tilespmem:s4], [sflag:$0x2] =	stream.linear.gather [hbm4b:s29+s4], $0x80, $0x38;
	[tilespmem:$0x18100] =	vst v63  }
0x5e: {  	_ =	swait.ge [sflag:s21], $0x80  }
0x5f: {  	[sflag:s21] =	ssyncset.done $0x0  }
0x60: {  	[sflag:s21] =	ssyncadd.s32 $0xFFFFFF80  }
0x61: {  	[tilespmem:s23], [sflag:$0x1] =	stream.indirect.gather [hbm4b:s5+s22], $0x80, s4, s22, $0xb8;
	[tilespmem:$0x18100] =	vst v63  }
0x62: {  	_ =	swait.ge [sflag:s24], $0x4000  }
0x63: {  	[sflag:s24] =	ssyncset.done $0x0  }
0x64: {  	[sflag:s24] =	ssyncadd.s32 $0xFFFFC000  }
0x65: {  	[spmem:s3] =	stream.indirect.scatter.add.f32 [tilespmem:s23], [sflag:$0x2], $0x80, s22, s22, $0xb8;
	[tilespmem:$0x18100] =	vst v63  }
0x66: {  	_ =	swait.ge [sflag:s21], $0x4000  }
0x67: {  	s30 =	simm.s32 $0x20;
	s29 =	simm.s32 $0x10;
	[sflag:s21] =	ssyncset.done $0x0  }
.LBB2_4:
0x68: {  	s31 =	sadd.s32 s29, s19  }
0x69: {  	[sflag:s21] =	ssyncadd.s32 $0xFFFFC000;
	s0 =	smov.u32 s30;
	s2 =	sadd.s32 $0x10, s30  }
0x6a: {  	[tilespmem:s22], [sflag:$0x2] =	stream.linear.gather [hbm4b:s31+s4], $0x80, $0x38;
	[tilespmem:$0x18100] =	vst v63  }
0x6b: {  	p1 =	sne.s32 s30, $0x4E0;
	_ =	swait.ge [sflag:s21], $0x80  }
0x6c: {  	[sflag:s21] =	ssyncset.done $0x0  }
0x6d: {  	s30 =	sadd.s32 s29, s18;
	s29 =	smov.u32 s0;
	[sflag:s21] =	ssyncadd.s32 $0xFFFFFF80  }
0x6e: {  	[tilespmem:s4], [sflag:$0x2] =	stream.linear.gather [hbm4b:s30+s4], $0x80, $0x38;
	[tilespmem:$0x18100] =	vst v63  }
0x6f: {  	_ =	swait.ge [sflag:s21], $0x80  }
0x70: {  	[sflag:s21] =	ssyncset.done $0x0  }
0x71: {  	[sflag:s21] =	ssyncadd.s32 $0xFFFFFF80  }
0x72: {  	[tilespmem:s23], [sflag:$0x1] =	stream.indirect.gather [hbm4b:s5+s22], $0x80, s4, s22, $0xb8;
	[tilespmem:$0x18100] =	vst v63  }
0x73: {  	_ =	swait.ge [sflag:s24], $0x4000  }
.Ltmp1:
0x74: {  	[sflag:s24] =	ssyncset.done $0x0;
	(pc) =	sbr.rel @p1 .LBB2_4-.Ltmp1, $4  }
0x75: {  	[sflag:s24] =	ssyncadd.s32 $0xFFFFC000  }
0x76: {  	[spmem:s3] =	stream.indirect.scatter.add.f32 [tilespmem:s23], [sflag:$0x2], $0x80, s22, s22, $0xb8;
	[tilespmem:$0x18100] =	vst v63  }
0x77: {  	_ =	swait.ge [sflag:s21], $0x4000  }
0x78: {  	s30 =	smov.u32 s2;
	[sflag:s21] =	ssyncset.done $0x0  }
0x79: {  	s0 =	sadd.s32 s29, s19;
	[sflag:s21] =	ssyncadd.s32 $0xFFFFC000  }
0x7a: {  	[tilespmem:s22], [sflag:$0x2] =	stream.linear.gather [hbm4b:s0+s4], $0x80, $0x38;
	[tilespmem:$0x18100] =	vst v63  }
0x7b: {  	_ =	swait.ge [sflag:s21], $0x80  }
0x7c: {  	[sflag:s21] =	ssyncset.done $0x0  }
0x7d: {  	s31 =	sadd.s32 s29, s18;
	[sflag:s21] =	ssyncadd.s32 $0xFFFFFF80  }
0x7e: {  	[tilespmem:s4], [sflag:$0x2] =	stream.linear.gather [hbm4b:s31+s4], $0x80, $0x38;
	[tilespmem:$0x18100] =	vst v63  }
0x7f: {  	_ =	swait.ge [sflag:s21], $0x80  }
0x80: {  	[sflag:s21] =	ssyncset.done $0x0  }
0x81: {  	[sflag:s21] =	ssyncadd.s32 $0xFFFFFF80  }
0x82: {  	[tilespmem:s23], [sflag:$0x1] =	stream.indirect.gather [hbm4b:s5+s22], $0x80, s4, s22, $0xb8;
	[tilespmem:$0x18100] =	vst v63  }
0x83: {  	_ =	swait.ge [sflag:s24], $0x4000  }
0x84: {  	[sflag:s24] =	ssyncset.done $0x0  }
0x85: {  	[sflag:s24] =	ssyncadd.s32 $0xFFFFC000  }
0x86: {  	[spmem:s3] =	stream.indirect.scatter.add.f32 [tilespmem:s23], [sflag:$0x2], $0x80, s22, s22, $0xb8;
	[tilespmem:$0x18100] =	vst v63  }
0x87: {  	_ =	swait.ge [sflag:s21], $0x4000  }
0x88: {  	[sflag:s21] =	ssyncset.done $0x0  }
0x89: {  	[sflag:s21] =	ssyncadd.s32 $0xFFFFC000  }
0x8a: {  	s0 =	simm.s32 @p0 $0x2;
	[bflag:$0x0] =	sbarrier.arrive $0xFFFF  }
0x8b: {  	[hbm:s14], [sflag:s8] =	dma.local @p0 [spmem:s26], $0x2800  }
0x8c: {  	_ =	swait.ge @p0 [sflag:s0], $0x2800  }
0x8d: {  	[sflag:s0] =	ssyncset.done @p0 $0x0  }
0x8e: {  	[sflag:s0] =	ssyncadd.s32 @p0 $0xFFFFD800;
	s0 =	simm.s32 @!p0 $0x2  }
0x8f: {  	[hbm:s13], [sflag:s8] =	dma.local @!p0 [spmem:s28], $0x2700  }
0x90: {  	_ =	swait.ge @!p0 [sflag:s0], $0x2700  }
0x91: {  	[sflag:s0] =	ssyncset.done @!p0 $0x0  }
0x92: {  	[sflag:s0] =	ssyncadd.s32 @!p0 $0xFFFFD900  }
0x93: {  	[bflag:$0x0] =	sbarrier.arrive $0xFFFF  }
0x94: {  	[spmem:s20], [sflag:s8] =	dma.local [hbm:s7], $0x2800  }
0x95: {  	_ =	swait.ge [sflag:s21], $0x2800  }
0x96: {  	[sflag:s21] =	ssyncset.done $0x0  }
0x97: {  	[sflag:s21] =	ssyncadd.s32 $0xFFFFD800  }
0x98: {  	s2 =	sadd.s32 $0x0, s19;
	[bflag:$0x0] =	sbarrier.arrive $0xFFFF  }
0x99: {  	[tilespmem:s22], [sflag:$0x2] =	stream.linear.gather [hbm4b:s2+s4], $0x80, $0x38;
	[tilespmem:$0x18100] =	vst v63  }
0x9a: {  	_ =	swait.ge [sflag:s21], $0x80  }
0x9b: {  	[sflag:s21] =	ssyncset.done $0x0  }
0x9c: {  	s31 =	sadd.s32 $0x0, s18;
	[sflag:s21] =	ssyncadd.s32 $0xFFFFFF80  }
0x9d: {  	[tilespmem:s4], [sflag:$0x2] =	stream.linear.gather [hbm4b:s31+s4], $0x80, $0x38;
	[tilespmem:$0x18100] =	vst v63  }
0x9e: {  	_ =	swait.ge [sflag:s21], $0x80  }
0x9f: {  	[sflag:s21] =	ssyncset.done $0x0  }
0xa0: {  	[sflag:s21] =	ssyncadd.s32 $0xFFFFFF80  }
0xa1: {  	[tilespmem:s23], [sflag:$0x1] =	stream.indirect.gather [hbm4b:s6+s22], $0x80, s4, s22, $0xb8;
	[tilespmem:$0x18100] =	vst v63  }
0xa2: {  	_ =	swait.ge [sflag:s24], $0x4000  }
0xa3: {  	[sflag:s24] =	ssyncset.done $0x0  }
0xa4: {  	[sflag:s24] =	ssyncadd.s32 $0xFFFFC000  }
0xa5: {  	[spmem:s3] =	stream.indirect.scatter.add.f32 [tilespmem:s23], [sflag:$0x2], $0x80, s22, s22, $0xb8;
	[tilespmem:$0x18100] =	vst v63  }
0xa6: {  	_ =	swait.ge [sflag:s21], $0x4000  }
0xa7: {  	s29 =	simm.s32 $0x10;
	s30 =	simm.s32 $0x20;
	[sflag:s21] =	ssyncset.done $0x0  }
.LBB2_6:
0xa8: {  	s0 =	sadd.s32 s29, s19  }
0xa9: {  	[sflag:s21] =	ssyncadd.s32 $0xFFFFC000;
	s2 =	smov.u32 s30;
	s31 =	sadd.s32 $0x10, s30  }
0xaa: {  	[tilespmem:s22], [sflag:$0x2] =	stream.linear.gather [hbm4b:s0+s4], $0x80, $0x38;
	[tilespmem:$0x18100] =	vst v63  }
0xab: {  	p1 =	sne.s32 s30, $0x4E0;
	_ =	swait.ge [sflag:s21], $0x80  }
0xac: {  	[sflag:s21] =	ssyncset.done $0x0  }
0xad: {  	s0 =	sadd.s32 s29, s18;
	s29 =	smov.u32 s2;
	[sflag:s21] =	ssyncadd.s32 $0xFFFFFF80  }
0xae: {  	[tilespmem:s4], [sflag:$0x2] =	stream.linear.gather [hbm4b:s0+s4], $0x80, $0x38;
	[tilespmem:$0x18100] =	vst v63  }
0xaf: {  	_ =	swait.ge [sflag:s21], $0x80  }
0xb0: {  	[sflag:s21] =	ssyncset.done $0x0  }
0xb1: {  	[sflag:s21] =	ssyncadd.s32 $0xFFFFFF80  }
0xb2: {  	[tilespmem:s23], [sflag:$0x1] =	stream.indirect.gather [hbm4b:s6+s22], $0x80, s4, s22, $0xb8;
	[tilespmem:$0x18100] =	vst v63  }
0xb3: {  	_ =	swait.ge [sflag:s24], $0x4000  }
.Ltmp2:
0xb4: {  	[sflag:s24] =	ssyncset.done $0x0;
	(pc) =	sbr.rel @p1 .LBB2_6-.Ltmp2, $4  }
0xb5: {  	[sflag:s24] =	ssyncadd.s32 $0xFFFFC000  }
0xb6: {  	[spmem:s3] =	stream.indirect.scatter.add.f32 [tilespmem:s23], [sflag:$0x2], $0x80, s22, s22, $0xb8;
	[tilespmem:$0x18100] =	vst v63  }
0xb7: {  	_ =	swait.ge [sflag:s21], $0x4000  }
0xb8: {  	s30 =	smov.u32 s31;
	[sflag:s21] =	ssyncset.done $0x0  }
0xb9: {  	s0 =	sadd.s32 s29, s19;
	[sflag:s21] =	ssyncadd.s32 $0xFFFFC000  }
0xba: {  	[tilespmem:s22], [sflag:$0x2] =	stream.linear.gather [hbm4b:s0+s4], $0x80, $0x38;
	[tilespmem:$0x18100] =	vst v63  }
0xbb: {  	_ =	swait.ge [sflag:s21], $0x80  }
0xbc: {  	[sflag:s21] =	ssyncset.done $0x0  }
0xbd: {  	s31 =	sadd.s32 s29, s18;
	[sflag:s21] =	ssyncadd.s32 $0xFFFFFF80  }
0xbe: {  	[tilespmem:s4], [sflag:$0x2] =	stream.linear.gather [hbm4b:s31+s4], $0x80, $0x38;
	[tilespmem:$0x18100] =	vst v63  }
0xbf: {  	_ =	swait.ge [sflag:s21], $0x80  }
0xc0: {  	[sflag:s21] =	ssyncset.done $0x0  }
0xc1: {  	[sflag:s21] =	ssyncadd.s32 $0xFFFFFF80  }
0xc2: {  	[tilespmem:s23], [sflag:$0x1] =	stream.indirect.gather [hbm4b:s6+s22], $0x80, s4, s22, $0xb8;
	[tilespmem:$0x18100] =	vst v63  }
0xc3: {  	_ =	swait.ge [sflag:s24], $0x4000  }
0xc4: {  	[sflag:s24] =	ssyncset.done $0x0  }
0xc5: {  	[sflag:s24] =	ssyncadd.s32 $0xFFFFC000  }
0xc6: {  	[spmem:s3] =	stream.indirect.scatter.add.f32 [tilespmem:s23], [sflag:$0x2], $0x80, s22, s22, $0xb8;
	[tilespmem:$0x18100] =	vst v63  }
0xc7: {  	_ =	swait.ge [sflag:s21], $0x4000  }
0xc8: {  	[sflag:s21] =	ssyncset.done $0x0  }
0xc9: {  	[sflag:s21] =	ssyncadd.s32 $0xFFFFC000  }
0xca: {  	s0 =	simm.s32 @p0 $0x2;
	[bflag:$0x0] =	sbarrier.arrive $0xFFFF  }
0xcb: {  	[hbm:s16], [sflag:s8] =	dma.local @p0 [spmem:s26], $0x2800  }
0xcc: {  	_ =	swait.ge @p0 [sflag:s0], $0x2800  }
0xcd: {  	s25 =	sadd.s32 $0x1, s25;
	[sflag:s0] =	ssyncset.done @p0 $0x0  }
0xce: {  	p1 =	sne.s32 s25, s17;
	[sflag:s0] =	ssyncadd.s32 @p0 $0xFFFFD800;
	s0 =	simm.s32 @!p0 $0x2  }
0xcf: {  	[hbm:s15], [sflag:s8] =	dma.local @!p0 [spmem:s28], $0x2700  }
.Ltmp3:
0xd0: {  	_ =	swait.ge @!p0 [sflag:s0], $0x2700;
	(pc) =	sbr.rel @p1 .LBB2_1-.Ltmp3, $3  }
0xd1: {  	[sflag:s0] =	ssyncset.done @!p0 $0x0  }
0xd2: {  	[sflag:s0] =	ssyncadd.s32 @!p0 $0xFFFFD900  }
0xd3: {  	[bflag:$0x0] =	sbarrier.arrive $0xFFFF;
	_ =	sdelay $0x1  }
0xd4: {  	_ =	sfence.sel $0x180000  }
0xd5: {  	[bflag:$0x0] =	sbarrier.arrive $0xFFFF  }
0xd6: {  	_ =	strace $0x90000059  }
0xd7: {  	s0 =	stileid.u32;
	[bflag:$0x2] =	sbarrier.arrive $0xFFFF  }
0xd8: {  	p0 =	sne.s32 s0, $0x0;
	s0 =	rddreg [dreg:$0x3]  }
0xd9: {  	s0 =	sadd.s32 @!p0 $0x100000, s0  }
0xda: {  	[sflag:s0] =	ssyncadd.tile.s32 @!p0 $0x1;
	_ =	shalt  }
.Lfunc_end2:
_tile_overlayer_lowered:
.L_overlay_start_2:
0xdb: {  	(tag) =	ssettag $0x2  }
0xdc: {  	s0 =	rddreg [dreg:$0x0];
	s2 =	stileid.u32  }
0xdd: {  	s1 =	rddreg [dreg:$0x1];
	p0 =	sne.s32 s2, $0x0  }
0xde: {  	s3 =	rddreg [dreg:$0x2];
	[bflag:$0x3] =	sbarrier.arrive $0xFFFF;
	s2 =	simm.s32 @!p0 $0x1C02  }
0xdf: {  	[timem:s3], [sflag:s2] =	dma.local @!p0 [hbm:s0], s1  }
0xe0: {  	s0 =	simm.s32 @!p0 $0x2  }
0xe1: {  	_ =	swait.ge @!p0 [sflag:s0], s1  }
0xe2: {  	s1 =	ssub.s32 @!p0 $0x0, s1;
	[sflag:s0] =	ssyncset.done @!p0 $0x0  }
0xe3: {  	[sflag:s0] =	ssyncadd.s32 @!p0 s1  }
0xe4: {  	[bflag:$0x3] =	sbarrier.arrive $0xFFFF  }
0xe5: {  	_ =	shalt  }

// kernel: kernel.41.cloned.1.call-start
scs
__scs_entry_jumppad:
0x0: {  	(pc) =	sbr.rel $0x88, $3  }
0x1: {  	(tag) =	ssettag $0x0;
	lr =	simm.s32 $0x1  }
0x2: {  	[smem:$0x3F5F] =	sst lr;
	_ =	strace $0xD0000000  }
0x3: {  	_ = 	snop  }
0x4: {  	_ = 	snop  }
0x5: {  	_ = 	snop  }
0x6: {  	_ = 	snop  }
0x7: {  	_ = 	snop  }
__scs_overlays_trampoline_lowered:
0x8: {  	[smem:$0x3F6E] =	sst s0  }
0x9: {  	[smem:$0x3F6F] =	sst s1  }
0xa: {  	[smem:$0x3F70] =	sst s2  }
0xb: {  	[smem:$0x3F71] =	sst s3  }
0xc: {  	[smem:$0x3F72] =	sst s4  }
0xd: {  	[smem:$0x3F73] =	sst s5  }
0xe: {  	[smem:$0x3F74] =	sst s6  }
0xf: {  	[smem:$0x3F75] =	sst s7  }
0x10: {  	[smem:$0x3F76] =	sst s8  }
0x11: {  	[smem:$0x3F77] =	sst s9;
	s0 =	simm.s32 @!p0 $0x0  }
0x12: {  	s1 =	sld [smem:$0x3F5D];
	s0 =	simm.s32 @p0 $0x1  }
0x13: {  	[smem:$0x3F78] =	sst s0;
	s0 =	simm.s32 @!p1 $0x0  }
0x14: {  	s2 =	sld [smem:$0x3F5C];
	s0 =	simm.s32 @p1 $0x1  }
0x15: {  	[smem:$0x3F79] =	sst s0;
	s0 =	simm.s32 @!p2 $0x0  }
0x16: {  	s3 =	sld [smem:$0x3FDB];
	s0 =	simm.s32 @p2 $0x1  }
0x17: {  	s4 =	simm.s32 $0x1BF5;
	[smem:$0x3F7B] =	sst s0  }
0x18: {  	s0 =	sld [smem:$0x3F5E];
	_ =	swait.ge [sflag:s4], $0x0  }
0x19: {  	s7 =	sld [smem:$0x3F5F]  }
0x1a: {  	s8 =	sadd.s32 $0xFFFFE003, lr  }
0x1b: {  	s9 =	sadd.s32 $0xFFFFFEF7, lr;
	s5 =	simm.s32 $0xFFFFFFFF;
	p2 =	slt.u32 s8, $0xFFFFF086  }
0x1c: {  	p1 =	slt.u32 s9, $0xF7A;
	s5 =	simm.s32 @!p2 $0x0  }
0x1d: {  	s5 =	simm.s32 @p1 $0x1;
	p0 =	seq.s32 s7, s2  }
0x1e: {  	s7 =	smul.u32 @!p0 $0xF7A, s2;
	p2 =	seq.s32 @!p0 s5, $0x0  }
0x1f: {  	s9 =	smul.u32 $0xF7A, s1;
	s8 =	simm.s32 @!p0 $0x1BF5;
	p2 =	por !p2, p0  }
0x20: {  	[sflag:s8] =	ssyncset.s32 @!p0 $0xFFFFF086;
	s6 =	sadd.s32 @!p0 s3, s7;
	s7 =	simm.s32 @!p0 $0x108  }
0x21: {  	s3 =	sadd.s32 s3, s9;
	s6 =	sadd.s32 @!p0 $0x88, s6;
	s7 =	simm.s32 @p2 $0x1082  }
0x22: {  	[simem:s7], [sflag:s8] =	dma.local @!p0 [hbm:s6], $0xF7A  }
0x23: {  	s9 =	sor.u32 $0xD0000000, s2;
	s6 =	simm.s32 $0x108;
	_ =	swait.ge @!p0 [sflag:s8], $0x0  }
0x24: {  	s3 =	sadd.s32 $0x88, s3;
	s6 =	simm.s32 @!p1 $0x1082;
	[sflag:s4] =	ssyncset.s32 $0xFFFFF086  }
0x25: {  	[simem:s6], [sflag:s4] =	dma.local [hbm:s3], $0xF7A  }
0x26: {  	[smem:$0x3F5F] =	sst s1;
	(tag) =	ssettag s2;
	_ =	strace s9  }
0x27: {  	s1 =	sld [smem:$0x3F6F]  }
0x28: {  	s2 =	sld [smem:$0x3F70]  }
0x29: {  	s4 =	sld [smem:$0x3F72]  }
0x2a: {  	p0 =	seq.s32 s5, $0x0;
	s5 =	sld [smem:$0x3F73]  }
0x2b: {  	s6 =	sld [smem:$0x3F74]  }
0x2c: {  	s7 =	sld [smem:$0x3F75]  }
0x2d: {  	s3 =	simm.s32 $0x108;
	s8 =	sld [smem:$0x3F76]  }
0x2e: {  	s3 =	simm.s32 @!p0 $0x1082;
	s9 =	sld [smem:$0x3F77]  }
0x2f: {  	lr =	sadd.s32 s0, s3;
	s0 =	sld [smem:$0x3F6E]  }
0x30: {  	s3 =	sld [smem:$0x3F71]  }
0x31: {  	[smem:$0x3F7A] =	sst s10  }
0x32: {  	s10 =	sld [smem:$0x3F78];
	_ =	sdelay $0x3  }
0x33: {  	p0 =	seq.s32 s10, $0x1;
	s10 =	sld [smem:$0x3F7A];
	_ =	sdelay $0x3  }
0x34: {  	[smem:$0x3F7A] =	sst s10  }
0x35: {  	s10 =	sld [smem:$0x3F79];
	_ =	sdelay $0x3  }
0x36: {  	p1 =	seq.s32 s10, $0x1;
	s10 =	sld [smem:$0x3F7A];
	_ =	sdelay $0x3  }
0x37: {  	[smem:$0x3F7A] =	sst s10  }
0x38: {  	s10 =	sld [smem:$0x3F7B]  }
0x39: {  	_ = 	snop;
	(pc) =	sbr.ind lr, $3  }
0x3a: {  	_ = 	snop  }
0x3b: {  	_ = 	snop  }
0x3c: {  	p2 =	seq.s32 s10, $0x1;
	s10 =	sld [smem:$0x3F7A]  }
0x3d: {  	_ =	shalt  }
0x3e: {  	_ =	shalt  }
0x3f: {  	_ =	shalt  }
0x40: {  	_ =	shalt  }
0x41: {  	_ =	shalt  }
0x42: {  	_ =	shalt  }
0x43: {  	_ =	shalt  }
0x44: {  	_ =	shalt  }
0x45: {  	_ =	shalt  }
0x46: {  	_ =	shalt  }
0x47: {  	_ =	shalt  }
0x48: {  	_ =	shalt  }
0x49: {  	_ =	shalt  }
0x4a: {  	_ =	shalt  }
0x4b: {  	_ =	shalt  }
0x4c: {  	_ =	shalt  }
0x4d: {  	_ =	shalt  }
0x4e: {  	_ =	shalt  }
0x4f: {  	_ =	shalt  }
0x50: {  	_ =	shalt  }
0x51: {  	_ =	shalt  }
0x52: {  	_ =	shalt  }
0x53: {  	_ =	shalt  }
0x54: {  	_ =	shalt  }
0x55: {  	_ =	shalt  }
0x56: {  	_ =	shalt  }
0x57: {  	_ =	shalt  }
0x58: {  	_ =	shalt  }
0x59: {  	_ =	shalt  }
0x5a: {  	_ =	shalt  }
0x5b: {  	_ =	shalt  }
0x5c: {  	_ =	shalt  }
0x5d: {  	_ =	shalt  }
0x5e: {  	_ =	shalt  }
0x5f: {  	_ =	shalt  }
0x60: {  	_ =	shalt  }
0x61: {  	_ =	shalt  }
0x62: {  	_ =	shalt  }
0x63: {  	_ =	shalt  }
0x64: {  	_ =	shalt  }
0x65: {  	_ =	shalt  }
0x66: {  	_ =	shalt  }
0x67: {  	_ =	shalt  }
0x68: {  	_ =	shalt  }
0x69: {  	_ =	shalt  }
0x6a: {  	_ =	shalt  }
0x6b: {  	_ =	shalt  }
0x6c: {  	_ =	shalt  }
0x6d: {  	_ =	shalt  }
0x6e: {  	_ =	shalt  }
0x6f: {  	_ =	shalt  }
0x70: {  	_ =	shalt  }
0x71: {  	_ =	shalt  }
0x72: {  	_ =	shalt  }
0x73: {  	_ =	shalt  }
0x74: {  	_ =	shalt  }
0x75: {  	_ =	shalt  }
0x76: {  	_ =	shalt  }
0x77: {  	_ =	shalt  }
0x78: {  	_ =	shalt  }
0x79: {  	_ =	shalt  }
0x7a: {  	_ =	shalt  }
0x7b: {  	_ =	shalt  }
0x7c: {  	_ =	shalt  }
0x7d: {  	_ =	shalt  }
0x7e: {  	_ =	shalt  }
0x7f: {  	_ =	shalt  }
0x80: {  	_ =	shalt  }
0x81: {  	_ =	shalt  }
0x82: {  	_ =	shalt  }
0x83: {  	_ =	shalt  }
0x84: {  	_ =	shalt  }
0x85: {  	_ =	shalt  }
0x86: {  	_ =	shalt  }
0x87: {  	_ =	shalt  }
.Lfunc_end0:
.L_simem_size_0:
called_computation.7_lowered:
.L_overlay_start_0:
0x88: {  	s2 =	sld [smem:$0x3FD9]  }
0x89: {  	s3 =	sld [smem:$0x3FFE];
	_ =	sdelay $0x1  }
0x8a: {  	s1 =	srdreg.scid  }
0x8b: {  	s0 =	sand.u32 $0x1, s1  }
0x8c: {  	s17 =	sshll.u32 s0, $0xA;
	s2 =	sadd.s32 s3, s2  }
0x8d: {  	s2 =	sadd.s32 s2, s17  }
0x8e: {  	[smem:$0x3F86] =	sst s2  }
0x8f: {  	_ = 	snop  }
0x90: {  	s2 =	sld [smem:$0x3FD0];
	(tm) =	ssettm $0x1  }
0x91: {  	s18 =	sld [smem:$0x3FFB];
	_ =	sdelay $0x3  }
0x92: {  	_ =	strace s18  }
0x93: {  	s3 =	sld [smem:$0x3FFC];
	_ =	sdelay $0x3  }
0x94: {  	_ =	strace s3  }
0x95: {  	s3 =	sld [smem:$0x3FFD];
	_ =	sdelay $0x3  }
0x96: {  	_ =	strace s3  }
0x97: {  	_ =	strace $0x8FFFFFFF  }
0x98: {  	s19 =	sld [smem:$0x3FDB];
	_ =	sdelay $0x1  }
0x99: {  	s4 =	simm.s32 $_scs_section_size  }
0x9a: {  	s5 =	simm.s32 $_size__tile_overlayer_lowered;
	s6 =	simm.s32 $_tile_overlayer_lowered  }
0x9b: {  	s22 =	simm.s32 $0x1BFF;
	s21 =	sshll.u32 s6, $0x1;
	s3 =	sadd.s32 s4, s19  }
0x9c: {  	s7 =	simm.s32 $0x0;
	s20 =	sshll.u32 s5, $0x1;
	s5 =	sadd.s32 s21, s3  }
0x9d: {  	[timem:s7], [sflag:s22] =	dma.local [hbm:s5], s20  }
0x9e: {  	_ =	swait.ge [sflag:s22], s20  }
0x9f: {  	s4 =	ssub.s32 $0x0, s20;
	[sflag:s22] =	ssyncset.done $0x0  }
0xa0: {  	[sflag:s22] =	ssyncadd.s32 s4;
	_ =	sdelay $0x1  }
0xa1: {  	s23 =	simm.s32 $0x1B8B  }
0xa2: {  	_ =	swait.ge [sflag:s23], $0x1  }
0xa3: {  	[sflag:s23] =	ssyncset.done $0x0  }
0xa4: {  	s25 =	simm.s32 $0x1B8E;
	s24 =	sld [smem:$0x3FFE];
	[sflag:s23] =	ssyncadd.s32 $0xFFFFFFFF  }
0xa5: {  	s26 =	simm.s32 $execute0_lowered;
	[smem:$0x3FD2] =	sst s25  }
0xa6: {  	s5 =	sshll.u32 s26, $0x1;
	_ =	strace $0x8000005B;
	[dreg:$0x1] =	wrdreg $0xFFFFFFFF  }
0xa7: {  	s28 =	simm.s32 $_size_execute0_lowered;
	s3 =	sadd.s32 s3, s5;
	[dreg:$0x0] =	wrdreg $0x0  }
0xa8: {  	s5 =	sshll.u32 s28, $0x1;
	[dreg:$0x2] =	wrdreg s3  }
0xa9: {  	[dreg:$0x3] =	wrdreg s5  }
0xaa: {  	[dreg:$0x4] =	wrdreg $0xC0  }
0xab: {  	_ =	task [dreg:s7], $0x5FFFF  }
0xac: {  	[dreg:$0x1] =	wrdreg $0xFFFFFFFF  }
0xad: {  	[dreg:$0x0] =	wrdreg $0x60  }
0xae: {  	[dreg:$0x2] =	wrdreg s2  }
0xaf: {  	[dreg:$0x3] =	wrdreg s24  }
0xb0: {  	[dreg:$0x4] =	wrdreg $0x41000  }
0xb1: {  	[dreg:$0x5] =	wrdreg $0x9  }
0xb2: {  	_ =	task.clear_ibuf [dreg:s7], $0x6FFFF;
	_ =	strace $0x9000005B  }
0xb3: {  	s29 =	simm.s32 $0x9;
	_ =	strace $0x8000005D  }
0xb4: {  	_ =	swait.ge [sflag:s29], $0x1  }
0xb5: {  	[sflag:s29] =	ssyncadd.s32 $0xFFFFFFFF  }
0xb6: {  	_ =	strace $0x9000005D  }
0xb7: {  	_ =	sfence  }
0xb8: {  	s30 =	sld [smem:$0x0];
	_ =	sdelay $0x2  }
0xb9: {  	s31 =	sshll.u32 s1, $0xD;
	s1 =	sshrl.u32 s1, $0x2  }
0xba: {  	s3 =	sand.u32 $0x4000, s31;
	s1 =	sadd.s32 s1, s30  }
0xbb: {  	s0 =	sor.u32 s3, s0;
	s1 =	sshll.u32 s1, $0x11  }
0xbc: {  	s0 =	sor.u32 s1, s0  }
0xbd: {  	s0 =	sadd.s32 $0x8F2B, s0  }
0xbe: {  	[sflag:s0] =	ssyncadd.remote.s32 $0x1  }
0xbf: {  	_ =	sfence.sel $0xFFFF  }
0xc0: {  	[dreg:$0x0] =	wrdreg $0xFFFFFFFF;
	(pc) =	sbr.abs _section_cstart, $3  }
0xc1: {  	[dreg:$0x1] =	wrdreg $0xFFFFFFFF  }
0xc2: {  	_ =	task.clear_ibuf [dreg:s7], $0x2FFFF;
	_ =	strace $0x9FFFFFFF  }
0xc3: {  	(tm) =	ssettm $0x7FFFFFFF  }
tec
execute0_lowered:
.L_overlay_start_1:
0x0: {  	(tag) =	ssettag $0x1  }
0x1: {  	s1 =	rddreg [dreg:$0x0]  }
0x2: {  	s6 =	rddreg [dreg:$0x1]  }
0x3: {  	s3 =	rddreg [dreg:$0x2]  }
0x4: {  	s0 =	rddreg [dreg:$0x3];
	s4 =	simm.s32 $0x0;
	s2 =	stileid.u32  }
0x5: {  	s7 =	srdreg.scid;
	s16 =	simm.s32 $0x1;
	s5 =	smul.u32 $0x9E0, s2  }
0x6: {  	s19 =	simm.s32 $0x0;
	[smem:$0x7FF] =	sst s4;
	s8 =	smul.u32 $0x50000, s2  }
0x7: {  	s7 =	sand.u32 $0x1, s7;
	s13 =	smul.u32 $0x13800, s2;
	s14 =	sadd.s32 $0x9E000, s6  }
0x8: {  	s25 =	smul.u32 $0x4E000, s2;
	s17 =	sadd.s32 $0x124800, s3;
	p0 =	seq.s32 s2, $0xF  }
0x9: {  	s23 =	sshll.u32 s2, $0x6;
	_ =	strace $0x8000005C;
	s11 =	smul.u32 $0x138800, s7  }
0xa: {  	s10 =	ssub.s32 $0x2, s7;
	s29 =	smul.u32 $0x4F0, s7;
	s17 =	sshrl.u32 @p0 s17, $0x3  }
0xb: {  	s9 =	sadd.s32 s5, s6;
	s5 =	sadd.s32 $0x26200, s6;
	s12 =	sshrl.u32 s10, $0x1  }
0xc: {  	s22 =	sshrl.u32 s8, $0x2;
	s6 =	sor.u32 $0x1C02, s23;
	s28 =	sshrl.u32 s25, $0x2  }
0xd: {  	s10 =	ssub.s32 s10, s12;
	s24 =	sadd.s32 s13, s11;
	s15 =	sadd.s32 s22, s3  }
0xe: {  	s11 =	sshrl.u32 s11, $0x3;
	s18 =	sadd.s32 s28, s3;
	s31 =	sadd.s32 s29, s9  }
0xf: {  	s13 =	simm.s32 $0x2;
	s26 =	sshrl.u32 s24, $0x3;
	s30 =	sadd.s32 s14, s11  }
0x10: {  	s9 =	smax.u32 s10, $0x1;
	s10 =	sadd.s32 $0x12600, s31;
	s11 =	sadd.s32 $0x1C400, s31  }
0x11: {  	s12 =	sshrl.u32 s15, $0x3;
	s15 =	simm.s32 $0x100;
	s18 =	sshrl.u32 @!p0 s18, $0x3  }
0x12: {  	s7 =	sadd.s32 s14, s26;
	s8 =	sadd.s32 $0x24900, s30;
	s14 =	simm.s32 $0x80  }
.LBB2_1:
0x13: {  	[spmem:s12], [sflag:s6] =	dma.local [hbm:s5], $0x2800  }
0x14: {  	_ =	swait.ge [sflag:s13], $0x2800  }
0x15: {  	[sflag:s13] =	ssyncset.done $0x0  }
0x16: {  	[sflag:s13] =	ssyncadd.s32 $0xFFFFD800  }
0x17: {  	s20 =	sadd.s32 $0x0, s11;
	[bflag:$0x0] =	sbarrier.arrive $0xFFFF  }
0x18: {  	[tilespmem:s14], [sflag:$0x2] =	stream.linear.gather [hbm4b:s20+s4], $0x80, $0x38;
	[tilespmem:$0x18100] =	vst v63  }
0x19: {  	_ =	swait.ge [sflag:s13], $0x80  }
0x1a: {  	[sflag:s13] =	ssyncset.done $0x0  }
0x1b: {  	s31 =	sadd.s32 $0x0, s10;
	[sflag:s13] =	ssyncadd.s32 $0xFFFFFF80  }
0x1c: {  	[tilespmem:s4], [sflag:$0x2] =	stream.linear.gather [hbm4b:s31+s4], $0x80, $0x38;
	[tilespmem:$0x18100] =	vst v63  }
0x1d: {  	_ =	swait.ge [sflag:s13], $0x80  }
0x1e: {  	[sflag:s13] =	ssyncset.done $0x0  }
0x1f: {  	[sflag:s13] =	ssyncadd.s32 $0xFFFFFF80  }
0x20: {  	[tilespmem:s15], [sflag:$0x1] =	stream.indirect.gather [hbm4b:s1+s14], $0x80, s4, s14, $0xb8;
	[tilespmem:$0x18100] =	vst v63  }
0x21: {  	_ =	swait.ge [sflag:s16], $0x4000  }
0x22: {  	[sflag:s16] =	ssyncset.done $0x0  }
0x23: {  	[sflag:s16] =	ssyncadd.s32 $0xFFFFC000  }
0x24: {  	[spmem:s3] =	stream.indirect.scatter.add.f32 [tilespmem:s15], [sflag:$0x2], $0x80, s14, s14, $0xb8;
	[tilespmem:$0x18100] =	vst v63  }
0x25: {  	_ =	swait.ge [sflag:s13], $0x4000  }
0x26: {  	s21 =	simm.s32 $0x20;
	s20 =	simm.s32 $0x10;
	[sflag:s13] =	ssyncset.done $0x0  }
.LBB2_2:
0x27: {  	s22 =	sadd.s32 s20, s11  }
0x28: {  	[sflag:s13] =	ssyncadd.s32 $0xFFFFC000;
	s23 =	smov.u32 s21;
	s24 =	sadd.s32 $0x10, s21  }
0x29: {  	[tilespmem:s14], [sflag:$0x2] =	stream.linear.gather [hbm4b:s22+s4], $0x80, $0x38;
	[tilespmem:$0x18100] =	vst v63  }
0x2a: {  	p1 =	sne.s32 s21, $0x4E0;
	_ =	swait.ge [sflag:s13], $0x80  }
0x2b: {  	[sflag:s13] =	ssyncset.done $0x0  }
0x2c: {  	s21 =	sadd.s32 s20, s10;
	s20 =	smov.u32 s23;
	[sflag:s13] =	ssyncadd.s32 $0xFFFFFF80  }
0x2d: {  	[tilespmem:s4], [sflag:$0x2] =	stream.linear.gather [hbm4b:s21+s4], $0x80, $0x38;
	[tilespmem:$0x18100] =	vst v63  }
0x2e: {  	_ =	swait.ge [sflag:s13], $0x80  }
0x2f: {  	[sflag:s13] =	ssyncset.done $0x0  }
0x30: {  	[sflag:s13] =	ssyncadd.s32 $0xFFFFFF80  }
0x31: {  	[tilespmem:s15], [sflag:$0x1] =	stream.indirect.gather [hbm4b:s1+s14], $0x80, s4, s14, $0xb8;
	[tilespmem:$0x18100] =	vst v63  }
0x32: {  	_ =	swait.ge [sflag:s16], $0x4000  }
.Ltmp0:
0x33: {  	[sflag:s16] =	ssyncset.done $0x0;
	(pc) =	sbr.rel @p1 .LBB2_2-.Ltmp0, $4  }
0x34: {  	[sflag:s16] =	ssyncadd.s32 $0xFFFFC000  }
0x35: {  	[spmem:s3] =	stream.indirect.scatter.add.f32 [tilespmem:s15], [sflag:$0x2], $0x80, s14, s14, $0xb8;
	[tilespmem:$0x18100] =	vst v63  }
0x36: {  	_ =	swait.ge [sflag:s13], $0x4000  }
0x37: {  	s21 =	smov.u32 s24;
	[sflag:s13] =	ssyncset.done $0x0  }
0x38: {  	s21 =	sadd.s32 s20, s11;
	[sflag:s13] =	ssyncadd.s32 $0xFFFFC000  }
0x39: {  	[tilespmem:s14], [sflag:$0x2] =	stream.linear.gather [hbm4b:s21+s4], $0x80, $0x38;
	[tilespmem:$0x18100] =	vst v63  }
0x3a: {  	_ =	swait.ge [sflag:s13], $0x80  }
0x3b: {  	[sflag:s13] =	ssyncset.done $0x0  }
0x3c: {  	s31 =	sadd.s32 s20, s10;
	[sflag:s13] =	ssyncadd.s32 $0xFFFFFF80  }
0x3d: {  	[tilespmem:s4], [sflag:$0x2] =	stream.linear.gather [hbm4b:s31+s4], $0x80, $0x38;
	[tilespmem:$0x18100] =	vst v63  }
0x3e: {  	_ =	swait.ge [sflag:s13], $0x80  }
0x3f: {  	[sflag:s13] =	ssyncset.done $0x0  }
0x40: {  	[sflag:s13] =	ssyncadd.s32 $0xFFFFFF80  }
0x41: {  	[tilespmem:s15], [sflag:$0x1] =	stream.indirect.gather [hbm4b:s1+s14], $0x80, s4, s14, $0xb8;
	[tilespmem:$0x18100] =	vst v63  }
0x42: {  	_ =	swait.ge [sflag:s16], $0x4000  }
0x43: {  	[sflag:s16] =	ssyncset.done $0x0  }
0x44: {  	[sflag:s16] =	ssyncadd.s32 $0xFFFFC000  }
0x45: {  	[spmem:s3] =	stream.indirect.scatter.add.f32 [tilespmem:s15], [sflag:$0x2], $0x80, s14, s14, $0xb8;
	[tilespmem:$0x18100] =	vst v63  }
0x46: {  	_ =	swait.ge [sflag:s13], $0x4000  }
0x47: {  	[sflag:s13] =	ssyncset.done $0x0  }
0x48: {  	[sflag:s13] =	ssyncadd.s32 $0xFFFFC000  }
0x49: {  	s20 =	simm.s32 @p0 $0x2;
	[bflag:$0x0] =	sbarrier.arrive $0xFFFF  }
0x4a: {  	[hbm:s8], [sflag:s6] =	dma.local @p0 [spmem:s17], $0x2800  }
0x4b: {  	_ =	swait.ge @p0 [sflag:s20], $0x2800  }
0x4c: {  	s19 =	sadd.s32 $0x1, s19;
	[sflag:s20] =	ssyncset.done @p0 $0x0  }
0x4d: {  	p1 =	sne.s32 s19, s9;
	[sflag:s20] =	ssyncadd.s32 @p0 $0xFFFFD800;
	s20 =	simm.s32 @!p0 $0x2  }
0x4e: {  	[hbm:s7], [sflag:s6] =	dma.local @!p0 [spmem:s18], $0x2700  }
.Ltmp1:
0x4f: {  	_ =	swait.ge @!p0 [sflag:s20], $0x2700;
	(pc) =	sbr.rel @p1 .LBB2_1-.Ltmp1, $3  }
0x50: {  	[sflag:s20] =	ssyncset.done @!p0 $0x0  }
0x51: {  	[sflag:s20] =	ssyncadd.s32 @!p0 $0xFFFFD900  }
0x52: {  	[bflag:$0x0] =	sbarrier.arrive $0xFFFF;
	_ =	sdelay $0x1  }
0x53: {  	_ =	sfence.sel $0x180000  }
0x54: {  	[bflag:$0x0] =	sbarrier.arrive $0xFFFF  }
0x55: {  	p0 =	sne.s32 s2, $0x0;
	_ =	strace $0x9000005C  }
0x56: {  	s0 =	sadd.s32 @!p0 $0x100000, s0;
	[bflag:$0x2] =	sbarrier.arrive $0xFFFF  }
0x57: {  	[sflag:s0] =	ssyncadd.tile.s32 @!p0 $0x1;
	_ =	shalt  }
.Lfunc_end2:
_tile_overlayer_lowered:
.L_overlay_start_2:
0x58: {  	(tag) =	ssettag $0x2  }
0x59: {  	s0 =	rddreg [dreg:$0x0];
	s2 =	stileid.u32  }
0x5a: {  	s1 =	rddreg [dreg:$0x1];
	p0 =	sne.s32 s2, $0x0  }
0x5b: {  	s3 =	rddreg [dreg:$0x2];
	[bflag:$0x3] =	sbarrier.arrive $0xFFFF;
	s2 =	simm.s32 @!p0 $0x1C02  }
0x5c: {  	[timem:s3], [sflag:s2] =	dma.local @!p0 [hbm:s0], s1  }
0x5d: {  	s0 =	simm.s32 @!p0 $0x2  }
0x5e: {  	_ =	swait.ge @!p0 [sflag:s0], s1  }
0x5f: {  	s1 =	ssub.s32 @!p0 $0x0, s1;
	[sflag:s0] =	ssyncset.done @!p0 $0x0  }
0x60: {  	[sflag:s0] =	ssyncadd.s32 @!p0 s1  }
0x61: {  	[bflag:$0x3] =	sbarrier.arrive $0xFFFF  }
0x62: {  	_ =	shalt  }

// kernel: kernel.44.cloned.1.call-start
scs
__scs_entry_jumppad:
0x0: {  	(pc) =	sbr.rel $0x88, $3  }
0x1: {  	(tag) =	ssettag $0x0;
	lr =	simm.s32 $0x1  }
0x2: {  	[smem:$0x3F5F] =	sst lr;
	_ =	strace $0xD0000000  }
0x3: {  	_ = 	snop  }
0x4: {  	_ = 	snop  }
0x5: {  	_ = 	snop  }
0x6: {  	_ = 	snop  }
0x7: {  	_ = 	snop  }
__scs_overlays_trampoline_lowered:
0x8: {  	[smem:$0x3F6E] =	sst s0  }
0x9: {  	[smem:$0x3F6F] =	sst s1  }
0xa: {  	[smem:$0x3F70] =	sst s2  }
0xb: {  	[smem:$0x3F71] =	sst s3  }
0xc: {  	[smem:$0x3F72] =	sst s4  }
0xd: {  	[smem:$0x3F73] =	sst s5  }
0xe: {  	[smem:$0x3F74] =	sst s6  }
0xf: {  	[smem:$0x3F75] =	sst s7  }
0x10: {  	[smem:$0x3F76] =	sst s8  }
0x11: {  	[smem:$0x3F77] =	sst s9;
	s0 =	simm.s32 @!p0 $0x0  }
0x12: {  	s1 =	sld [smem:$0x3F5D];
	s0 =	simm.s32 @p0 $0x1  }
0x13: {  	[smem:$0x3F78] =	sst s0;
	s0 =	simm.s32 @!p1 $0x0  }
0x14: {  	s2 =	sld [smem:$0x3F5C];
	s0 =	simm.s32 @p1 $0x1  }
0x15: {  	[smem:$0x3F79] =	sst s0;
	s0 =	simm.s32 @!p2 $0x0  }
0x16: {  	s3 =	sld [smem:$0x3FDB];
	s0 =	simm.s32 @p2 $0x1  }
0x17: {  	s4 =	simm.s32 $0x1BF5;
	[smem:$0x3F7B] =	sst s0  }
0x18: {  	s0 =	sld [smem:$0x3F5E];
	_ =	swait.ge [sflag:s4], $0x0  }
0x19: {  	s7 =	sld [smem:$0x3F5F]  }
0x1a: {  	s8 =	sadd.s32 $0xFFFFE003, lr  }
0x1b: {  	s9 =	sadd.s32 $0xFFFFFEF7, lr;
	s5 =	simm.s32 $0xFFFFFFFF;
	p2 =	slt.u32 s8, $0xFFFFF086  }
0x1c: {  	p1 =	slt.u32 s9, $0xF7A;
	s5 =	simm.s32 @!p2 $0x0  }
0x1d: {  	s5 =	simm.s32 @p1 $0x1;
	p0 =	seq.s32 s7, s2  }
0x1e: {  	s7 =	smul.u32 @!p0 $0xF7A, s2;
	p2 =	seq.s32 @!p0 s5, $0x0  }
0x1f: {  	s9 =	smul.u32 $0xF7A, s1;
	s8 =	simm.s32 @!p0 $0x1BF5;
	p2 =	por !p2, p0  }
0x20: {  	[sflag:s8] =	ssyncset.s32 @!p0 $0xFFFFF086;
	s6 =	sadd.s32 @!p0 s3, s7;
	s7 =	simm.s32 @!p0 $0x108  }
0x21: {  	s3 =	sadd.s32 s3, s9;
	s6 =	sadd.s32 @!p0 $0x88, s6;
	s7 =	simm.s32 @p2 $0x1082  }
0x22: {  	[simem:s7], [sflag:s8] =	dma.local @!p0 [hbm:s6], $0xF7A  }
0x23: {  	s9 =	sor.u32 $0xD0000000, s2;
	s6 =	simm.s32 $0x108;
	_ =	swait.ge @!p0 [sflag:s8], $0x0  }
0x24: {  	s3 =	sadd.s32 $0x88, s3;
	s6 =	simm.s32 @!p1 $0x1082;
	[sflag:s4] =	ssyncset.s32 $0xFFFFF086  }
0x25: {  	[simem:s6], [sflag:s4] =	dma.local [hbm:s3], $0xF7A  }
0x26: {  	[smem:$0x3F5F] =	sst s1;
	(tag) =	ssettag s2;
	_ =	strace s9  }
0x27: {  	s1 =	sld [smem:$0x3F6F]  }
0x28: {  	s2 =	sld [smem:$0x3F70]  }
0x29: {  	s4 =	sld [smem:$0x3F72]  }
0x2a: {  	p0 =	seq.s32 s5, $0x0;
	s5 =	sld [smem:$0x3F73]  }
0x2b: {  	s6 =	sld [smem:$0x3F74]  }
0x2c: {  	s7 =	sld [smem:$0x3F75]  }
0x2d: {  	s3 =	simm.s32 $0x108;
	s8 =	sld [smem:$0x3F76]  }
0x2e: {  	s3 =	simm.s32 @!p0 $0x1082;
	s9 =	sld [smem:$0x3F77]  }
0x2f: {  	lr =	sadd.s32 s0, s3;
	s0 =	sld [smem:$0x3F6E]  }
0x30: {  	s3 =	sld [smem:$0x3F71]  }
0x31: {  	[smem:$0x3F7A] =	sst s10  }
0x32: {  	s10 =	sld [smem:$0x3F78];
	_ =	sdelay $0x3  }
0x33: {  	p0 =	seq.s32 s10, $0x1;
	s10 =	sld [smem:$0x3F7A];
	_ =	sdelay $0x3  }
0x34: {  	[smem:$0x3F7A] =	sst s10  }
0x35: {  	s10 =	sld [smem:$0x3F79];
	_ =	sdelay $0x3  }
0x36: {  	p1 =	seq.s32 s10, $0x1;
	s10 =	sld [smem:$0x3F7A];
	_ =	sdelay $0x3  }
0x37: {  	[smem:$0x3F7A] =	sst s10  }
0x38: {  	s10 =	sld [smem:$0x3F7B]  }
0x39: {  	_ = 	snop;
	(pc) =	sbr.ind lr, $3  }
0x3a: {  	_ = 	snop  }
0x3b: {  	_ = 	snop  }
0x3c: {  	p2 =	seq.s32 s10, $0x1;
	s10 =	sld [smem:$0x3F7A]  }
0x3d: {  	_ =	shalt  }
0x3e: {  	_ =	shalt  }
0x3f: {  	_ =	shalt  }
0x40: {  	_ =	shalt  }
0x41: {  	_ =	shalt  }
0x42: {  	_ =	shalt  }
0x43: {  	_ =	shalt  }
0x44: {  	_ =	shalt  }
0x45: {  	_ =	shalt  }
0x46: {  	_ =	shalt  }
0x47: {  	_ =	shalt  }
0x48: {  	_ =	shalt  }
0x49: {  	_ =	shalt  }
0x4a: {  	_ =	shalt  }
0x4b: {  	_ =	shalt  }
0x4c: {  	_ =	shalt  }
0x4d: {  	_ =	shalt  }
0x4e: {  	_ =	shalt  }
0x4f: {  	_ =	shalt  }
0x50: {  	_ =	shalt  }
0x51: {  	_ =	shalt  }
0x52: {  	_ =	shalt  }
0x53: {  	_ =	shalt  }
0x54: {  	_ =	shalt  }
0x55: {  	_ =	shalt  }
0x56: {  	_ =	shalt  }
0x57: {  	_ =	shalt  }
0x58: {  	_ =	shalt  }
0x59: {  	_ =	shalt  }
0x5a: {  	_ =	shalt  }
0x5b: {  	_ =	shalt  }
0x5c: {  	_ =	shalt  }
0x5d: {  	_ =	shalt  }
0x5e: {  	_ =	shalt  }
0x5f: {  	_ =	shalt  }
0x60: {  	_ =	shalt  }
0x61: {  	_ =	shalt  }
0x62: {  	_ =	shalt  }
0x63: {  	_ =	shalt  }
0x64: {  	_ =	shalt  }
0x65: {  	_ =	shalt  }
0x66: {  	_ =	shalt  }
0x67: {  	_ =	shalt  }
0x68: {  	_ =	shalt  }
0x69: {  	_ =	shalt  }
0x6a: {  	_ =	shalt  }
0x6b: {  	_ =	shalt  }
0x6c: {  	_ =	shalt  }
0x6d: {  	_ =	shalt  }
0x6e: {  	_ =	shalt  }
0x6f: {  	_ =	shalt  }
0x70: {  	_ =	shalt  }
0x71: {  	_ =	shalt  }
0x72: {  	_ =	shalt  }
0x73: {  	_ =	shalt  }
0x74: {  	_ =	shalt  }
0x75: {  	_ =	shalt  }
0x76: {  	_ =	shalt  }
0x77: {  	_ =	shalt  }
0x78: {  	_ =	shalt  }
0x79: {  	_ =	shalt  }
0x7a: {  	_ =	shalt  }
0x7b: {  	_ =	shalt  }
0x7c: {  	_ =	shalt  }
0x7d: {  	_ =	shalt  }
0x7e: {  	_ =	shalt  }
0x7f: {  	_ =	shalt  }
0x80: {  	_ =	shalt  }
0x81: {  	_ =	shalt  }
0x82: {  	_ =	shalt  }
0x83: {  	_ =	shalt  }
0x84: {  	_ =	shalt  }
0x85: {  	_ =	shalt  }
0x86: {  	_ =	shalt  }
0x87: {  	_ =	shalt  }
.Lfunc_end0:
.L_simem_size_0:
called_computation.8_lowered:
.L_overlay_start_0:
0x88: {  	s2 =	sld [smem:$0x3FD9]  }
0x89: {  	s3 =	sld [smem:$0x3FFE];
	_ =	sdelay $0x1  }
0x8a: {  	s1 =	srdreg.scid  }
0x8b: {  	s0 =	sand.u32 $0x1, s1  }
0x8c: {  	s17 =	sshll.u32 s0, $0xA;
	s2 =	sadd.s32 s3, s2  }
0x8d: {  	s2 =	sadd.s32 s2, s17  }
0x8e: {  	[smem:$0x3F86] =	sst s2  }
0x8f: {  	_ = 	snop  }
0x90: {  	s2 =	sld [smem:$0x3FD0];
	(tm) =	ssettm $0x1  }
0x91: {  	s18 =	sld [smem:$0x3FFB];
	_ =	sdelay $0x3  }
0x92: {  	_ =	strace s18  }
0x93: {  	s3 =	sld [smem:$0x3FFC];
	_ =	sdelay $0x3  }
0x94: {  	_ =	strace s3  }
0x95: {  	s3 =	sld [smem:$0x3FFD];
	_ =	sdelay $0x3  }
0x96: {  	_ =	strace s3  }
0x97: {  	_ =	strace $0x8FFFFFFF  }
0x98: {  	s19 =	sld [smem:$0x3FDB];
	_ =	sdelay $0x1  }
0x99: {  	s4 =	simm.s32 $_scs_section_size  }
0x9a: {  	s5 =	simm.s32 $_size__tile_overlayer_lowered;
	s6 =	simm.s32 $_tile_overlayer_lowered  }
0x9b: {  	s22 =	simm.s32 $0x1BFF;
	s21 =	sshll.u32 s6, $0x1;
	s3 =	sadd.s32 s4, s19  }
0x9c: {  	s7 =	simm.s32 $0x0;
	s20 =	sshll.u32 s5, $0x1;
	s5 =	sadd.s32 s21, s3  }
0x9d: {  	[timem:s7], [sflag:s22] =	dma.local [hbm:s5], s20  }
0x9e: {  	_ =	swait.ge [sflag:s22], s20  }
0x9f: {  	s4 =	ssub.s32 $0x0, s20;
	[sflag:s22] =	ssyncset.done $0x0  }
0xa0: {  	[sflag:s22] =	ssyncadd.s32 s4;
	_ =	sdelay $0x1  }
0xa1: {  	s23 =	simm.s32 $0x1B8B  }
0xa2: {  	_ =	swait.ge [sflag:s23], $0x1  }
0xa3: {  	[sflag:s23] =	ssyncset.done $0x0  }
0xa4: {  	s25 =	simm.s32 $0x1B8E;
	s24 =	sld [smem:$0x3FFE];
	[sflag:s23] =	ssyncadd.s32 $0xFFFFFFFF  }
0xa5: {  	s26 =	simm.s32 $execute0_lowered;
	[smem:$0x3FD2] =	sst s25  }
0xa6: {  	s5 =	sshll.u32 s26, $0x1;
	_ =	strace $0x8000005E;
	[dreg:$0x1] =	wrdreg $0xFFFFFFFF  }
0xa7: {  	s28 =	simm.s32 $_size_execute0_lowered;
	s3 =	sadd.s32 s3, s5;
	[dreg:$0x0] =	wrdreg $0x0  }
0xa8: {  	s5 =	sshll.u32 s28, $0x1;
	[dreg:$0x2] =	wrdreg s3  }
0xa9: {  	[dreg:$0x3] =	wrdreg s5  }
0xaa: {  	[dreg:$0x4] =	wrdreg $0xC0  }
0xab: {  	_ =	task [dreg:s7], $0x5FFFF  }
0xac: {  	[dreg:$0x1] =	wrdreg $0xFFFFFFFF  }
0xad: {  	[dreg:$0x0] =	wrdreg $0x60  }
0xae: {  	[dreg:$0x2] =	wrdreg s2  }
0xaf: {  	[dreg:$0x3] =	wrdreg s24  }
0xb0: {  	[dreg:$0x4] =	wrdreg $0x41000  }
0xb1: {  	[dreg:$0x5] =	wrdreg $0x9  }
0xb2: {  	_ =	task.clear_ibuf [dreg:s7], $0x6FFFF;
	_ =	strace $0x9000005E  }
0xb3: {  	s29 =	simm.s32 $0x9;
	_ =	strace $0x80000060  }
0xb4: {  	_ =	swait.ge [sflag:s29], $0x1  }
0xb5: {  	[sflag:s29] =	ssyncadd.s32 $0xFFFFFFFF  }
0xb6: {  	_ =	strace $0x90000060  }
0xb7: {  	_ =	sfence  }
0xb8: {  	s30 =	sld [smem:$0x0];
	_ =	sdelay $0x2  }
0xb9: {  	s31 =	sshll.u32 s1, $0xD;
	s1 =	sshrl.u32 s1, $0x2  }
0xba: {  	s3 =	sand.u32 $0x4000, s31;
	s1 =	sadd.s32 s1, s30  }
0xbb: {  	s0 =	sor.u32 s3, s0;
	s1 =	sshll.u32 s1, $0x11  }
0xbc: {  	s0 =	sor.u32 s1, s0  }
0xbd: {  	s0 =	sadd.s32 $0x8F2B, s0  }
0xbe: {  	[sflag:s0] =	ssyncadd.remote.s32 $0x1  }
0xbf: {  	_ =	sfence.sel $0xFFFF  }
0xc0: {  	[dreg:$0x0] =	wrdreg $0xFFFFFFFF;
	(pc) =	sbr.abs _section_cstart, $3  }
0xc1: {  	[dreg:$0x1] =	wrdreg $0xFFFFFFFF  }
0xc2: {  	_ =	task.clear_ibuf [dreg:s7], $0x2FFFF;
	_ =	strace $0x9FFFFFFF  }
0xc3: {  	(tm) =	ssettm $0x7FFFFFFF  }
tec
execute0_lowered:
.L_overlay_start_1:
0x0: {  	(tag) =	ssettag $0x1  }
0x1: {  	s1 =	rddreg [dreg:$0x0]  }
0x2: {  	s6 =	rddreg [dreg:$0x1]  }
0x3: {  	s3 =	rddreg [dreg:$0x2]  }
0x4: {  	s0 =	rddreg [dreg:$0x3];
	s4 =	simm.s32 $0x0;
	s2 =	stileid.u32  }
0x5: {  	s7 =	srdreg.scid;
	s16 =	simm.s32 $0x1;
	s5 =	smul.u32 $0x9E0, s2  }
0x6: {  	s19 =	simm.s32 $0x0;
	[smem:$0x7FF] =	sst s4;
	s8 =	smul.u32 $0x50000, s2  }
0x7: {  	s7 =	sand.u32 $0x1, s7;
	s13 =	smul.u32 $0x13800, s2;
	s14 =	sadd.s32 $0x28A00, s6  }
0x8: {  	s25 =	smul.u32 $0x4E000, s2;
	s17 =	sadd.s32 $0x124800, s3;
	p0 =	seq.s32 s2, $0xF  }
0x9: {  	s23 =	sshll.u32 s2, $0x6;
	_ =	strace $0x8000005F;
	s11 =	smul.u32 $0x138800, s7  }
0xa: {  	s10 =	ssub.s32 $0x2, s7;
	s29 =	smul.u32 $0x4F0, s7;
	s17 =	sshrl.u32 @p0 s17, $0x3  }
0xb: {  	s9 =	sadd.s32 s5, s6;
	s5 =	sadd.s32 $0x26200, s6;
	s12 =	sshrl.u32 s10, $0x1  }
0xc: {  	s22 =	sshrl.u32 s8, $0x2;
	s6 =	sor.u32 $0x1C02, s23;
	s28 =	sshrl.u32 s25, $0x2  }
0xd: {  	s10 =	ssub.s32 s10, s12;
	s24 =	sadd.s32 s13, s11;
	s15 =	sadd.s32 s22, s3  }
0xe: {  	s11 =	sshrl.u32 s11, $0x3;
	s18 =	sadd.s32 s28, s3;
	s31 =	sadd.s32 s29, s9  }
0xf: {  	s13 =	simm.s32 $0x2;
	s26 =	sshrl.u32 s24, $0x3;
	s30 =	sadd.s32 s14, s11  }
0x10: {  	s9 =	smax.u32 s10, $0x1;
	s10 =	sadd.s32 $0x12600, s31;
	s11 =	sadd.s32 $0x1C400, s31  }
0x11: {  	s12 =	sshrl.u32 s15, $0x3;
	s15 =	simm.s32 $0x100;
	s18 =	sshrl.u32 @!p0 s18, $0x3  }
0x12: {  	s7 =	sadd.s32 s14, s26;
	s8 =	sadd.s32 $0x24900, s30;
	s14 =	simm.s32 $0x80  }
.LBB2_1:
0x13: {  	[spmem:s12], [sflag:s6] =	dma.local [hbm:s5], $0x2800  }
0x14: {  	_ =	swait.ge [sflag:s13], $0x2800  }
0x15: {  	[sflag:s13] =	ssyncset.done $0x0  }
0x16: {  	[sflag:s13] =	ssyncadd.s32 $0xFFFFD800  }
0x17: {  	s20 =	sadd.s32 $0x0, s11;
	[bflag:$0x0] =	sbarrier.arrive $0xFFFF  }
0x18: {  	[tilespmem:s14], [sflag:$0x2] =	stream.linear.gather [hbm4b:s20+s4], $0x80, $0x38;
	[tilespmem:$0x18100] =	vst v63  }
0x19: {  	_ =	swait.ge [sflag:s13], $0x80  }
0x1a: {  	[sflag:s13] =	ssyncset.done $0x0  }
0x1b: {  	s31 =	sadd.s32 $0x0, s10;
	[sflag:s13] =	ssyncadd.s32 $0xFFFFFF80  }
0x1c: {  	[tilespmem:s4], [sflag:$0x2] =	stream.linear.gather [hbm4b:s31+s4], $0x80, $0x38;
	[tilespmem:$0x18100] =	vst v63  }
0x1d: {  	_ =	swait.ge [sflag:s13], $0x80  }
0x1e: {  	[sflag:s13] =	ssyncset.done $0x0  }
0x1f: {  	[sflag:s13] =	ssyncadd.s32 $0xFFFFFF80  }
0x20: {  	[tilespmem:s15], [sflag:$0x1] =	stream.indirect.gather [hbm4b:s1+s14], $0x80, s4, s14, $0xb8;
	[tilespmem:$0x18100] =	vst v63  }
0x21: {  	_ =	swait.ge [sflag:s16], $0x4000  }
0x22: {  	[sflag:s16] =	ssyncset.done $0x0  }
0x23: {  	[sflag:s16] =	ssyncadd.s32 $0xFFFFC000  }
0x24: {  	[spmem:s3] =	stream.indirect.scatter.add.f32 [tilespmem:s15], [sflag:$0x2], $0x80, s14, s14, $0xb8;
	[tilespmem:$0x18100] =	vst v63  }
0x25: {  	_ =	swait.ge [sflag:s13], $0x4000  }
0x26: {  	s21 =	simm.s32 $0x20;
	s20 =	simm.s32 $0x10;
	[sflag:s13] =	ssyncset.done $0x0  }
.LBB2_2:
0x27: {  	s22 =	sadd.s32 s20, s11  }
0x28: {  	[sflag:s13] =	ssyncadd.s32 $0xFFFFC000;
	s23 =	smov.u32 s21;
	s24 =	sadd.s32 $0x10, s21  }
0x29: {  	[tilespmem:s14], [sflag:$0x2] =	stream.linear.gather [hbm4b:s22+s4], $0x80, $0x38;
	[tilespmem:$0x18100] =	vst v63  }
0x2a: {  	p1 =	sne.s32 s21, $0x4E0;
	_ =	swait.ge [sflag:s13], $0x80  }
0x2b: {  	[sflag:s13] =	ssyncset.done $0x0  }
0x2c: {  	s21 =	sadd.s32 s20, s10;
	s20 =	smov.u32 s23;
	[sflag:s13] =	ssyncadd.s32 $0xFFFFFF80  }
0x2d: {  	[tilespmem:s4], [sflag:$0x2] =	stream.linear.gather [hbm4b:s21+s4], $0x80, $0x38;
	[tilespmem:$0x18100] =	vst v63  }
0x2e: {  	_ =	swait.ge [sflag:s13], $0x80  }
0x2f: {  	[sflag:s13] =	ssyncset.done $0x0  }
0x30: {  	[sflag:s13] =	ssyncadd.s32 $0xFFFFFF80  }
0x31: {  	[tilespmem:s15], [sflag:$0x1] =	stream.indirect.gather [hbm4b:s1+s14], $0x80, s4, s14, $0xb8;
	[tilespmem:$0x18100] =	vst v63  }
0x32: {  	_ =	swait.ge [sflag:s16], $0x4000  }
.Ltmp0:
0x33: {  	[sflag:s16] =	ssyncset.done $0x0;
	(pc) =	sbr.rel @p1 .LBB2_2-.Ltmp0, $4  }
0x34: {  	[sflag:s16] =	ssyncadd.s32 $0xFFFFC000  }
0x35: {  	[spmem:s3] =	stream.indirect.scatter.add.f32 [tilespmem:s15], [sflag:$0x2], $0x80, s14, s14, $0xb8;
	[tilespmem:$0x18100] =	vst v63  }
0x36: {  	_ =	swait.ge [sflag:s13], $0x4000  }
0x37: {  	s21 =	smov.u32 s24;
	[sflag:s13] =	ssyncset.done $0x0  }
0x38: {  	s21 =	sadd.s32 s20, s11;
	[sflag:s13] =	ssyncadd.s32 $0xFFFFC000  }
0x39: {  	[tilespmem:s14], [sflag:$0x2] =	stream.linear.gather [hbm4b:s21+s4], $0x80, $0x38;
	[tilespmem:$0x18100] =	vst v63  }
0x3a: {  	_ =	swait.ge [sflag:s13], $0x80  }
0x3b: {  	[sflag:s13] =	ssyncset.done $0x0  }
0x3c: {  	s31 =	sadd.s32 s20, s10;
	[sflag:s13] =	ssyncadd.s32 $0xFFFFFF80  }
0x3d: {  	[tilespmem:s4], [sflag:$0x2] =	stream.linear.gather [hbm4b:s31+s4], $0x80, $0x38;
	[tilespmem:$0x18100] =	vst v63  }
0x3e: {  	_ =	swait.ge [sflag:s13], $0x80  }
0x3f: {  	[sflag:s13] =	ssyncset.done $0x0  }
0x40: {  	[sflag:s13] =	ssyncadd.s32 $0xFFFFFF80  }
0x41: {  	[tilespmem:s15], [sflag:$0x1] =	stream.indirect.gather [hbm4b:s1+s14], $0x80, s4, s14, $0xb8;
	[tilespmem:$0x18100] =	vst v63  }
0x42: {  	_ =	swait.ge [sflag:s16], $0x4000  }
0x43: {  	[sflag:s16] =	ssyncset.done $0x0  }
0x44: {  	[sflag:s16] =	ssyncadd.s32 $0xFFFFC000  }
0x45: {  	[spmem:s3] =	stream.indirect.scatter.add.f32 [tilespmem:s15], [sflag:$0x2], $0x80, s14, s14, $0xb8;
	[tilespmem:$0x18100] =	vst v63  }
0x46: {  	_ =	swait.ge [sflag:s13], $0x4000  }
0x47: {  	[sflag:s13] =	ssyncset.done $0x0  }
0x48: {  	[sflag:s13] =	ssyncadd.s32 $0xFFFFC000  }
0x49: {  	s20 =	simm.s32 @p0 $0x2;
	[bflag:$0x0] =	sbarrier.arrive $0xFFFF  }
0x4a: {  	[hbm:s8], [sflag:s6] =	dma.local @p0 [spmem:s17], $0x2800  }
0x4b: {  	_ =	swait.ge @p0 [sflag:s20], $0x2800  }
0x4c: {  	s19 =	sadd.s32 $0x1, s19;
	[sflag:s20] =	ssyncset.done @p0 $0x0  }
0x4d: {  	p1 =	sne.s32 s19, s9;
	[sflag:s20] =	ssyncadd.s32 @p0 $0xFFFFD800;
	s20 =	simm.s32 @!p0 $0x2  }
0x4e: {  	[hbm:s7], [sflag:s6] =	dma.local @!p0 [spmem:s18], $0x2700  }
.Ltmp1:
0x4f: {  	_ =	swait.ge @!p0 [sflag:s20], $0x2700;
	(pc) =	sbr.rel @p1 .LBB2_1-.Ltmp1, $3  }
0x50: {  	[sflag:s20] =	ssyncset.done @!p0 $0x0  }
0x51: {  	[sflag:s20] =	ssyncadd.s32 @!p0 $0xFFFFD900  }
0x52: {  	[bflag:$0x0] =	sbarrier.arrive $0xFFFF;
	_ =	sdelay $0x1  }
0x53: {  	_ =	sfence.sel $0x180000  }
0x54: {  	[bflag:$0x0] =	sbarrier.arrive $0xFFFF  }
0x55: {  	p0 =	sne.s32 s2, $0x0;
	_ =	strace $0x9000005F  }
0x56: {  	s0 =	sadd.s32 @!p0 $0x100000, s0;
	[bflag:$0x2] =	sbarrier.arrive $0xFFFF  }
0x57: {  	[sflag:s0] =	ssyncadd.tile.s32 @!p0 $0x1;
	_ =	shalt  }
.Lfunc_end2:
_tile_overlayer_lowered:
.L_overlay_start_2:
0x58: {  	(tag) =	ssettag $0x2  }
0x59: {  	s0 =	rddreg [dreg:$0x0];
	s2 =	stileid.u32  }
0x5a: {  	s1 =	rddreg [dreg:$0x1];
	p0 =	sne.s32 s2, $0x0  }
0x5b: {  	s3 =	rddreg [dreg:$0x2];
	[bflag:$0x3] =	sbarrier.arrive $0xFFFF;
	s2 =	simm.s32 @!p0 $0x1C02  }
0x5c: {  	[timem:s3], [sflag:s2] =	dma.local @!p0 [hbm:s0], s1  }
0x5d: {  	s0 =	simm.s32 @!p0 $0x2  }
0x5e: {  	_ =	swait.ge @!p0 [sflag:s0], s1  }
0x5f: {  	s1 =	ssub.s32 @!p0 $0x0, s1;
	[sflag:s0] =	ssyncset.done @!p0 $0x0  }
0x60: {  	[sflag:s0] =	ssyncadd.s32 @!p0 s1  }
0x61: {  	[bflag:$0x3] =	sbarrier.arrive $0xFFFF  }
0x62: {  	_ =	shalt  }

</sc_bundles>
